<compile_context>
chip_gen: v7x
topology: tpu7x:2x2x1
jax: 0.10.2.dev20260603
libtpu: 0.0.44.dev20260713+nightly
codegen_flags: <defaults>
</compile_context>

<pallas_src>
import functools

import jax
import jax.numpy as jnp
from jax import lax
from jax.experimental import pallas as pl
from jax.experimental.pallas import tpu as pltpu
from jax.experimental.pallas import tpu_sc as plsc

_F = 26
_V = 100001
_D = 32
_B = 4096

_NC = 2
_NS = 16
_NW = _NC * _NS
_BW = _B // _NW


@jax.jit
def _sc_gather(idx_flat, tables):
    mesh = plsc.VectorSubcoreMesh(
        core_axis_name="c", subcore_axis_name="s",
        num_cores=_NC, num_subcores=_NS,
    )

    @functools.partial(
        pl.kernel,
        out_type=jax.ShapeDtypeStruct((_B, _F * _D), jnp.float32),
        mesh=mesh,
        compiler_params=pltpu.CompilerParams(use_tc_tiling_on_sc=False),
        scratch_types=[
            pltpu.VMEM((_F * _BW,), jnp.int32),
            pltpu.VMEM((_F * _BW, _D), jnp.float32),
            pltpu.SemaphoreType.DMA,
            pltpu.SemaphoreType.DMA,
        ],
    )
    def k(idx_hbm, t_hbm, out_hbm, idx_v, rows_v, sem_i, sem_g):
        wid = lax.axis_index("s") * _NC + lax.axis_index("c")
        b0 = wid * _BW

        idx_cp = []
        for f in range(_F):
            cp = pltpu.make_async_copy(
                idx_hbm.at[pl.ds(f * _B + b0, _BW)],
                idx_v.at[pl.ds(f * _BW, _BW)],
                sem_i,
            )
            cp.start()
            idx_cp.append(cp)
        for cp in idx_cp:
            cp.wait()

        g_cp = []
        for f in range(_F):
            cp = pltpu.make_async_copy(
                t_hbm.at[f].at[idx_v.at[pl.ds(f * _BW, _BW)]],
                rows_v.at[pl.ds(f * _BW, _BW), :],
                sem_g,
            )
            cp.start()
            g_cp.append(cp)
        for cp in g_cp:
            cp.wait()

        for f in range(_F):
            pltpu.sync_copy(
                rows_v.at[pl.ds(f * _BW, _BW), :],
                out_hbm.at[pl.ds(b0, _BW), pl.ds(f * _D, _D)],
            )

    return k(idx_flat, tables)


def kernel(input_tensor, tables):
    idx_flat = input_tensor.T.reshape(_F * _B)
    out = _sc_gather(idx_flat, tables)
    return out

# --- scband reference (transcript-rebuilt; emitter-appended) ---
"""Pipeline reference for scband-discrete-embedding-layers-20186346291826 (READ-ONLY COPY).

The authoritative reference and input builder live on the scoring server;
editing this copy changes nothing except your own understanding.
"""

import jax, jax.numpy as jnp
import numpy as np

F = 26          # number of discrete sparse fields
V = 100001      # vocab per field (100000 values + 1 padding row at index 100000)
D = 32          # embedding dim per field
B = 4096        # batch size


def setup_inputs(seed: int = 0) -> dict:
    key = jax.random.key(seed)
    k_idx, k_tab = jax.random.split(key)
    # indices per field, all strictly below padding_idx (=100000)
    input_tensor = jax.random.randint(k_idx, (B, F), 0, 100000, dtype=jnp.int32)
    # xavier_normal_ init: std = sqrt(2 / (fan_in + fan_out)) with fan_in=V, fan_out=D.
    std = float(np.sqrt(2.0 / (V + D)))
    tables = jax.random.normal(k_tab, (F, V, D), dtype=jnp.float32) * std
    # padding row zeroed like nn.Embedding(padding_idx=n_features)
    tables = tables.at[:, V - 1, :].set(0.0)
    return {"input_tensor": input_tensor, "tables": tables}


def reference(input_tensor, tables):
    # Per-field embedding lookup then concat along feature dim.
    # tables: [F, V, D]; input_tensor: [B, F]
    f_idx = jnp.arange(F)[None, :]                 # [1, F]
    emb = tables[f_idx, input_tensor]              # gather -> [B, F, D]
    out = emb.reshape(input_tensor.shape[0], F * D)  # torch.cat(dim=1) equivalent
    return out

if __name__ == "__main__":
    import jax
    _d = setup_inputs()
    print(jax.jit(kernel)(*tuple(_d.values())))

</pallas_src>

<mosaic_0001>
#map = affine_map<(d0, d1) -> (0)>
#map1 = affine_map<(d0, d1) -> (0, 0, 0)>
#map2 = affine_map<(d0, d1) -> (0, 0)>
module attributes {stable_mosaic.version = 14 : i64} {
  func.func @k(%arg0: i32, %arg1: i32, %arg2: memref<106496xi32, #tpu.memory_space<hbm>>, %arg3: memref<26x100001x32xf32, #tpu.memory_space<hbm>>, %arg4: memref<4096x832xf32, #tpu.memory_space<hbm>>, %arg5: memref<3328xi32, #tpu.memory_space<vmem>>, %arg6: memref<3328x32xf32, #tpu.memory_space<vmem>>, %arg7: memref<!tpu.dma_semaphore, #tpu.memory_space<semaphore_mem>>, %arg8: memref<!tpu.dma_semaphore, #tpu.memory_space<semaphore_mem>>) attributes {dimension_semantics = [#tpu.dimension_semantics<core_parallel>, #tpu.dimension_semantics<subcore_parallel>], iteration_bounds = array<i64: 2, 16>, scalar_prefetch = 0 : i64, scratch_operands = 4 : i64, tpu.core_type = #tpu.core_type<sc_vector_subcore>, window_params = [{transform_indices = #map}, {transform_indices = #map1}, {transform_indices = #map2}]} {
    %mul3A = arith.constant 2 : i32
    %mul3A_0 = arith.muli %arg1, %mul3A : i32
    %add3A = arith.addi %mul3A_0, %arg0 : i32
    %mul3A_1 = arith.constant 128 : i32
    %mul3A_2 = arith.muli %add3A, %mul3A_1 : i32
    %add3A_3 = arith.constant 0 : i32
    %add3A_4 = arith.addi %add3A_3, %mul3A_2 : i32
    %dma_start3A = arith.constant 0 : i32
    %dma_start3A_5 = tpu.memref_slice %arg5[%dma_start3A] : memref<3328xi32, #tpu.memory_space<vmem>> -> memref<128xi32, #tpu.memory_space<vmem>>
    %dma_start3A_6 = tpu.memref_slice %arg2[%add3A_4] : memref<106496xi32, #tpu.memory_space<hbm>> -> memref<128xi32, #tpu.memory_space<hbm>>
    %dma_start3A_7 = arith.constant 0 : i32
    %dma_start3A_8 = tpu.memref_slice %arg5[%dma_start3A_7] : memref<3328xi32, #tpu.memory_space<vmem>> -> memref<128xi32, #tpu.memory_space<vmem>>
    %dma_start3A_9 = tpu.memref_slice %arg2[%add3A_4] : memref<106496xi32, #tpu.memory_space<hbm>> -> memref<128xi32, #tpu.memory_space<hbm>>
    tpu.enqueue_dma source(%dma_start3A_9 : memref<128xi32, #tpu.memory_space<hbm>>) target(%dma_start3A_8 : memref<128xi32, #tpu.memory_space<vmem>>) target_semaphore(%arg7 : memref<!tpu.dma_semaphore, #tpu.memory_space<semaphore_mem>>)
    %add3A_10 = arith.constant 4096 : i32
    %add3A_11 = arith.addi %add3A_10, %mul3A_2 : i32
    %dma_start3A_12 = arith.constant 128 : i32
    %dma_start3A_13 = tpu.memref_slice %arg5[%dma_start3A_12] : memref<3328xi32, #tpu.memory_space<vmem>> -> memref<128xi32, #tpu.memory_space<vmem>>
    %dma_start3A_14 = tpu.memref_slice %arg2[%add3A_11] : memref<106496xi32, #tpu.memory_space<hbm>> -> memref<128xi32, #tpu.memory_space<hbm>>
    %dma_start3A_15 = arith.constant 128 : i32
    %dma_start3A_16 = tpu.memref_slice %arg5[%dma_start3A_15] : memref<3328xi32, #tpu.memory_space<vmem>> -> memref<128xi32, #tpu.memory_space<vmem>>
    %dma_start3A_17 = tpu.memref_slice %arg2[%add3A_11] : memref<106496xi32, #tpu.memory_space<hbm>> -> memref<128xi32, #tpu.memory_space<hbm>>
    tpu.enqueue_dma source(%dma_start3A_17 : memref<128xi32, #tpu.memory_space<hbm>>) target(%dma_start3A_16 : memref<128xi32, #tpu.memory_space<vmem>>) target_semaphore(%arg7 : memref<!tpu.dma_semaphore, #tpu.memory_space<semaphore_mem>>)
    %add3A_18 = arith.constant 8192 : i32
    %add3A_19 = arith.addi %add3A_18, %mul3A_2 : i32
    %dma_start3A_20 = arith.constant 256 : i32
    %dma_start3A_21 = tpu.memref_slice %arg5[%dma_start3A_20] : memref<3328xi32, #tpu.memory_space<vmem>> -> memref<128xi32, #tpu.memory_space<vmem>>
    %dma_start3A_22 = tpu.memref_slice %arg2[%add3A_19] : memref<106496xi32, #tpu.memory_space<hbm>> -> memref<128xi32, #tpu.memory_space<hbm>>
    %dma_start3A_23 = arith.constant 256 : i32
    %dma_start3A_24 = tpu.memref_slice %arg5[%dma_start3A_23] : memref<3328xi32, #tpu.memory_space<vmem>> -> memref<128xi32, #tpu.memory_space<vmem>>
    %dma_start3A_25 = tpu.memref_slice %arg2[%add3A_19] : memref<106496xi32, #tpu.memory_space<hbm>> -> memref<128xi32, #tpu.memory_space<hbm>>
    tpu.enqueue_dma source(%dma_start3A_25 : memref<128xi32, #tpu.memory_space<hbm>>) target(%dma_start3A_24 : memref<128xi32, #tpu.memory_space<vmem>>) target_semaphore(%arg7 : memref<!tpu.dma_semaphore, #tpu.memory_space<semaphore_mem>>)
    %add3A_26 = arith.constant 12288 : i32
    %add3A_27 = arith.addi %add3A_26, %mul3A_2 : i32
    %dma_start3A_28 = arith.constant 384 : i32
    %dma_start3A_29 = tpu.memref_slice %arg5[%dma_start3A_28] : memref<3328xi32, #tpu.memory_space<vmem>> -> memref<128xi32, #tpu.memory_space<vmem>>
    %dma_start3A_30 = tpu.memref_slice %arg2[%add3A_27] : memref<106496xi32, #tpu.memory_space<hbm>> -> memref<128xi32, #tpu.memory_space<hbm>>
    %dma_start3A_31 = arith.constant 384 : i32
    %dma_start3A_32 = tpu.memref_slice %arg5[%dma_start3A_31] : memref<3328xi32, #tpu.memory_space<vmem>> -> memref<128xi32, #tpu.memory_space<vmem>>
    %dma_start3A_33 = tpu.memref_slice %arg2[%add3A_27] : memref<106496xi32, #tpu.memory_space<hbm>> -> memref<128xi32, #tpu.memory_space<hbm>>
    tpu.enqueue_dma source(%dma_start3A_33 : memref<128xi32, #tpu.memory_space<hbm>>) target(%dma_start3A_32 : memref<128xi32, #tpu.memory_space<vmem>>) target_semaphore(%arg7 : memref<!tpu.dma_semaphore, #tpu.memory_space<semaphore_mem>>)
    %add3A_34 = arith.constant 16384 : i32
    %add3A_35 = arith.addi %add3A_34, %mul3A_2 : i32
    %dma_start3A_36 = arith.constant 512 : i32
    %dma_start3A_37 = tpu.memref_slice %arg5[%dma_start3A_36] : memref<3328xi32, #tpu.memory_space<vmem>> -> memref<128xi32, #tpu.memory_space<vmem>>
    %dma_start3A_38 = tpu.memref_slice %arg2[%add3A_35] : memref<106496xi32, #tpu.memory_space<hbm>> -> memref<128xi32, #tpu.memory_space<hbm>>
    %dma_start3A_39 = arith.constant 512 : i32
    %dma_start3A_40 = tpu.memref_slice %arg5[%dma_start3A_39] : memref<3328xi32, #tpu.memory_space<vmem>> -> memref<128xi32, #tpu.memory_space<vmem>>
    %dma_start3A_41 = tpu.memref_slice %arg2[%add3A_35] : memref<106496xi32, #tpu.memory_space<hbm>> -> memref<128xi32, #tpu.memory_space<hbm>>
    tpu.enqueue_dma source(%dma_start3A_41 : memref<128xi32, #tpu.memory_space<hbm>>) target(%dma_start3A_40 : memref<128xi32, #tpu.memory_space<vmem>>) target_semaphore(%arg7 : memref<!tpu.dma_semaphore, #tpu.memory_space<semaphore_mem>>)
    %add3A_42 = arith.constant 20480 : i32
    %add3A_43 = arith.addi %add3A_42, %mul3A_2 : i32
    %dma_start3A_44 = arith.constant 640 : i32
    %dma_start3A_45 = tpu.memref_slice %arg5[%dma_start3A_44] : memref<3328xi32, #tpu.memory_space<vmem>> -> memref<128xi32, #tpu.memory_space<vmem>>
    %dma_start3A_46 = tpu.memref_slice %arg2[%add3A_43] : memref<106496xi32, #tpu.memory_space<hbm>> -> memref<128xi32, #tpu.memory_space<hbm>>
    %dma_start3A_47 = arith.constant 640 : i32
    %dma_start3A_48 = tpu.memref_slice %arg5[%dma_start3A_47] : memref<3328xi32, #tpu.memory_space<vmem>> -> memref<128xi32, #tpu.memory_space<vmem>>
    %dma_start3A_49 = tpu.memref_slice %arg2[%add3A_43] : memref<106496xi32, #tpu.memory_space<hbm>> -> memref<128xi32, #tpu.memory_space<hbm>>
    tpu.enqueue_dma source(%dma_start3A_49 : memref<128xi32, #tpu.memory_space<hbm>>) target(%dma_start3A_48 : memref<128xi32, #tpu.memory_space<vmem>>) target_semaphore(%arg7 : memref<!tpu.dma_semaphore, #tpu.memory_space<semaphore_mem>>)
    %add3A_50 = arith.constant 24576 : i32
    %add3A_51 = arith.addi %add3A_50, %mul3A_2 : i32
    %dma_start3A_52 = arith.constant 768 : i32
    %dma_start3A_53 = tpu.memref_slice %arg5[%dma_start3A_52] : memref<3328xi32, #tpu.memory_space<vmem>> -> memref<128xi32, #tpu.memory_space<vmem>>
    %dma_start3A_54 = tpu.memref_slice %arg2[%add3A_51] : memref<106496xi32, #tpu.memory_space<hbm>> -> memref<128xi32, #tpu.memory_space<hbm>>
    %dma_start3A_55 = arith.constant 768 : i32
    %dma_start3A_56 = tpu.memref_slice %arg5[%dma_start3A_55] : memref<3328xi32, #tpu.memory_space<vmem>> -> memref<128xi32, #tpu.memory_space<vmem>>
    %dma_start3A_57 = tpu.memref_slice %arg2[%add3A_51] : memref<106496xi32, #tpu.memory_space<hbm>> -> memref<128xi32, #tpu.memory_space<hbm>>
    tpu.enqueue_dma source(%dma_start3A_57 : memref<128xi32, #tpu.memory_space<hbm>>) target(%dma_start3A_56 : memref<128xi32, #tpu.memory_space<vmem>>) target_semaphore(%arg7 : memref<!tpu.dma_semaphore, #tpu.memory_space<semaphore_mem>>)
    %add3A_58 = arith.constant 28672 : i32
    %add3A_59 = arith.addi %add3A_58, %mul3A_2 : i32
    %dma_start3A_60 = arith.constant 896 : i32
    %dma_start3A_61 = tpu.memref_slice %arg5[%dma_start3A_60] : memref<3328xi32, #tpu.memory_space<vmem>> -> memref<128xi32, #tpu.memory_space<vmem>>
    %dma_start3A_62 = tpu.memref_slice %arg2[%add3A_59] : memref<106496xi32, #tpu.memory_space<hbm>> -> memref<128xi32, #tpu.memory_space<hbm>>
    %dma_start3A_63 = arith.constant 896 : i32
    %dma_start3A_64 = tpu.memref_slice %arg5[%dma_start3A_63] : memref<3328xi32, #tpu.memory_space<vmem>> -> memref<128xi32, #tpu.memory_space<vmem>>
    %dma_start3A_65 = tpu.memref_slice %arg2[%add3A_59] : memref<106496xi32, #tpu.memory_space<hbm>> -> memref<128xi32, #tpu.memory_space<hbm>>
    tpu.enqueue_dma source(%dma_start3A_65 : memref<128xi32, #tpu.memory_space<hbm>>) target(%dma_start3A_64 : memref<128xi32, #tpu.memory_space<vmem>>) target_semaphore(%arg7 : memref<!tpu.dma_semaphore, #tpu.memory_space<semaphore_mem>>)
    %add3A_66 = arith.constant 32768 : i32
    %add3A_67 = arith.addi %add3A_66, %mul3A_2 : i32
    %dma_start3A_68 = arith.constant 1024 : i32
    %dma_start3A_69 = tpu.memref_slice %arg5[%dma_start3A_68] : memref<3328xi32, #tpu.memory_space<vmem>> -> memref<128xi32, #tpu.memory_space<vmem>>
    %dma_start3A_70 = tpu.memref_slice %arg2[%add3A_67] : memref<106496xi32, #tpu.memory_space<hbm>> -> memref<128xi32, #tpu.memory_space<hbm>>
    %dma_start3A_71 = arith.constant 1024 : i32
    %dma_start3A_72 = tpu.memref_slice %arg5[%dma_start3A_71] : memref<3328xi32, #tpu.memory_space<vmem>> -> memref<128xi32, #tpu.memory_space<vmem>>
    %dma_start3A_73 = tpu.memref_slice %arg2[%add3A_67] : memref<106496xi32, #tpu.memory_space<hbm>> -> memref<128xi32, #tpu.memory_space<hbm>>
    tpu.enqueue_dma source(%dma_start3A_73 : memref<128xi32, #tpu.memory_space<hbm>>) target(%dma_start3A_72 : memref<128xi32, #tpu.memory_space<vmem>>) target_semaphore(%arg7 : memref<!tpu.dma_semaphore, #tpu.memory_space<semaphore_mem>>)
    %add3A_74 = arith.constant 36864 : i32
    %add3A_75 = arith.addi %add3A_74, %mul3A_2 : i32
    %dma_start3A_76 = arith.constant 1152 : i32
    %dma_start3A_77 = tpu.memref_slice %arg5[%dma_start3A_76] : memref<3328xi32, #tpu.memory_space<vmem>> -> memref<128xi32, #tpu.memory_space<vmem>>
    %dma_start3A_78 = tpu.memref_slice %arg2[%add3A_75] : memref<106496xi32, #tpu.memory_space<hbm>> -> memref<128xi32, #tpu.memory_space<hbm>>
    %dma_start3A_79 = arith.constant 1152 : i32
    %dma_start3A_80 = tpu.memref_slice %arg5[%dma_start3A_79] : memref<3328xi32, #tpu.memory_space<vmem>> -> memref<128xi32, #tpu.memory_space<vmem>>
    %dma_start3A_81 = tpu.memref_slice %arg2[%add3A_75] : memref<106496xi32, #tpu.memory_space<hbm>> -> memref<128xi32, #tpu.memory_space<hbm>>
    tpu.enqueue_dma source(%dma_start3A_81 : memref<128xi32, #tpu.memory_space<hbm>>) target(%dma_start3A_80 : memref<128xi32, #tpu.memory_space<vmem>>) target_semaphore(%arg7 : memref<!tpu.dma_semaphore, #tpu.memory_space<semaphore_mem>>)
    %add3A_82 = arith.constant 40960 : i32
    %add3A_83 = arith.addi %add3A_82, %mul3A_2 : i32
    %dma_start3A_84 = arith.constant 1280 : i32
    %dma_start3A_85 = tpu.memref_slice %arg5[%dma_start3A_84] : memref<3328xi32, #tpu.memory_space<vmem>> -> memref<128xi32, #tpu.memory_space<vmem>>
    %dma_start3A_86 = tpu.memref_slice %arg2[%add3A_83] : memref<106496xi32, #tpu.memory_space<hbm>> -> memref<128xi32, #tpu.memory_space<hbm>>
    %dma_start3A_87 = arith.constant 1280 : i32
    %dma_start3A_88 = tpu.memref_slice %arg5[%dma_start3A_87] : memref<3328xi32, #tpu.memory_space<vmem>> -> memref<128xi32, #tpu.memory_space<vmem>>
    %dma_start3A_89 = tpu.memref_slice %arg2[%add3A_83] : memref<106496xi32, #tpu.memory_space<hbm>> -> memref<128xi32, #tpu.memory_space<hbm>>
    tpu.enqueue_dma source(%dma_start3A_89 : memref<128xi32, #tpu.memory_space<hbm>>) target(%dma_start3A_88 : memref<128xi32, #tpu.memory_space<vmem>>) target_semaphore(%arg7 : memref<!tpu.dma_semaphore, #tpu.memory_space<semaphore_mem>>)
    %add3A_90 = arith.constant 45056 : i32
    %add3A_91 = arith.addi %add3A_90, %mul3A_2 : i32
    %dma_start3A_92 = arith.constant 1408 : i32
    %dma_start3A_93 = tpu.memref_slice %arg5[%dma_start3A_92] : memref<3328xi32, #tpu.memory_space<vmem>> -> memref<128xi32, #tpu.memory_space<vmem>>
    %dma_start3A_94 = tpu.memref_slice %arg2[%add3A_91] : memref<106496xi32, #tpu.memory_space<hbm>> -> memref<128xi32, #tpu.memory_space<hbm>>
    %dma_start3A_95 = arith.constant 1408 : i32
    %dma_start3A_96 = tpu.memref_slice %arg5[%dma_start3A_95] : memref<3328xi32, #tpu.memory_space<vmem>> -> memref<128xi32, #tpu.memory_space<vmem>>
    %dma_start3A_97 = tpu.memref_slice %arg2[%add3A_91] : memref<106496xi32, #tpu.memory_space<hbm>> -> memref<128xi32, #tpu.memory_space<hbm>>
    tpu.enqueue_dma source(%dma_start3A_97 : memref<128xi32, #tpu.memory_space<hbm>>) target(%dma_start3A_96 : memref<128xi32, #tpu.memory_space<vmem>>) target_semaphore(%arg7 : memref<!tpu.dma_semaphore, #tpu.memory_space<semaphore_mem>>)
    %add3A_98 = arith.constant 49152 : i32
    %add3A_99 = arith.addi %add3A_98, %mul3A_2 : i32
    %dma_start3A_100 = arith.constant 1536 : i32
    %dma_start3A_101 = tpu.memref_slice %arg5[%dma_start3A_100] : memref<3328xi32, #tpu.memory_space<vmem>> -> memref<128xi32, #tpu.memory_space<vmem>>
    %dma_start3A_102 = tpu.memref_slice %arg2[%add3A_99] : memref<106496xi32, #tpu.memory_space<hbm>> -> memref<128xi32, #tpu.memory_space<hbm>>
    %dma_start3A_103 = arith.constant 1536 : i32
    %dma_start3A_104 = tpu.memref_slice %arg5[%dma_start3A_103] : memref<3328xi32, #tpu.memory_space<vmem>> -> memref<128xi32, #tpu.memory_space<vmem>>
    %dma_start3A_105 = tpu.memref_slice %arg2[%add3A_99] : memref<106496xi32, #tpu.memory_space<hbm>> -> memref<128xi32, #tpu.memory_space<hbm>>
    tpu.enqueue_dma source(%dma_start3A_105 : memref<128xi32, #tpu.memory_space<hbm>>) target(%dma_start3A_104 : memref<128xi32, #tpu.memory_space<vmem>>) target_semaphore(%arg7 : memref<!tpu.dma_semaphore, #tpu.memory_space<semaphore_mem>>)
    %add3A_106 = arith.constant 53248 : i32
    %add3A_107 = arith.addi %add3A_106, %mul3A_2 : i32
    %dma_start3A_108 = arith.constant 1664 : i32
    %dma_start3A_109 = tpu.memref_slice %arg5[%dma_start3A_108] : memref<3328xi32, #tpu.memory_space<vmem>> -> memref<128xi32, #tpu.memory_space<vmem>>
    %dma_start3A_110 = tpu.memref_slice %arg2[%add3A_107] : memref<106496xi32, #tpu.memory_space<hbm>> -> memref<128xi32, #tpu.memory_space<hbm>>
    %dma_start3A_111 = arith.constant 1664 : i32
    %dma_start3A_112 = tpu.memref_slice %arg5[%dma_start3A_111] : memref<3328xi32, #tpu.memory_space<vmem>> -> memref<128xi32, #tpu.memory_space<vmem>>
    %dma_start3A_113 = tpu.memref_slice %arg2[%add3A_107] : memref<106496xi32, #tpu.memory_space<hbm>> -> memref<128xi32, #tpu.memory_space<hbm>>
    tpu.enqueue_dma source(%dma_start3A_113 : memref<128xi32, #tpu.memory_space<hbm>>) target(%dma_start3A_112 : memref<128xi32, #tpu.memory_space<vmem>>) target_semaphore(%arg7 : memref<!tpu.dma_semaphore, #tpu.memory_space<semaphore_mem>>)
    %add3A_114 = arith.constant 57344 : i32
    %add3A_115 = arith.addi %add3A_114, %mul3A_2 : i32
    %dma_start3A_116 = arith.constant 1792 : i32
    %dma_start3A_117 = tpu.memref_slice %arg5[%dma_start3A_116] : memref<3328xi32, #tpu.memory_space<vmem>> -> memref<128xi32, #tpu.memory_space<vmem>>
    %dma_start3A_118 = tpu.memref_slice %arg2[%add3A_115] : memref<106496xi32, #tpu.memory_space<hbm>> -> memref<128xi32, #tpu.memory_space<hbm>>
    %dma_start3A_119 = arith.constant 1792 : i32
    %dma_start3A_120 = tpu.memref_slice %arg5[%dma_start3A_119] : memref<3328xi32, #tpu.memory_space<vmem>> -> memref<128xi32, #tpu.memory_space<vmem>>
    %dma_start3A_121 = tpu.memref_slice %arg2[%add3A_115] : memref<106496xi32, #tpu.memory_space<hbm>> -> memref<128xi32, #tpu.memory_space<hbm>>
    tpu.enqueue_dma source(%dma_start3A_121 : memref<128xi32, #tpu.memory_space<hbm>>) target(%dma_start3A_120 : memref<128xi32, #tpu.memory_space<vmem>>) target_semaphore(%arg7 : memref<!tpu.dma_semaphore, #tpu.memory_space<semaphore_mem>>)
    %add3A_122 = arith.constant 61440 : i32
    %add3A_123 = arith.addi %add3A_122, %mul3A_2 : i32
    %dma_start3A_124 = arith.constant 1920 : i32
    %dma_start3A_125 = tpu.memref_slice %arg5[%dma_start3A_124] : memref<3328xi32, #tpu.memory_space<vmem>> -> memref<128xi32, #tpu.memory_space<vmem>>
    %dma_start3A_126 = tpu.memref_slice %arg2[%add3A_123] : memref<106496xi32, #tpu.memory_space<hbm>> -> memref<128xi32, #tpu.memory_space<hbm>>
    %dma_start3A_127 = arith.constant 1920 : i32
    %dma_start3A_128 = tpu.memref_slice %arg5[%dma_start3A_127] : memref<3328xi32, #tpu.memory_space<vmem>> -> memref<128xi32, #tpu.memory_space<vmem>>
    %dma_start3A_129 = tpu.memref_slice %arg2[%add3A_123] : memref<106496xi32, #tpu.memory_space<hbm>> -> memref<128xi32, #tpu.memory_space<hbm>>
    tpu.enqueue_dma source(%dma_start3A_129 : memref<128xi32, #tpu.memory_space<hbm>>) target(%dma_start3A_128 : memref<128xi32, #tpu.memory_space<vmem>>) target_semaphore(%arg7 : memref<!tpu.dma_semaphore, #tpu.memory_space<semaphore_mem>>)
    %add3A_130 = arith.constant 65536 : i32
    %add3A_131 = arith.addi %add3A_130, %mul3A_2 : i32
    %dma_start3A_132 = arith.constant 2048 : i32
    %dma_start3A_133 = tpu.memref_slice %arg5[%dma_start3A_132] : memref<3328xi32, #tpu.memory_space<vmem>> -> memref<128xi32, #tpu.memory_space<vmem>>
    %dma_start3A_134 = tpu.memref_slice %arg2[%add3A_131] : memref<106496xi32, #tpu.memory_space<hbm>> -> memref<128xi32, #tpu.memory_space<hbm>>
    %dma_start3A_135 = arith.constant 2048 : i32
    %dma_start3A_136 = tpu.memref_slice %arg5[%dma_start3A_135] : memref<3328xi32, #tpu.memory_space<vmem>> -> memref<128xi32, #tpu.memory_space<vmem>>
    %dma_start3A_137 = tpu.memref_slice %arg2[%add3A_131] : memref<106496xi32, #tpu.memory_space<hbm>> -> memref<128xi32, #tpu.memory_space<hbm>>
    tpu.enqueue_dma source(%dma_start3A_137 : memref<128xi32, #tpu.memory_space<hbm>>) target(%dma_start3A_136 : memref<128xi32, #tpu.memory_space<vmem>>) target_semaphore(%arg7 : memref<!tpu.dma_semaphore, #tpu.memory_space<semaphore_mem>>)
    %add3A_138 = arith.constant 69632 : i32
    %add3A_139 = arith.addi %add3A_138, %mul3A_2 : i32
    %dma_start3A_140 = arith.constant 2176 : i32
    %dma_start3A_141 = tpu.memref_slice %arg5[%dma_start3A_140] : memref<3328xi32, #tpu.memory_space<vmem>> -> memref<128xi32, #tpu.memory_space<vmem>>
    %dma_start3A_142 = tpu.memref_slice %arg2[%add3A_139] : memref<106496xi32, #tpu.memory_space<hbm>> -> memref<128xi32, #tpu.memory_space<hbm>>
    %dma_start3A_143 = arith.constant 2176 : i32
    %dma_start3A_144 = tpu.memref_slice %arg5[%dma_start3A_143] : memref<3328xi32, #tpu.memory_space<vmem>> -> memref<128xi32, #tpu.memory_space<vmem>>
    %dma_start3A_145 = tpu.memref_slice %arg2[%add3A_139] : memref<106496xi32, #tpu.memory_space<hbm>> -> memref<128xi32, #tpu.memory_space<hbm>>
    tpu.enqueue_dma source(%dma_start3A_145 : memref<128xi32, #tpu.memory_space<hbm>>) target(%dma_start3A_144 : memref<128xi32, #tpu.memory_space<vmem>>) target_semaphore(%arg7 : memref<!tpu.dma_semaphore, #tpu.memory_space<semaphore_mem>>)
    %add3A_146 = arith.constant 73728 : i32
    %add3A_147 = arith.addi %add3A_146, %mul3A_2 : i32
    %dma_start3A_148 = arith.constant 2304 : i32
    %dma_start3A_149 = tpu.memref_slice %arg5[%dma_start3A_148] : memref<3328xi32, #tpu.memory_space<vmem>> -> memref<128xi32, #tpu.memory_space<vmem>>
    %dma_start3A_150 = tpu.memref_slice %arg2[%add3A_147] : memref<106496xi32, #tpu.memory_space<hbm>> -> memref<128xi32, #tpu.memory_space<hbm>>
    %dma_start3A_151 = arith.constant 2304 : i32
    %dma_start3A_152 = tpu.memref_slice %arg5[%dma_start3A_151] : memref<3328xi32, #tpu.memory_space<vmem>> -> memref<128xi32, #tpu.memory_space<vmem>>
    %dma_start3A_153 = tpu.memref_slice %arg2[%add3A_147] : memref<106496xi32, #tpu.memory_space<hbm>> -> memref<128xi32, #tpu.memory_space<hbm>>
    tpu.enqueue_dma source(%dma_start3A_153 : memref<128xi32, #tpu.memory_space<hbm>>) target(%dma_start3A_152 : memref<128xi32, #tpu.memory_space<vmem>>) target_semaphore(%arg7 : memref<!tpu.dma_semaphore, #tpu.memory_space<semaphore_mem>>)
    %add3A_154 = arith.constant 77824 : i32
    %add3A_155 = arith.addi %add3A_154, %mul3A_2 : i32
    %dma_start3A_156 = arith.constant 2432 : i32
    %dma_start3A_157 = tpu.memref_slice %arg5[%dma_start3A_156] : memref<3328xi32, #tpu.memory_space<vmem>> -> memref<128xi32, #tpu.memory_space<vmem>>
    %dma_start3A_158 = tpu.memref_slice %arg2[%add3A_155] : memref<106496xi32, #tpu.memory_space<hbm>> -> memref<128xi32, #tpu.memory_space<hbm>>
    %dma_start3A_159 = arith.constant 2432 : i32
    %dma_start3A_160 = tpu.memref_slice %arg5[%dma_start3A_159] : memref<3328xi32, #tpu.memory_space<vmem>> -> memref<128xi32, #tpu.memory_space<vmem>>
    %dma_start3A_161 = tpu.memref_slice %arg2[%add3A_155] : memref<106496xi32, #tpu.memory_space<hbm>> -> memref<128xi32, #tpu.memory_space<hbm>>
    tpu.enqueue_dma source(%dma_start3A_161 : memref<128xi32, #tpu.memory_space<hbm>>) target(%dma_start3A_160 : memref<128xi32, #tpu.memory_space<vmem>>) target_semaphore(%arg7 : memref<!tpu.dma_semaphore, #tpu.memory_space<semaphore_mem>>)
    %add3A_162 = arith.constant 81920 : i32
    %add3A_163 = arith.addi %add3A_162, %mul3A_2 : i32
    %dma_start3A_164 = arith.constant 2560 : i32
    %dma_start3A_165 = tpu.memref_slice %arg5[%dma_start3A_164] : memref<3328xi32, #tpu.memory_space<vmem>> -> memref<128xi32, #tpu.memory_space<vmem>>
    %dma_start3A_166 = tpu.memref_slice %arg2[%add3A_163] : memref<106496xi32, #tpu.memory_space<hbm>> -> memref<128xi32, #tpu.memory_space<hbm>>
    %dma_start3A_167 = arith.constant 2560 : i32
    %dma_start3A_168 = tpu.memref_slice %arg5[%dma_start3A_167] : memref<3328xi32, #tpu.memory_space<vmem>> -> memref<128xi32, #tpu.memory_space<vmem>>
    %dma_start3A_169 = tpu.memref_slice %arg2[%add3A_163] : memref<106496xi32, #tpu.memory_space<hbm>> -> memref<128xi32, #tpu.memory_space<hbm>>
    tpu.enqueue_dma source(%dma_start3A_169 : memref<128xi32, #tpu.memory_space<hbm>>) target(%dma_start3A_168 : memref<128xi32, #tpu.memory_space<vmem>>) target_semaphore(%arg7 : memref<!tpu.dma_semaphore, #tpu.memory_space<semaphore_mem>>)
    %add3A_170 = arith.constant 86016 : i32
    %add3A_171 = arith.addi %add3A_170, %mul3A_2 : i32
    %dma_start3A_172 = arith.constant 2688 : i32
    %dma_start3A_173 = tpu.memref_slice %arg5[%dma_start3A_172] : memref<3328xi32, #tpu.memory_space<vmem>> -> memref<128xi32, #tpu.memory_space<vmem>>
    %dma_start3A_174 = tpu.memref_slice %arg2[%add3A_171] : memref<106496xi32, #tpu.memory_space<hbm>> -> memref<128xi32, #tpu.memory_space<hbm>>
    %dma_start3A_175 = arith.constant 2688 : i32
    %dma_start3A_176 = tpu.memref_slice %arg5[%dma_start3A_175] : memref<3328xi32, #tpu.memory_space<vmem>> -> memref<128xi32, #tpu.memory_space<vmem>>
    %dma_start3A_177 = tpu.memref_slice %arg2[%add3A_171] : memref<106496xi32, #tpu.memory_space<hbm>> -> memref<128xi32, #tpu.memory_space<hbm>>
    tpu.enqueue_dma source(%dma_start3A_177 : memref<128xi32, #tpu.memory_space<hbm>>) target(%dma_start3A_176 : memref<128xi32, #tpu.memory_space<vmem>>) target_semaphore(%arg7 : memref<!tpu.dma_semaphore, #tpu.memory_space<semaphore_mem>>)
    %add3A_178 = arith.constant 90112 : i32
    %add3A_179 = arith.addi %add3A_178, %mul3A_2 : i32
    %dma_start3A_180 = arith.constant 2816 : i32
    %dma_start3A_181 = tpu.memref_slice %arg5[%dma_start3A_180] : memref<3328xi32, #tpu.memory_space<vmem>> -> memref<128xi32, #tpu.memory_space<vmem>>
    %dma_start3A_182 = tpu.memref_slice %arg2[%add3A_179] : memref<106496xi32, #tpu.memory_space<hbm>> -> memref<128xi32, #tpu.memory_space<hbm>>
    %dma_start3A_183 = arith.constant 2816 : i32
    %dma_start3A_184 = tpu.memref_slice %arg5[%dma_start3A_183] : memref<3328xi32, #tpu.memory_space<vmem>> -> memref<128xi32, #tpu.memory_space<vmem>>
    %dma_start3A_185 = tpu.memref_slice %arg2[%add3A_179] : memref<106496xi32, #tpu.memory_space<hbm>> -> memref<128xi32, #tpu.memory_space<hbm>>
    tpu.enqueue_dma source(%dma_start3A_185 : memref<128xi32, #tpu.memory_space<hbm>>) target(%dma_start3A_184 : memref<128xi32, #tpu.memory_space<vmem>>) target_semaphore(%arg7 : memref<!tpu.dma_semaphore, #tpu.memory_space<semaphore_mem>>)
    %add3A_186 = arith.constant 94208 : i32
    %add3A_187 = arith.addi %add3A_186, %mul3A_2 : i32
    %dma_start3A_188 = arith.constant 2944 : i32
    %dma_start3A_189 = tpu.memref_slice %arg5[%dma_start3A_188] : memref<3328xi32, #tpu.memory_space<vmem>> -> memref<128xi32, #tpu.memory_space<vmem>>
    %dma_start3A_190 = tpu.memref_slice %arg2[%add3A_187] : memref<106496xi32, #tpu.memory_space<hbm>> -> memref<128xi32, #tpu.memory_space<hbm>>
    %dma_start3A_191 = arith.constant 2944 : i32
    %dma_start3A_192 = tpu.memref_slice %arg5[%dma_start3A_191] : memref<3328xi32, #tpu.memory_space<vmem>> -> memref<128xi32, #tpu.memory_space<vmem>>
    %dma_start3A_193 = tpu.memref_slice %arg2[%add3A_187] : memref<106496xi32, #tpu.memory_space<hbm>> -> memref<128xi32, #tpu.memory_space<hbm>>
    tpu.enqueue_dma source(%dma_start3A_193 : memref<128xi32, #tpu.memory_space<hbm>>) target(%dma_start3A_192 : memref<128xi32, #tpu.memory_space<vmem>>) target_semaphore(%arg7 : memref<!tpu.dma_semaphore, #tpu.memory_space<semaphore_mem>>)
    %add3A_194 = arith.constant 98304 : i32
    %add3A_195 = arith.addi %add3A_194, %mul3A_2 : i32
    %dma_start3A_196 = arith.constant 3072 : i32
    %dma_start3A_197 = tpu.memref_slice %arg5[%dma_start3A_196] : memref<3328xi32, #tpu.memory_space<vmem>> -> memref<128xi32, #tpu.memory_space<vmem>>
    %dma_start3A_198 = tpu.memref_slice %arg2[%add3A_195] : memref<106496xi32, #tpu.memory_space<hbm>> -> memref<128xi32, #tpu.memory_space<hbm>>
    %dma_start3A_199 = arith.constant 3072 : i32
    %dma_start3A_200 = tpu.memref_slice %arg5[%dma_start3A_199] : memref<3328xi32, #tpu.memory_space<vmem>> -> memref<128xi32, #tpu.memory_space<vmem>>
    %dma_start3A_201 = tpu.memref_slice %arg2[%add3A_195] : memref<106496xi32, #tpu.memory_space<hbm>> -> memref<128xi32, #tpu.memory_space<hbm>>
    tpu.enqueue_dma source(%dma_start3A_201 : memref<128xi32, #tpu.memory_space<hbm>>) target(%dma_start3A_200 : memref<128xi32, #tpu.memory_space<vmem>>) target_semaphore(%arg7 : memref<!tpu.dma_semaphore, #tpu.memory_space<semaphore_mem>>)
    %add3A_202 = arith.constant 102400 : i32
    %add3A_203 = arith.addi %add3A_202, %mul3A_2 : i32
    %dma_start3A_204 = arith.constant 3200 : i32
    %dma_start3A_205 = tpu.memref_slice %arg5[%dma_start3A_204] : memref<3328xi32, #tpu.memory_space<vmem>> -> memref<128xi32, #tpu.memory_space<vmem>>
    %dma_start3A_206 = tpu.memref_slice %arg2[%add3A_203] : memref<106496xi32, #tpu.memory_space<hbm>> -> memref<128xi32, #tpu.memory_space<hbm>>
    %dma_start3A_207 = arith.constant 3200 : i32
    %dma_start3A_208 = tpu.memref_slice %arg5[%dma_start3A_207] : memref<3328xi32, #tpu.memory_space<vmem>> -> memref<128xi32, #tpu.memory_space<vmem>>
    %dma_start3A_209 = tpu.memref_slice %arg2[%add3A_203] : memref<106496xi32, #tpu.memory_space<hbm>> -> memref<128xi32, #tpu.memory_space<hbm>>
    tpu.enqueue_dma source(%dma_start3A_209 : memref<128xi32, #tpu.memory_space<hbm>>) target(%dma_start3A_208 : memref<128xi32, #tpu.memory_space<vmem>>) target_semaphore(%arg7 : memref<!tpu.dma_semaphore, #tpu.memory_space<semaphore_mem>>)
    %dma_wait3A = arith.constant 0 : i32
    %dma_wait3A_210 = tpu.memref_slice %arg5[%dma_wait3A] : memref<3328xi32, #tpu.memory_space<vmem>> -> memref<128xi32, #tpu.memory_space<vmem>>
    %dma_wait3A_211 = tpu.memref_slice %arg2[%add3A_4] : memref<106496xi32, #tpu.memory_space<hbm>> -> memref<128xi32, #tpu.memory_space<hbm>>
    %dma_wait3A_212 = arith.constant 0 : i32
    %dma_wait3A_213 = tpu.memref_slice %arg5[%dma_wait3A_212] : memref<3328xi32, #tpu.memory_space<vmem>> -> memref<128xi32, #tpu.memory_space<vmem>>
    %dma_wait3A_214 = tpu.memref_slice %arg2[%add3A_4] : memref<106496xi32, #tpu.memory_space<hbm>> -> memref<128xi32, #tpu.memory_space<hbm>>
    tpu.wait_dma2 semaphore(%arg7 : memref<!tpu.dma_semaphore, #tpu.memory_space<semaphore_mem>>) src(%dma_wait3A_214 : memref<128xi32, #tpu.memory_space<hbm>>) dst(%dma_wait3A_213 : memref<128xi32, #tpu.memory_space<vmem>>)
    %dma_wait3A_215 = arith.constant 128 : i32
    %dma_wait3A_216 = tpu.memref_slice %arg5[%dma_wait3A_215] : memref<3328xi32, #tpu.memory_space<vmem>> -> memref<128xi32, #tpu.memory_space<vmem>>
    %dma_wait3A_217 = tpu.memref_slice %arg2[%add3A_11] : memref<106496xi32, #tpu.memory_space<hbm>> -> memref<128xi32, #tpu.memory_space<hbm>>
    %dma_wait3A_218 = arith.constant 128 : i32
    %dma_wait3A_219 = tpu.memref_slice %arg5[%dma_wait3A_218] : memref<3328xi32, #tpu.memory_space<vmem>> -> memref<128xi32, #tpu.memory_space<vmem>>
    %dma_wait3A_220 = tpu.memref_slice %arg2[%add3A_11] : memref<106496xi32, #tpu.memory_space<hbm>> -> memref<128xi32, #tpu.memory_space<hbm>>
    tpu.wait_dma2 semaphore(%arg7 : memref<!tpu.dma_semaphore, #tpu.memory_space<semaphore_mem>>) src(%dma_wait3A_220 : memref<128xi32, #tpu.memory_space<hbm>>) dst(%dma_wait3A_219 : memref<128xi32, #tpu.memory_space<vmem>>)
    %dma_wait3A_221 = arith.constant 256 : i32
    %dma_wait3A_222 = tpu.memref_slice %arg5[%dma_wait3A_221] : memref<3328xi32, #tpu.memory_space<vmem>> -> memref<128xi32, #tpu.memory_space<vmem>>
    %dma_wait3A_223 = tpu.memref_slice %arg2[%add3A_19] : memref<106496xi32, #tpu.memory_space<hbm>> -> memref<128xi32, #tpu.memory_space<hbm>>
    %dma_wait3A_224 = arith.constant 256 : i32
    %dma_wait3A_225 = tpu.memref_slice %arg5[%dma_wait3A_224] : memref<3328xi32, #tpu.memory_space<vmem>> -> memref<128xi32, #tpu.memory_space<vmem>>
    %dma_wait3A_226 = tpu.memref_slice %arg2[%add3A_19] : memref<106496xi32, #tpu.memory_space<hbm>> -> memref<128xi32, #tpu.memory_space<hbm>>
    tpu.wait_dma2 semaphore(%arg7 : memref<!tpu.dma_semaphore, #tpu.memory_space<semaphore_mem>>) src(%dma_wait3A_226 : memref<128xi32, #tpu.memory_space<hbm>>) dst(%dma_wait3A_225 : memref<128xi32, #tpu.memory_space<vmem>>)
    %dma_wait3A_227 = arith.constant 384 : i32
    %dma_wait3A_228 = tpu.memref_slice %arg5[%dma_wait3A_227] : memref<3328xi32, #tpu.memory_space<vmem>> -> memref<128xi32, #tpu.memory_space<vmem>>
    %dma_wait3A_229 = tpu.memref_slice %arg2[%add3A_27] : memref<106496xi32, #tpu.memory_space<hbm>> -> memref<128xi32, #tpu.memory_space<hbm>>
    %dma_wait3A_230 = arith.constant 384 : i32
    %dma_wait3A_231 = tpu.memref_slice %arg5[%dma_wait3A_230] : memref<3328xi32, #tpu.memory_space<vmem>> -> memref<128xi32, #tpu.memory_space<vmem>>
    %dma_wait3A_232 = tpu.memref_slice %arg2[%add3A_27] : memref<106496xi32, #tpu.memory_space<hbm>> -> memref<128xi32, #tpu.memory_space<hbm>>
    tpu.wait_dma2 semaphore(%arg7 : memref<!tpu.dma_semaphore, #tpu.memory_space<semaphore_mem>>) src(%dma_wait3A_232 : memref<128xi32, #tpu.memory_space<hbm>>) dst(%dma_wait3A_231 : memref<128xi32, #tpu.memory_space<vmem>>)
    %dma_wait3A_233 = arith.constant 512 : i32
    %dma_wait3A_234 = tpu.memref_slice %arg5[%dma_wait3A_233] : memref<3328xi32, #tpu.memory_space<vmem>> -> memref<128xi32, #tpu.memory_space<vmem>>
    %dma_wait3A_235 = tpu.memref_slice %arg2[%add3A_35] : memref<106496xi32, #tpu.memory_space<hbm>> -> memref<128xi32, #tpu.memory_space<hbm>>
    %dma_wait3A_236 = arith.constant 512 : i32
    %dma_wait3A_237 = tpu.memref_slice %arg5[%dma_wait3A_236] : memref<3328xi32, #tpu.memory_space<vmem>> -> memref<128xi32, #tpu.memory_space<vmem>>
    %dma_wait3A_238 = tpu.memref_slice %arg2[%add3A_35] : memref<106496xi32, #tpu.memory_space<hbm>> -> memref<128xi32, #tpu.memory_space<hbm>>
    tpu.wait_dma2 semaphore(%arg7 : memref<!tpu.dma_semaphore, #tpu.memory_space<semaphore_mem>>) src(%dma_wait3A_238 : memref<128xi32, #tpu.memory_space<hbm>>) dst(%dma_wait3A_237 : memref<128xi32, #tpu.memory_space<vmem>>)
    %dma_wait3A_239 = arith.constant 640 : i32
    %dma_wait3A_240 = tpu.memref_slice %arg5[%dma_wait3A_239] : memref<3328xi32, #tpu.memory_space<vmem>> -> memref<128xi32, #tpu.memory_space<vmem>>
    %dma_wait3A_241 = tpu.memref_slice %arg2[%add3A_43] : memref<106496xi32, #tpu.memory_space<hbm>> -> memref<128xi32, #tpu.memory_space<hbm>>
    %dma_wait3A_242 = arith.constant 640 : i32
    %dma_wait3A_243 = tpu.memref_slice %arg5[%dma_wait3A_242] : memref<3328xi32, #tpu.memory_space<vmem>> -> memref<128xi32, #tpu.memory_space<vmem>>
    %dma_wait3A_244 = tpu.memref_slice %arg2[%add3A_43] : memref<106496xi32, #tpu.memory_space<hbm>> -> memref<128xi32, #tpu.memory_space<hbm>>
    tpu.wait_dma2 semaphore(%arg7 : memref<!tpu.dma_semaphore, #tpu.memory_space<semaphore_mem>>) src(%dma_wait3A_244 : memref<128xi32, #tpu.memory_space<hbm>>) dst(%dma_wait3A_243 : memref<128xi32, #tpu.memory_space<vmem>>)
    %dma_wait3A_245 = arith.constant 768 : i32
    %dma_wait3A_246 = tpu.memref_slice %arg5[%dma_wait3A_245] : memref<3328xi32, #tpu.memory_space<vmem>> -> memref<128xi32, #tpu.memory_space<vmem>>
    %dma_wait3A_247 = tpu.memref_slice %arg2[%add3A_51] : memref<106496xi32, #tpu.memory_space<hbm>> -> memref<128xi32, #tpu.memory_space<hbm>>
    %dma_wait3A_248 = arith.constant 768 : i32
    %dma_wait3A_249 = tpu.memref_slice %arg5[%dma_wait3A_248] : memref<3328xi32, #tpu.memory_space<vmem>> -> memref<128xi32, #tpu.memory_space<vmem>>
    %dma_wait3A_250 = tpu.memref_slice %arg2[%add3A_51] : memref<106496xi32, #tpu.memory_space<hbm>> -> memref<128xi32, #tpu.memory_space<hbm>>
    tpu.wait_dma2 semaphore(%arg7 : memref<!tpu.dma_semaphore, #tpu.memory_space<semaphore_mem>>) src(%dma_wait3A_250 : memref<128xi32, #tpu.memory_space<hbm>>) dst(%dma_wait3A_249 : memref<128xi32, #tpu.memory_space<vmem>>)
    %dma_wait3A_251 = arith.constant 896 : i32
    %dma_wait3A_252 = tpu.memref_slice %arg5[%dma_wait3A_251] : memref<3328xi32, #tpu.memory_space<vmem>> -> memref<128xi32, #tpu.memory_space<vmem>>
    %dma_wait3A_253 = tpu.memref_slice %arg2[%add3A_59] : memref<106496xi32, #tpu.memory_space<hbm>> -> memref<128xi32, #tpu.memory_space<hbm>>
    %dma_wait3A_254 = arith.constant 896 : i32
    %dma_wait3A_255 = tpu.memref_slice %arg5[%dma_wait3A_254] : memref<3328xi32, #tpu.memory_space<vmem>> -> memref<128xi32, #tpu.memory_space<vmem>>
    %dma_wait3A_256 = tpu.memref_slice %arg2[%add3A_59] : memref<106496xi32, #tpu.memory_space<hbm>> -> memref<128xi32, #tpu.memory_space<hbm>>
    tpu.wait_dma2 semaphore(%arg7 : memref<!tpu.dma_semaphore, #tpu.memory_space<semaphore_mem>>) src(%dma_wait3A_256 : memref<128xi32, #tpu.memory_space<hbm>>) dst(%dma_wait3A_255 : memref<128xi32, #tpu.memory_space<vmem>>)
    %dma_wait3A_257 = arith.constant 1024 : i32
    %dma_wait3A_258 = tpu.memref_slice %arg5[%dma_wait3A_257] : memref<3328xi32, #tpu.memory_space<vmem>> -> memref<128xi32, #tpu.memory_space<vmem>>
    %dma_wait3A_259 = tpu.memref_slice %arg2[%add3A_67] : memref<106496xi32, #tpu.memory_space<hbm>> -> memref<128xi32, #tpu.memory_space<hbm>>
    %dma_wait3A_260 = arith.constant 1024 : i32
    %dma_wait3A_261 = tpu.memref_slice %arg5[%dma_wait3A_260] : memref<3328xi32, #tpu.memory_space<vmem>> -> memref<128xi32, #tpu.memory_space<vmem>>
    %dma_wait3A_262 = tpu.memref_slice %arg2[%add3A_67] : memref<106496xi32, #tpu.memory_space<hbm>> -> memref<128xi32, #tpu.memory_space<hbm>>
    tpu.wait_dma2 semaphore(%arg7 : memref<!tpu.dma_semaphore, #tpu.memory_space<semaphore_mem>>) src(%dma_wait3A_262 : memref<128xi32, #tpu.memory_space<hbm>>) dst(%dma_wait3A_261 : memref<128xi32, #tpu.memory_space<vmem>>)
    %dma_wait3A_263 = arith.constant 1152 : i32
    %dma_wait3A_264 = tpu.memref_slice %arg5[%dma_wait3A_263] : memref<3328xi32, #tpu.memory_space<vmem>> -> memref<128xi32, #tpu.memory_space<vmem>>
    %dma_wait3A_265 = tpu.memref_slice %arg2[%add3A_75] : memref<106496xi32, #tpu.memory_space<hbm>> -> memref<128xi32, #tpu.memory_space<hbm>>
    %dma_wait3A_266 = arith.constant 1152 : i32
    %dma_wait3A_267 = tpu.memref_slice %arg5[%dma_wait3A_266] : memref<3328xi32, #tpu.memory_space<vmem>> -> memref<128xi32, #tpu.memory_space<vmem>>
    %dma_wait3A_268 = tpu.memref_slice %arg2[%add3A_75] : memref<106496xi32, #tpu.memory_space<hbm>> -> memref<128xi32, #tpu.memory_space<hbm>>
    tpu.wait_dma2 semaphore(%arg7 : memref<!tpu.dma_semaphore, #tpu.memory_space<semaphore_mem>>) src(%dma_wait3A_268 : memref<128xi32, #tpu.memory_space<hbm>>) dst(%dma_wait3A_267 : memref<128xi32, #tpu.memory_space<vmem>>)
    %dma_wait3A_269 = arith.constant 1280 : i32
    %dma_wait3A_270 = tpu.memref_slice %arg5[%dma_wait3A_269] : memref<3328xi32, #tpu.memory_space<vmem>> -> memref<128xi32, #tpu.memory_space<vmem>>
    %dma_wait3A_271 = tpu.memref_slice %arg2[%add3A_83] : memref<106496xi32, #tpu.memory_space<hbm>> -> memref<128xi32, #tpu.memory_space<hbm>>
    %dma_wait3A_272 = arith.constant 1280 : i32
    %dma_wait3A_273 = tpu.memref_slice %arg5[%dma_wait3A_272] : memref<3328xi32, #tpu.memory_space<vmem>> -> memref<128xi32, #tpu.memory_space<vmem>>
    %dma_wait3A_274 = tpu.memref_slice %arg2[%add3A_83] : memref<106496xi32, #tpu.memory_space<hbm>> -> memref<128xi32, #tpu.memory_space<hbm>>
    tpu.wait_dma2 semaphore(%arg7 : memref<!tpu.dma_semaphore, #tpu.memory_space<semaphore_mem>>) src(%dma_wait3A_274 : memref<128xi32, #tpu.memory_space<hbm>>) dst(%dma_wait3A_273 : memref<128xi32, #tpu.memory_space<vmem>>)
    %dma_wait3A_275 = arith.constant 1408 : i32
    %dma_wait3A_276 = tpu.memref_slice %arg5[%dma_wait3A_275] : memref<3328xi32, #tpu.memory_space<vmem>> -> memref<128xi32, #tpu.memory_space<vmem>>
    %dma_wait3A_277 = tpu.memref_slice %arg2[%add3A_91] : memref<106496xi32, #tpu.memory_space<hbm>> -> memref<128xi32, #tpu.memory_space<hbm>>
    %dma_wait3A_278 = arith.constant 1408 : i32
    %dma_wait3A_279 = tpu.memref_slice %arg5[%dma_wait3A_278] : memref<3328xi32, #tpu.memory_space<vmem>> -> memref<128xi32, #tpu.memory_space<vmem>>
    %dma_wait3A_280 = tpu.memref_slice %arg2[%add3A_91] : memref<106496xi32, #tpu.memory_space<hbm>> -> memref<128xi32, #tpu.memory_space<hbm>>
    tpu.wait_dma2 semaphore(%arg7 : memref<!tpu.dma_semaphore, #tpu.memory_space<semaphore_mem>>) src(%dma_wait3A_280 : memref<128xi32, #tpu.memory_space<hbm>>) dst(%dma_wait3A_279 : memref<128xi32, #tpu.memory_space<vmem>>)
    %dma_wait3A_281 = arith.constant 1536 : i32
    %dma_wait3A_282 = tpu.memref_slice %arg5[%dma_wait3A_281] : memref<3328xi32, #tpu.memory_space<vmem>> -> memref<128xi32, #tpu.memory_space<vmem>>
    %dma_wait3A_283 = tpu.memref_slice %arg2[%add3A_99] : memref<106496xi32, #tpu.memory_space<hbm>> -> memref<128xi32, #tpu.memory_space<hbm>>
    %dma_wait3A_284 = arith.constant 1536 : i32
    %dma_wait3A_285 = tpu.memref_slice %arg5[%dma_wait3A_284] : memref<3328xi32, #tpu.memory_space<vmem>> -> memref<128xi32, #tpu.memory_space<vmem>>
    %dma_wait3A_286 = tpu.memref_slice %arg2[%add3A_99] : memref<106496xi32, #tpu.memory_space<hbm>> -> memref<128xi32, #tpu.memory_space<hbm>>
    tpu.wait_dma2 semaphore(%arg7 : memref<!tpu.dma_semaphore, #tpu.memory_space<semaphore_mem>>) src(%dma_wait3A_286 : memref<128xi32, #tpu.memory_space<hbm>>) dst(%dma_wait3A_285 : memref<128xi32, #tpu.memory_space<vmem>>)
    %dma_wait3A_287 = arith.constant 1664 : i32
    %dma_wait3A_288 = tpu.memref_slice %arg5[%dma_wait3A_287] : memref<3328xi32, #tpu.memory_space<vmem>> -> memref<128xi32, #tpu.memory_space<vmem>>
    %dma_wait3A_289 = tpu.memref_slice %arg2[%add3A_107] : memref<106496xi32, #tpu.memory_space<hbm>> -> memref<128xi32, #tpu.memory_space<hbm>>
    %dma_wait3A_290 = arith.constant 1664 : i32
    %dma_wait3A_291 = tpu.memref_slice %arg5[%dma_wait3A_290] : memref<3328xi32, #tpu.memory_space<vmem>> -> memref<128xi32, #tpu.memory_space<vmem>>
    %dma_wait3A_292 = tpu.memref_slice %arg2[%add3A_107] : memref<106496xi32, #tpu.memory_space<hbm>> -> memref<128xi32, #tpu.memory_space<hbm>>
    tpu.wait_dma2 semaphore(%arg7 : memref<!tpu.dma_semaphore, #tpu.memory_space<semaphore_mem>>) src(%dma_wait3A_292 : memref<128xi32, #tpu.memory_space<hbm>>) dst(%dma_wait3A_291 : memref<128xi32, #tpu.memory_space<vmem>>)
    %dma_wait3A_293 = arith.constant 1792 : i32
    %dma_wait3A_294 = tpu.memref_slice %arg5[%dma_wait3A_293] : memref<3328xi32, #tpu.memory_space<vmem>> -> memref<128xi32, #tpu.memory_space<vmem>>
    %dma_wait3A_295 = tpu.memref_slice %arg2[%add3A_115] : memref<106496xi32, #tpu.memory_space<hbm>> -> memref<128xi32, #tpu.memory_space<hbm>>
    %dma_wait3A_296 = arith.constant 1792 : i32
    %dma_wait3A_297 = tpu.memref_slice %arg5[%dma_wait3A_296] : memref<3328xi32, #tpu.memory_space<vmem>> -> memref<128xi32, #tpu.memory_space<vmem>>
    %dma_wait3A_298 = tpu.memref_slice %arg2[%add3A_115] : memref<106496xi32, #tpu.memory_space<hbm>> -> memref<128xi32, #tpu.memory_space<hbm>>
    tpu.wait_dma2 semaphore(%arg7 : memref<!tpu.dma_semaphore, #tpu.memory_space<semaphore_mem>>) src(%dma_wait3A_298 : memref<128xi32, #tpu.memory_space<hbm>>) dst(%dma_wait3A_297 : memref<128xi32, #tpu.memory_space<vmem>>)
    %dma_wait3A_299 = arith.constant 1920 : i32
    %dma_wait3A_300 = tpu.memref_slice %arg5[%dma_wait3A_299] : memref<3328xi32, #tpu.memory_space<vmem>> -> memref<128xi32, #tpu.memory_space<vmem>>
    %dma_wait3A_301 = tpu.memref_slice %arg2[%add3A_123] : memref<106496xi32, #tpu.memory_space<hbm>> -> memref<128xi32, #tpu.memory_space<hbm>>
    %dma_wait3A_302 = arith.constant 1920 : i32
    %dma_wait3A_303 = tpu.memref_slice %arg5[%dma_wait3A_302] : memref<3328xi32, #tpu.memory_space<vmem>> -> memref<128xi32, #tpu.memory_space<vmem>>
    %dma_wait3A_304 = tpu.memref_slice %arg2[%add3A_123] : memref<106496xi32, #tpu.memory_space<hbm>> -> memref<128xi32, #tpu.memory_space<hbm>>
    tpu.wait_dma2 semaphore(%arg7 : memref<!tpu.dma_semaphore, #tpu.memory_space<semaphore_mem>>) src(%dma_wait3A_304 : memref<128xi32, #tpu.memory_space<hbm>>) dst(%dma_wait3A_303 : memref<128xi32, #tpu.memory_space<vmem>>)
    %dma_wait3A_305 = arith.constant 2048 : i32
    %dma_wait3A_306 = tpu.memref_slice %arg5[%dma_wait3A_305] : memref<3328xi32, #tpu.memory_space<vmem>> -> memref<128xi32, #tpu.memory_space<vmem>>
    %dma_wait3A_307 = tpu.memref_slice %arg2[%add3A_131] : memref<106496xi32, #tpu.memory_space<hbm>> -> memref<128xi32, #tpu.memory_space<hbm>>
    %dma_wait3A_308 = arith.constant 2048 : i32
    %dma_wait3A_309 = tpu.memref_slice %arg5[%dma_wait3A_308] : memref<3328xi32, #tpu.memory_space<vmem>> -> memref<128xi32, #tpu.memory_space<vmem>>
    %dma_wait3A_310 = tpu.memref_slice %arg2[%add3A_131] : memref<106496xi32, #tpu.memory_space<hbm>> -> memref<128xi32, #tpu.memory_space<hbm>>
    tpu.wait_dma2 semaphore(%arg7 : memref<!tpu.dma_semaphore, #tpu.memory_space<semaphore_mem>>) src(%dma_wait3A_310 : memref<128xi32, #tpu.memory_space<hbm>>) dst(%dma_wait3A_309 : memref<128xi32, #tpu.memory_space<vmem>>)
    %dma_wait3A_311 = arith.constant 2176 : i32
    %dma_wait3A_312 = tpu.memref_slice %arg5[%dma_wait3A_311] : memref<3328xi32, #tpu.memory_space<vmem>> -> memref<128xi32, #tpu.memory_space<vmem>>
    %dma_wait3A_313 = tpu.memref_slice %arg2[%add3A_139] : memref<106496xi32, #tpu.memory_space<hbm>> -> memref<128xi32, #tpu.memory_space<hbm>>
    %dma_wait3A_314 = arith.constant 2176 : i32
    %dma_wait3A_315 = tpu.memref_slice %arg5[%dma_wait3A_314] : memref<3328xi32, #tpu.memory_space<vmem>> -> memref<128xi32, #tpu.memory_space<vmem>>
    %dma_wait3A_316 = tpu.memref_slice %arg2[%add3A_139] : memref<106496xi32, #tpu.memory_space<hbm>> -> memref<128xi32, #tpu.memory_space<hbm>>
    tpu.wait_dma2 semaphore(%arg7 : memref<!tpu.dma_semaphore, #tpu.memory_space<semaphore_mem>>) src(%dma_wait3A_316 : memref<128xi32, #tpu.memory_space<hbm>>) dst(%dma_wait3A_315 : memref<128xi32, #tpu.memory_space<vmem>>)
    %dma_wait3A_317 = arith.constant 2304 : i32
    %dma_wait3A_318 = tpu.memref_slice %arg5[%dma_wait3A_317] : memref<3328xi32, #tpu.memory_space<vmem>> -> memref<128xi32, #tpu.memory_space<vmem>>
    %dma_wait3A_319 = tpu.memref_slice %arg2[%add3A_147] : memref<106496xi32, #tpu.memory_space<hbm>> -> memref<128xi32, #tpu.memory_space<hbm>>
    %dma_wait3A_320 = arith.constant 2304 : i32
    %dma_wait3A_321 = tpu.memref_slice %arg5[%dma_wait3A_320] : memref<3328xi32, #tpu.memory_space<vmem>> -> memref<128xi32, #tpu.memory_space<vmem>>
    %dma_wait3A_322 = tpu.memref_slice %arg2[%add3A_147] : memref<106496xi32, #tpu.memory_space<hbm>> -> memref<128xi32, #tpu.memory_space<hbm>>
    tpu.wait_dma2 semaphore(%arg7 : memref<!tpu.dma_semaphore, #tpu.memory_space<semaphore_mem>>) src(%dma_wait3A_322 : memref<128xi32, #tpu.memory_space<hbm>>) dst(%dma_wait3A_321 : memref<128xi32, #tpu.memory_space<vmem>>)
    %dma_wait3A_323 = arith.constant 2432 : i32
    %dma_wait3A_324 = tpu.memref_slice %arg5[%dma_wait3A_323] : memref<3328xi32, #tpu.memory_space<vmem>> -> memref<128xi32, #tpu.memory_space<vmem>>
    %dma_wait3A_325 = tpu.memref_slice %arg2[%add3A_155] : memref<106496xi32, #tpu.memory_space<hbm>> -> memref<128xi32, #tpu.memory_space<hbm>>
    %dma_wait3A_326 = arith.constant 2432 : i32
    %dma_wait3A_327 = tpu.memref_slice %arg5[%dma_wait3A_326] : memref<3328xi32, #tpu.memory_space<vmem>> -> memref<128xi32, #tpu.memory_space<vmem>>
    %dma_wait3A_328 = tpu.memref_slice %arg2[%add3A_155] : memref<106496xi32, #tpu.memory_space<hbm>> -> memref<128xi32, #tpu.memory_space<hbm>>
    tpu.wait_dma2 semaphore(%arg7 : memref<!tpu.dma_semaphore, #tpu.memory_space<semaphore_mem>>) src(%dma_wait3A_328 : memref<128xi32, #tpu.memory_space<hbm>>) dst(%dma_wait3A_327 : memref<128xi32, #tpu.memory_space<vmem>>)
    %dma_wait3A_329 = arith.constant 2560 : i32
    %dma_wait3A_330 = tpu.memref_slice %arg5[%dma_wait3A_329] : memref<3328xi32, #tpu.memory_space<vmem>> -> memref<128xi32, #tpu.memory_space<vmem>>
    %dma_wait3A_331 = tpu.memref_slice %arg2[%add3A_163] : memref<106496xi32, #tpu.memory_space<hbm>> -> memref<128xi32, #tpu.memory_space<hbm>>
    %dma_wait3A_332 = arith.constant 2560 : i32
    %dma_wait3A_333 = tpu.memref_slice %arg5[%dma_wait3A_332] : memref<3328xi32, #tpu.memory_space<vmem>> -> memref<128xi32, #tpu.memory_space<vmem>>
    %dma_wait3A_334 = tpu.memref_slice %arg2[%add3A_163] : memref<106496xi32, #tpu.memory_space<hbm>> -> memref<128xi32, #tpu.memory_space<hbm>>
    tpu.wait_dma2 semaphore(%arg7 : memref<!tpu.dma_semaphore, #tpu.memory_space<semaphore_mem>>) src(%dma_wait3A_334 : memref<128xi32, #tpu.memory_space<hbm>>) dst(%dma_wait3A_333 : memref<128xi32, #tpu.memory_space<vmem>>)
    %dma_wait3A_335 = arith.constant 2688 : i32
    %dma_wait3A_336 = tpu.memref_slice %arg5[%dma_wait3A_335] : memref<3328xi32, #tpu.memory_space<vmem>> -> memref<128xi32, #tpu.memory_space<vmem>>
    %dma_wait3A_337 = tpu.memref_slice %arg2[%add3A_171] : memref<106496xi32, #tpu.memory_space<hbm>> -> memref<128xi32, #tpu.memory_space<hbm>>
    %dma_wait3A_338 = arith.constant 2688 : i32
    %dma_wait3A_339 = tpu.memref_slice %arg5[%dma_wait3A_338] : memref<3328xi32, #tpu.memory_space<vmem>> -> memref<128xi32, #tpu.memory_space<vmem>>
    %dma_wait3A_340 = tpu.memref_slice %arg2[%add3A_171] : memref<106496xi32, #tpu.memory_space<hbm>> -> memref<128xi32, #tpu.memory_space<hbm>>
    tpu.wait_dma2 semaphore(%arg7 : memref<!tpu.dma_semaphore, #tpu.memory_space<semaphore_mem>>) src(%dma_wait3A_340 : memref<128xi32, #tpu.memory_space<hbm>>) dst(%dma_wait3A_339 : memref<128xi32, #tpu.memory_space<vmem>>)
    %dma_wait3A_341 = arith.constant 2816 : i32
    %dma_wait3A_342 = tpu.memref_slice %arg5[%dma_wait3A_341] : memref<3328xi32, #tpu.memory_space<vmem>> -> memref<128xi32, #tpu.memory_space<vmem>>
    %dma_wait3A_343 = tpu.memref_slice %arg2[%add3A_179] : memref<106496xi32, #tpu.memory_space<hbm>> -> memref<128xi32, #tpu.memory_space<hbm>>
    %dma_wait3A_344 = arith.constant 2816 : i32
    %dma_wait3A_345 = tpu.memref_slice %arg5[%dma_wait3A_344] : memref<3328xi32, #tpu.memory_space<vmem>> -> memref<128xi32, #tpu.memory_space<vmem>>
    %dma_wait3A_346 = tpu.memref_slice %arg2[%add3A_179] : memref<106496xi32, #tpu.memory_space<hbm>> -> memref<128xi32, #tpu.memory_space<hbm>>
    tpu.wait_dma2 semaphore(%arg7 : memref<!tpu.dma_semaphore, #tpu.memory_space<semaphore_mem>>) src(%dma_wait3A_346 : memref<128xi32, #tpu.memory_space<hbm>>) dst(%dma_wait3A_345 : memref<128xi32, #tpu.memory_space<vmem>>)
    %dma_wait3A_347 = arith.constant 2944 : i32
    %dma_wait3A_348 = tpu.memref_slice %arg5[%dma_wait3A_347] : memref<3328xi32, #tpu.memory_space<vmem>> -> memref<128xi32, #tpu.memory_space<vmem>>
    %dma_wait3A_349 = tpu.memref_slice %arg2[%add3A_187] : memref<106496xi32, #tpu.memory_space<hbm>> -> memref<128xi32, #tpu.memory_space<hbm>>
    %dma_wait3A_350 = arith.constant 2944 : i32
    %dma_wait3A_351 = tpu.memref_slice %arg5[%dma_wait3A_350] : memref<3328xi32, #tpu.memory_space<vmem>> -> memref<128xi32, #tpu.memory_space<vmem>>
    %dma_wait3A_352 = tpu.memref_slice %arg2[%add3A_187] : memref<106496xi32, #tpu.memory_space<hbm>> -> memref<128xi32, #tpu.memory_space<hbm>>
    tpu.wait_dma2 semaphore(%arg7 : memref<!tpu.dma_semaphore, #tpu.memory_space<semaphore_mem>>) src(%dma_wait3A_352 : memref<128xi32, #tpu.memory_space<hbm>>) dst(%dma_wait3A_351 : memref<128xi32, #tpu.memory_space<vmem>>)
    %dma_wait3A_353 = arith.constant 3072 : i32
    %dma_wait3A_354 = tpu.memref_slice %arg5[%dma_wait3A_353] : memref<3328xi32, #tpu.memory_space<vmem>> -> memref<128xi32, #tpu.memory_space<vmem>>
    %dma_wait3A_355 = tpu.memref_slice %arg2[%add3A_195] : memref<106496xi32, #tpu.memory_space<hbm>> -> memref<128xi32, #tpu.memory_space<hbm>>
    %dma_wait3A_356 = arith.constant 3072 : i32
    %dma_wait3A_357 = tpu.memref_slice %arg5[%dma_wait3A_356] : memref<3328xi32, #tpu.memory_space<vmem>> -> memref<128xi32, #tpu.memory_space<vmem>>
    %dma_wait3A_358 = tpu.memref_slice %arg2[%add3A_195] : memref<106496xi32, #tpu.memory_space<hbm>> -> memref<128xi32, #tpu.memory_space<hbm>>
    tpu.wait_dma2 semaphore(%arg7 : memref<!tpu.dma_semaphore, #tpu.memory_space<semaphore_mem>>) src(%dma_wait3A_358 : memref<128xi32, #tpu.memory_space<hbm>>) dst(%dma_wait3A_357 : memref<128xi32, #tpu.memory_space<vmem>>)
    %dma_wait3A_359 = arith.constant 3200 : i32
    %dma_wait3A_360 = tpu.memref_slice %arg5[%dma_wait3A_359] : memref<3328xi32, #tpu.memory_space<vmem>> -> memref<128xi32, #tpu.memory_space<vmem>>
    %dma_wait3A_361 = tpu.memref_slice %arg2[%add3A_203] : memref<106496xi32, #tpu.memory_space<hbm>> -> memref<128xi32, #tpu.memory_space<hbm>>
    %dma_wait3A_362 = arith.constant 3200 : i32
    %dma_wait3A_363 = tpu.memref_slice %arg5[%dma_wait3A_362] : memref<3328xi32, #tpu.memory_space<vmem>> -> memref<128xi32, #tpu.memory_space<vmem>>
    %dma_wait3A_364 = tpu.memref_slice %arg2[%add3A_203] : memref<106496xi32, #tpu.memory_space<hbm>> -> memref<128xi32, #tpu.memory_space<hbm>>
    tpu.wait_dma2 semaphore(%arg7 : memref<!tpu.dma_semaphore, #tpu.memory_space<semaphore_mem>>) src(%dma_wait3A_364 : memref<128xi32, #tpu.memory_space<hbm>>) dst(%dma_wait3A_363 : memref<128xi32, #tpu.memory_space<vmem>>)
    %dma_start3A_365 = arith.constant 0 : i32
    %dma_start3A_366 = arith.constant 0 : i32
    %dma_start3A_367 = arith.constant 0 : i32
    %dma_start3A_368 = tpu.memref_slice %arg6[%dma_start3A_366, %dma_start3A_367] : memref<3328x32xf32, #tpu.memory_space<vmem>> -> memref<128x32xf32, #tpu.memory_space<vmem>>
    %dma_start3A_369 = arith.constant 0 : i32
    %dma_start3A_370 = tpu.memref_slice %arg5[%dma_start3A_369] : memref<3328xi32, #tpu.memory_space<vmem>> -> memref<128xi32, #tpu.memory_space<vmem>>
    %dma_start3A_371 = arith.constant 0 : i32
    %dma_start3A_372 = arith.constant 0 : i32
    %dma_start3A_373 = tpu.memref_slice %arg3[%dma_start3A_365, %dma_start3A_371, %dma_start3A_372] : memref<26x100001x32xf32, #tpu.memory_space<hbm>> -> memref<1x100001x32xf32, #tpu.memory_space<hbm>>
    %dma_start3A_374 = tpu.memref_squeeze %dma_start3A_373 : memref<1x100001x32xf32, #tpu.memory_space<hbm>> -> memref<100001x32xf32, #tpu.memory_space<hbm>>
    %dma_start3A_375 = arith.constant 0 : i32
    %dma_start3A_376 = arith.constant 0 : i32
    %dma_start3A_377 = tpu.memref_slice %dma_start3A_374[%dma_start3A_375, %dma_start3A_376] : memref<100001x32xf32, #tpu.memory_space<hbm>> -> memref<100001x32xf32, #tpu.memory_space<hbm>>
    tpu.enqueue_indirect_dma source(%dma_start3A_377 : memref<100001x32xf32, #tpu.memory_space<hbm>>) target(%dma_start3A_368 : memref<128x32xf32, #tpu.memory_space<vmem>>) offsets(%dma_start3A_370 : memref<128xi32, #tpu.memory_space<vmem>>) semaphore(%arg8 : memref<!tpu.dma_semaphore, #tpu.memory_space<semaphore_mem>>)
    %dma_start3A_378 = arith.constant 1 : i32
    %dma_start3A_379 = arith.constant 128 : i32
    %dma_start3A_380 = arith.constant 0 : i32
    %dma_start3A_381 = tpu.memref_slice %arg6[%dma_start3A_379, %dma_start3A_380] : memref<3328x32xf32, #tpu.memory_space<vmem>> -> memref<128x32xf32, #tpu.memory_space<vmem>>
    %dma_start3A_382 = arith.constant 128 : i32
    %dma_start3A_383 = tpu.memref_slice %arg5[%dma_start3A_382] : memref<3328xi32, #tpu.memory_space<vmem>> -> memref<128xi32, #tpu.memory_space<vmem>>
    %dma_start3A_384 = arith.constant 0 : i32
    %dma_start3A_385 = arith.constant 0 : i32
    %dma_start3A_386 = tpu.memref_slice %arg3[%dma_start3A_378, %dma_start3A_384, %dma_start3A_385] : memref<26x100001x32xf32, #tpu.memory_space<hbm>> -> memref<1x100001x32xf32, #tpu.memory_space<hbm>>
    %dma_start3A_387 = tpu.memref_squeeze %dma_start3A_386 : memref<1x100001x32xf32, #tpu.memory_space<hbm>> -> memref<100001x32xf32, #tpu.memory_space<hbm>>
    %dma_start3A_388 = arith.constant 0 : i32
    %dma_start3A_389 = arith.constant 0 : i32
    %dma_start3A_390 = tpu.memref_slice %dma_start3A_387[%dma_start3A_388, %dma_start3A_389] : memref<100001x32xf32, #tpu.memory_space<hbm>> -> memref<100001x32xf32, #tpu.memory_space<hbm>>
    tpu.enqueue_indirect_dma source(%dma_start3A_390 : memref<100001x32xf32, #tpu.memory_space<hbm>>) target(%dma_start3A_381 : memref<128x32xf32, #tpu.memory_space<vmem>>) offsets(%dma_start3A_383 : memref<128xi32, #tpu.memory_space<vmem>>) semaphore(%arg8 : memref<!tpu.dma_semaphore, #tpu.memory_space<semaphore_mem>>)
    %dma_start3A_391 = arith.constant 2 : i32
    %dma_start3A_392 = arith.constant 256 : i32
    %dma_start3A_393 = arith.constant 0 : i32
    %dma_start3A_394 = tpu.memref_slice %arg6[%dma_start3A_392, %dma_start3A_393] : memref<3328x32xf32, #tpu.memory_space<vmem>> -> memref<128x32xf32, #tpu.memory_space<vmem>>
    %dma_start3A_395 = arith.constant 256 : i32
    %dma_start3A_396 = tpu.memref_slice %arg5[%dma_start3A_395] : memref<3328xi32, #tpu.memory_space<vmem>> -> memref<128xi32, #tpu.memory_space<vmem>>
    %dma_start3A_397 = arith.constant 0 : i32
    %dma_start3A_398 = arith.constant 0 : i32
    %dma_start3A_399 = tpu.memref_slice %arg3[%dma_start3A_391, %dma_start3A_397, %dma_start3A_398] : memref<26x100001x32xf32, #tpu.memory_space<hbm>> -> memref<1x100001x32xf32, #tpu.memory_space<hbm>>
    %dma_start3A_400 = tpu.memref_squeeze %dma_start3A_399 : memref<1x100001x32xf32, #tpu.memory_space<hbm>> -> memref<100001x32xf32, #tpu.memory_space<hbm>>
    %dma_start3A_401 = arith.constant 0 : i32
    %dma_start3A_402 = arith.constant 0 : i32
    %dma_start3A_403 = tpu.memref_slice %dma_start3A_400[%dma_start3A_401, %dma_start3A_402] : memref<100001x32xf32, #tpu.memory_space<hbm>> -> memref<100001x32xf32, #tpu.memory_space<hbm>>
    tpu.enqueue_indirect_dma source(%dma_start3A_403 : memref<100001x32xf32, #tpu.memory_space<hbm>>) target(%dma_start3A_394 : memref<128x32xf32, #tpu.memory_space<vmem>>) offsets(%dma_start3A_396 : memref<128xi32, #tpu.memory_space<vmem>>) semaphore(%arg8 : memref<!tpu.dma_semaphore, #tpu.memory_space<semaphore_mem>>)
    %dma_start3A_404 = arith.constant 3 : i32
    %dma_start3A_405 = arith.constant 384 : i32
    %dma_start3A_406 = arith.constant 0 : i32
    %dma_start3A_407 = tpu.memref_slice %arg6[%dma_start3A_405, %dma_start3A_406] : memref<3328x32xf32, #tpu.memory_space<vmem>> -> memref<128x32xf32, #tpu.memory_space<vmem>>
    %dma_start3A_408 = arith.constant 384 : i32
    %dma_start3A_409 = tpu.memref_slice %arg5[%dma_start3A_408] : memref<3328xi32, #tpu.memory_space<vmem>> -> memref<128xi32, #tpu.memory_space<vmem>>
    %dma_start3A_410 = arith.constant 0 : i32
    %dma_start3A_411 = arith.constant 0 : i32
    %dma_start3A_412 = tpu.memref_slice %arg3[%dma_start3A_404, %dma_start3A_410, %dma_start3A_411] : memref<26x100001x32xf32, #tpu.memory_space<hbm>> -> memref<1x100001x32xf32, #tpu.memory_space<hbm>>
    %dma_start3A_413 = tpu.memref_squeeze %dma_start3A_412 : memref<1x100001x32xf32, #tpu.memory_space<hbm>> -> memref<100001x32xf32, #tpu.memory_space<hbm>>
    %dma_start3A_414 = arith.constant 0 : i32
    %dma_start3A_415 = arith.constant 0 : i32
    %dma_start3A_416 = tpu.memref_slice %dma_start3A_413[%dma_start3A_414, %dma_start3A_415] : memref<100001x32xf32, #tpu.memory_space<hbm>> -> memref<100001x32xf32, #tpu.memory_space<hbm>>
    tpu.enqueue_indirect_dma source(%dma_start3A_416 : memref<100001x32xf32, #tpu.memory_space<hbm>>) target(%dma_start3A_407 : memref<128x32xf32, #tpu.memory_space<vmem>>) offsets(%dma_start3A_409 : memref<128xi32, #tpu.memory_space<vmem>>) semaphore(%arg8 : memref<!tpu.dma_semaphore, #tpu.memory_space<semaphore_mem>>)
    %dma_start3A_417 = arith.constant 4 : i32
    %dma_start3A_418 = arith.constant 512 : i32
    %dma_start3A_419 = arith.constant 0 : i32
    %dma_start3A_420 = tpu.memref_slice %arg6[%dma_start3A_418, %dma_start3A_419] : memref<3328x32xf32, #tpu.memory_space<vmem>> -> memref<128x32xf32, #tpu.memory_space<vmem>>
    %dma_start3A_421 = arith.constant 512 : i32
    %dma_start3A_422 = tpu.memref_slice %arg5[%dma_start3A_421] : memref<3328xi32, #tpu.memory_space<vmem>> -> memref<128xi32, #tpu.memory_space<vmem>>
    %dma_start3A_423 = arith.constant 0 : i32
    %dma_start3A_424 = arith.constant 0 : i32
    %dma_start3A_425 = tpu.memref_slice %arg3[%dma_start3A_417, %dma_start3A_423, %dma_start3A_424] : memref<26x100001x32xf32, #tpu.memory_space<hbm>> -> memref<1x100001x32xf32, #tpu.memory_space<hbm>>
    %dma_start3A_426 = tpu.memref_squeeze %dma_start3A_425 : memref<1x100001x32xf32, #tpu.memory_space<hbm>> -> memref<100001x32xf32, #tpu.memory_space<hbm>>
    %dma_start3A_427 = arith.constant 0 : i32
    %dma_start3A_428 = arith.constant 0 : i32
    %dma_start3A_429 = tpu.memref_slice %dma_start3A_426[%dma_start3A_427, %dma_start3A_428] : memref<100001x32xf32, #tpu.memory_space<hbm>> -> memref<100001x32xf32, #tpu.memory_space<hbm>>
    tpu.enqueue_indirect_dma source(%dma_start3A_429 : memref<100001x32xf32, #tpu.memory_space<hbm>>) target(%dma_start3A_420 : memref<128x32xf32, #tpu.memory_space<vmem>>) offsets(%dma_start3A_422 : memref<128xi32, #tpu.memory_space<vmem>>) semaphore(%arg8 : memref<!tpu.dma_semaphore, #tpu.memory_space<semaphore_mem>>)
    %dma_start3A_430 = arith.constant 5 : i32
    %dma_start3A_431 = arith.constant 640 : i32
    %dma_start3A_432 = arith.constant 0 : i32
    %dma_start3A_433 = tpu.memref_slice %arg6[%dma_start3A_431, %dma_start3A_432] : memref<3328x32xf32, #tpu.memory_space<vmem>> -> memref<128x32xf32, #tpu.memory_space<vmem>>
    %dma_start3A_434 = arith.constant 640 : i32
    %dma_start3A_435 = tpu.memref_slice %arg5[%dma_start3A_434] : memref<3328xi32, #tpu.memory_space<vmem>> -> memref<128xi32, #tpu.memory_space<vmem>>
    %dma_start3A_436 = arith.constant 0 : i32
    %dma_start3A_437 = arith.constant 0 : i32
    %dma_start3A_438 = tpu.memref_slice %arg3[%dma_start3A_430, %dma_start3A_436, %dma_start3A_437] : memref<26x100001x32xf32, #tpu.memory_space<hbm>> -> memref<1x100001x32xf32, #tpu.memory_space<hbm>>
    %dma_start3A_439 = tpu.memref_squeeze %dma_start3A_438 : memref<1x100001x32xf32, #tpu.memory_space<hbm>> -> memref<100001x32xf32, #tpu.memory_space<hbm>>
    %dma_start3A_440 = arith.constant 0 : i32
    %dma_start3A_441 = arith.constant 0 : i32
    %dma_start3A_442 = tpu.memref_slice %dma_start3A_439[%dma_start3A_440, %dma_start3A_441] : memref<100001x32xf32, #tpu.memory_space<hbm>> -> memref<100001x32xf32, #tpu.memory_space<hbm>>
    tpu.enqueue_indirect_dma source(%dma_start3A_442 : memref<100001x32xf32, #tpu.memory_space<hbm>>) target(%dma_start3A_433 : memref<128x32xf32, #tpu.memory_space<vmem>>) offsets(%dma_start3A_435 : memref<128xi32, #tpu.memory_space<vmem>>) semaphore(%arg8 : memref<!tpu.dma_semaphore, #tpu.memory_space<semaphore_mem>>)
    %dma_start3A_443 = arith.constant 6 : i32
    %dma_start3A_444 = arith.constant 768 : i32
    %dma_start3A_445 = arith.constant 0 : i32
    %dma_start3A_446 = tpu.memref_slice %arg6[%dma_start3A_444, %dma_start3A_445] : memref<3328x32xf32, #tpu.memory_space<vmem>> -> memref<128x32xf32, #tpu.memory_space<vmem>>
    %dma_start3A_447 = arith.constant 768 : i32
    %dma_start3A_448 = tpu.memref_slice %arg5[%dma_start3A_447] : memref<3328xi32, #tpu.memory_space<vmem>> -> memref<128xi32, #tpu.memory_space<vmem>>
    %dma_start3A_449 = arith.constant 0 : i32
    %dma_start3A_450 = arith.constant 0 : i32
    %dma_start3A_451 = tpu.memref_slice %arg3[%dma_start3A_443, %dma_start3A_449, %dma_start3A_450] : memref<26x100001x32xf32, #tpu.memory_space<hbm>> -> memref<1x100001x32xf32, #tpu.memory_space<hbm>>
    %dma_start3A_452 = tpu.memref_squeeze %dma_start3A_451 : memref<1x100001x32xf32, #tpu.memory_space<hbm>> -> memref<100001x32xf32, #tpu.memory_space<hbm>>
    %dma_start3A_453 = arith.constant 0 : i32
    %dma_start3A_454 = arith.constant 0 : i32
    %dma_start3A_455 = tpu.memref_slice %dma_start3A_452[%dma_start3A_453, %dma_start3A_454] : memref<100001x32xf32, #tpu.memory_space<hbm>> -> memref<100001x32xf32, #tpu.memory_space<hbm>>
    tpu.enqueue_indirect_dma source(%dma_start3A_455 : memref<100001x32xf32, #tpu.memory_space<hbm>>) target(%dma_start3A_446 : memref<128x32xf32, #tpu.memory_space<vmem>>) offsets(%dma_start3A_448 : memref<128xi32, #tpu.memory_space<vmem>>) semaphore(%arg8 : memref<!tpu.dma_semaphore, #tpu.memory_space<semaphore_mem>>)
    %dma_start3A_456 = arith.constant 7 : i32
    %dma_start3A_457 = arith.constant 896 : i32
    %dma_start3A_458 = arith.constant 0 : i32
    %dma_start3A_459 = tpu.memref_slice %arg6[%dma_start3A_457, %dma_start3A_458] : memref<3328x32xf32, #tpu.memory_space<vmem>> -> memref<128x32xf32, #tpu.memory_space<vmem>>
    %dma_start3A_460 = arith.constant 896 : i32
    %dma_start3A_461 = tpu.memref_slice %arg5[%dma_start3A_460] : memref<3328xi32, #tpu.memory_space<vmem>> -> memref<128xi32, #tpu.memory_space<vmem>>
    %dma_start3A_462 = arith.constant 0 : i32
    %dma_start3A_463 = arith.constant 0 : i32
    %dma_start3A_464 = tpu.memref_slice %arg3[%dma_start3A_456, %dma_start3A_462, %dma_start3A_463] : memref<26x100001x32xf32, #tpu.memory_space<hbm>> -> memref<1x100001x32xf32, #tpu.memory_space<hbm>>
    %dma_start3A_465 = tpu.memref_squeeze %dma_start3A_464 : memref<1x100001x32xf32, #tpu.memory_space<hbm>> -> memref<100001x32xf32, #tpu.memory_space<hbm>>
    %dma_start3A_466 = arith.constant 0 : i32
    %dma_start3A_467 = arith.constant 0 : i32
    %dma_start3A_468 = tpu.memref_slice %dma_start3A_465[%dma_start3A_466, %dma_start3A_467] : memref<100001x32xf32, #tpu.memory_space<hbm>> -> memref<100001x32xf32, #tpu.memory_space<hbm>>
    tpu.enqueue_indirect_dma source(%dma_start3A_468 : memref<100001x32xf32, #tpu.memory_space<hbm>>) target(%dma_start3A_459 : memref<128x32xf32, #tpu.memory_space<vmem>>) offsets(%dma_start3A_461 : memref<128xi32, #tpu.memory_space<vmem>>) semaphore(%arg8 : memref<!tpu.dma_semaphore, #tpu.memory_space<semaphore_mem>>)
    %dma_start3A_469 = arith.constant 8 : i32
    %dma_start3A_470 = arith.constant 1024 : i32
    %dma_start3A_471 = arith.constant 0 : i32
    %dma_start3A_472 = tpu.memref_slice %arg6[%dma_start3A_470, %dma_start3A_471] : memref<3328x32xf32, #tpu.memory_space<vmem>> -> memref<128x32xf32, #tpu.memory_space<vmem>>
    %dma_start3A_473 = arith.constant 1024 : i32
    %dma_start3A_474 = tpu.memref_slice %arg5[%dma_start3A_473] : memref<3328xi32, #tpu.memory_space<vmem>> -> memref<128xi32, #tpu.memory_space<vmem>>
    %dma_start3A_475 = arith.constant 0 : i32
    %dma_start3A_476 = arith.constant 0 : i32
    %dma_start3A_477 = tpu.memref_slice %arg3[%dma_start3A_469, %dma_start3A_475, %dma_start3A_476] : memref<26x100001x32xf32, #tpu.memory_space<hbm>> -> memref<1x100001x32xf32, #tpu.memory_space<hbm>>
    %dma_start3A_478 = tpu.memref_squeeze %dma_start3A_477 : memref<1x100001x32xf32, #tpu.memory_space<hbm>> -> memref<100001x32xf32, #tpu.memory_space<hbm>>
    %dma_start3A_479 = arith.constant 0 : i32
    %dma_start3A_480 = arith.constant 0 : i32
    %dma_start3A_481 = tpu.memref_slice %dma_start3A_478[%dma_start3A_479, %dma_start3A_480] : memref<100001x32xf32, #tpu.memory_space<hbm>> -> memref<100001x32xf32, #tpu.memory_space<hbm>>
    tpu.enqueue_indirect_dma source(%dma_start3A_481 : memref<100001x32xf32, #tpu.memory_space<hbm>>) target(%dma_start3A_472 : memref<128x32xf32, #tpu.memory_space<vmem>>) offsets(%dma_start3A_474 : memref<128xi32, #tpu.memory_space<vmem>>) semaphore(%arg8 : memref<!tpu.dma_semaphore, #tpu.memory_space<semaphore_mem>>)
    %dma_start3A_482 = arith.constant 9 : i32
    %dma_start3A_483 = arith.constant 1152 : i32
    %dma_start3A_484 = arith.constant 0 : i32
    %dma_start3A_485 = tpu.memref_slice %arg6[%dma_start3A_483, %dma_start3A_484] : memref<3328x32xf32, #tpu.memory_space<vmem>> -> memref<128x32xf32, #tpu.memory_space<vmem>>
    %dma_start3A_486 = arith.constant 1152 : i32
    %dma_start3A_487 = tpu.memref_slice %arg5[%dma_start3A_486] : memref<3328xi32, #tpu.memory_space<vmem>> -> memref<128xi32, #tpu.memory_space<vmem>>
    %dma_start3A_488 = arith.constant 0 : i32
    %dma_start3A_489 = arith.constant 0 : i32
    %dma_start3A_490 = tpu.memref_slice %arg3[%dma_start3A_482, %dma_start3A_488, %dma_start3A_489] : memref<26x100001x32xf32, #tpu.memory_space<hbm>> -> memref<1x100001x32xf32, #tpu.memory_space<hbm>>
    %dma_start3A_491 = tpu.memref_squeeze %dma_start3A_490 : memref<1x100001x32xf32, #tpu.memory_space<hbm>> -> memref<100001x32xf32, #tpu.memory_space<hbm>>
    %dma_start3A_492 = arith.constant 0 : i32
    %dma_start3A_493 = arith.constant 0 : i32
    %dma_start3A_494 = tpu.memref_slice %dma_start3A_491[%dma_start3A_492, %dma_start3A_493] : memref<100001x32xf32, #tpu.memory_space<hbm>> -> memref<100001x32xf32, #tpu.memory_space<hbm>>
    tpu.enqueue_indirect_dma source(%dma_start3A_494 : memref<100001x32xf32, #tpu.memory_space<hbm>>) target(%dma_start3A_485 : memref<128x32xf32, #tpu.memory_space<vmem>>) offsets(%dma_start3A_487 : memref<128xi32, #tpu.memory_space<vmem>>) semaphore(%arg8 : memref<!tpu.dma_semaphore, #tpu.memory_space<semaphore_mem>>)
    %dma_start3A_495 = arith.constant 10 : i32
    %dma_start3A_496 = arith.constant 1280 : i32
    %dma_start3A_497 = arith.constant 0 : i32
    %dma_start3A_498 = tpu.memref_slice %arg6[%dma_start3A_496, %dma_start3A_497] : memref<3328x32xf32, #tpu.memory_space<vmem>> -> memref<128x32xf32, #tpu.memory_space<vmem>>
    %dma_start3A_499 = arith.constant 1280 : i32
    %dma_start3A_500 = tpu.memref_slice %arg5[%dma_start3A_499] : memref<3328xi32, #tpu.memory_space<vmem>> -> memref<128xi32, #tpu.memory_space<vmem>>
    %dma_start3A_501 = arith.constant 0 : i32
    %dma_start3A_502 = arith.constant 0 : i32
    %dma_start3A_503 = tpu.memref_slice %arg3[%dma_start3A_495, %dma_start3A_501, %dma_start3A_502] : memref<26x100001x32xf32, #tpu.memory_space<hbm>> -> memref<1x100001x32xf32, #tpu.memory_space<hbm>>
    %dma_start3A_504 = tpu.memref_squeeze %dma_start3A_503 : memref<1x100001x32xf32, #tpu.memory_space<hbm>> -> memref<100001x32xf32, #tpu.memory_space<hbm>>
    %dma_start3A_505 = arith.constant 0 : i32
    %dma_start3A_506 = arith.constant 0 : i32
    %dma_start3A_507 = tpu.memref_slice %dma_start3A_504[%dma_start3A_505, %dma_start3A_506] : memref<100001x32xf32, #tpu.memory_space<hbm>> -> memref<100001x32xf32, #tpu.memory_space<hbm>>
    tpu.enqueue_indirect_dma source(%dma_start3A_507 : memref<100001x32xf32, #tpu.memory_space<hbm>>) target(%dma_start3A_498 : memref<128x32xf32, #tpu.memory_space<vmem>>) offsets(%dma_start3A_500 : memref<128xi32, #tpu.memory_space<vmem>>) semaphore(%arg8 : memref<!tpu.dma_semaphore, #tpu.memory_space<semaphore_mem>>)
    %dma_start3A_508 = arith.constant 11 : i32
    %dma_start3A_509 = arith.constant 1408 : i32
    %dma_start3A_510 = arith.constant 0 : i32
    %dma_start3A_511 = tpu.memref_slice %arg6[%dma_start3A_509, %dma_start3A_510] : memref<3328x32xf32, #tpu.memory_space<vmem>> -> memref<128x32xf32, #tpu.memory_space<vmem>>
    %dma_start3A_512 = arith.constant 1408 : i32
    %dma_start3A_513 = tpu.memref_slice %arg5[%dma_start3A_512] : memref<3328xi32, #tpu.memory_space<vmem>> -> memref<128xi32, #tpu.memory_space<vmem>>
    %dma_start3A_514 = arith.constant 0 : i32
    %dma_start3A_515 = arith.constant 0 : i32
    %dma_start3A_516 = tpu.memref_slice %arg3[%dma_start3A_508, %dma_start3A_514, %dma_start3A_515] : memref<26x100001x32xf32, #tpu.memory_space<hbm>> -> memref<1x100001x32xf32, #tpu.memory_space<hbm>>
    %dma_start3A_517 = tpu.memref_squeeze %dma_start3A_516 : memref<1x100001x32xf32, #tpu.memory_space<hbm>> -> memref<100001x32xf32, #tpu.memory_space<hbm>>
    %dma_start3A_518 = arith.constant 0 : i32
    %dma_start3A_519 = arith.constant 0 : i32
    %dma_start3A_520 = tpu.memref_slice %dma_start3A_517[%dma_start3A_518, %dma_start3A_519] : memref<100001x32xf32, #tpu.memory_space<hbm>> -> memref<100001x32xf32, #tpu.memory_space<hbm>>
    tpu.enqueue_indirect_dma source(%dma_start3A_520 : memref<100001x32xf32, #tpu.memory_space<hbm>>) target(%dma_start3A_511 : memref<128x32xf32, #tpu.memory_space<vmem>>) offsets(%dma_start3A_513 : memref<128xi32, #tpu.memory_space<vmem>>) semaphore(%arg8 : memref<!tpu.dma_semaphore, #tpu.memory_space<semaphore_mem>>)
    %dma_start3A_521 = arith.constant 12 : i32
    %dma_start3A_522 = arith.constant 1536 : i32
    %dma_start3A_523 = arith.constant 0 : i32
    %dma_start3A_524 = tpu.memref_slice %arg6[%dma_start3A_522, %dma_start3A_523] : memref<3328x32xf32, #tpu.memory_space<vmem>> -> memref<128x32xf32, #tpu.memory_space<vmem>>
    %dma_start3A_525 = arith.constant 1536 : i32
    %dma_start3A_526 = tpu.memref_slice %arg5[%dma_start3A_525] : memref<3328xi32, #tpu.memory_space<vmem>> -> memref<128xi32, #tpu.memory_space<vmem>>
    %dma_start3A_527 = arith.constant 0 : i32
    %dma_start3A_528 = arith.constant 0 : i32
    %dma_start3A_529 = tpu.memref_slice %arg3[%dma_start3A_521, %dma_start3A_527, %dma_start3A_528] : memref<26x100001x32xf32, #tpu.memory_space<hbm>> -> memref<1x100001x32xf32, #tpu.memory_space<hbm>>
    %dma_start3A_530 = tpu.memref_squeeze %dma_start3A_529 : memref<1x100001x32xf32, #tpu.memory_space<hbm>> -> memref<100001x32xf32, #tpu.memory_space<hbm>>
    %dma_start3A_531 = arith.constant 0 : i32
    %dma_start3A_532 = arith.constant 0 : i32
    %dma_start3A_533 = tpu.memref_slice %dma_start3A_530[%dma_start3A_531, %dma_start3A_532] : memref<100001x32xf32, #tpu.memory_space<hbm>> -> memref<100001x32xf32, #tpu.memory_space<hbm>>
    tpu.enqueue_indirect_dma source(%dma_start3A_533 : memref<100001x32xf32, #tpu.memory_space<hbm>>) target(%dma_start3A_524 : memref<128x32xf32, #tpu.memory_space<vmem>>) offsets(%dma_start3A_526 : memref<128xi32, #tpu.memory_space<vmem>>) semaphore(%arg8 : memref<!tpu.dma_semaphore, #tpu.memory_space<semaphore_mem>>)
    %dma_start3A_534 = arith.constant 13 : i32
    %dma_start3A_535 = arith.constant 1664 : i32
    %dma_start3A_536 = arith.constant 0 : i32
    %dma_start3A_537 = tpu.memref_slice %arg6[%dma_start3A_535, %dma_start3A_536] : memref<3328x32xf32, #tpu.memory_space<vmem>> -> memref<128x32xf32, #tpu.memory_space<vmem>>
    %dma_start3A_538 = arith.constant 1664 : i32
    %dma_start3A_539 = tpu.memref_slice %arg5[%dma_start3A_538] : memref<3328xi32, #tpu.memory_space<vmem>> -> memref<128xi32, #tpu.memory_space<vmem>>
    %dma_start3A_540 = arith.constant 0 : i32
    %dma_start3A_541 = arith.constant 0 : i32
    %dma_start3A_542 = tpu.memref_slice %arg3[%dma_start3A_534, %dma_start3A_540, %dma_start3A_541] : memref<26x100001x32xf32, #tpu.memory_space<hbm>> -> memref<1x100001x32xf32, #tpu.memory_space<hbm>>
    %dma_start3A_543 = tpu.memref_squeeze %dma_start3A_542 : memref<1x100001x32xf32, #tpu.memory_space<hbm>> -> memref<100001x32xf32, #tpu.memory_space<hbm>>
    %dma_start3A_544 = arith.constant 0 : i32
    %dma_start3A_545 = arith.constant 0 : i32
    %dma_start3A_546 = tpu.memref_slice %dma_start3A_543[%dma_start3A_544, %dma_start3A_545] : memref<100001x32xf32, #tpu.memory_space<hbm>> -> memref<100001x32xf32, #tpu.memory_space<hbm>>
    tpu.enqueue_indirect_dma source(%dma_start3A_546 : memref<100001x32xf32, #tpu.memory_space<hbm>>) target(%dma_start3A_537 : memref<128x32xf32, #tpu.memory_space<vmem>>) offsets(%dma_start3A_539 : memref<128xi32, #tpu.memory_space<vmem>>) semaphore(%arg8 : memref<!tpu.dma_semaphore, #tpu.memory_space<semaphore_mem>>)
    %dma_start3A_547 = arith.constant 14 : i32
    %dma_start3A_548 = arith.constant 1792 : i32
    %dma_start3A_549 = arith.constant 0 : i32
    %dma_start3A_550 = tpu.memref_slice %arg6[%dma_start3A_548, %dma_start3A_549] : memref<3328x32xf32, #tpu.memory_space<vmem>> -> memref<128x32xf32, #tpu.memory_space<vmem>>
    %dma_start3A_551 = arith.constant 1792 : i32
    %dma_start3A_552 = tpu.memref_slice %arg5[%dma_start3A_551] : memref<3328xi32, #tpu.memory_space<vmem>> -> memref<128xi32, #tpu.memory_space<vmem>>
    %dma_start3A_553 = arith.constant 0 : i32
    %dma_start3A_554 = arith.constant 0 : i32
    %dma_start3A_555 = tpu.memref_slice %arg3[%dma_start3A_547, %dma_start3A_553, %dma_start3A_554] : memref<26x100001x32xf32, #tpu.memory_space<hbm>> -> memref<1x100001x32xf32, #tpu.memory_space<hbm>>
    %dma_start3A_556 = tpu.memref_squeeze %dma_start3A_555 : memref<1x100001x32xf32, #tpu.memory_space<hbm>> -> memref<100001x32xf32, #tpu.memory_space<hbm>>
    %dma_start3A_557 = arith.constant 0 : i32
    %dma_start3A_558 = arith.constant 0 : i32
    %dma_start3A_559 = tpu.memref_slice %dma_start3A_556[%dma_start3A_557, %dma_start3A_558] : memref<100001x32xf32, #tpu.memory_space<hbm>> -> memref<100001x32xf32, #tpu.memory_space<hbm>>
    tpu.enqueue_indirect_dma source(%dma_start3A_559 : memref<100001x32xf32, #tpu.memory_space<hbm>>) target(%dma_start3A_550 : memref<128x32xf32, #tpu.memory_space<vmem>>) offsets(%dma_start3A_552 : memref<128xi32, #tpu.memory_space<vmem>>) semaphore(%arg8 : memref<!tpu.dma_semaphore, #tpu.memory_space<semaphore_mem>>)
    %dma_start3A_560 = arith.constant 15 : i32
    %dma_start3A_561 = arith.constant 1920 : i32
    %dma_start3A_562 = arith.constant 0 : i32
    %dma_start3A_563 = tpu.memref_slice %arg6[%dma_start3A_561, %dma_start3A_562] : memref<3328x32xf32, #tpu.memory_space<vmem>> -> memref<128x32xf32, #tpu.memory_space<vmem>>
    %dma_start3A_564 = arith.constant 1920 : i32
    %dma_start3A_565 = tpu.memref_slice %arg5[%dma_start3A_564] : memref<3328xi32, #tpu.memory_space<vmem>> -> memref<128xi32, #tpu.memory_space<vmem>>
    %dma_start3A_566 = arith.constant 0 : i32
    %dma_start3A_567 = arith.constant 0 : i32
    %dma_start3A_568 = tpu.memref_slice %arg3[%dma_start3A_560, %dma_start3A_566, %dma_start3A_567] : memref<26x100001x32xf32, #tpu.memory_space<hbm>> -> memref<1x100001x32xf32, #tpu.memory_space<hbm>>
    %dma_start3A_569 = tpu.memref_squeeze %dma_start3A_568 : memref<1x100001x32xf32, #tpu.memory_space<hbm>> -> memref<100001x32xf32, #tpu.memory_space<hbm>>
    %dma_start3A_570 = arith.constant 0 : i32
    %dma_start3A_571 = arith.constant 0 : i32
    %dma_start3A_572 = tpu.memref_slice %dma_start3A_569[%dma_start3A_570, %dma_start3A_571] : memref<100001x32xf32, #tpu.memory_space<hbm>> -> memref<100001x32xf32, #tpu.memory_space<hbm>>
    tpu.enqueue_indirect_dma source(%dma_start3A_572 : memref<100001x32xf32, #tpu.memory_space<hbm>>) target(%dma_start3A_563 : memref<128x32xf32, #tpu.memory_space<vmem>>) offsets(%dma_start3A_565 : memref<128xi32, #tpu.memory_space<vmem>>) semaphore(%arg8 : memref<!tpu.dma_semaphore, #tpu.memory_space<semaphore_mem>>)
    %dma_start3A_573 = arith.constant 16 : i32
    %dma_start3A_574 = arith.constant 2048 : i32
    %dma_start3A_575 = arith.constant 0 : i32
    %dma_start3A_576 = tpu.memref_slice %arg6[%dma_start3A_574, %dma_start3A_575] : memref<3328x32xf32, #tpu.memory_space<vmem>> -> memref<128x32xf32, #tpu.memory_space<vmem>>
    %dma_start3A_577 = arith.constant 2048 : i32
    %dma_start3A_578 = tpu.memref_slice %arg5[%dma_start3A_577] : memref<3328xi32, #tpu.memory_space<vmem>> -> memref<128xi32, #tpu.memory_space<vmem>>
    %dma_start3A_579 = arith.constant 0 : i32
    %dma_start3A_580 = arith.constant 0 : i32
    %dma_start3A_581 = tpu.memref_slice %arg3[%dma_start3A_573, %dma_start3A_579, %dma_start3A_580] : memref<26x100001x32xf32, #tpu.memory_space<hbm>> -> memref<1x100001x32xf32, #tpu.memory_space<hbm>>
    %dma_start3A_582 = tpu.memref_squeeze %dma_start3A_581 : memref<1x100001x32xf32, #tpu.memory_space<hbm>> -> memref<100001x32xf32, #tpu.memory_space<hbm>>
    %dma_start3A_583 = arith.constant 0 : i32
    %dma_start3A_584 = arith.constant 0 : i32
    %dma_start3A_585 = tpu.memref_slice %dma_start3A_582[%dma_start3A_583, %dma_start3A_584] : memref<100001x32xf32, #tpu.memory_space<hbm>> -> memref<100001x32xf32, #tpu.memory_space<hbm>>
    tpu.enqueue_indirect_dma source(%dma_start3A_585 : memref<100001x32xf32, #tpu.memory_space<hbm>>) target(%dma_start3A_576 : memref<128x32xf32, #tpu.memory_space<vmem>>) offsets(%dma_start3A_578 : memref<128xi32, #tpu.memory_space<vmem>>) semaphore(%arg8 : memref<!tpu.dma_semaphore, #tpu.memory_space<semaphore_mem>>)
    %dma_start3A_586 = arith.constant 17 : i32
    %dma_start3A_587 = arith.constant 2176 : i32
    %dma_start3A_588 = arith.constant 0 : i32
    %dma_start3A_589 = tpu.memref_slice %arg6[%dma_start3A_587, %dma_start3A_588] : memref<3328x32xf32, #tpu.memory_space<vmem>> -> memref<128x32xf32, #tpu.memory_space<vmem>>
    %dma_start3A_590 = arith.constant 2176 : i32
    %dma_start3A_591 = tpu.memref_slice %arg5[%dma_start3A_590] : memref<3328xi32, #tpu.memory_space<vmem>> -> memref<128xi32, #tpu.memory_space<vmem>>
    %dma_start3A_592 = arith.constant 0 : i32
    %dma_start3A_593 = arith.constant 0 : i32
    %dma_start3A_594 = tpu.memref_slice %arg3[%dma_start3A_586, %dma_start3A_592, %dma_start3A_593] : memref<26x100001x32xf32, #tpu.memory_space<hbm>> -> memref<1x100001x32xf32, #tpu.memory_space<hbm>>
    %dma_start3A_595 = tpu.memref_squeeze %dma_start3A_594 : memref<1x100001x32xf32, #tpu.memory_space<hbm>> -> memref<100001x32xf32, #tpu.memory_space<hbm>>
    %dma_start3A_596 = arith.constant 0 : i32
    %dma_start3A_597 = arith.constant 0 : i32
    %dma_start3A_598 = tpu.memref_slice %dma_start3A_595[%dma_start3A_596, %dma_start3A_597] : memref<100001x32xf32, #tpu.memory_space<hbm>> -> memref<100001x32xf32, #tpu.memory_space<hbm>>
    tpu.enqueue_indirect_dma source(%dma_start3A_598 : memref<100001x32xf32, #tpu.memory_space<hbm>>) target(%dma_start3A_589 : memref<128x32xf32, #tpu.memory_space<vmem>>) offsets(%dma_start3A_591 : memref<128xi32, #tpu.memory_space<vmem>>) semaphore(%arg8 : memref<!tpu.dma_semaphore, #tpu.memory_space<semaphore_mem>>)
    %dma_start3A_599 = arith.constant 18 : i32
    %dma_start3A_600 = arith.constant 2304 : i32
    %dma_start3A_601 = arith.constant 0 : i32
    %dma_start3A_602 = tpu.memref_slice %arg6[%dma_start3A_600, %dma_start3A_601] : memref<3328x32xf32, #tpu.memory_space<vmem>> -> memref<128x32xf32, #tpu.memory_space<vmem>>
    %dma_start3A_603 = arith.constant 2304 : i32
    %dma_start3A_604 = tpu.memref_slice %arg5[%dma_start3A_603] : memref<3328xi32, #tpu.memory_space<vmem>> -> memref<128xi32, #tpu.memory_space<vmem>>
    %dma_start3A_605 = arith.constant 0 : i32
    %dma_start3A_606 = arith.constant 0 : i32
    %dma_start3A_607 = tpu.memref_slice %arg3[%dma_start3A_599, %dma_start3A_605, %dma_start3A_606] : memref<26x100001x32xf32, #tpu.memory_space<hbm>> -> memref<1x100001x32xf32, #tpu.memory_space<hbm>>
    %dma_start3A_608 = tpu.memref_squeeze %dma_start3A_607 : memref<1x100001x32xf32, #tpu.memory_space<hbm>> -> memref<100001x32xf32, #tpu.memory_space<hbm>>
    %dma_start3A_609 = arith.constant 0 : i32
    %dma_start3A_610 = arith.constant 0 : i32
    %dma_start3A_611 = tpu.memref_slice %dma_start3A_608[%dma_start3A_609, %dma_start3A_610] : memref<100001x32xf32, #tpu.memory_space<hbm>> -> memref<100001x32xf32, #tpu.memory_space<hbm>>
    tpu.enqueue_indirect_dma source(%dma_start3A_611 : memref<100001x32xf32, #tpu.memory_space<hbm>>) target(%dma_start3A_602 : memref<128x32xf32, #tpu.memory_space<vmem>>) offsets(%dma_start3A_604 : memref<128xi32, #tpu.memory_space<vmem>>) semaphore(%arg8 : memref<!tpu.dma_semaphore, #tpu.memory_space<semaphore_mem>>)
    %dma_start3A_612 = arith.constant 19 : i32
    %dma_start3A_613 = arith.constant 2432 : i32
    %dma_start3A_614 = arith.constant 0 : i32
    %dma_start3A_615 = tpu.memref_slice %arg6[%dma_start3A_613, %dma_start3A_614] : memref<3328x32xf32, #tpu.memory_space<vmem>> -> memref<128x32xf32, #tpu.memory_space<vmem>>
    %dma_start3A_616 = arith.constant 2432 : i32
    %dma_start3A_617 = tpu.memref_slice %arg5[%dma_start3A_616] : memref<3328xi32, #tpu.memory_space<vmem>> -> memref<128xi32, #tpu.memory_space<vmem>>
    %dma_start3A_618 = arith.constant 0 : i32
    %dma_start3A_619 = arith.constant 0 : i32
    %dma_start3A_620 = tpu.memref_slice %arg3[%dma_start3A_612, %dma_start3A_618, %dma_start3A_619] : memref<26x100001x32xf32, #tpu.memory_space<hbm>> -> memref<1x100001x32xf32, #tpu.memory_space<hbm>>
    %dma_start3A_621 = tpu.memref_squeeze %dma_start3A_620 : memref<1x100001x32xf32, #tpu.memory_space<hbm>> -> memref<100001x32xf32, #tpu.memory_space<hbm>>
    %dma_start3A_622 = arith.constant 0 : i32
    %dma_start3A_623 = arith.constant 0 : i32
    %dma_start3A_624 = tpu.memref_slice %dma_start3A_621[%dma_start3A_622, %dma_start3A_623] : memref<100001x32xf32, #tpu.memory_space<hbm>> -> memref<100001x32xf32, #tpu.memory_space<hbm>>
    tpu.enqueue_indirect_dma source(%dma_start3A_624 : memref<100001x32xf32, #tpu.memory_space<hbm>>) target(%dma_start3A_615 : memref<128x32xf32, #tpu.memory_space<vmem>>) offsets(%dma_start3A_617 : memref<128xi32, #tpu.memory_space<vmem>>) semaphore(%arg8 : memref<!tpu.dma_semaphore, #tpu.memory_space<semaphore_mem>>)
    %dma_start3A_625 = arith.constant 20 : i32
    %dma_start3A_626 = arith.constant 2560 : i32
    %dma_start3A_627 = arith.constant 0 : i32
    %dma_start3A_628 = tpu.memref_slice %arg6[%dma_start3A_626, %dma_start3A_627] : memref<3328x32xf32, #tpu.memory_space<vmem>> -> memref<128x32xf32, #tpu.memory_space<vmem>>
    %dma_start3A_629 = arith.constant 2560 : i32
    %dma_start3A_630 = tpu.memref_slice %arg5[%dma_start3A_629] : memref<3328xi32, #tpu.memory_space<vmem>> -> memref<128xi32, #tpu.memory_space<vmem>>
    %dma_start3A_631 = arith.constant 0 : i32
    %dma_start3A_632 = arith.constant 0 : i32
    %dma_start3A_633 = tpu.memref_slice %arg3[%dma_start3A_625, %dma_start3A_631, %dma_start3A_632] : memref<26x100001x32xf32, #tpu.memory_space<hbm>> -> memref<1x100001x32xf32, #tpu.memory_space<hbm>>
    %dma_start3A_634 = tpu.memref_squeeze %dma_start3A_633 : memref<1x100001x32xf32, #tpu.memory_space<hbm>> -> memref<100001x32xf32, #tpu.memory_space<hbm>>
    %dma_start3A_635 = arith.constant 0 : i32
    %dma_start3A_636 = arith.constant 0 : i32
    %dma_start3A_637 = tpu.memref_slice %dma_start3A_634[%dma_start3A_635, %dma_start3A_636] : memref<100001x32xf32, #tpu.memory_space<hbm>> -> memref<100001x32xf32, #tpu.memory_space<hbm>>
    tpu.enqueue_indirect_dma source(%dma_start3A_637 : memref<100001x32xf32, #tpu.memory_space<hbm>>) target(%dma_start3A_628 : memref<128x32xf32, #tpu.memory_space<vmem>>) offsets(%dma_start3A_630 : memref<128xi32, #tpu.memory_space<vmem>>) semaphore(%arg8 : memref<!tpu.dma_semaphore, #tpu.memory_space<semaphore_mem>>)
    %dma_start3A_638 = arith.constant 21 : i32
    %dma_start3A_639 = arith.constant 2688 : i32
    %dma_start3A_640 = arith.constant 0 : i32
    %dma_start3A_641 = tpu.memref_slice %arg6[%dma_start3A_639, %dma_start3A_640] : memref<3328x32xf32, #tpu.memory_space<vmem>> -> memref<128x32xf32, #tpu.memory_space<vmem>>
    %dma_start3A_642 = arith.constant 2688 : i32
    %dma_start3A_643 = tpu.memref_slice %arg5[%dma_start3A_642] : memref<3328xi32, #tpu.memory_space<vmem>> -> memref<128xi32, #tpu.memory_space<vmem>>
    %dma_start3A_644 = arith.constant 0 : i32
    %dma_start3A_645 = arith.constant 0 : i32
    %dma_start3A_646 = tpu.memref_slice %arg3[%dma_start3A_638, %dma_start3A_644, %dma_start3A_645] : memref<26x100001x32xf32, #tpu.memory_space<hbm>> -> memref<1x100001x32xf32, #tpu.memory_space<hbm>>
    %dma_start3A_647 = tpu.memref_squeeze %dma_start3A_646 : memref<1x100001x32xf32, #tpu.memory_space<hbm>> -> memref<100001x32xf32, #tpu.memory_space<hbm>>
    %dma_start3A_648 = arith.constant 0 : i32
    %dma_start3A_649 = arith.constant 0 : i32
    %dma_start3A_650 = tpu.memref_slice %dma_start3A_647[%dma_start3A_648, %dma_start3A_649] : memref<100001x32xf32, #tpu.memory_space<hbm>> -> memref<100001x32xf32, #tpu.memory_space<hbm>>
    tpu.enqueue_indirect_dma source(%dma_start3A_650 : memref<100001x32xf32, #tpu.memory_space<hbm>>) target(%dma_start3A_641 : memref<128x32xf32, #tpu.memory_space<vmem>>) offsets(%dma_start3A_643 : memref<128xi32, #tpu.memory_space<vmem>>) semaphore(%arg8 : memref<!tpu.dma_semaphore, #tpu.memory_space<semaphore_mem>>)
    %dma_start3A_651 = arith.constant 22 : i32
    %dma_start3A_652 = arith.constant 2816 : i32
    %dma_start3A_653 = arith.constant 0 : i32
    %dma_start3A_654 = tpu.memref_slice %arg6[%dma_start3A_652, %dma_start3A_653] : memref<3328x32xf32, #tpu.memory_space<vmem>> -> memref<128x32xf32, #tpu.memory_space<vmem>>
    %dma_start3A_655 = arith.constant 2816 : i32
    %dma_start3A_656 = tpu.memref_slice %arg5[%dma_start3A_655] : memref<3328xi32, #tpu.memory_space<vmem>> -> memref<128xi32, #tpu.memory_space<vmem>>
    %dma_start3A_657 = arith.constant 0 : i32
    %dma_start3A_658 = arith.constant 0 : i32
    %dma_start3A_659 = tpu.memref_slice %arg3[%dma_start3A_651, %dma_start3A_657, %dma_start3A_658] : memref<26x100001x32xf32, #tpu.memory_space<hbm>> -> memref<1x100001x32xf32, #tpu.memory_space<hbm>>
    %dma_start3A_660 = tpu.memref_squeeze %dma_start3A_659 : memref<1x100001x32xf32, #tpu.memory_space<hbm>> -> memref<100001x32xf32, #tpu.memory_space<hbm>>
    %dma_start3A_661 = arith.constant 0 : i32
    %dma_start3A_662 = arith.constant 0 : i32
    %dma_start3A_663 = tpu.memref_slice %dma_start3A_660[%dma_start3A_661, %dma_start3A_662] : memref<100001x32xf32, #tpu.memory_space<hbm>> -> memref<100001x32xf32, #tpu.memory_space<hbm>>
    tpu.enqueue_indirect_dma source(%dma_start3A_663 : memref<100001x32xf32, #tpu.memory_space<hbm>>) target(%dma_start3A_654 : memref<128x32xf32, #tpu.memory_space<vmem>>) offsets(%dma_start3A_656 : memref<128xi32, #tpu.memory_space<vmem>>) semaphore(%arg8 : memref<!tpu.dma_semaphore, #tpu.memory_space<semaphore_mem>>)
    %dma_start3A_664 = arith.constant 23 : i32
    %dma_start3A_665 = arith.constant 2944 : i32
    %dma_start3A_666 = arith.constant 0 : i32
    %dma_start3A_667 = tpu.memref_slice %arg6[%dma_start3A_665, %dma_start3A_666] : memref<3328x32xf32, #tpu.memory_space<vmem>> -> memref<128x32xf32, #tpu.memory_space<vmem>>
    %dma_start3A_668 = arith.constant 2944 : i32
    %dma_start3A_669 = tpu.memref_slice %arg5[%dma_start3A_668] : memref<3328xi32, #tpu.memory_space<vmem>> -> memref<128xi32, #tpu.memory_space<vmem>>
    %dma_start3A_670 = arith.constant 0 : i32
    %dma_start3A_671 = arith.constant 0 : i32
    %dma_start3A_672 = tpu.memref_slice %arg3[%dma_start3A_664, %dma_start3A_670, %dma_start3A_671] : memref<26x100001x32xf32, #tpu.memory_space<hbm>> -> memref<1x100001x32xf32, #tpu.memory_space<hbm>>
    %dma_start3A_673 = tpu.memref_squeeze %dma_start3A_672 : memref<1x100001x32xf32, #tpu.memory_space<hbm>> -> memref<100001x32xf32, #tpu.memory_space<hbm>>
    %dma_start3A_674 = arith.constant 0 : i32
    %dma_start3A_675 = arith.constant 0 : i32
    %dma_start3A_676 = tpu.memref_slice %dma_start3A_673[%dma_start3A_674, %dma_start3A_675] : memref<100001x32xf32, #tpu.memory_space<hbm>> -> memref<100001x32xf32, #tpu.memory_space<hbm>>
    tpu.enqueue_indirect_dma source(%dma_start3A_676 : memref<100001x32xf32, #tpu.memory_space<hbm>>) target(%dma_start3A_667 : memref<128x32xf32, #tpu.memory_space<vmem>>) offsets(%dma_start3A_669 : memref<128xi32, #tpu.memory_space<vmem>>) semaphore(%arg8 : memref<!tpu.dma_semaphore, #tpu.memory_space<semaphore_mem>>)
    %dma_start3A_677 = arith.constant 24 : i32
    %dma_start3A_678 = arith.constant 3072 : i32
    %dma_start3A_679 = arith.constant 0 : i32
    %dma_start3A_680 = tpu.memref_slice %arg6[%dma_start3A_678, %dma_start3A_679] : memref<3328x32xf32, #tpu.memory_space<vmem>> -> memref<128x32xf32, #tpu.memory_space<vmem>>
    %dma_start3A_681 = arith.constant 3072 : i32
    %dma_start3A_682 = tpu.memref_slice %arg5[%dma_start3A_681] : memref<3328xi32, #tpu.memory_space<vmem>> -> memref<128xi32, #tpu.memory_space<vmem>>
    %dma_start3A_683 = arith.constant 0 : i32
    %dma_start3A_684 = arith.constant 0 : i32
    %dma_start3A_685 = tpu.memref_slice %arg3[%dma_start3A_677, %dma_start3A_683, %dma_start3A_684] : memref<26x100001x32xf32, #tpu.memory_space<hbm>> -> memref<1x100001x32xf32, #tpu.memory_space<hbm>>
    %dma_start3A_686 = tpu.memref_squeeze %dma_start3A_685 : memref<1x100001x32xf32, #tpu.memory_space<hbm>> -> memref<100001x32xf32, #tpu.memory_space<hbm>>
    %dma_start3A_687 = arith.constant 0 : i32
    %dma_start3A_688 = arith.constant 0 : i32
    %dma_start3A_689 = tpu.memref_slice %dma_start3A_686[%dma_start3A_687, %dma_start3A_688] : memref<100001x32xf32, #tpu.memory_space<hbm>> -> memref<100001x32xf32, #tpu.memory_space<hbm>>
    tpu.enqueue_indirect_dma source(%dma_start3A_689 : memref<100001x32xf32, #tpu.memory_space<hbm>>) target(%dma_start3A_680 : memref<128x32xf32, #tpu.memory_space<vmem>>) offsets(%dma_start3A_682 : memref<128xi32, #tpu.memory_space<vmem>>) semaphore(%arg8 : memref<!tpu.dma_semaphore, #tpu.memory_space<semaphore_mem>>)
    %dma_start3A_690 = arith.constant 25 : i32
    %dma_start3A_691 = arith.constant 3200 : i32
    %dma_start3A_692 = arith.constant 0 : i32
    %dma_start3A_693 = tpu.memref_slice %arg6[%dma_start3A_691, %dma_start3A_692] : memref<3328x32xf32, #tpu.memory_space<vmem>> -> memref<128x32xf32, #tpu.memory_space<vmem>>
    %dma_start3A_694 = arith.constant 3200 : i32
    %dma_start3A_695 = tpu.memref_slice %arg5[%dma_start3A_694] : memref<3328xi32, #tpu.memory_space<vmem>> -> memref<128xi32, #tpu.memory_space<vmem>>
    %dma_start3A_696 = arith.constant 0 : i32
    %dma_start3A_697 = arith.constant 0 : i32
    %dma_start3A_698 = tpu.memref_slice %arg3[%dma_start3A_690, %dma_start3A_696, %dma_start3A_697] : memref<26x100001x32xf32, #tpu.memory_space<hbm>> -> memref<1x100001x32xf32, #tpu.memory_space<hbm>>
    %dma_start3A_699 = tpu.memref_squeeze %dma_start3A_698 : memref<1x100001x32xf32, #tpu.memory_space<hbm>> -> memref<100001x32xf32, #tpu.memory_space<hbm>>
    %dma_start3A_700 = arith.constant 0 : i32
    %dma_start3A_701 = arith.constant 0 : i32
    %dma_start3A_702 = tpu.memref_slice %dma_start3A_699[%dma_start3A_700, %dma_start3A_701] : memref<100001x32xf32, #tpu.memory_space<hbm>> -> memref<100001x32xf32, #tpu.memory_space<hbm>>
    tpu.enqueue_indirect_dma source(%dma_start3A_702 : memref<100001x32xf32, #tpu.memory_space<hbm>>) target(%dma_start3A_693 : memref<128x32xf32, #tpu.memory_space<vmem>>) offsets(%dma_start3A_695 : memref<128xi32, #tpu.memory_space<vmem>>) semaphore(%arg8 : memref<!tpu.dma_semaphore, #tpu.memory_space<semaphore_mem>>)
    %dma_wait3A_703 = arith.constant 0 : i32
    %dma_wait3A_704 = arith.constant 0 : i32
    %dma_wait3A_705 = arith.constant 0 : i32
    %dma_wait3A_706 = tpu.memref_slice %arg6[%dma_wait3A_704, %dma_wait3A_705] : memref<3328x32xf32, #tpu.memory_space<vmem>> -> memref<128x32xf32, #tpu.memory_space<vmem>>
    %dma_wait3A_707 = arith.constant 0 : i32
    %dma_wait3A_708 = tpu.memref_slice %arg5[%dma_wait3A_707] : memref<3328xi32, #tpu.memory_space<vmem>> -> memref<128xi32, #tpu.memory_space<vmem>>
    %dma_wait3A_709 = arith.constant 0 : i32
    %dma_wait3A_710 = arith.constant 0 : i32
    %dma_wait3A_711 = tpu.memref_slice %arg3[%dma_wait3A_703, %dma_wait3A_709, %dma_wait3A_710] : memref<26x100001x32xf32, #tpu.memory_space<hbm>> -> memref<1x100001x32xf32, #tpu.memory_space<hbm>>
    %dma_wait3A_712 = tpu.memref_squeeze %dma_wait3A_711 : memref<1x100001x32xf32, #tpu.memory_space<hbm>> -> memref<100001x32xf32, #tpu.memory_space<hbm>>
    %dma_wait3A_713 = arith.constant 0 : i32
    %dma_wait3A_714 = arith.constant 0 : i32
    %dma_wait3A_715 = tpu.memref_slice %dma_wait3A_712[%dma_wait3A_713, %dma_wait3A_714] : memref<100001x32xf32, #tpu.memory_space<hbm>> -> memref<100001x32xf32, #tpu.memory_space<hbm>>
    tpu.wait_indirect_dma semaphore(%arg8 : memref<!tpu.dma_semaphore, #tpu.memory_space<semaphore_mem>>) src(%dma_wait3A_715 : memref<100001x32xf32, #tpu.memory_space<hbm>>) dst(%dma_wait3A_706 : memref<128x32xf32, #tpu.memory_space<vmem>>)
    %dma_wait3A_716 = arith.constant 1 : i32
    %dma_wait3A_717 = arith.constant 128 : i32
    %dma_wait3A_718 = arith.constant 0 : i32
    %dma_wait3A_719 = tpu.memref_slice %arg6[%dma_wait3A_717, %dma_wait3A_718] : memref<3328x32xf32, #tpu.memory_space<vmem>> -> memref<128x32xf32, #tpu.memory_space<vmem>>
    %dma_wait3A_720 = arith.constant 128 : i32
    %dma_wait3A_721 = tpu.memref_slice %arg5[%dma_wait3A_720] : memref<3328xi32, #tpu.memory_space<vmem>> -> memref<128xi32, #tpu.memory_space<vmem>>
    %dma_wait3A_722 = arith.constant 0 : i32
    %dma_wait3A_723 = arith.constant 0 : i32
    %dma_wait3A_724 = tpu.memref_slice %arg3[%dma_wait3A_716, %dma_wait3A_722, %dma_wait3A_723] : memref<26x100001x32xf32, #tpu.memory_space<hbm>> -> memref<1x100001x32xf32, #tpu.memory_space<hbm>>
    %dma_wait3A_725 = tpu.memref_squeeze %dma_wait3A_724 : memref<1x100001x32xf32, #tpu.memory_space<hbm>> -> memref<100001x32xf32, #tpu.memory_space<hbm>>
    %dma_wait3A_726 = arith.constant 0 : i32
    %dma_wait3A_727 = arith.constant 0 : i32
    %dma_wait3A_728 = tpu.memref_slice %dma_wait3A_725[%dma_wait3A_726, %dma_wait3A_727] : memref<100001x32xf32, #tpu.memory_space<hbm>> -> memref<100001x32xf32, #tpu.memory_space<hbm>>
    tpu.wait_indirect_dma semaphore(%arg8 : memref<!tpu.dma_semaphore, #tpu.memory_space<semaphore_mem>>) src(%dma_wait3A_728 : memref<100001x32xf32, #tpu.memory_space<hbm>>) dst(%dma_wait3A_719 : memref<128x32xf32, #tpu.memory_space<vmem>>)
    %dma_wait3A_729 = arith.constant 2 : i32
    %dma_wait3A_730 = arith.constant 256 : i32
    %dma_wait3A_731 = arith.constant 0 : i32
    %dma_wait3A_732 = tpu.memref_slice %arg6[%dma_wait3A_730, %dma_wait3A_731] : memref<3328x32xf32, #tpu.memory_space<vmem>> -> memref<128x32xf32, #tpu.memory_space<vmem>>
    %dma_wait3A_733 = arith.constant 256 : i32
    %dma_wait3A_734 = tpu.memref_slice %arg5[%dma_wait3A_733] : memref<3328xi32, #tpu.memory_space<vmem>> -> memref<128xi32, #tpu.memory_space<vmem>>
    %dma_wait3A_735 = arith.constant 0 : i32
    %dma_wait3A_736 = arith.constant 0 : i32
    %dma_wait3A_737 = tpu.memref_slice %arg3[%dma_wait3A_729, %dma_wait3A_735, %dma_wait3A_736] : memref<26x100001x32xf32, #tpu.memory_space<hbm>> -> memref<1x100001x32xf32, #tpu.memory_space<hbm>>
    %dma_wait3A_738 = tpu.memref_squeeze %dma_wait3A_737 : memref<1x100001x32xf32, #tpu.memory_space<hbm>> -> memref<100001x32xf32, #tpu.memory_space<hbm>>
    %dma_wait3A_739 = arith.constant 0 : i32
    %dma_wait3A_740 = arith.constant 0 : i32
    %dma_wait3A_741 = tpu.memref_slice %dma_wait3A_738[%dma_wait3A_739, %dma_wait3A_740] : memref<100001x32xf32, #tpu.memory_space<hbm>> -> memref<100001x32xf32, #tpu.memory_space<hbm>>
    tpu.wait_indirect_dma semaphore(%arg8 : memref<!tpu.dma_semaphore, #tpu.memory_space<semaphore_mem>>) src(%dma_wait3A_741 : memref<100001x32xf32, #tpu.memory_space<hbm>>) dst(%dma_wait3A_732 : memref<128x32xf32, #tpu.memory_space<vmem>>)
    %dma_wait3A_742 = arith.constant 3 : i32
    %dma_wait3A_743 = arith.constant 384 : i32
    %dma_wait3A_744 = arith.constant 0 : i32
    %dma_wait3A_745 = tpu.memref_slice %arg6[%dma_wait3A_743, %dma_wait3A_744] : memref<3328x32xf32, #tpu.memory_space<vmem>> -> memref<128x32xf32, #tpu.memory_space<vmem>>
    %dma_wait3A_746 = arith.constant 384 : i32
    %dma_wait3A_747 = tpu.memref_slice %arg5[%dma_wait3A_746] : memref<3328xi32, #tpu.memory_space<vmem>> -> memref<128xi32, #tpu.memory_space<vmem>>
    %dma_wait3A_748 = arith.constant 0 : i32
    %dma_wait3A_749 = arith.constant 0 : i32
    %dma_wait3A_750 = tpu.memref_slice %arg3[%dma_wait3A_742, %dma_wait3A_748, %dma_wait3A_749] : memref<26x100001x32xf32, #tpu.memory_space<hbm>> -> memref<1x100001x32xf32, #tpu.memory_space<hbm>>
    %dma_wait3A_751 = tpu.memref_squeeze %dma_wait3A_750 : memref<1x100001x32xf32, #tpu.memory_space<hbm>> -> memref<100001x32xf32, #tpu.memory_space<hbm>>
    %dma_wait3A_752 = arith.constant 0 : i32
    %dma_wait3A_753 = arith.constant 0 : i32
    %dma_wait3A_754 = tpu.memref_slice %dma_wait3A_751[%dma_wait3A_752, %dma_wait3A_753] : memref<100001x32xf32, #tpu.memory_space<hbm>> -> memref<100001x32xf32, #tpu.memory_space<hbm>>
    tpu.wait_indirect_dma semaphore(%arg8 : memref<!tpu.dma_semaphore, #tpu.memory_space<semaphore_mem>>) src(%dma_wait3A_754 : memref<100001x32xf32, #tpu.memory_space<hbm>>) dst(%dma_wait3A_745 : memref<128x32xf32, #tpu.memory_space<vmem>>)
    %dma_wait3A_755 = arith.constant 4 : i32
    %dma_wait3A_756 = arith.constant 512 : i32
    %dma_wait3A_757 = arith.constant 0 : i32
    %dma_wait3A_758 = tpu.memref_slice %arg6[%dma_wait3A_756, %dma_wait3A_757] : memref<3328x32xf32, #tpu.memory_space<vmem>> -> memref<128x32xf32, #tpu.memory_space<vmem>>
    %dma_wait3A_759 = arith.constant 512 : i32
    %dma_wait3A_760 = tpu.memref_slice %arg5[%dma_wait3A_759] : memref<3328xi32, #tpu.memory_space<vmem>> -> memref<128xi32, #tpu.memory_space<vmem>>
    %dma_wait3A_761 = arith.constant 0 : i32
    %dma_wait3A_762 = arith.constant 0 : i32
    %dma_wait3A_763 = tpu.memref_slice %arg3[%dma_wait3A_755, %dma_wait3A_761, %dma_wait3A_762] : memref<26x100001x32xf32, #tpu.memory_space<hbm>> -> memref<1x100001x32xf32, #tpu.memory_space<hbm>>
    %dma_wait3A_764 = tpu.memref_squeeze %dma_wait3A_763 : memref<1x100001x32xf32, #tpu.memory_space<hbm>> -> memref<100001x32xf32, #tpu.memory_space<hbm>>
    %dma_wait3A_765 = arith.constant 0 : i32
    %dma_wait3A_766 = arith.constant 0 : i32
    %dma_wait3A_767 = tpu.memref_slice %dma_wait3A_764[%dma_wait3A_765, %dma_wait3A_766] : memref<100001x32xf32, #tpu.memory_space<hbm>> -> memref<100001x32xf32, #tpu.memory_space<hbm>>
    tpu.wait_indirect_dma semaphore(%arg8 : memref<!tpu.dma_semaphore, #tpu.memory_space<semaphore_mem>>) src(%dma_wait3A_767 : memref<100001x32xf32, #tpu.memory_space<hbm>>) dst(%dma_wait3A_758 : memref<128x32xf32, #tpu.memory_space<vmem>>)
    %dma_wait3A_768 = arith.constant 5 : i32
    %dma_wait3A_769 = arith.constant 640 : i32
    %dma_wait3A_770 = arith.constant 0 : i32
    %dma_wait3A_771 = tpu.memref_slice %arg6[%dma_wait3A_769, %dma_wait3A_770] : memref<3328x32xf32, #tpu.memory_space<vmem>> -> memref<128x32xf32, #tpu.memory_space<vmem>>
    %dma_wait3A_772 = arith.constant 640 : i32
    %dma_wait3A_773 = tpu.memref_slice %arg5[%dma_wait3A_772] : memref<3328xi32, #tpu.memory_space<vmem>> -> memref<128xi32, #tpu.memory_space<vmem>>
    %dma_wait3A_774 = arith.constant 0 : i32
    %dma_wait3A_775 = arith.constant 0 : i32
    %dma_wait3A_776 = tpu.memref_slice %arg3[%dma_wait3A_768, %dma_wait3A_774, %dma_wait3A_775] : memref<26x100001x32xf32, #tpu.memory_space<hbm>> -> memref<1x100001x32xf32, #tpu.memory_space<hbm>>
    %dma_wait3A_777 = tpu.memref_squeeze %dma_wait3A_776 : memref<1x100001x32xf32, #tpu.memory_space<hbm>> -> memref<100001x32xf32, #tpu.memory_space<hbm>>
    %dma_wait3A_778 = arith.constant 0 : i32
    %dma_wait3A_779 = arith.constant 0 : i32
    %dma_wait3A_780 = tpu.memref_slice %dma_wait3A_777[%dma_wait3A_778, %dma_wait3A_779] : memref<100001x32xf32, #tpu.memory_space<hbm>> -> memref<100001x32xf32, #tpu.memory_space<hbm>>
    tpu.wait_indirect_dma semaphore(%arg8 : memref<!tpu.dma_semaphore, #tpu.memory_space<semaphore_mem>>) src(%dma_wait3A_780 : memref<100001x32xf32, #tpu.memory_space<hbm>>) dst(%dma_wait3A_771 : memref<128x32xf32, #tpu.memory_space<vmem>>)
    %dma_wait3A_781 = arith.constant 6 : i32
    %dma_wait3A_782 = arith.constant 768 : i32
    %dma_wait3A_783 = arith.constant 0 : i32
    %dma_wait3A_784 = tpu.memref_slice %arg6[%dma_wait3A_782, %dma_wait3A_783] : memref<3328x32xf32, #tpu.memory_space<vmem>> -> memref<128x32xf32, #tpu.memory_space<vmem>>
    %dma_wait3A_785 = arith.constant 768 : i32
    %dma_wait3A_786 = tpu.memref_slice %arg5[%dma_wait3A_785] : memref<3328xi32, #tpu.memory_space<vmem>> -> memref<128xi32, #tpu.memory_space<vmem>>
    %dma_wait3A_787 = arith.constant 0 : i32
    %dma_wait3A_788 = arith.constant 0 : i32
    %dma_wait3A_789 = tpu.memref_slice %arg3[%dma_wait3A_781, %dma_wait3A_787, %dma_wait3A_788] : memref<26x100001x32xf32, #tpu.memory_space<hbm>> -> memref<1x100001x32xf32, #tpu.memory_space<hbm>>
    %dma_wait3A_790 = tpu.memref_squeeze %dma_wait3A_789 : memref<1x100001x32xf32, #tpu.memory_space<hbm>> -> memref<100001x32xf32, #tpu.memory_space<hbm>>
    %dma_wait3A_791 = arith.constant 0 : i32
    %dma_wait3A_792 = arith.constant 0 : i32
    %dma_wait3A_793 = tpu.memref_slice %dma_wait3A_790[%dma_wait3A_791, %dma_wait3A_792] : memref<100001x32xf32, #tpu.memory_space<hbm>> -> memref<100001x32xf32, #tpu.memory_space<hbm>>
    tpu.wait_indirect_dma semaphore(%arg8 : memref<!tpu.dma_semaphore, #tpu.memory_space<semaphore_mem>>) src(%dma_wait3A_793 : memref<100001x32xf32, #tpu.memory_space<hbm>>) dst(%dma_wait3A_784 : memref<128x32xf32, #tpu.memory_space<vmem>>)
    %dma_wait3A_794 = arith.constant 7 : i32
    %dma_wait3A_795 = arith.constant 896 : i32
    %dma_wait3A_796 = arith.constant 0 : i32
    %dma_wait3A_797 = tpu.memref_slice %arg6[%dma_wait3A_795, %dma_wait3A_796] : memref<3328x32xf32, #tpu.memory_space<vmem>> -> memref<128x32xf32, #tpu.memory_space<vmem>>
    %dma_wait3A_798 = arith.constant 896 : i32
    %dma_wait3A_799 = tpu.memref_slice %arg5[%dma_wait3A_798] : memref<3328xi32, #tpu.memory_space<vmem>> -> memref<128xi32, #tpu.memory_space<vmem>>
    %dma_wait3A_800 = arith.constant 0 : i32
    %dma_wait3A_801 = arith.constant 0 : i32
    %dma_wait3A_802 = tpu.memref_slice %arg3[%dma_wait3A_794, %dma_wait3A_800, %dma_wait3A_801] : memref<26x100001x32xf32, #tpu.memory_space<hbm>> -> memref<1x100001x32xf32, #tpu.memory_space<hbm>>
    %dma_wait3A_803 = tpu.memref_squeeze %dma_wait3A_802 : memref<1x100001x32xf32, #tpu.memory_space<hbm>> -> memref<100001x32xf32, #tpu.memory_space<hbm>>
    %dma_wait3A_804 = arith.constant 0 : i32
    %dma_wait3A_805 = arith.constant 0 : i32
    %dma_wait3A_806 = tpu.memref_slice %dma_wait3A_803[%dma_wait3A_804, %dma_wait3A_805] : memref<100001x32xf32, #tpu.memory_space<hbm>> -> memref<100001x32xf32, #tpu.memory_space<hbm>>
    tpu.wait_indirect_dma semaphore(%arg8 : memref<!tpu.dma_semaphore, #tpu.memory_space<semaphore_mem>>) src(%dma_wait3A_806 : memref<100001x32xf32, #tpu.memory_space<hbm>>) dst(%dma_wait3A_797 : memref<128x32xf32, #tpu.memory_space<vmem>>)
    %dma_wait3A_807 = arith.constant 8 : i32
    %dma_wait3A_808 = arith.constant 1024 : i32
    %dma_wait3A_809 = arith.constant 0 : i32
    %dma_wait3A_810 = tpu.memref_slice %arg6[%dma_wait3A_808, %dma_wait3A_809] : memref<3328x32xf32, #tpu.memory_space<vmem>> -> memref<128x32xf32, #tpu.memory_space<vmem>>
    %dma_wait3A_811 = arith.constant 1024 : i32
    %dma_wait3A_812 = tpu.memref_slice %arg5[%dma_wait3A_811] : memref<3328xi32, #tpu.memory_space<vmem>> -> memref<128xi32, #tpu.memory_space<vmem>>
    %dma_wait3A_813 = arith.constant 0 : i32
    %dma_wait3A_814 = arith.constant 0 : i32
    %dma_wait3A_815 = tpu.memref_slice %arg3[%dma_wait3A_807, %dma_wait3A_813, %dma_wait3A_814] : memref<26x100001x32xf32, #tpu.memory_space<hbm>> -> memref<1x100001x32xf32, #tpu.memory_space<hbm>>
    %dma_wait3A_816 = tpu.memref_squeeze %dma_wait3A_815 : memref<1x100001x32xf32, #tpu.memory_space<hbm>> -> memref<100001x32xf32, #tpu.memory_space<hbm>>
    %dma_wait3A_817 = arith.constant 0 : i32
    %dma_wait3A_818 = arith.constant 0 : i32
    %dma_wait3A_819 = tpu.memref_slice %dma_wait3A_816[%dma_wait3A_817, %dma_wait3A_818] : memref<100001x32xf32, #tpu.memory_space<hbm>> -> memref<100001x32xf32, #tpu.memory_space<hbm>>
    tpu.wait_indirect_dma semaphore(%arg8 : memref<!tpu.dma_semaphore, #tpu.memory_space<semaphore_mem>>) src(%dma_wait3A_819 : memref<100001x32xf32, #tpu.memory_space<hbm>>) dst(%dma_wait3A_810 : memref<128x32xf32, #tpu.memory_space<vmem>>)
    %dma_wait3A_820 = arith.constant 9 : i32
    %dma_wait3A_821 = arith.constant 1152 : i32
    %dma_wait3A_822 = arith.constant 0 : i32
    %dma_wait3A_823 = tpu.memref_slice %arg6[%dma_wait3A_821, %dma_wait3A_822] : memref<3328x32xf32, #tpu.memory_space<vmem>> -> memref<128x32xf32, #tpu.memory_space<vmem>>
    %dma_wait3A_824 = arith.constant 1152 : i32
    %dma_wait3A_825 = tpu.memref_slice %arg5[%dma_wait3A_824] : memref<3328xi32, #tpu.memory_space<vmem>> -> memref<128xi32, #tpu.memory_space<vmem>>
    %dma_wait3A_826 = arith.constant 0 : i32
    %dma_wait3A_827 = arith.constant 0 : i32
    %dma_wait3A_828 = tpu.memref_slice %arg3[%dma_wait3A_820, %dma_wait3A_826, %dma_wait3A_827] : memref<26x100001x32xf32, #tpu.memory_space<hbm>> -> memref<1x100001x32xf32, #tpu.memory_space<hbm>>
    %dma_wait3A_829 = tpu.memref_squeeze %dma_wait3A_828 : memref<1x100001x32xf32, #tpu.memory_space<hbm>> -> memref<100001x32xf32, #tpu.memory_space<hbm>>
    %dma_wait3A_830 = arith.constant 0 : i32
    %dma_wait3A_831 = arith.constant 0 : i32
    %dma_wait3A_832 = tpu.memref_slice %dma_wait3A_829[%dma_wait3A_830, %dma_wait3A_831] : memref<100001x32xf32, #tpu.memory_space<hbm>> -> memref<100001x32xf32, #tpu.memory_space<hbm>>
    tpu.wait_indirect_dma semaphore(%arg8 : memref<!tpu.dma_semaphore, #tpu.memory_space<semaphore_mem>>) src(%dma_wait3A_832 : memref<100001x32xf32, #tpu.memory_space<hbm>>) dst(%dma_wait3A_823 : memref<128x32xf32, #tpu.memory_space<vmem>>)
    %dma_wait3A_833 = arith.constant 10 : i32
    %dma_wait3A_834 = arith.constant 1280 : i32
    %dma_wait3A_835 = arith.constant 0 : i32
    %dma_wait3A_836 = tpu.memref_slice %arg6[%dma_wait3A_834, %dma_wait3A_835] : memref<3328x32xf32, #tpu.memory_space<vmem>> -> memref<128x32xf32, #tpu.memory_space<vmem>>
    %dma_wait3A_837 = arith.constant 1280 : i32
    %dma_wait3A_838 = tpu.memref_slice %arg5[%dma_wait3A_837] : memref<3328xi32, #tpu.memory_space<vmem>> -> memref<128xi32, #tpu.memory_space<vmem>>
    %dma_wait3A_839 = arith.constant 0 : i32
    %dma_wait3A_840 = arith.constant 0 : i32
    %dma_wait3A_841 = tpu.memref_slice %arg3[%dma_wait3A_833, %dma_wait3A_839, %dma_wait3A_840] : memref<26x100001x32xf32, #tpu.memory_space<hbm>> -> memref<1x100001x32xf32, #tpu.memory_space<hbm>>
    %dma_wait3A_842 = tpu.memref_squeeze %dma_wait3A_841 : memref<1x100001x32xf32, #tpu.memory_space<hbm>> -> memref<100001x32xf32, #tpu.memory_space<hbm>>
    %dma_wait3A_843 = arith.constant 0 : i32
    %dma_wait3A_844 = arith.constant 0 : i32
    %dma_wait3A_845 = tpu.memref_slice %dma_wait3A_842[%dma_wait3A_843, %dma_wait3A_844] : memref<100001x32xf32, #tpu.memory_space<hbm>> -> memref<100001x32xf32, #tpu.memory_space<hbm>>
    tpu.wait_indirect_dma semaphore(%arg8 : memref<!tpu.dma_semaphore, #tpu.memory_space<semaphore_mem>>) src(%dma_wait3A_845 : memref<100001x32xf32, #tpu.memory_space<hbm>>) dst(%dma_wait3A_836 : memref<128x32xf32, #tpu.memory_space<vmem>>)
    %dma_wait3A_846 = arith.constant 11 : i32
    %dma_wait3A_847 = arith.constant 1408 : i32
    %dma_wait3A_848 = arith.constant 0 : i32
    %dma_wait3A_849 = tpu.memref_slice %arg6[%dma_wait3A_847, %dma_wait3A_848] : memref<3328x32xf32, #tpu.memory_space<vmem>> -> memref<128x32xf32, #tpu.memory_space<vmem>>
    %dma_wait3A_850 = arith.constant 1408 : i32
    %dma_wait3A_851 = tpu.memref_slice %arg5[%dma_wait3A_850] : memref<3328xi32, #tpu.memory_space<vmem>> -> memref<128xi32, #tpu.memory_space<vmem>>
    %dma_wait3A_852 = arith.constant 0 : i32
    %dma_wait3A_853 = arith.constant 0 : i32
    %dma_wait3A_854 = tpu.memref_slice %arg3[%dma_wait3A_846, %dma_wait3A_852, %dma_wait3A_853] : memref<26x100001x32xf32, #tpu.memory_space<hbm>> -> memref<1x100001x32xf32, #tpu.memory_space<hbm>>
    %dma_wait3A_855 = tpu.memref_squeeze %dma_wait3A_854 : memref<1x100001x32xf32, #tpu.memory_space<hbm>> -> memref<100001x32xf32, #tpu.memory_space<hbm>>
    %dma_wait3A_856 = arith.constant 0 : i32
    %dma_wait3A_857 = arith.constant 0 : i32
    %dma_wait3A_858 = tpu.memref_slice %dma_wait3A_855[%dma_wait3A_856, %dma_wait3A_857] : memref<100001x32xf32, #tpu.memory_space<hbm>> -> memref<100001x32xf32, #tpu.memory_space<hbm>>
    tpu.wait_indirect_dma semaphore(%arg8 : memref<!tpu.dma_semaphore, #tpu.memory_space<semaphore_mem>>) src(%dma_wait3A_858 : memref<100001x32xf32, #tpu.memory_space<hbm>>) dst(%dma_wait3A_849 : memref<128x32xf32, #tpu.memory_space<vmem>>)
    %dma_wait3A_859 = arith.constant 12 : i32
    %dma_wait3A_860 = arith.constant 1536 : i32
    %dma_wait3A_861 = arith.constant 0 : i32
    %dma_wait3A_862 = tpu.memref_slice %arg6[%dma_wait3A_860, %dma_wait3A_861] : memref<3328x32xf32, #tpu.memory_space<vmem>> -> memref<128x32xf32, #tpu.memory_space<vmem>>
    %dma_wait3A_863 = arith.constant 1536 : i32
    %dma_wait3A_864 = tpu.memref_slice %arg5[%dma_wait3A_863] : memref<3328xi32, #tpu.memory_space<vmem>> -> memref<128xi32, #tpu.memory_space<vmem>>
    %dma_wait3A_865 = arith.constant 0 : i32
    %dma_wait3A_866 = arith.constant 0 : i32
    %dma_wait3A_867 = tpu.memref_slice %arg3[%dma_wait3A_859, %dma_wait3A_865, %dma_wait3A_866] : memref<26x100001x32xf32, #tpu.memory_space<hbm>> -> memref<1x100001x32xf32, #tpu.memory_space<hbm>>
    %dma_wait3A_868 = tpu.memref_squeeze %dma_wait3A_867 : memref<1x100001x32xf32, #tpu.memory_space<hbm>> -> memref<100001x32xf32, #tpu.memory_space<hbm>>
    %dma_wait3A_869 = arith.constant 0 : i32
    %dma_wait3A_870 = arith.constant 0 : i32
    %dma_wait3A_871 = tpu.memref_slice %dma_wait3A_868[%dma_wait3A_869, %dma_wait3A_870] : memref<100001x32xf32, #tpu.memory_space<hbm>> -> memref<100001x32xf32, #tpu.memory_space<hbm>>
    tpu.wait_indirect_dma semaphore(%arg8 : memref<!tpu.dma_semaphore, #tpu.memory_space<semaphore_mem>>) src(%dma_wait3A_871 : memref<100001x32xf32, #tpu.memory_space<hbm>>) dst(%dma_wait3A_862 : memref<128x32xf32, #tpu.memory_space<vmem>>)
    %dma_wait3A_872 = arith.constant 13 : i32
    %dma_wait3A_873 = arith.constant 1664 : i32
    %dma_wait3A_874 = arith.constant 0 : i32
    %dma_wait3A_875 = tpu.memref_slice %arg6[%dma_wait3A_873, %dma_wait3A_874] : memref<3328x32xf32, #tpu.memory_space<vmem>> -> memref<128x32xf32, #tpu.memory_space<vmem>>
    %dma_wait3A_876 = arith.constant 1664 : i32
    %dma_wait3A_877 = tpu.memref_slice %arg5[%dma_wait3A_876] : memref<3328xi32, #tpu.memory_space<vmem>> -> memref<128xi32, #tpu.memory_space<vmem>>
    %dma_wait3A_878 = arith.constant 0 : i32
    %dma_wait3A_879 = arith.constant 0 : i32
    %dma_wait3A_880 = tpu.memref_slice %arg3[%dma_wait3A_872, %dma_wait3A_878, %dma_wait3A_879] : memref<26x100001x32xf32, #tpu.memory_space<hbm>> -> memref<1x100001x32xf32, #tpu.memory_space<hbm>>
    %dma_wait3A_881 = tpu.memref_squeeze %dma_wait3A_880 : memref<1x100001x32xf32, #tpu.memory_space<hbm>> -> memref<100001x32xf32, #tpu.memory_space<hbm>>
    %dma_wait3A_882 = arith.constant 0 : i32
    %dma_wait3A_883 = arith.constant 0 : i32
    %dma_wait3A_884 = tpu.memref_slice %dma_wait3A_881[%dma_wait3A_882, %dma_wait3A_883] : memref<100001x32xf32, #tpu.memory_space<hbm>> -> memref<100001x32xf32, #tpu.memory_space<hbm>>
    tpu.wait_indirect_dma semaphore(%arg8 : memref<!tpu.dma_semaphore, #tpu.memory_space<semaphore_mem>>) src(%dma_wait3A_884 : memref<100001x32xf32, #tpu.memory_space<hbm>>) dst(%dma_wait3A_875 : memref<128x32xf32, #tpu.memory_space<vmem>>)
    %dma_wait3A_885 = arith.constant 14 : i32
    %dma_wait3A_886 = arith.constant 1792 : i32
    %dma_wait3A_887 = arith.constant 0 : i32
    %dma_wait3A_888 = tpu.memref_slice %arg6[%dma_wait3A_886, %dma_wait3A_887] : memref<3328x32xf32, #tpu.memory_space<vmem>> -> memref<128x32xf32, #tpu.memory_space<vmem>>
    %dma_wait3A_889 = arith.constant 1792 : i32
    %dma_wait3A_890 = tpu.memref_slice %arg5[%dma_wait3A_889] : memref<3328xi32, #tpu.memory_space<vmem>> -> memref<128xi32, #tpu.memory_space<vmem>>
    %dma_wait3A_891 = arith.constant 0 : i32
    %dma_wait3A_892 = arith.constant 0 : i32
    %dma_wait3A_893 = tpu.memref_slice %arg3[%dma_wait3A_885, %dma_wait3A_891, %dma_wait3A_892] : memref<26x100001x32xf32, #tpu.memory_space<hbm>> -> memref<1x100001x32xf32, #tpu.memory_space<hbm>>
    %dma_wait3A_894 = tpu.memref_squeeze %dma_wait3A_893 : memref<1x100001x32xf32, #tpu.memory_space<hbm>> -> memref<100001x32xf32, #tpu.memory_space<hbm>>
    %dma_wait3A_895 = arith.constant 0 : i32
    %dma_wait3A_896 = arith.constant 0 : i32
    %dma_wait3A_897 = tpu.memref_slice %dma_wait3A_894[%dma_wait3A_895, %dma_wait3A_896] : memref<100001x32xf32, #tpu.memory_space<hbm>> -> memref<100001x32xf32, #tpu.memory_space<hbm>>
    tpu.wait_indirect_dma semaphore(%arg8 : memref<!tpu.dma_semaphore, #tpu.memory_space<semaphore_mem>>) src(%dma_wait3A_897 : memref<100001x32xf32, #tpu.memory_space<hbm>>) dst(%dma_wait3A_888 : memref<128x32xf32, #tpu.memory_space<vmem>>)
    %dma_wait3A_898 = arith.constant 15 : i32
    %dma_wait3A_899 = arith.constant 1920 : i32
    %dma_wait3A_900 = arith.constant 0 : i32
    %dma_wait3A_901 = tpu.memref_slice %arg6[%dma_wait3A_899, %dma_wait3A_900] : memref<3328x32xf32, #tpu.memory_space<vmem>> -> memref<128x32xf32, #tpu.memory_space<vmem>>
    %dma_wait3A_902 = arith.constant 1920 : i32
    %dma_wait3A_903 = tpu.memref_slice %arg5[%dma_wait3A_902] : memref<3328xi32, #tpu.memory_space<vmem>> -> memref<128xi32, #tpu.memory_space<vmem>>
    %dma_wait3A_904 = arith.constant 0 : i32
    %dma_wait3A_905 = arith.constant 0 : i32
    %dma_wait3A_906 = tpu.memref_slice %arg3[%dma_wait3A_898, %dma_wait3A_904, %dma_wait3A_905] : memref<26x100001x32xf32, #tpu.memory_space<hbm>> -> memref<1x100001x32xf32, #tpu.memory_space<hbm>>
    %dma_wait3A_907 = tpu.memref_squeeze %dma_wait3A_906 : memref<1x100001x32xf32, #tpu.memory_space<hbm>> -> memref<100001x32xf32, #tpu.memory_space<hbm>>
    %dma_wait3A_908 = arith.constant 0 : i32
    %dma_wait3A_909 = arith.constant 0 : i32
    %dma_wait3A_910 = tpu.memref_slice %dma_wait3A_907[%dma_wait3A_908, %dma_wait3A_909] : memref<100001x32xf32, #tpu.memory_space<hbm>> -> memref<100001x32xf32, #tpu.memory_space<hbm>>
    tpu.wait_indirect_dma semaphore(%arg8 : memref<!tpu.dma_semaphore, #tpu.memory_space<semaphore_mem>>) src(%dma_wait3A_910 : memref<100001x32xf32, #tpu.memory_space<hbm>>) dst(%dma_wait3A_901 : memref<128x32xf32, #tpu.memory_space<vmem>>)
    %dma_wait3A_911 = arith.constant 16 : i32
    %dma_wait3A_912 = arith.constant 2048 : i32
    %dma_wait3A_913 = arith.constant 0 : i32
    %dma_wait3A_914 = tpu.memref_slice %arg6[%dma_wait3A_912, %dma_wait3A_913] : memref<3328x32xf32, #tpu.memory_space<vmem>> -> memref<128x32xf32, #tpu.memory_space<vmem>>
    %dma_wait3A_915 = arith.constant 2048 : i32
    %dma_wait3A_916 = tpu.memref_slice %arg5[%dma_wait3A_915] : memref<3328xi32, #tpu.memory_space<vmem>> -> memref<128xi32, #tpu.memory_space<vmem>>
    %dma_wait3A_917 = arith.constant 0 : i32
    %dma_wait3A_918 = arith.constant 0 : i32
    %dma_wait3A_919 = tpu.memref_slice %arg3[%dma_wait3A_911, %dma_wait3A_917, %dma_wait3A_918] : memref<26x100001x32xf32, #tpu.memory_space<hbm>> -> memref<1x100001x32xf32, #tpu.memory_space<hbm>>
    %dma_wait3A_920 = tpu.memref_squeeze %dma_wait3A_919 : memref<1x100001x32xf32, #tpu.memory_space<hbm>> -> memref<100001x32xf32, #tpu.memory_space<hbm>>
    %dma_wait3A_921 = arith.constant 0 : i32
    %dma_wait3A_922 = arith.constant 0 : i32
    %dma_wait3A_923 = tpu.memref_slice %dma_wait3A_920[%dma_wait3A_921, %dma_wait3A_922] : memref<100001x32xf32, #tpu.memory_space<hbm>> -> memref<100001x32xf32, #tpu.memory_space<hbm>>
    tpu.wait_indirect_dma semaphore(%arg8 : memref<!tpu.dma_semaphore, #tpu.memory_space<semaphore_mem>>) src(%dma_wait3A_923 : memref<100001x32xf32, #tpu.memory_space<hbm>>) dst(%dma_wait3A_914 : memref<128x32xf32, #tpu.memory_space<vmem>>)
    %dma_wait3A_924 = arith.constant 17 : i32
    %dma_wait3A_925 = arith.constant 2176 : i32
    %dma_wait3A_926 = arith.constant 0 : i32
    %dma_wait3A_927 = tpu.memref_slice %arg6[%dma_wait3A_925, %dma_wait3A_926] : memref<3328x32xf32, #tpu.memory_space<vmem>> -> memref<128x32xf32, #tpu.memory_space<vmem>>
    %dma_wait3A_928 = arith.constant 2176 : i32
    %dma_wait3A_929 = tpu.memref_slice %arg5[%dma_wait3A_928] : memref<3328xi32, #tpu.memory_space<vmem>> -> memref<128xi32, #tpu.memory_space<vmem>>
    %dma_wait3A_930 = arith.constant 0 : i32
    %dma_wait3A_931 = arith.constant 0 : i32
    %dma_wait3A_932 = tpu.memref_slice %arg3[%dma_wait3A_924, %dma_wait3A_930, %dma_wait3A_931] : memref<26x100001x32xf32, #tpu.memory_space<hbm>> -> memref<1x100001x32xf32, #tpu.memory_space<hbm>>
    %dma_wait3A_933 = tpu.memref_squeeze %dma_wait3A_932 : memref<1x100001x32xf32, #tpu.memory_space<hbm>> -> memref<100001x32xf32, #tpu.memory_space<hbm>>
    %dma_wait3A_934 = arith.constant 0 : i32
    %dma_wait3A_935 = arith.constant 0 : i32
    %dma_wait3A_936 = tpu.memref_slice %dma_wait3A_933[%dma_wait3A_934, %dma_wait3A_935] : memref<100001x32xf32, #tpu.memory_space<hbm>> -> memref<100001x32xf32, #tpu.memory_space<hbm>>
    tpu.wait_indirect_dma semaphore(%arg8 : memref<!tpu.dma_semaphore, #tpu.memory_space<semaphore_mem>>) src(%dma_wait3A_936 : memref<100001x32xf32, #tpu.memory_space<hbm>>) dst(%dma_wait3A_927 : memref<128x32xf32, #tpu.memory_space<vmem>>)
    %dma_wait3A_937 = arith.constant 18 : i32
    %dma_wait3A_938 = arith.constant 2304 : i32
    %dma_wait3A_939 = arith.constant 0 : i32
    %dma_wait3A_940 = tpu.memref_slice %arg6[%dma_wait3A_938, %dma_wait3A_939] : memref<3328x32xf32, #tpu.memory_space<vmem>> -> memref<128x32xf32, #tpu.memory_space<vmem>>
    %dma_wait3A_941 = arith.constant 2304 : i32
    %dma_wait3A_942 = tpu.memref_slice %arg5[%dma_wait3A_941] : memref<3328xi32, #tpu.memory_space<vmem>> -> memref<128xi32, #tpu.memory_space<vmem>>
    %dma_wait3A_943 = arith.constant 0 : i32
    %dma_wait3A_944 = arith.constant 0 : i32
    %dma_wait3A_945 = tpu.memref_slice %arg3[%dma_wait3A_937, %dma_wait3A_943, %dma_wait3A_944] : memref<26x100001x32xf32, #tpu.memory_space<hbm>> -> memref<1x100001x32xf32, #tpu.memory_space<hbm>>
    %dma_wait3A_946 = tpu.memref_squeeze %dma_wait3A_945 : memref<1x100001x32xf32, #tpu.memory_space<hbm>> -> memref<100001x32xf32, #tpu.memory_space<hbm>>
    %dma_wait3A_947 = arith.constant 0 : i32
    %dma_wait3A_948 = arith.constant 0 : i32
    %dma_wait3A_949 = tpu.memref_slice %dma_wait3A_946[%dma_wait3A_947, %dma_wait3A_948] : memref<100001x32xf32, #tpu.memory_space<hbm>> -> memref<100001x32xf32, #tpu.memory_space<hbm>>
    tpu.wait_indirect_dma semaphore(%arg8 : memref<!tpu.dma_semaphore, #tpu.memory_space<semaphore_mem>>) src(%dma_wait3A_949 : memref<100001x32xf32, #tpu.memory_space<hbm>>) dst(%dma_wait3A_940 : memref<128x32xf32, #tpu.memory_space<vmem>>)
    %dma_wait3A_950 = arith.constant 19 : i32
    %dma_wait3A_951 = arith.constant 2432 : i32
    %dma_wait3A_952 = arith.constant 0 : i32
    %dma_wait3A_953 = tpu.memref_slice %arg6[%dma_wait3A_951, %dma_wait3A_952] : memref<3328x32xf32, #tpu.memory_space<vmem>> -> memref<128x32xf32, #tpu.memory_space<vmem>>
    %dma_wait3A_954 = arith.constant 2432 : i32
    %dma_wait3A_955 = tpu.memref_slice %arg5[%dma_wait3A_954] : memref<3328xi32, #tpu.memory_space<vmem>> -> memref<128xi32, #tpu.memory_space<vmem>>
    %dma_wait3A_956 = arith.constant 0 : i32
    %dma_wait3A_957 = arith.constant 0 : i32
    %dma_wait3A_958 = tpu.memref_slice %arg3[%dma_wait3A_950, %dma_wait3A_956, %dma_wait3A_957] : memref<26x100001x32xf32, #tpu.memory_space<hbm>> -> memref<1x100001x32xf32, #tpu.memory_space<hbm>>
    %dma_wait3A_959 = tpu.memref_squeeze %dma_wait3A_958 : memref<1x100001x32xf32, #tpu.memory_space<hbm>> -> memref<100001x32xf32, #tpu.memory_space<hbm>>
    %dma_wait3A_960 = arith.constant 0 : i32
    %dma_wait3A_961 = arith.constant 0 : i32
    %dma_wait3A_962 = tpu.memref_slice %dma_wait3A_959[%dma_wait3A_960, %dma_wait3A_961] : memref<100001x32xf32, #tpu.memory_space<hbm>> -> memref<100001x32xf32, #tpu.memory_space<hbm>>
    tpu.wait_indirect_dma semaphore(%arg8 : memref<!tpu.dma_semaphore, #tpu.memory_space<semaphore_mem>>) src(%dma_wait3A_962 : memref<100001x32xf32, #tpu.memory_space<hbm>>) dst(%dma_wait3A_953 : memref<128x32xf32, #tpu.memory_space<vmem>>)
    %dma_wait3A_963 = arith.constant 20 : i32
    %dma_wait3A_964 = arith.constant 2560 : i32
    %dma_wait3A_965 = arith.constant 0 : i32
    %dma_wait3A_966 = tpu.memref_slice %arg6[%dma_wait3A_964, %dma_wait3A_965] : memref<3328x32xf32, #tpu.memory_space<vmem>> -> memref<128x32xf32, #tpu.memory_space<vmem>>
    %dma_wait3A_967 = arith.constant 2560 : i32
    %dma_wait3A_968 = tpu.memref_slice %arg5[%dma_wait3A_967] : memref<3328xi32, #tpu.memory_space<vmem>> -> memref<128xi32, #tpu.memory_space<vmem>>
    %dma_wait3A_969 = arith.constant 0 : i32
    %dma_wait3A_970 = arith.constant 0 : i32
    %dma_wait3A_971 = tpu.memref_slice %arg3[%dma_wait3A_963, %dma_wait3A_969, %dma_wait3A_970] : memref<26x100001x32xf32, #tpu.memory_space<hbm>> -> memref<1x100001x32xf32, #tpu.memory_space<hbm>>
    %dma_wait3A_972 = tpu.memref_squeeze %dma_wait3A_971 : memref<1x100001x32xf32, #tpu.memory_space<hbm>> -> memref<100001x32xf32, #tpu.memory_space<hbm>>
    %dma_wait3A_973 = arith.constant 0 : i32
    %dma_wait3A_974 = arith.constant 0 : i32
    %dma_wait3A_975 = tpu.memref_slice %dma_wait3A_972[%dma_wait3A_973, %dma_wait3A_974] : memref<100001x32xf32, #tpu.memory_space<hbm>> -> memref<100001x32xf32, #tpu.memory_space<hbm>>
    tpu.wait_indirect_dma semaphore(%arg8 : memref<!tpu.dma_semaphore, #tpu.memory_space<semaphore_mem>>) src(%dma_wait3A_975 : memref<100001x32xf32, #tpu.memory_space<hbm>>) dst(%dma_wait3A_966 : memref<128x32xf32, #tpu.memory_space<vmem>>)
    %dma_wait3A_976 = arith.constant 21 : i32
    %dma_wait3A_977 = arith.constant 2688 : i32
    %dma_wait3A_978 = arith.constant 0 : i32
    %dma_wait3A_979 = tpu.memref_slice %arg6[%dma_wait3A_977, %dma_wait3A_978] : memref<3328x32xf32, #tpu.memory_space<vmem>> -> memref<128x32xf32, #tpu.memory_space<vmem>>
    %dma_wait3A_980 = arith.constant 2688 : i32
    %dma_wait3A_981 = tpu.memref_slice %arg5[%dma_wait3A_980] : memref<3328xi32, #tpu.memory_space<vmem>> -> memref<128xi32, #tpu.memory_space<vmem>>
    %dma_wait3A_982 = arith.constant 0 : i32
    %dma_wait3A_983 = arith.constant 0 : i32
    %dma_wait3A_984 = tpu.memref_slice %arg3[%dma_wait3A_976, %dma_wait3A_982, %dma_wait3A_983] : memref<26x100001x32xf32, #tpu.memory_space<hbm>> -> memref<1x100001x32xf32, #tpu.memory_space<hbm>>
    %dma_wait3A_985 = tpu.memref_squeeze %dma_wait3A_984 : memref<1x100001x32xf32, #tpu.memory_space<hbm>> -> memref<100001x32xf32, #tpu.memory_space<hbm>>
    %dma_wait3A_986 = arith.constant 0 : i32
    %dma_wait3A_987 = arith.constant 0 : i32
    %dma_wait3A_988 = tpu.memref_slice %dma_wait3A_985[%dma_wait3A_986, %dma_wait3A_987] : memref<100001x32xf32, #tpu.memory_space<hbm>> -> memref<100001x32xf32, #tpu.memory_space<hbm>>
    tpu.wait_indirect_dma semaphore(%arg8 : memref<!tpu.dma_semaphore, #tpu.memory_space<semaphore_mem>>) src(%dma_wait3A_988 : memref<100001x32xf32, #tpu.memory_space<hbm>>) dst(%dma_wait3A_979 : memref<128x32xf32, #tpu.memory_space<vmem>>)
    %dma_wait3A_989 = arith.constant 22 : i32
    %dma_wait3A_990 = arith.constant 2816 : i32
    %dma_wait3A_991 = arith.constant 0 : i32
    %dma_wait3A_992 = tpu.memref_slice %arg6[%dma_wait3A_990, %dma_wait3A_991] : memref<3328x32xf32, #tpu.memory_space<vmem>> -> memref<128x32xf32, #tpu.memory_space<vmem>>
    %dma_wait3A_993 = arith.constant 2816 : i32
    %dma_wait3A_994 = tpu.memref_slice %arg5[%dma_wait3A_993] : memref<3328xi32, #tpu.memory_space<vmem>> -> memref<128xi32, #tpu.memory_space<vmem>>
    %dma_wait3A_995 = arith.constant 0 : i32
    %dma_wait3A_996 = arith.constant 0 : i32
    %dma_wait3A_997 = tpu.memref_slice %arg3[%dma_wait3A_989, %dma_wait3A_995, %dma_wait3A_996] : memref<26x100001x32xf32, #tpu.memory_space<hbm>> -> memref<1x100001x32xf32, #tpu.memory_space<hbm>>
    %dma_wait3A_998 = tpu.memref_squeeze %dma_wait3A_997 : memref<1x100001x32xf32, #tpu.memory_space<hbm>> -> memref<100001x32xf32, #tpu.memory_space<hbm>>
    %dma_wait3A_999 = arith.constant 0 : i32
    %dma_wait3A_1000 = arith.constant 0 : i32
    %dma_wait3A_1001 = tpu.memref_slice %dma_wait3A_998[%dma_wait3A_999, %dma_wait3A_1000] : memref<100001x32xf32, #tpu.memory_space<hbm>> -> memref<100001x32xf32, #tpu.memory_space<hbm>>
    tpu.wait_indirect_dma semaphore(%arg8 : memref<!tpu.dma_semaphore, #tpu.memory_space<semaphore_mem>>) src(%dma_wait3A_1001 : memref<100001x32xf32, #tpu.memory_space<hbm>>) dst(%dma_wait3A_992 : memref<128x32xf32, #tpu.memory_space<vmem>>)
    %dma_wait3A_1002 = arith.constant 23 : i32
    %dma_wait3A_1003 = arith.constant 2944 : i32
    %dma_wait3A_1004 = arith.constant 0 : i32
    %dma_wait3A_1005 = tpu.memref_slice %arg6[%dma_wait3A_1003, %dma_wait3A_1004] : memref<3328x32xf32, #tpu.memory_space<vmem>> -> memref<128x32xf32, #tpu.memory_space<vmem>>
    %dma_wait3A_1006 = arith.constant 2944 : i32
    %dma_wait3A_1007 = tpu.memref_slice %arg5[%dma_wait3A_1006] : memref<3328xi32, #tpu.memory_space<vmem>> -> memref<128xi32, #tpu.memory_space<vmem>>
    %dma_wait3A_1008 = arith.constant 0 : i32
    %dma_wait3A_1009 = arith.constant 0 : i32
    %dma_wait3A_1010 = tpu.memref_slice %arg3[%dma_wait3A_1002, %dma_wait3A_1008, %dma_wait3A_1009] : memref<26x100001x32xf32, #tpu.memory_space<hbm>> -> memref<1x100001x32xf32, #tpu.memory_space<hbm>>
    %dma_wait3A_1011 = tpu.memref_squeeze %dma_wait3A_1010 : memref<1x100001x32xf32, #tpu.memory_space<hbm>> -> memref<100001x32xf32, #tpu.memory_space<hbm>>
    %dma_wait3A_1012 = arith.constant 0 : i32
    %dma_wait3A_1013 = arith.constant 0 : i32
    %dma_wait3A_1014 = tpu.memref_slice %dma_wait3A_1011[%dma_wait3A_1012, %dma_wait3A_1013] : memref<100001x32xf32, #tpu.memory_space<hbm>> -> memref<100001x32xf32, #tpu.memory_space<hbm>>
    tpu.wait_indirect_dma semaphore(%arg8 : memref<!tpu.dma_semaphore, #tpu.memory_space<semaphore_mem>>) src(%dma_wait3A_1014 : memref<100001x32xf32, #tpu.memory_space<hbm>>) dst(%dma_wait3A_1005 : memref<128x32xf32, #tpu.memory_space<vmem>>)
    %dma_wait3A_1015 = arith.constant 24 : i32
    %dma_wait3A_1016 = arith.constant 3072 : i32
    %dma_wait3A_1017 = arith.constant 0 : i32
    %dma_wait3A_1018 = tpu.memref_slice %arg6[%dma_wait3A_1016, %dma_wait3A_1017] : memref<3328x32xf32, #tpu.memory_space<vmem>> -> memref<128x32xf32, #tpu.memory_space<vmem>>
    %dma_wait3A_1019 = arith.constant 3072 : i32
    %dma_wait3A_1020 = tpu.memref_slice %arg5[%dma_wait3A_1019] : memref<3328xi32, #tpu.memory_space<vmem>> -> memref<128xi32, #tpu.memory_space<vmem>>
    %dma_wait3A_1021 = arith.constant 0 : i32
    %dma_wait3A_1022 = arith.constant 0 : i32
    %dma_wait3A_1023 = tpu.memref_slice %arg3[%dma_wait3A_1015, %dma_wait3A_1021, %dma_wait3A_1022] : memref<26x100001x32xf32, #tpu.memory_space<hbm>> -> memref<1x100001x32xf32, #tpu.memory_space<hbm>>
    %dma_wait3A_1024 = tpu.memref_squeeze %dma_wait3A_1023 : memref<1x100001x32xf32, #tpu.memory_space<hbm>> -> memref<100001x32xf32, #tpu.memory_space<hbm>>
    %dma_wait3A_1025 = arith.constant 0 : i32
    %dma_wait3A_1026 = arith.constant 0 : i32
    %dma_wait3A_1027 = tpu.memref_slice %dma_wait3A_1024[%dma_wait3A_1025, %dma_wait3A_1026] : memref<100001x32xf32, #tpu.memory_space<hbm>> -> memref<100001x32xf32, #tpu.memory_space<hbm>>
    tpu.wait_indirect_dma semaphore(%arg8 : memref<!tpu.dma_semaphore, #tpu.memory_space<semaphore_mem>>) src(%dma_wait3A_1027 : memref<100001x32xf32, #tpu.memory_space<hbm>>) dst(%dma_wait3A_1018 : memref<128x32xf32, #tpu.memory_space<vmem>>)
    %dma_wait3A_1028 = arith.constant 25 : i32
    %dma_wait3A_1029 = arith.constant 3200 : i32
    %dma_wait3A_1030 = arith.constant 0 : i32
    %dma_wait3A_1031 = tpu.memref_slice %arg6[%dma_wait3A_1029, %dma_wait3A_1030] : memref<3328x32xf32, #tpu.memory_space<vmem>> -> memref<128x32xf32, #tpu.memory_space<vmem>>
    %dma_wait3A_1032 = arith.constant 3200 : i32
    %dma_wait3A_1033 = tpu.memref_slice %arg5[%dma_wait3A_1032] : memref<3328xi32, #tpu.memory_space<vmem>> -> memref<128xi32, #tpu.memory_space<vmem>>
    %dma_wait3A_1034 = arith.constant 0 : i32
    %dma_wait3A_1035 = arith.constant 0 : i32
    %dma_wait3A_1036 = tpu.memref_slice %arg3[%dma_wait3A_1028, %dma_wait3A_1034, %dma_wait3A_1035] : memref<26x100001x32xf32, #tpu.memory_space<hbm>> -> memref<1x100001x32xf32, #tpu.memory_space<hbm>>
    %dma_wait3A_1037 = tpu.memref_squeeze %dma_wait3A_1036 : memref<1x100001x32xf32, #tpu.memory_space<hbm>> -> memref<100001x32xf32, #tpu.memory_space<hbm>>
    %dma_wait3A_1038 = arith.constant 0 : i32
    %dma_wait3A_1039 = arith.constant 0 : i32
    %dma_wait3A_1040 = tpu.memref_slice %dma_wait3A_1037[%dma_wait3A_1038, %dma_wait3A_1039] : memref<100001x32xf32, #tpu.memory_space<hbm>> -> memref<100001x32xf32, #tpu.memory_space<hbm>>
    tpu.wait_indirect_dma semaphore(%arg8 : memref<!tpu.dma_semaphore, #tpu.memory_space<semaphore_mem>>) src(%dma_wait3A_1040 : memref<100001x32xf32, #tpu.memory_space<hbm>>) dst(%dma_wait3A_1031 : memref<128x32xf32, #tpu.memory_space<vmem>>)
    "tpu.region"() ({
      %run_scoped3A = tpu.sem_alloc : memref<!tpu.dma_semaphore, #tpu.memory_space<semaphore_mem>>
      %dma_start3A_1041 = arith.constant 0 : i32
      %dma_start3A_1042 = arith.constant 0 : i32
      %dma_start3A_1043 = tpu.memref_slice %arg6[%dma_start3A_1041, %dma_start3A_1042] : memref<3328x32xf32, #tpu.memory_space<vmem>> -> memref<128x32xf32, #tpu.memory_space<vmem>>
      %dma_start3A_1044 = arith.constant 0 : i32
      %dma_start3A_1045 = tpu.memref_slice %arg4[%mul3A_2, %dma_start3A_1044] : memref<4096x832xf32, #tpu.memory_space<hbm>> -> memref<128x32xf32, #tpu.memory_space<hbm>>
      %dma_start3A_1046 = arith.constant 0 : i32
      %dma_start3A_1047 = tpu.memref_slice %arg4[%mul3A_2, %dma_start3A_1046] : memref<4096x832xf32, #tpu.memory_space<hbm>> -> memref<128x32xf32, #tpu.memory_space<hbm>>
      %dma_start3A_1048 = arith.constant 0 : i32
      %dma_start3A_1049 = arith.constant 0 : i32
      %dma_start3A_1050 = tpu.memref_slice %arg6[%dma_start3A_1048, %dma_start3A_1049] : memref<3328x32xf32, #tpu.memory_space<vmem>> -> memref<128x32xf32, #tpu.memory_space<vmem>>
      tpu.enqueue_dma source(%dma_start3A_1050 : memref<128x32xf32, #tpu.memory_space<vmem>>) target(%dma_start3A_1047 : memref<128x32xf32, #tpu.memory_space<hbm>>) target_semaphore(%run_scoped3A : memref<!tpu.dma_semaphore, #tpu.memory_space<semaphore_mem>>)
      %dma_wait3A_1051 = arith.constant 0 : i32
      %dma_wait3A_1052 = arith.constant 0 : i32
      %dma_wait3A_1053 = tpu.memref_slice %arg6[%dma_wait3A_1051, %dma_wait3A_1052] : memref<3328x32xf32, #tpu.memory_space<vmem>> -> memref<128x32xf32, #tpu.memory_space<vmem>>
      %dma_wait3A_1054 = arith.constant 0 : i32
      %dma_wait3A_1055 = tpu.memref_slice %arg4[%mul3A_2, %dma_wait3A_1054] : memref<4096x832xf32, #tpu.memory_space<hbm>> -> memref<128x32xf32, #tpu.memory_space<hbm>>
      %dma_wait3A_1056 = arith.constant 0 : i32
      %dma_wait3A_1057 = tpu.memref_slice %arg4[%mul3A_2, %dma_wait3A_1056] : memref<4096x832xf32, #tpu.memory_space<hbm>> -> memref<128x32xf32, #tpu.memory_space<hbm>>
      %dma_wait3A_1058 = arith.constant 0 : i32
      %dma_wait3A_1059 = arith.constant 0 : i32
      %dma_wait3A_1060 = tpu.memref_slice %arg6[%dma_wait3A_1058, %dma_wait3A_1059] : memref<3328x32xf32, #tpu.memory_space<vmem>> -> memref<128x32xf32, #tpu.memory_space<vmem>>
      tpu.wait_dma2 semaphore(%run_scoped3A : memref<!tpu.dma_semaphore, #tpu.memory_space<semaphore_mem>>) src(%dma_wait3A_1060 : memref<128x32xf32, #tpu.memory_space<vmem>>) dst(%dma_wait3A_1057 : memref<128x32xf32, #tpu.memory_space<hbm>>)
      tpu.yield
    }) : () -> ()
    "tpu.region"() ({
      %run_scoped3A = tpu.sem_alloc : memref<!tpu.dma_semaphore, #tpu.memory_space<semaphore_mem>>
      %dma_start3A_1041 = arith.constant 128 : i32
      %dma_start3A_1042 = arith.constant 0 : i32
      %dma_start3A_1043 = tpu.memref_slice %arg6[%dma_start3A_1041, %dma_start3A_1042] : memref<3328x32xf32, #tpu.memory_space<vmem>> -> memref<128x32xf32, #tpu.memory_space<vmem>>
      %dma_start3A_1044 = arith.constant 32 : i32
      %dma_start3A_1045 = tpu.memref_slice %arg4[%mul3A_2, %dma_start3A_1044] : memref<4096x832xf32, #tpu.memory_space<hbm>> -> memref<128x32xf32, #tpu.memory_space<hbm>>
      %dma_start3A_1046 = arith.constant 32 : i32
      %dma_start3A_1047 = tpu.memref_slice %arg4[%mul3A_2, %dma_start3A_1046] : memref<4096x832xf32, #tpu.memory_space<hbm>> -> memref<128x32xf32, #tpu.memory_space<hbm>>
      %dma_start3A_1048 = arith.constant 128 : i32
      %dma_start3A_1049 = arith.constant 0 : i32
      %dma_start3A_1050 = tpu.memref_slice %arg6[%dma_start3A_1048, %dma_start3A_1049] : memref<3328x32xf32, #tpu.memory_space<vmem>> -> memref<128x32xf32, #tpu.memory_space<vmem>>
      tpu.enqueue_dma source(%dma_start3A_1050 : memref<128x32xf32, #tpu.memory_space<vmem>>) target(%dma_start3A_1047 : memref<128x32xf32, #tpu.memory_space<hbm>>) target_semaphore(%run_scoped3A : memref<!tpu.dma_semaphore, #tpu.memory_space<semaphore_mem>>)
      %dma_wait3A_1051 = arith.constant 128 : i32
      %dma_wait3A_1052 = arith.constant 0 : i32
      %dma_wait3A_1053 = tpu.memref_slice %arg6[%dma_wait3A_1051, %dma_wait3A_1052] : memref<3328x32xf32, #tpu.memory_space<vmem>> -> memref<128x32xf32, #tpu.memory_space<vmem>>
      %dma_wait3A_1054 = arith.constant 32 : i32
      %dma_wait3A_1055 = tpu.memref_slice %arg4[%mul3A_2, %dma_wait3A_1054] : memref<4096x832xf32, #tpu.memory_space<hbm>> -> memref<128x32xf32, #tpu.memory_space<hbm>>
      %dma_wait3A_1056 = arith.constant 32 : i32
      %dma_wait3A_1057 = tpu.memref_slice %arg4[%mul3A_2, %dma_wait3A_1056] : memref<4096x832xf32, #tpu.memory_space<hbm>> -> memref<128x32xf32, #tpu.memory_space<hbm>>
      %dma_wait3A_1058 = arith.constant 128 : i32
      %dma_wait3A_1059 = arith.constant 0 : i32
      %dma_wait3A_1060 = tpu.memref_slice %arg6[%dma_wait3A_1058, %dma_wait3A_1059] : memref<3328x32xf32, #tpu.memory_space<vmem>> -> memref<128x32xf32, #tpu.memory_space<vmem>>
      tpu.wait_dma2 semaphore(%run_scoped3A : memref<!tpu.dma_semaphore, #tpu.memory_space<semaphore_mem>>) src(%dma_wait3A_1060 : memref<128x32xf32, #tpu.memory_space<vmem>>) dst(%dma_wait3A_1057 : memref<128x32xf32, #tpu.memory_space<hbm>>)
      tpu.yield
    }) : () -> ()
    "tpu.region"() ({
      %run_scoped3A = tpu.sem_alloc : memref<!tpu.dma_semaphore, #tpu.memory_space<semaphore_mem>>
      %dma_start3A_1041 = arith.constant 256 : i32
      %dma_start3A_1042 = arith.constant 0 : i32
      %dma_start3A_1043 = tpu.memref_slice %arg6[%dma_start3A_1041, %dma_start3A_1042] : memref<3328x32xf32, #tpu.memory_space<vmem>> -> memref<128x32xf32, #tpu.memory_space<vmem>>
      %dma_start3A_1044 = arith.constant 64 : i32
      %dma_start3A_1045 = tpu.memref_slice %arg4[%mul3A_2, %dma_start3A_1044] : memref<4096x832xf32, #tpu.memory_space<hbm>> -> memref<128x32xf32, #tpu.memory_space<hbm>>
      %dma_start3A_1046 = arith.constant 64 : i32
      %dma_start3A_1047 = tpu.memref_slice %arg4[%mul3A_2, %dma_start3A_1046] : memref<4096x832xf32, #tpu.memory_space<hbm>> -> memref<128x32xf32, #tpu.memory_space<hbm>>
      %dma_start3A_1048 = arith.constant 256 : i32
      %dma_start3A_1049 = arith.constant 0 : i32
      %dma_start3A_1050 = tpu.memref_slice %arg6[%dma_start3A_1048, %dma_start3A_1049] : memref<3328x32xf32, #tpu.memory_space<vmem>> -> memref<128x32xf32, #tpu.memory_space<vmem>>
      tpu.enqueue_dma source(%dma_start3A_1050 : memref<128x32xf32, #tpu.memory_space<vmem>>) target(%dma_start3A_1047 : memref<128x32xf32, #tpu.memory_space<hbm>>) target_semaphore(%run_scoped3A : memref<!tpu.dma_semaphore, #tpu.memory_space<semaphore_mem>>)
      %dma_wait3A_1051 = arith.constant 256 : i32
      %dma_wait3A_1052 = arith.constant 0 : i32
      %dma_wait3A_1053 = tpu.memref_slice %arg6[%dma_wait3A_1051, %dma_wait3A_1052] : memref<3328x32xf32, #tpu.memory_space<vmem>> -> memref<128x32xf32, #tpu.memory_space<vmem>>
      %dma_wait3A_1054 = arith.constant 64 : i32
      %dma_wait3A_1055 = tpu.memref_slice %arg4[%mul3A_2, %dma_wait3A_1054] : memref<4096x832xf32, #tpu.memory_space<hbm>> -> memref<128x32xf32, #tpu.memory_space<hbm>>
      %dma_wait3A_1056 = arith.constant 64 : i32
      %dma_wait3A_1057 = tpu.memref_slice %arg4[%mul3A_2, %dma_wait3A_1056] : memref<4096x832xf32, #tpu.memory_space<hbm>> -> memref<128x32xf32, #tpu.memory_space<hbm>>
      %dma_wait3A_1058 = arith.constant 256 : i32
      %dma_wait3A_1059 = arith.constant 0 : i32
      %dma_wait3A_1060 = tpu.memref_slice %arg6[%dma_wait3A_1058, %dma_wait3A_1059] : memref<3328x32xf32, #tpu.memory_space<vmem>> -> memref<128x32xf32, #tpu.memory_space<vmem>>
      tpu.wait_dma2 semaphore(%run_scoped3A : memref<!tpu.dma_semaphore, #tpu.memory_space<semaphore_mem>>) src(%dma_wait3A_1060 : memref<128x32xf32, #tpu.memory_space<vmem>>) dst(%dma_wait3A_1057 : memref<128x32xf32, #tpu.memory_space<hbm>>)
      tpu.yield
    }) : () -> ()
    "tpu.region"() ({
      %run_scoped3A = tpu.sem_alloc : memref<!tpu.dma_semaphore, #tpu.memory_space<semaphore_mem>>
      %dma_start3A_1041 = arith.constant 384 : i32
      %dma_start3A_1042 = arith.constant 0 : i32
      %dma_start3A_1043 = tpu.memref_slice %arg6[%dma_start3A_1041, %dma_start3A_1042] : memref<3328x32xf32, #tpu.memory_space<vmem>> -> memref<128x32xf32, #tpu.memory_space<vmem>>
      %dma_start3A_1044 = arith.constant 96 : i32
      %dma_start3A_1045 = tpu.memref_slice %arg4[%mul3A_2, %dma_start3A_1044] : memref<4096x832xf32, #tpu.memory_space<hbm>> -> memref<128x32xf32, #tpu.memory_space<hbm>>
      %dma_start3A_1046 = arith.constant 96 : i32
      %dma_start3A_1047 = tpu.memref_slice %arg4[%mul3A_2, %dma_start3A_1046] : memref<4096x832xf32, #tpu.memory_space<hbm>> -> memref<128x32xf32, #tpu.memory_space<hbm>>
      %dma_start3A_1048 = arith.constant 384 : i32
      %dma_start3A_1049 = arith.constant 0 : i32
      %dma_start3A_1050 = tpu.memref_slice %arg6[%dma_start3A_1048, %dma_start3A_1049] : memref<3328x32xf32, #tpu.memory_space<vmem>> -> memref<128x32xf32, #tpu.memory_space<vmem>>
      tpu.enqueue_dma source(%dma_start3A_1050 : memref<128x32xf32, #tpu.memory_space<vmem>>) target(%dma_start3A_1047 : memref<128x32xf32, #tpu.memory_space<hbm>>) target_semaphore(%run_scoped3A : memref<!tpu.dma_semaphore, #tpu.memory_space<semaphore_mem>>)
      %dma_wait3A_1051 = arith.constant 384 : i32
      %dma_wait3A_1052 = arith.constant 0 : i32
      %dma_wait3A_1053 = tpu.memref_slice %arg6[%dma_wait3A_1051, %dma_wait3A_1052] : memref<3328x32xf32, #tpu.memory_space<vmem>> -> memref<128x32xf32, #tpu.memory_space<vmem>>
      %dma_wait3A_1054 = arith.constant 96 : i32
      %dma_wait3A_1055 = tpu.memref_slice %arg4[%mul3A_2, %dma_wait3A_1054] : memref<4096x832xf32, #tpu.memory_space<hbm>> -> memref<128x32xf32, #tpu.memory_space<hbm>>
      %dma_wait3A_1056 = arith.constant 96 : i32
      %dma_wait3A_1057 = tpu.memref_slice %arg4[%mul3A_2, %dma_wait3A_1056] : memref<4096x832xf32, #tpu.memory_space<hbm>> -> memref<128x32xf32, #tpu.memory_space<hbm>>
      %dma_wait3A_1058 = arith.constant 384 : i32
      %dma_wait3A_1059 = arith.constant 0 : i32
      %dma_wait3A_1060 = tpu.memref_slice %arg6[%dma_wait3A_1058, %dma_wait3A_1059] : memref<3328x32xf32, #tpu.memory_space<vmem>> -> memref<128x32xf32, #tpu.memory_space<vmem>>
      tpu.wait_dma2 semaphore(%run_scoped3A : memref<!tpu.dma_semaphore, #tpu.memory_space<semaphore_mem>>) src(%dma_wait3A_1060 : memref<128x32xf32, #tpu.memory_space<vmem>>) dst(%dma_wait3A_1057 : memref<128x32xf32, #tpu.memory_space<hbm>>)
      tpu.yield
    }) : () -> ()
    "tpu.region"() ({
      %run_scoped3A = tpu.sem_alloc : memref<!tpu.dma_semaphore, #tpu.memory_space<semaphore_mem>>
      %dma_start3A_1041 = arith.constant 512 : i32
      %dma_start3A_1042 = arith.constant 0 : i32
      %dma_start3A_1043 = tpu.memref_slice %arg6[%dma_start3A_1041, %dma_start3A_1042] : memref<3328x32xf32, #tpu.memory_space<vmem>> -> memref<128x32xf32, #tpu.memory_space<vmem>>
      %dma_start3A_1044 = arith.constant 128 : i32
      %dma_start3A_1045 = tpu.memref_slice %arg4[%mul3A_2, %dma_start3A_1044] : memref<4096x832xf32, #tpu.memory_space<hbm>> -> memref<128x32xf32, #tpu.memory_space<hbm>>
      %dma_start3A_1046 = arith.constant 128 : i32
      %dma_start3A_1047 = tpu.memref_slice %arg4[%mul3A_2, %dma_start3A_1046] : memref<4096x832xf32, #tpu.memory_space<hbm>> -> memref<128x32xf32, #tpu.memory_space<hbm>>
      %dma_start3A_1048 = arith.constant 512 : i32
      %dma_start3A_1049 = arith.constant 0 : i32
      %dma_start3A_1050 = tpu.memref_slice %arg6[%dma_start3A_1048, %dma_start3A_1049] : memref<3328x32xf32, #tpu.memory_space<vmem>> -> memref<128x32xf32, #tpu.memory_space<vmem>>
      tpu.enqueue_dma source(%dma_start3A_1050 : memref<128x32xf32, #tpu.memory_space<vmem>>) target(%dma_start3A_1047 : memref<128x32xf32, #tpu.memory_space<hbm>>) target_semaphore(%run_scoped3A : memref<!tpu.dma_semaphore, #tpu.memory_space<semaphore_mem>>)
      %dma_wait3A_1051 = arith.constant 512 : i32
      %dma_wait3A_1052 = arith.constant 0 : i32
      %dma_wait3A_1053 = tpu.memref_slice %arg6[%dma_wait3A_1051, %dma_wait3A_1052] : memref<3328x32xf32, #tpu.memory_space<vmem>> -> memref<128x32xf32, #tpu.memory_space<vmem>>
      %dma_wait3A_1054 = arith.constant 128 : i32
      %dma_wait3A_1055 = tpu.memref_slice %arg4[%mul3A_2, %dma_wait3A_1054] : memref<4096x832xf32, #tpu.memory_space<hbm>> -> memref<128x32xf32, #tpu.memory_space<hbm>>
      %dma_wait3A_1056 = arith.constant 128 : i32
      %dma_wait3A_1057 = tpu.memref_slice %arg4[%mul3A_2, %dma_wait3A_1056] : memref<4096x832xf32, #tpu.memory_space<hbm>> -> memref<128x32xf32, #tpu.memory_space<hbm>>
      %dma_wait3A_1058 = arith.constant 512 : i32
      %dma_wait3A_1059 = arith.constant 0 : i32
      %dma_wait3A_1060 = tpu.memref_slice %arg6[%dma_wait3A_1058, %dma_wait3A_1059] : memref<3328x32xf32, #tpu.memory_space<vmem>> -> memref<128x32xf32, #tpu.memory_space<vmem>>
      tpu.wait_dma2 semaphore(%run_scoped3A : memref<!tpu.dma_semaphore, #tpu.memory_space<semaphore_mem>>) src(%dma_wait3A_1060 : memref<128x32xf32, #tpu.memory_space<vmem>>) dst(%dma_wait3A_1057 : memref<128x32xf32, #tpu.memory_space<hbm>>)
      tpu.yield
    }) : () -> ()
    "tpu.region"() ({
      %run_scoped3A = tpu.sem_alloc : memref<!tpu.dma_semaphore, #tpu.memory_space<semaphore_mem>>
      %dma_start3A_1041 = arith.constant 640 : i32
      %dma_start3A_1042 = arith.constant 0 : i32
      %dma_start3A_1043 = tpu.memref_slice %arg6[%dma_start3A_1041, %dma_start3A_1042] : memref<3328x32xf32, #tpu.memory_space<vmem>> -> memref<128x32xf32, #tpu.memory_space<vmem>>
      %dma_start3A_1044 = arith.constant 160 : i32
      %dma_start3A_1045 = tpu.memref_slice %arg4[%mul3A_2, %dma_start3A_1044] : memref<4096x832xf32, #tpu.memory_space<hbm>> -> memref<128x32xf32, #tpu.memory_space<hbm>>
      %dma_start3A_1046 = arith.constant 160 : i32
      %dma_start3A_1047 = tpu.memref_slice %arg4[%mul3A_2, %dma_start3A_1046] : memref<4096x832xf32, #tpu.memory_space<hbm>> -> memref<128x32xf32, #tpu.memory_space<hbm>>
      %dma_start3A_1048 = arith.constant 640 : i32
      %dma_start3A_1049 = arith.constant 0 : i32
      %dma_start3A_1050 = tpu.memref_slice %arg6[%dma_start3A_1048, %dma_start3A_1049] : memref<3328x32xf32, #tpu.memory_space<vmem>> -> memref<128x32xf32, #tpu.memory_space<vmem>>
      tpu.enqueue_dma source(%dma_start3A_1050 : memref<128x32xf32, #tpu.memory_space<vmem>>) target(%dma_start3A_1047 : memref<128x32xf32, #tpu.memory_space<hbm>>) target_semaphore(%run_scoped3A : memref<!tpu.dma_semaphore, #tpu.memory_space<semaphore_mem>>)
      %dma_wait3A_1051 = arith.constant 640 : i32
      %dma_wait3A_1052 = arith.constant 0 : i32
      %dma_wait3A_1053 = tpu.memref_slice %arg6[%dma_wait3A_1051, %dma_wait3A_1052] : memref<3328x32xf32, #tpu.memory_space<vmem>> -> memref<128x32xf32, #tpu.memory_space<vmem>>
      %dma_wait3A_1054 = arith.constant 160 : i32
      %dma_wait3A_1055 = tpu.memref_slice %arg4[%mul3A_2, %dma_wait3A_1054] : memref<4096x832xf32, #tpu.memory_space<hbm>> -> memref<128x32xf32, #tpu.memory_space<hbm>>
      %dma_wait3A_1056 = arith.constant 160 : i32
      %dma_wait3A_1057 = tpu.memref_slice %arg4[%mul3A_2, %dma_wait3A_1056] : memref<4096x832xf32, #tpu.memory_space<hbm>> -> memref<128x32xf32, #tpu.memory_space<hbm>>
      %dma_wait3A_1058 = arith.constant 640 : i32
      %dma_wait3A_1059 = arith.constant 0 : i32
      %dma_wait3A_1060 = tpu.memref_slice %arg6[%dma_wait3A_1058, %dma_wait3A_1059] : memref<3328x32xf32, #tpu.memory_space<vmem>> -> memref<128x32xf32, #tpu.memory_space<vmem>>
      tpu.wait_dma2 semaphore(%run_scoped3A : memref<!tpu.dma_semaphore, #tpu.memory_space<semaphore_mem>>) src(%dma_wait3A_1060 : memref<128x32xf32, #tpu.memory_space<vmem>>) dst(%dma_wait3A_1057 : memref<128x32xf32, #tpu.memory_space<hbm>>)
      tpu.yield
    }) : () -> ()
    "tpu.region"() ({
      %run_scoped3A = tpu.sem_alloc : memref<!tpu.dma_semaphore, #tpu.memory_space<semaphore_mem>>
      %dma_start3A_1041 = arith.constant 768 : i32
      %dma_start3A_1042 = arith.constant 0 : i32
      %dma_start3A_1043 = tpu.memref_slice %arg6[%dma_start3A_1041, %dma_start3A_1042] : memref<3328x32xf32, #tpu.memory_space<vmem>> -> memref<128x32xf32, #tpu.memory_space<vmem>>
      %dma_start3A_1044 = arith.constant 192 : i32
      %dma_start3A_1045 = tpu.memref_slice %arg4[%mul3A_2, %dma_start3A_1044] : memref<4096x832xf32, #tpu.memory_space<hbm>> -> memref<128x32xf32, #tpu.memory_space<hbm>>
      %dma_start3A_1046 = arith.constant 192 : i32
      %dma_start3A_1047 = tpu.memref_slice %arg4[%mul3A_2, %dma_start3A_1046] : memref<4096x832xf32, #tpu.memory_space<hbm>> -> memref<128x32xf32, #tpu.memory_space<hbm>>
      %dma_start3A_1048 = arith.constant 768 : i32
      %dma_start3A_1049 = arith.constant 0 : i32
      %dma_start3A_1050 = tpu.memref_slice %arg6[%dma_start3A_1048, %dma_start3A_1049] : memref<3328x32xf32, #tpu.memory_space<vmem>> -> memref<128x32xf32, #tpu.memory_space<vmem>>
      tpu.enqueue_dma source(%dma_start3A_1050 : memref<128x32xf32, #tpu.memory_space<vmem>>) target(%dma_start3A_1047 : memref<128x32xf32, #tpu.memory_space<hbm>>) target_semaphore(%run_scoped3A : memref<!tpu.dma_semaphore, #tpu.memory_space<semaphore_mem>>)
      %dma_wait3A_1051 = arith.constant 768 : i32
      %dma_wait3A_1052 = arith.constant 0 : i32
      %dma_wait3A_1053 = tpu.memref_slice %arg6[%dma_wait3A_1051, %dma_wait3A_1052] : memref<3328x32xf32, #tpu.memory_space<vmem>> -> memref<128x32xf32, #tpu.memory_space<vmem>>
      %dma_wait3A_1054 = arith.constant 192 : i32
      %dma_wait3A_1055 = tpu.memref_slice %arg4[%mul3A_2, %dma_wait3A_1054] : memref<4096x832xf32, #tpu.memory_space<hbm>> -> memref<128x32xf32, #tpu.memory_space<hbm>>
      %dma_wait3A_1056 = arith.constant 192 : i32
      %dma_wait3A_1057 = tpu.memref_slice %arg4[%mul3A_2, %dma_wait3A_1056] : memref<4096x832xf32, #tpu.memory_space<hbm>> -> memref<128x32xf32, #tpu.memory_space<hbm>>
      %dma_wait3A_1058 = arith.constant 768 : i32
      %dma_wait3A_1059 = arith.constant 0 : i32
      %dma_wait3A_1060 = tpu.memref_slice %arg6[%dma_wait3A_1058, %dma_wait3A_1059] : memref<3328x32xf32, #tpu.memory_space<vmem>> -> memref<128x32xf32, #tpu.memory_space<vmem>>
      tpu.wait_dma2 semaphore(%run_scoped3A : memref<!tpu.dma_semaphore, #tpu.memory_space<semaphore_mem>>) src(%dma_wait3A_1060 : memref<128x32xf32, #tpu.memory_space<vmem>>) dst(%dma_wait3A_1057 : memref<128x32xf32, #tpu.memory_space<hbm>>)
      tpu.yield
    }) : () -> ()
    "tpu.region"() ({
      %run_scoped3A = tpu.sem_alloc : memref<!tpu.dma_semaphore, #tpu.memory_space<semaphore_mem>>
      %dma_start3A_1041 = arith.constant 896 : i32
      %dma_start3A_1042 = arith.constant 0 : i32
      %dma_start3A_1043 = tpu.memref_slice %arg6[%dma_start3A_1041, %dma_start3A_1042] : memref<3328x32xf32, #tpu.memory_space<vmem>> -> memref<128x32xf32, #tpu.memory_space<vmem>>
      %dma_start3A_1044 = arith.constant 224 : i32
      %dma_start3A_1045 = tpu.memref_slice %arg4[%mul3A_2, %dma_start3A_1044] : memref<4096x832xf32, #tpu.memory_space<hbm>> -> memref<128x32xf32, #tpu.memory_space<hbm>>
      %dma_start3A_1046 = arith.constant 224 : i32
      %dma_start3A_1047 = tpu.memref_slice %arg4[%mul3A_2, %dma_start3A_1046] : memref<4096x832xf32, #tpu.memory_space<hbm>> -> memref<128x32xf32, #tpu.memory_space<hbm>>
      %dma_start3A_1048 = arith.constant 896 : i32
      %dma_start3A_1049 = arith.constant 0 : i32
      %dma_start3A_1050 = tpu.memref_slice %arg6[%dma_start3A_1048, %dma_start3A_1049] : memref<3328x32xf32, #tpu.memory_space<vmem>> -> memref<128x32xf32, #tpu.memory_space<vmem>>
      tpu.enqueue_dma source(%dma_start3A_1050 : memref<128x32xf32, #tpu.memory_space<vmem>>) target(%dma_start3A_1047 : memref<128x32xf32, #tpu.memory_space<hbm>>) target_semaphore(%run_scoped3A : memref<!tpu.dma_semaphore, #tpu.memory_space<semaphore_mem>>)
      %dma_wait3A_1051 = arith.constant 896 : i32
      %dma_wait3A_1052 = arith.constant 0 : i32
      %dma_wait3A_1053 = tpu.memref_slice %arg6[%dma_wait3A_1051, %dma_wait3A_1052] : memref<3328x32xf32, #tpu.memory_space<vmem>> -> memref<128x32xf32, #tpu.memory_space<vmem>>
      %dma_wait3A_1054 = arith.constant 224 : i32
      %dma_wait3A_1055 = tpu.memref_slice %arg4[%mul3A_2, %dma_wait3A_1054] : memref<4096x832xf32, #tpu.memory_space<hbm>> -> memref<128x32xf32, #tpu.memory_space<hbm>>
      %dma_wait3A_1056 = arith.constant 224 : i32
      %dma_wait3A_1057 = tpu.memref_slice %arg4[%mul3A_2, %dma_wait3A_1056] : memref<4096x832xf32, #tpu.memory_space<hbm>> -> memref<128x32xf32, #tpu.memory_space<hbm>>
      %dma_wait3A_1058 = arith.constant 896 : i32
      %dma_wait3A_1059 = arith.constant 0 : i32
      %dma_wait3A_1060 = tpu.memref_slice %arg6[%dma_wait3A_1058, %dma_wait3A_1059] : memref<3328x32xf32, #tpu.memory_space<vmem>> -> memref<128x32xf32, #tpu.memory_space<vmem>>
      tpu.wait_dma2 semaphore(%run_scoped3A : memref<!tpu.dma_semaphore, #tpu.memory_space<semaphore_mem>>) src(%dma_wait3A_1060 : memref<128x32xf32, #tpu.memory_space<vmem>>) dst(%dma_wait3A_1057 : memref<128x32xf32, #tpu.memory_space<hbm>>)
      tpu.yield
    }) : () -> ()
    "tpu.region"() ({
      %run_scoped3A = tpu.sem_alloc : memref<!tpu.dma_semaphore, #tpu.memory_space<semaphore_mem>>
      %dma_start3A_1041 = arith.constant 1024 : i32
      %dma_start3A_1042 = arith.constant 0 : i32
      %dma_start3A_1043 = tpu.memref_slice %arg6[%dma_start3A_1041, %dma_start3A_1042] : memref<3328x32xf32, #tpu.memory_space<vmem>> -> memref<128x32xf32, #tpu.memory_space<vmem>>
      %dma_start3A_1044 = arith.constant 256 : i32
      %dma_start3A_1045 = tpu.memref_slice %arg4[%mul3A_2, %dma_start3A_1044] : memref<4096x832xf32, #tpu.memory_space<hbm>> -> memref<128x32xf32, #tpu.memory_space<hbm>>
      %dma_start3A_1046 = arith.constant 256 : i32
      %dma_start3A_1047 = tpu.memref_slice %arg4[%mul3A_2, %dma_start3A_1046] : memref<4096x832xf32, #tpu.memory_space<hbm>> -> memref<128x32xf32, #tpu.memory_space<hbm>>
      %dma_start3A_1048 = arith.constant 1024 : i32
      %dma_start3A_1049 = arith.constant 0 : i32
      %dma_start3A_1050 = tpu.memref_slice %arg6[%dma_start3A_1048, %dma_start3A_1049] : memref<3328x32xf32, #tpu.memory_space<vmem>> -> memref<128x32xf32, #tpu.memory_space<vmem>>
      tpu.enqueue_dma source(%dma_start3A_1050 : memref<128x32xf32, #tpu.memory_space<vmem>>) target(%dma_start3A_1047 : memref<128x32xf32, #tpu.memory_space<hbm>>) target_semaphore(%run_scoped3A : memref<!tpu.dma_semaphore, #tpu.memory_space<semaphore_mem>>)
      %dma_wait3A_1051 = arith.constant 1024 : i32
      %dma_wait3A_1052 = arith.constant 0 : i32
      %dma_wait3A_1053 = tpu.memref_slice %arg6[%dma_wait3A_1051, %dma_wait3A_1052] : memref<3328x32xf32, #tpu.memory_space<vmem>> -> memref<128x32xf32, #tpu.memory_space<vmem>>
      %dma_wait3A_1054 = arith.constant 256 : i32
      %dma_wait3A_1055 = tpu.memref_slice %arg4[%mul3A_2, %dma_wait3A_1054] : memref<4096x832xf32, #tpu.memory_space<hbm>> -> memref<128x32xf32, #tpu.memory_space<hbm>>
      %dma_wait3A_1056 = arith.constant 256 : i32
      %dma_wait3A_1057 = tpu.memref_slice %arg4[%mul3A_2, %dma_wait3A_1056] : memref<4096x832xf32, #tpu.memory_space<hbm>> -> memref<128x32xf32, #tpu.memory_space<hbm>>
      %dma_wait3A_1058 = arith.constant 1024 : i32
      %dma_wait3A_1059 = arith.constant 0 : i32
      %dma_wait3A_1060 = tpu.memref_slice %arg6[%dma_wait3A_1058, %dma_wait3A_1059] : memref<3328x32xf32, #tpu.memory_space<vmem>> -> memref<128x32xf32, #tpu.memory_space<vmem>>
      tpu.wait_dma2 semaphore(%run_scoped3A : memref<!tpu.dma_semaphore, #tpu.memory_space<semaphore_mem>>) src(%dma_wait3A_1060 : memref<128x32xf32, #tpu.memory_space<vmem>>) dst(%dma_wait3A_1057 : memref<128x32xf32, #tpu.memory_space<hbm>>)
      tpu.yield
    }) : () -> ()
    "tpu.region"() ({
      %run_scoped3A = tpu.sem_alloc : memref<!tpu.dma_semaphore, #tpu.memory_space<semaphore_mem>>
      %dma_start3A_1041 = arith.constant 1152 : i32
      %dma_start3A_1042 = arith.constant 0 : i32
      %dma_start3A_1043 = tpu.memref_slice %arg6[%dma_start3A_1041, %dma_start3A_1042] : memref<3328x32xf32, #tpu.memory_space<vmem>> -> memref<128x32xf32, #tpu.memory_space<vmem>>
      %dma_start3A_1044 = arith.constant 288 : i32
      %dma_start3A_1045 = tpu.memref_slice %arg4[%mul3A_2, %dma_start3A_1044] : memref<4096x832xf32, #tpu.memory_space<hbm>> -> memref<128x32xf32, #tpu.memory_space<hbm>>
      %dma_start3A_1046 = arith.constant 288 : i32
      %dma_start3A_1047 = tpu.memref_slice %arg4[%mul3A_2, %dma_start3A_1046] : memref<4096x832xf32, #tpu.memory_space<hbm>> -> memref<128x32xf32, #tpu.memory_space<hbm>>
      %dma_start3A_1048 = arith.constant 1152 : i32
      %dma_start3A_1049 = arith.constant 0 : i32
      %dma_start3A_1050 = tpu.memref_slice %arg6[%dma_start3A_1048, %dma_start3A_1049] : memref<3328x32xf32, #tpu.memory_space<vmem>> -> memref<128x32xf32, #tpu.memory_space<vmem>>
      tpu.enqueue_dma source(%dma_start3A_1050 : memref<128x32xf32, #tpu.memory_space<vmem>>) target(%dma_start3A_1047 : memref<128x32xf32, #tpu.memory_space<hbm>>) target_semaphore(%run_scoped3A : memref<!tpu.dma_semaphore, #tpu.memory_space<semaphore_mem>>)
      %dma_wait3A_1051 = arith.constant 1152 : i32
      %dma_wait3A_1052 = arith.constant 0 : i32
      %dma_wait3A_1053 = tpu.memref_slice %arg6[%dma_wait3A_1051, %dma_wait3A_1052] : memref<3328x32xf32, #tpu.memory_space<vmem>> -> memref<128x32xf32, #tpu.memory_space<vmem>>
      %dma_wait3A_1054 = arith.constant 288 : i32
      %dma_wait3A_1055 = tpu.memref_slice %arg4[%mul3A_2, %dma_wait3A_1054] : memref<4096x832xf32, #tpu.memory_space<hbm>> -> memref<128x32xf32, #tpu.memory_space<hbm>>
      %dma_wait3A_1056 = arith.constant 288 : i32
      %dma_wait3A_1057 = tpu.memref_slice %arg4[%mul3A_2, %dma_wait3A_1056] : memref<4096x832xf32, #tpu.memory_space<hbm>> -> memref<128x32xf32, #tpu.memory_space<hbm>>
      %dma_wait3A_1058 = arith.constant 1152 : i32
      %dma_wait3A_1059 = arith.constant 0 : i32
      %dma_wait3A_1060 = tpu.memref_slice %arg6[%dma_wait3A_1058, %dma_wait3A_1059] : memref<3328x32xf32, #tpu.memory_space<vmem>> -> memref<128x32xf32, #tpu.memory_space<vmem>>
      tpu.wait_dma2 semaphore(%run_scoped3A : memref<!tpu.dma_semaphore, #tpu.memory_space<semaphore_mem>>) src(%dma_wait3A_1060 : memref<128x32xf32, #tpu.memory_space<vmem>>) dst(%dma_wait3A_1057 : memref<128x32xf32, #tpu.memory_space<hbm>>)
      tpu.yield
    }) : () -> ()
    "tpu.region"() ({
      %run_scoped3A = tpu.sem_alloc : memref<!tpu.dma_semaphore, #tpu.memory_space<semaphore_mem>>
      %dma_start3A_1041 = arith.constant 1280 : i32
      %dma_start3A_1042 = arith.constant 0 : i32
      %dma_start3A_1043 = tpu.memref_slice %arg6[%dma_start3A_1041, %dma_start3A_1042] : memref<3328x32xf32, #tpu.memory_space<vmem>> -> memref<128x32xf32, #tpu.memory_space<vmem>>
      %dma_start3A_1044 = arith.constant 320 : i32
      %dma_start3A_1045 = tpu.memref_slice %arg4[%mul3A_2, %dma_start3A_1044] : memref<4096x832xf32, #tpu.memory_space<hbm>> -> memref<128x32xf32, #tpu.memory_space<hbm>>
      %dma_start3A_1046 = arith.constant 320 : i32
      %dma_start3A_1047 = tpu.memref_slice %arg4[%mul3A_2, %dma_start3A_1046] : memref<4096x832xf32, #tpu.memory_space<hbm>> -> memref<128x32xf32, #tpu.memory_space<hbm>>
      %dma_start3A_1048 = arith.constant 1280 : i32
      %dma_start3A_1049 = arith.constant 0 : i32
      %dma_start3A_1050 = tpu.memref_slice %arg6[%dma_start3A_1048, %dma_start3A_1049] : memref<3328x32xf32, #tpu.memory_space<vmem>> -> memref<128x32xf32, #tpu.memory_space<vmem>>
      tpu.enqueue_dma source(%dma_start3A_1050 : memref<128x32xf32, #tpu.memory_space<vmem>>) target(%dma_start3A_1047 : memref<128x32xf32, #tpu.memory_space<hbm>>) target_semaphore(%run_scoped3A : memref<!tpu.dma_semaphore, #tpu.memory_space<semaphore_mem>>)
      %dma_wait3A_1051 = arith.constant 1280 : i32
      %dma_wait3A_1052 = arith.constant 0 : i32
      %dma_wait3A_1053 = tpu.memref_slice %arg6[%dma_wait3A_1051, %dma_wait3A_1052] : memref<3328x32xf32, #tpu.memory_space<vmem>> -> memref<128x32xf32, #tpu.memory_space<vmem>>
      %dma_wait3A_1054 = arith.constant 320 : i32
      %dma_wait3A_1055 = tpu.memref_slice %arg4[%mul3A_2, %dma_wait3A_1054] : memref<4096x832xf32, #tpu.memory_space<hbm>> -> memref<128x32xf32, #tpu.memory_space<hbm>>
      %dma_wait3A_1056 = arith.constant 320 : i32
      %dma_wait3A_1057 = tpu.memref_slice %arg4[%mul3A_2, %dma_wait3A_1056] : memref<4096x832xf32, #tpu.memory_space<hbm>> -> memref<128x32xf32, #tpu.memory_space<hbm>>
      %dma_wait3A_1058 = arith.constant 1280 : i32
      %dma_wait3A_1059 = arith.constant 0 : i32
      %dma_wait3A_1060 = tpu.memref_slice %arg6[%dma_wait3A_1058, %dma_wait3A_1059] : memref<3328x32xf32, #tpu.memory_space<vmem>> -> memref<128x32xf32, #tpu.memory_space<vmem>>
      tpu.wait_dma2 semaphore(%run_scoped3A : memref<!tpu.dma_semaphore, #tpu.memory_space<semaphore_mem>>) src(%dma_wait3A_1060 : memref<128x32xf32, #tpu.memory_space<vmem>>) dst(%dma_wait3A_1057 : memref<128x32xf32, #tpu.memory_space<hbm>>)
      tpu.yield
    }) : () -> ()
    "tpu.region"() ({
      %run_scoped3A = tpu.sem_alloc : memref<!tpu.dma_semaphore, #tpu.memory_space<semaphore_mem>>
      %dma_start3A_1041 = arith.constant 1408 : i32
      %dma_start3A_1042 = arith.constant 0 : i32
      %dma_start3A_1043 = tpu.memref_slice %arg6[%dma_start3A_1041, %dma_start3A_1042] : memref<3328x32xf32, #tpu.memory_space<vmem>> -> memref<128x32xf32, #tpu.memory_space<vmem>>
      %dma_start3A_1044 = arith.constant 352 : i32
      %dma_start3A_1045 = tpu.memref_slice %arg4[%mul3A_2, %dma_start3A_1044] : memref<4096x832xf32, #tpu.memory_space<hbm>> -> memref<128x32xf32, #tpu.memory_space<hbm>>
      %dma_start3A_1046 = arith.constant 352 : i32
      %dma_start3A_1047 = tpu.memref_slice %arg4[%mul3A_2, %dma_start3A_1046] : memref<4096x832xf32, #tpu.memory_space<hbm>> -> memref<128x32xf32, #tpu.memory_space<hbm>>
      %dma_start3A_1048 = arith.constant 1408 : i32
      %dma_start3A_1049 = arith.constant 0 : i32
      %dma_start3A_1050 = tpu.memref_slice %arg6[%dma_start3A_1048, %dma_start3A_1049] : memref<3328x32xf32, #tpu.memory_space<vmem>> -> memref<128x32xf32, #tpu.memory_space<vmem>>
      tpu.enqueue_dma source(%dma_start3A_1050 : memref<128x32xf32, #tpu.memory_space<vmem>>) target(%dma_start3A_1047 : memref<128x32xf32, #tpu.memory_space<hbm>>) target_semaphore(%run_scoped3A : memref<!tpu.dma_semaphore, #tpu.memory_space<semaphore_mem>>)
      %dma_wait3A_1051 = arith.constant 1408 : i32
      %dma_wait3A_1052 = arith.constant 0 : i32
      %dma_wait3A_1053 = tpu.memref_slice %arg6[%dma_wait3A_1051, %dma_wait3A_1052] : memref<3328x32xf32, #tpu.memory_space<vmem>> -> memref<128x32xf32, #tpu.memory_space<vmem>>
      %dma_wait3A_1054 = arith.constant 352 : i32
      %dma_wait3A_1055 = tpu.memref_slice %arg4[%mul3A_2, %dma_wait3A_1054] : memref<4096x832xf32, #tpu.memory_space<hbm>> -> memref<128x32xf32, #tpu.memory_space<hbm>>
      %dma_wait3A_1056 = arith.constant 352 : i32
      %dma_wait3A_1057 = tpu.memref_slice %arg4[%mul3A_2, %dma_wait3A_1056] : memref<4096x832xf32, #tpu.memory_space<hbm>> -> memref<128x32xf32, #tpu.memory_space<hbm>>
      %dma_wait3A_1058 = arith.constant 1408 : i32
      %dma_wait3A_1059 = arith.constant 0 : i32
      %dma_wait3A_1060 = tpu.memref_slice %arg6[%dma_wait3A_1058, %dma_wait3A_1059] : memref<3328x32xf32, #tpu.memory_space<vmem>> -> memref<128x32xf32, #tpu.memory_space<vmem>>
      tpu.wait_dma2 semaphore(%run_scoped3A : memref<!tpu.dma_semaphore, #tpu.memory_space<semaphore_mem>>) src(%dma_wait3A_1060 : memref<128x32xf32, #tpu.memory_space<vmem>>) dst(%dma_wait3A_1057 : memref<128x32xf32, #tpu.memory_space<hbm>>)
      tpu.yield
    }) : () -> ()
    "tpu.region"() ({
      %run_scoped3A = tpu.sem_alloc : memref<!tpu.dma_semaphore, #tpu.memory_space<semaphore_mem>>
      %dma_start3A_1041 = arith.constant 1536 : i32
      %dma_start3A_1042 = arith.constant 0 : i32
      %dma_start3A_1043 = tpu.memref_slice %arg6[%dma_start3A_1041, %dma_start3A_1042] : memref<3328x32xf32, #tpu.memory_space<vmem>> -> memref<128x32xf32, #tpu.memory_space<vmem>>
      %dma_start3A_1044 = arith.constant 384 : i32
      %dma_start3A_1045 = tpu.memref_slice %arg4[%mul3A_2, %dma_start3A_1044] : memref<4096x832xf32, #tpu.memory_space<hbm>> -> memref<128x32xf32, #tpu.memory_space<hbm>>
      %dma_start3A_1046 = arith.constant 384 : i32
      %dma_start3A_1047 = tpu.memref_slice %arg4[%mul3A_2, %dma_start3A_1046] : memref<4096x832xf32, #tpu.memory_space<hbm>> -> memref<128x32xf32, #tpu.memory_space<hbm>>
      %dma_start3A_1048 = arith.constant 1536 : i32
      %dma_start3A_1049 = arith.constant 0 : i32
      %dma_start3A_1050 = tpu.memref_slice %arg6[%dma_start3A_1048, %dma_start3A_1049] : memref<3328x32xf32, #tpu.memory_space<vmem>> -> memref<128x32xf32, #tpu.memory_space<vmem>>
      tpu.enqueue_dma source(%dma_start3A_1050 : memref<128x32xf32, #tpu.memory_space<vmem>>) target(%dma_start3A_1047 : memref<128x32xf32, #tpu.memory_space<hbm>>) target_semaphore(%run_scoped3A : memref<!tpu.dma_semaphore, #tpu.memory_space<semaphore_mem>>)
      %dma_wait3A_1051 = arith.constant 1536 : i32
      %dma_wait3A_1052 = arith.constant 0 : i32
      %dma_wait3A_1053 = tpu.memref_slice %arg6[%dma_wait3A_1051, %dma_wait3A_1052] : memref<3328x32xf32, #tpu.memory_space<vmem>> -> memref<128x32xf32, #tpu.memory_space<vmem>>
      %dma_wait3A_1054 = arith.constant 384 : i32
      %dma_wait3A_1055 = tpu.memref_slice %arg4[%mul3A_2, %dma_wait3A_1054] : memref<4096x832xf32, #tpu.memory_space<hbm>> -> memref<128x32xf32, #tpu.memory_space<hbm>>
      %dma_wait3A_1056 = arith.constant 384 : i32
      %dma_wait3A_1057 = tpu.memref_slice %arg4[%mul3A_2, %dma_wait3A_1056] : memref<4096x832xf32, #tpu.memory_space<hbm>> -> memref<128x32xf32, #tpu.memory_space<hbm>>
      %dma_wait3A_1058 = arith.constant 1536 : i32
      %dma_wait3A_1059 = arith.constant 0 : i32
      %dma_wait3A_1060 = tpu.memref_slice %arg6[%dma_wait3A_1058, %dma_wait3A_1059] : memref<3328x32xf32, #tpu.memory_space<vmem>> -> memref<128x32xf32, #tpu.memory_space<vmem>>
      tpu.wait_dma2 semaphore(%run_scoped3A : memref<!tpu.dma_semaphore, #tpu.memory_space<semaphore_mem>>) src(%dma_wait3A_1060 : memref<128x32xf32, #tpu.memory_space<vmem>>) dst(%dma_wait3A_1057 : memref<128x32xf32, #tpu.memory_space<hbm>>)
      tpu.yield
    }) : () -> ()
    "tpu.region"() ({
      %run_scoped3A = tpu.sem_alloc : memref<!tpu.dma_semaphore, #tpu.memory_space<semaphore_mem>>
      %dma_start3A_1041 = arith.constant 1664 : i32
      %dma_start3A_1042 = arith.constant 0 : i32
      %dma_start3A_1043 = tpu.memref_slice %arg6[%dma_start3A_1041, %dma_start3A_1042] : memref<3328x32xf32, #tpu.memory_space<vmem>> -> memref<128x32xf32, #tpu.memory_space<vmem>>
      %dma_start3A_1044 = arith.constant 416 : i32
      %dma_start3A_1045 = tpu.memref_slice %arg4[%mul3A_2, %dma_start3A_1044] : memref<4096x832xf32, #tpu.memory_space<hbm>> -> memref<128x32xf32, #tpu.memory_space<hbm>>
      %dma_start3A_1046 = arith.constant 416 : i32
      %dma_start3A_1047 = tpu.memref_slice %arg4[%mul3A_2, %dma_start3A_1046] : memref<4096x832xf32, #tpu.memory_space<hbm>> -> memref<128x32xf32, #tpu.memory_space<hbm>>
      %dma_start3A_1048 = arith.constant 1664 : i32
      %dma_start3A_1049 = arith.constant 0 : i32
      %dma_start3A_1050 = tpu.memref_slice %arg6[%dma_start3A_1048, %dma_start3A_1049] : memref<3328x32xf32, #tpu.memory_space<vmem>> -> memref<128x32xf32, #tpu.memory_space<vmem>>
      tpu.enqueue_dma source(%dma_start3A_1050 : memref<128x32xf32, #tpu.memory_space<vmem>>) target(%dma_start3A_1047 : memref<128x32xf32, #tpu.memory_space<hbm>>) target_semaphore(%run_scoped3A : memref<!tpu.dma_semaphore, #tpu.memory_space<semaphore_mem>>)
      %dma_wait3A_1051 = arith.constant 1664 : i32
      %dma_wait3A_1052 = arith.constant 0 : i32
      %dma_wait3A_1053 = tpu.memref_slice %arg6[%dma_wait3A_1051, %dma_wait3A_1052] : memref<3328x32xf32, #tpu.memory_space<vmem>> -> memref<128x32xf32, #tpu.memory_space<vmem>>
      %dma_wait3A_1054 = arith.constant 416 : i32
      %dma_wait3A_1055 = tpu.memref_slice %arg4[%mul3A_2, %dma_wait3A_1054] : memref<4096x832xf32, #tpu.memory_space<hbm>> -> memref<128x32xf32, #tpu.memory_space<hbm>>
      %dma_wait3A_1056 = arith.constant 416 : i32
      %dma_wait3A_1057 = tpu.memref_slice %arg4[%mul3A_2, %dma_wait3A_1056] : memref<4096x832xf32, #tpu.memory_space<hbm>> -> memref<128x32xf32, #tpu.memory_space<hbm>>
      %dma_wait3A_1058 = arith.constant 1664 : i32
      %dma_wait3A_1059 = arith.constant 0 : i32
      %dma_wait3A_1060 = tpu.memref_slice %arg6[%dma_wait3A_1058, %dma_wait3A_1059] : memref<3328x32xf32, #tpu.memory_space<vmem>> -> memref<128x32xf32, #tpu.memory_space<vmem>>
      tpu.wait_dma2 semaphore(%run_scoped3A : memref<!tpu.dma_semaphore, #tpu.memory_space<semaphore_mem>>) src(%dma_wait3A_1060 : memref<128x32xf32, #tpu.memory_space<vmem>>) dst(%dma_wait3A_1057 : memref<128x32xf32, #tpu.memory_space<hbm>>)
      tpu.yield
    }) : () -> ()
    "tpu.region"() ({
      %run_scoped3A = tpu.sem_alloc : memref<!tpu.dma_semaphore, #tpu.memory_space<semaphore_mem>>
      %dma_start3A_1041 = arith.constant 1792 : i32
      %dma_start3A_1042 = arith.constant 0 : i32
      %dma_start3A_1043 = tpu.memref_slice %arg6[%dma_start3A_1041, %dma_start3A_1042] : memref<3328x32xf32, #tpu.memory_space<vmem>> -> memref<128x32xf32, #tpu.memory_space<vmem>>
      %dma_start3A_1044 = arith.constant 448 : i32
      %dma_start3A_1045 = tpu.memref_slice %arg4[%mul3A_2, %dma_start3A_1044] : memref<4096x832xf32, #tpu.memory_space<hbm>> -> memref<128x32xf32, #tpu.memory_space<hbm>>
      %dma_start3A_1046 = arith.constant 448 : i32
      %dma_start3A_1047 = tpu.memref_slice %arg4[%mul3A_2, %dma_start3A_1046] : memref<4096x832xf32, #tpu.memory_space<hbm>> -> memref<128x32xf32, #tpu.memory_space<hbm>>
      %dma_start3A_1048 = arith.constant 1792 : i32
      %dma_start3A_1049 = arith.constant 0 : i32
      %dma_start3A_1050 = tpu.memref_slice %arg6[%dma_start3A_1048, %dma_start3A_1049] : memref<3328x32xf32, #tpu.memory_space<vmem>> -> memref<128x32xf32, #tpu.memory_space<vmem>>
      tpu.enqueue_dma source(%dma_start3A_1050 : memref<128x32xf32, #tpu.memory_space<vmem>>) target(%dma_start3A_1047 : memref<128x32xf32, #tpu.memory_space<hbm>>) target_semaphore(%run_scoped3A : memref<!tpu.dma_semaphore, #tpu.memory_space<semaphore_mem>>)
      %dma_wait3A_1051 = arith.constant 1792 : i32
      %dma_wait3A_1052 = arith.constant 0 : i32
      %dma_wait3A_1053 = tpu.memref_slice %arg6[%dma_wait3A_1051, %dma_wait3A_1052] : memref<3328x32xf32, #tpu.memory_space<vmem>> -> memref<128x32xf32, #tpu.memory_space<vmem>>
      %dma_wait3A_1054 = arith.constant 448 : i32
      %dma_wait3A_1055 = tpu.memref_slice %arg4[%mul3A_2, %dma_wait3A_1054] : memref<4096x832xf32, #tpu.memory_space<hbm>> -> memref<128x32xf32, #tpu.memory_space<hbm>>
      %dma_wait3A_1056 = arith.constant 448 : i32
      %dma_wait3A_1057 = tpu.memref_slice %arg4[%mul3A_2, %dma_wait3A_1056] : memref<4096x832xf32, #tpu.memory_space<hbm>> -> memref<128x32xf32, #tpu.memory_space<hbm>>
      %dma_wait3A_1058 = arith.constant 1792 : i32
      %dma_wait3A_1059 = arith.constant 0 : i32
      %dma_wait3A_1060 = tpu.memref_slice %arg6[%dma_wait3A_1058, %dma_wait3A_1059] : memref<3328x32xf32, #tpu.memory_space<vmem>> -> memref<128x32xf32, #tpu.memory_space<vmem>>
      tpu.wait_dma2 semaphore(%run_scoped3A : memref<!tpu.dma_semaphore, #tpu.memory_space<semaphore_mem>>) src(%dma_wait3A_1060 : memref<128x32xf32, #tpu.memory_space<vmem>>) dst(%dma_wait3A_1057 : memref<128x32xf32, #tpu.memory_space<hbm>>)
      tpu.yield
    }) : () -> ()
    "tpu.region"() ({
      %run_scoped3A = tpu.sem_alloc : memref<!tpu.dma_semaphore, #tpu.memory_space<semaphore_mem>>
      %dma_start3A_1041 = arith.constant 1920 : i32
      %dma_start3A_1042 = arith.constant 0 : i32
      %dma_start3A_1043 = tpu.memref_slice %arg6[%dma_start3A_1041, %dma_start3A_1042] : memref<3328x32xf32, #tpu.memory_space<vmem>> -> memref<128x32xf32, #tpu.memory_space<vmem>>
      %dma_start3A_1044 = arith.constant 480 : i32
      %dma_start3A_1045 = tpu.memref_slice %arg4[%mul3A_2, %dma_start3A_1044] : memref<4096x832xf32, #tpu.memory_space<hbm>> -> memref<128x32xf32, #tpu.memory_space<hbm>>
      %dma_start3A_1046 = arith.constant 480 : i32
      %dma_start3A_1047 = tpu.memref_slice %arg4[%mul3A_2, %dma_start3A_1046] : memref<4096x832xf32, #tpu.memory_space<hbm>> -> memref<128x32xf32, #tpu.memory_space<hbm>>
      %dma_start3A_1048 = arith.constant 1920 : i32
      %dma_start3A_1049 = arith.constant 0 : i32
      %dma_start3A_1050 = tpu.memref_slice %arg6[%dma_start3A_1048, %dma_start3A_1049] : memref<3328x32xf32, #tpu.memory_space<vmem>> -> memref<128x32xf32, #tpu.memory_space<vmem>>
      tpu.enqueue_dma source(%dma_start3A_1050 : memref<128x32xf32, #tpu.memory_space<vmem>>) target(%dma_start3A_1047 : memref<128x32xf32, #tpu.memory_space<hbm>>) target_semaphore(%run_scoped3A : memref<!tpu.dma_semaphore, #tpu.memory_space<semaphore_mem>>)
      %dma_wait3A_1051 = arith.constant 1920 : i32
      %dma_wait3A_1052 = arith.constant 0 : i32
      %dma_wait3A_1053 = tpu.memref_slice %arg6[%dma_wait3A_1051, %dma_wait3A_1052] : memref<3328x32xf32, #tpu.memory_space<vmem>> -> memref<128x32xf32, #tpu.memory_space<vmem>>
      %dma_wait3A_1054 = arith.constant 480 : i32
      %dma_wait3A_1055 = tpu.memref_slice %arg4[%mul3A_2, %dma_wait3A_1054] : memref<4096x832xf32, #tpu.memory_space<hbm>> -> memref<128x32xf32, #tpu.memory_space<hbm>>
      %dma_wait3A_1056 = arith.constant 480 : i32
      %dma_wait3A_1057 = tpu.memref_slice %arg4[%mul3A_2, %dma_wait3A_1056] : memref<4096x832xf32, #tpu.memory_space<hbm>> -> memref<128x32xf32, #tpu.memory_space<hbm>>
      %dma_wait3A_1058 = arith.constant 1920 : i32
      %dma_wait3A_1059 = arith.constant 0 : i32
      %dma_wait3A_1060 = tpu.memref_slice %arg6[%dma_wait3A_1058, %dma_wait3A_1059] : memref<3328x32xf32, #tpu.memory_space<vmem>> -> memref<128x32xf32, #tpu.memory_space<vmem>>
      tpu.wait_dma2 semaphore(%run_scoped3A : memref<!tpu.dma_semaphore, #tpu.memory_space<semaphore_mem>>) src(%dma_wait3A_1060 : memref<128x32xf32, #tpu.memory_space<vmem>>) dst(%dma_wait3A_1057 : memref<128x32xf32, #tpu.memory_space<hbm>>)
      tpu.yield
    }) : () -> ()
    "tpu.region"() ({
      %run_scoped3A = tpu.sem_alloc : memref<!tpu.dma_semaphore, #tpu.memory_space<semaphore_mem>>
      %dma_start3A_1041 = arith.constant 2048 : i32
      %dma_start3A_1042 = arith.constant 0 : i32
      %dma_start3A_1043 = tpu.memref_slice %arg6[%dma_start3A_1041, %dma_start3A_1042] : memref<3328x32xf32, #tpu.memory_space<vmem>> -> memref<128x32xf32, #tpu.memory_space<vmem>>
      %dma_start3A_1044 = arith.constant 512 : i32
      %dma_start3A_1045 = tpu.memref_slice %arg4[%mul3A_2, %dma_start3A_1044] : memref<4096x832xf32, #tpu.memory_space<hbm>> -> memref<128x32xf32, #tpu.memory_space<hbm>>
      %dma_start3A_1046 = arith.constant 512 : i32
      %dma_start3A_1047 = tpu.memref_slice %arg4[%mul3A_2, %dma_start3A_1046] : memref<4096x832xf32, #tpu.memory_space<hbm>> -> memref<128x32xf32, #tpu.memory_space<hbm>>
      %dma_start3A_1048 = arith.constant 2048 : i32
      %dma_start3A_1049 = arith.constant 0 : i32
      %dma_start3A_1050 = tpu.memref_slice %arg6[%dma_start3A_1048, %dma_start3A_1049] : memref<3328x32xf32, #tpu.memory_space<vmem>> -> memref<128x32xf32, #tpu.memory_space<vmem>>
      tpu.enqueue_dma source(%dma_start3A_1050 : memref<128x32xf32, #tpu.memory_space<vmem>>) target(%dma_start3A_1047 : memref<128x32xf32, #tpu.memory_space<hbm>>) target_semaphore(%run_scoped3A : memref<!tpu.dma_semaphore, #tpu.memory_space<semaphore_mem>>)
      %dma_wait3A_1051 = arith.constant 2048 : i32
      %dma_wait3A_1052 = arith.constant 0 : i32
      %dma_wait3A_1053 = tpu.memref_slice %arg6[%dma_wait3A_1051, %dma_wait3A_1052] : memref<3328x32xf32, #tpu.memory_space<vmem>> -> memref<128x32xf32, #tpu.memory_space<vmem>>
      %dma_wait3A_1054 = arith.constant 512 : i32
      %dma_wait3A_1055 = tpu.memref_slice %arg4[%mul3A_2, %dma_wait3A_1054] : memref<4096x832xf32, #tpu.memory_space<hbm>> -> memref<128x32xf32, #tpu.memory_space<hbm>>
      %dma_wait3A_1056 = arith.constant 512 : i32
      %dma_wait3A_1057 = tpu.memref_slice %arg4[%mul3A_2, %dma_wait3A_1056] : memref<4096x832xf32, #tpu.memory_space<hbm>> -> memref<128x32xf32, #tpu.memory_space<hbm>>
      %dma_wait3A_1058 = arith.constant 2048 : i32
      %dma_wait3A_1059 = arith.constant 0 : i32
      %dma_wait3A_1060 = tpu.memref_slice %arg6[%dma_wait3A_1058, %dma_wait3A_1059] : memref<3328x32xf32, #tpu.memory_space<vmem>> -> memref<128x32xf32, #tpu.memory_space<vmem>>
      tpu.wait_dma2 semaphore(%run_scoped3A : memref<!tpu.dma_semaphore, #tpu.memory_space<semaphore_mem>>) src(%dma_wait3A_1060 : memref<128x32xf32, #tpu.memory_space<vmem>>) dst(%dma_wait3A_1057 : memref<128x32xf32, #tpu.memory_space<hbm>>)
      tpu.yield
    }) : () -> ()
    "tpu.region"() ({
      %run_scoped3A = tpu.sem_alloc : memref<!tpu.dma_semaphore, #tpu.memory_space<semaphore_mem>>
      %dma_start3A_1041 = arith.constant 2176 : i32
      %dma_start3A_1042 = arith.constant 0 : i32
      %dma_start3A_1043 = tpu.memref_slice %arg6[%dma_start3A_1041, %dma_start3A_1042] : memref<3328x32xf32, #tpu.memory_space<vmem>> -> memref<128x32xf32, #tpu.memory_space<vmem>>
      %dma_start3A_1044 = arith.constant 544 : i32
      %dma_start3A_1045 = tpu.memref_slice %arg4[%mul3A_2, %dma_start3A_1044] : memref<4096x832xf32, #tpu.memory_space<hbm>> -> memref<128x32xf32, #tpu.memory_space<hbm>>
      %dma_start3A_1046 = arith.constant 544 : i32
      %dma_start3A_1047 = tpu.memref_slice %arg4[%mul3A_2, %dma_start3A_1046] : memref<4096x832xf32, #tpu.memory_space<hbm>> -> memref<128x32xf32, #tpu.memory_space<hbm>>
      %dma_start3A_1048 = arith.constant 2176 : i32
      %dma_start3A_1049 = arith.constant 0 : i32
      %dma_start3A_1050 = tpu.memref_slice %arg6[%dma_start3A_1048, %dma_start3A_1049] : memref<3328x32xf32, #tpu.memory_space<vmem>> -> memref<128x32xf32, #tpu.memory_space<vmem>>
      tpu.enqueue_dma source(%dma_start3A_1050 : memref<128x32xf32, #tpu.memory_space<vmem>>) target(%dma_start3A_1047 : memref<128x32xf32, #tpu.memory_space<hbm>>) target_semaphore(%run_scoped3A : memref<!tpu.dma_semaphore, #tpu.memory_space<semaphore_mem>>)
      %dma_wait3A_1051 = arith.constant 2176 : i32
      %dma_wait3A_1052 = arith.constant 0 : i32
      %dma_wait3A_1053 = tpu.memref_slice %arg6[%dma_wait3A_1051, %dma_wait3A_1052] : memref<3328x32xf32, #tpu.memory_space<vmem>> -> memref<128x32xf32, #tpu.memory_space<vmem>>
      %dma_wait3A_1054 = arith.constant 544 : i32
      %dma_wait3A_1055 = tpu.memref_slice %arg4[%mul3A_2, %dma_wait3A_1054] : memref<4096x832xf32, #tpu.memory_space<hbm>> -> memref<128x32xf32, #tpu.memory_space<hbm>>
      %dma_wait3A_1056 = arith.constant 544 : i32
      %dma_wait3A_1057 = tpu.memref_slice %arg4[%mul3A_2, %dma_wait3A_1056] : memref<4096x832xf32, #tpu.memory_space<hbm>> -> memref<128x32xf32, #tpu.memory_space<hbm>>
      %dma_wait3A_1058 = arith.constant 2176 : i32
      %dma_wait3A_1059 = arith.constant 0 : i32
      %dma_wait3A_1060 = tpu.memref_slice %arg6[%dma_wait3A_1058, %dma_wait3A_1059] : memref<3328x32xf32, #tpu.memory_space<vmem>> -> memref<128x32xf32, #tpu.memory_space<vmem>>
      tpu.wait_dma2 semaphore(%run_scoped3A : memref<!tpu.dma_semaphore, #tpu.memory_space<semaphore_mem>>) src(%dma_wait3A_1060 : memref<128x32xf32, #tpu.memory_space<vmem>>) dst(%dma_wait3A_1057 : memref<128x32xf32, #tpu.memory_space<hbm>>)
      tpu.yield
    }) : () -> ()
    "tpu.region"() ({
      %run_scoped3A = tpu.sem_alloc : memref<!tpu.dma_semaphore, #tpu.memory_space<semaphore_mem>>
      %dma_start3A_1041 = arith.constant 2304 : i32
      %dma_start3A_1042 = arith.constant 0 : i32
      %dma_start3A_1043 = tpu.memref_slice %arg6[%dma_start3A_1041, %dma_start3A_1042] : memref<3328x32xf32, #tpu.memory_space<vmem>> -> memref<128x32xf32, #tpu.memory_space<vmem>>
      %dma_start3A_1044 = arith.constant 576 : i32
      %dma_start3A_1045 = tpu.memref_slice %arg4[%mul3A_2, %dma_start3A_1044] : memref<4096x832xf32, #tpu.memory_space<hbm>> -> memref<128x32xf32, #tpu.memory_space<hbm>>
      %dma_start3A_1046 = arith.constant 576 : i32
      %dma_start3A_1047 = tpu.memref_slice %arg4[%mul3A_2, %dma_start3A_1046] : memref<4096x832xf32, #tpu.memory_space<hbm>> -> memref<128x32xf32, #tpu.memory_space<hbm>>
      %dma_start3A_1048 = arith.constant 2304 : i32
      %dma_start3A_1049 = arith.constant 0 : i32
      %dma_start3A_1050 = tpu.memref_slice %arg6[%dma_start3A_1048, %dma_start3A_1049] : memref<3328x32xf32, #tpu.memory_space<vmem>> -> memref<128x32xf32, #tpu.memory_space<vmem>>
      tpu.enqueue_dma source(%dma_start3A_1050 : memref<128x32xf32, #tpu.memory_space<vmem>>) target(%dma_start3A_1047 : memref<128x32xf32, #tpu.memory_space<hbm>>) target_semaphore(%run_scoped3A : memref<!tpu.dma_semaphore, #tpu.memory_space<semaphore_mem>>)
      %dma_wait3A_1051 = arith.constant 2304 : i32
      %dma_wait3A_1052 = arith.constant 0 : i32
      %dma_wait3A_1053 = tpu.memref_slice %arg6[%dma_wait3A_1051, %dma_wait3A_1052] : memref<3328x32xf32, #tpu.memory_space<vmem>> -> memref<128x32xf32, #tpu.memory_space<vmem>>
      %dma_wait3A_1054 = arith.constant 576 : i32
      %dma_wait3A_1055 = tpu.memref_slice %arg4[%mul3A_2, %dma_wait3A_1054] : memref<4096x832xf32, #tpu.memory_space<hbm>> -> memref<128x32xf32, #tpu.memory_space<hbm>>
      %dma_wait3A_1056 = arith.constant 576 : i32
      %dma_wait3A_1057 = tpu.memref_slice %arg4[%mul3A_2, %dma_wait3A_1056] : memref<4096x832xf32, #tpu.memory_space<hbm>> -> memref<128x32xf32, #tpu.memory_space<hbm>>
      %dma_wait3A_1058 = arith.constant 2304 : i32
      %dma_wait3A_1059 = arith.constant 0 : i32
      %dma_wait3A_1060 = tpu.memref_slice %arg6[%dma_wait3A_1058, %dma_wait3A_1059] : memref<3328x32xf32, #tpu.memory_space<vmem>> -> memref<128x32xf32, #tpu.memory_space<vmem>>
      tpu.wait_dma2 semaphore(%run_scoped3A : memref<!tpu.dma_semaphore, #tpu.memory_space<semaphore_mem>>) src(%dma_wait3A_1060 : memref<128x32xf32, #tpu.memory_space<vmem>>) dst(%dma_wait3A_1057 : memref<128x32xf32, #tpu.memory_space<hbm>>)
      tpu.yield
    }) : () -> ()
    "tpu.region"() ({
      %run_scoped3A = tpu.sem_alloc : memref<!tpu.dma_semaphore, #tpu.memory_space<semaphore_mem>>
      %dma_start3A_1041 = arith.constant 2432 : i32
      %dma_start3A_1042 = arith.constant 0 : i32
      %dma_start3A_1043 = tpu.memref_slice %arg6[%dma_start3A_1041, %dma_start3A_1042] : memref<3328x32xf32, #tpu.memory_space<vmem>> -> memref<128x32xf32, #tpu.memory_space<vmem>>
      %dma_start3A_1044 = arith.constant 608 : i32
      %dma_start3A_1045 = tpu.memref_slice %arg4[%mul3A_2, %dma_start3A_1044] : memref<4096x832xf32, #tpu.memory_space<hbm>> -> memref<128x32xf32, #tpu.memory_space<hbm>>
      %dma_start3A_1046 = arith.constant 608 : i32
      %dma_start3A_1047 = tpu.memref_slice %arg4[%mul3A_2, %dma_start3A_1046] : memref<4096x832xf32, #tpu.memory_space<hbm>> -> memref<128x32xf32, #tpu.memory_space<hbm>>
      %dma_start3A_1048 = arith.constant 2432 : i32
      %dma_start3A_1049 = arith.constant 0 : i32
      %dma_start3A_1050 = tpu.memref_slice %arg6[%dma_start3A_1048, %dma_start3A_1049] : memref<3328x32xf32, #tpu.memory_space<vmem>> -> memref<128x32xf32, #tpu.memory_space<vmem>>
      tpu.enqueue_dma source(%dma_start3A_1050 : memref<128x32xf32, #tpu.memory_space<vmem>>) target(%dma_start3A_1047 : memref<128x32xf32, #tpu.memory_space<hbm>>) target_semaphore(%run_scoped3A : memref<!tpu.dma_semaphore, #tpu.memory_space<semaphore_mem>>)
      %dma_wait3A_1051 = arith.constant 2432 : i32
      %dma_wait3A_1052 = arith.constant 0 : i32
      %dma_wait3A_1053 = tpu.memref_slice %arg6[%dma_wait3A_1051, %dma_wait3A_1052] : memref<3328x32xf32, #tpu.memory_space<vmem>> -> memref<128x32xf32, #tpu.memory_space<vmem>>
      %dma_wait3A_1054 = arith.constant 608 : i32
      %dma_wait3A_1055 = tpu.memref_slice %arg4[%mul3A_2, %dma_wait3A_1054] : memref<4096x832xf32, #tpu.memory_space<hbm>> -> memref<128x32xf32, #tpu.memory_space<hbm>>
      %dma_wait3A_1056 = arith.constant 608 : i32
      %dma_wait3A_1057 = tpu.memref_slice %arg4[%mul3A_2, %dma_wait3A_1056] : memref<4096x832xf32, #tpu.memory_space<hbm>> -> memref<128x32xf32, #tpu.memory_space<hbm>>
      %dma_wait3A_1058 = arith.constant 2432 : i32
      %dma_wait3A_1059 = arith.constant 0 : i32
      %dma_wait3A_1060 = tpu.memref_slice %arg6[%dma_wait3A_1058, %dma_wait3A_1059] : memref<3328x32xf32, #tpu.memory_space<vmem>> -> memref<128x32xf32, #tpu.memory_space<vmem>>
      tpu.wait_dma2 semaphore(%run_scoped3A : memref<!tpu.dma_semaphore, #tpu.memory_space<semaphore_mem>>) src(%dma_wait3A_1060 : memref<128x32xf32, #tpu.memory_space<vmem>>) dst(%dma_wait3A_1057 : memref<128x32xf32, #tpu.memory_space<hbm>>)
      tpu.yield
    }) : () -> ()
    "tpu.region"() ({
      %run_scoped3A = tpu.sem_alloc : memref<!tpu.dma_semaphore, #tpu.memory_space<semaphore_mem>>
      %dma_start3A_1041 = arith.constant 2560 : i32
      %dma_start3A_1042 = arith.constant 0 : i32
      %dma_start3A_1043 = tpu.memref_slice %arg6[%dma_start3A_1041, %dma_start3A_1042] : memref<3328x32xf32, #tpu.memory_space<vmem>> -> memref<128x32xf32, #tpu.memory_space<vmem>>
      %dma_start3A_1044 = arith.constant 640 : i32
      %dma_start3A_1045 = tpu.memref_slice %arg4[%mul3A_2, %dma_start3A_1044] : memref<4096x832xf32, #tpu.memory_space<hbm>> -> memref<128x32xf32, #tpu.memory_space<hbm>>
      %dma_start3A_1046 = arith.constant 640 : i32
      %dma_start3A_1047 = tpu.memref_slice %arg4[%mul3A_2, %dma_start3A_1046] : memref<4096x832xf32, #tpu.memory_space<hbm>> -> memref<128x32xf32, #tpu.memory_space<hbm>>
      %dma_start3A_1048 = arith.constant 2560 : i32
      %dma_start3A_1049 = arith.constant 0 : i32
      %dma_start3A_1050 = tpu.memref_slice %arg6[%dma_start3A_1048, %dma_start3A_1049] : memref<3328x32xf32, #tpu.memory_space<vmem>> -> memref<128x32xf32, #tpu.memory_space<vmem>>
      tpu.enqueue_dma source(%dma_start3A_1050 : memref<128x32xf32, #tpu.memory_space<vmem>>) target(%dma_start3A_1047 : memref<128x32xf32, #tpu.memory_space<hbm>>) target_semaphore(%run_scoped3A : memref<!tpu.dma_semaphore, #tpu.memory_space<semaphore_mem>>)
      %dma_wait3A_1051 = arith.constant 2560 : i32
      %dma_wait3A_1052 = arith.constant 0 : i32
      %dma_wait3A_1053 = tpu.memref_slice %arg6[%dma_wait3A_1051, %dma_wait3A_1052] : memref<3328x32xf32, #tpu.memory_space<vmem>> -> memref<128x32xf32, #tpu.memory_space<vmem>>
      %dma_wait3A_1054 = arith.constant 640 : i32
      %dma_wait3A_1055 = tpu.memref_slice %arg4[%mul3A_2, %dma_wait3A_1054] : memref<4096x832xf32, #tpu.memory_space<hbm>> -> memref<128x32xf32, #tpu.memory_space<hbm>>
      %dma_wait3A_1056 = arith.constant 640 : i32
      %dma_wait3A_1057 = tpu.memref_slice %arg4[%mul3A_2, %dma_wait3A_1056] : memref<4096x832xf32, #tpu.memory_space<hbm>> -> memref<128x32xf32, #tpu.memory_space<hbm>>
      %dma_wait3A_1058 = arith.constant 2560 : i32
      %dma_wait3A_1059 = arith.constant 0 : i32
      %dma_wait3A_1060 = tpu.memref_slice %arg6[%dma_wait3A_1058, %dma_wait3A_1059] : memref<3328x32xf32, #tpu.memory_space<vmem>> -> memref<128x32xf32, #tpu.memory_space<vmem>>
      tpu.wait_dma2 semaphore(%run_scoped3A : memref<!tpu.dma_semaphore, #tpu.memory_space<semaphore_mem>>) src(%dma_wait3A_1060 : memref<128x32xf32, #tpu.memory_space<vmem>>) dst(%dma_wait3A_1057 : memref<128x32xf32, #tpu.memory_space<hbm>>)
      tpu.yield
    }) : () -> ()
    "tpu.region"() ({
      %run_scoped3A = tpu.sem_alloc : memref<!tpu.dma_semaphore, #tpu.memory_space<semaphore_mem>>
      %dma_start3A_1041 = arith.constant 2688 : i32
      %dma_start3A_1042 = arith.constant 0 : i32
      %dma_start3A_1043 = tpu.memref_slice %arg6[%dma_start3A_1041, %dma_start3A_1042] : memref<3328x32xf32, #tpu.memory_space<vmem>> -> memref<128x32xf32, #tpu.memory_space<vmem>>
      %dma_start3A_1044 = arith.constant 672 : i32
      %dma_start3A_1045 = tpu.memref_slice %arg4[%mul3A_2, %dma_start3A_1044] : memref<4096x832xf32, #tpu.memory_space<hbm>> -> memref<128x32xf32, #tpu.memory_space<hbm>>
      %dma_start3A_1046 = arith.constant 672 : i32
      %dma_start3A_1047 = tpu.memref_slice %arg4[%mul3A_2, %dma_start3A_1046] : memref<4096x832xf32, #tpu.memory_space<hbm>> -> memref<128x32xf32, #tpu.memory_space<hbm>>
      %dma_start3A_1048 = arith.constant 2688 : i32
      %dma_start3A_1049 = arith.constant 0 : i32
      %dma_start3A_1050 = tpu.memref_slice %arg6[%dma_start3A_1048, %dma_start3A_1049] : memref<3328x32xf32, #tpu.memory_space<vmem>> -> memref<128x32xf32, #tpu.memory_space<vmem>>
      tpu.enqueue_dma source(%dma_start3A_1050 : memref<128x32xf32, #tpu.memory_space<vmem>>) target(%dma_start3A_1047 : memref<128x32xf32, #tpu.memory_space<hbm>>) target_semaphore(%run_scoped3A : memref<!tpu.dma_semaphore, #tpu.memory_space<semaphore_mem>>)
      %dma_wait3A_1051 = arith.constant 2688 : i32
      %dma_wait3A_1052 = arith.constant 0 : i32
      %dma_wait3A_1053 = tpu.memref_slice %arg6[%dma_wait3A_1051, %dma_wait3A_1052] : memref<3328x32xf32, #tpu.memory_space<vmem>> -> memref<128x32xf32, #tpu.memory_space<vmem>>
      %dma_wait3A_1054 = arith.constant 672 : i32
      %dma_wait3A_1055 = tpu.memref_slice %arg4[%mul3A_2, %dma_wait3A_1054] : memref<4096x832xf32, #tpu.memory_space<hbm>> -> memref<128x32xf32, #tpu.memory_space<hbm>>
      %dma_wait3A_1056 = arith.constant 672 : i32
      %dma_wait3A_1057 = tpu.memref_slice %arg4[%mul3A_2, %dma_wait3A_1056] : memref<4096x832xf32, #tpu.memory_space<hbm>> -> memref<128x32xf32, #tpu.memory_space<hbm>>
      %dma_wait3A_1058 = arith.constant 2688 : i32
      %dma_wait3A_1059 = arith.constant 0 : i32
      %dma_wait3A_1060 = tpu.memref_slice %arg6[%dma_wait3A_1058, %dma_wait3A_1059] : memref<3328x32xf32, #tpu.memory_space<vmem>> -> memref<128x32xf32, #tpu.memory_space<vmem>>
      tpu.wait_dma2 semaphore(%run_scoped3A : memref<!tpu.dma_semaphore, #tpu.memory_space<semaphore_mem>>) src(%dma_wait3A_1060 : memref<128x32xf32, #tpu.memory_space<vmem>>) dst(%dma_wait3A_1057 : memref<128x32xf32, #tpu.memory_space<hbm>>)
      tpu.yield
    }) : () -> ()
    "tpu.region"() ({
      %run_scoped3A = tpu.sem_alloc : memref<!tpu.dma_semaphore, #tpu.memory_space<semaphore_mem>>
      %dma_start3A_1041 = arith.constant 2816 : i32
      %dma_start3A_1042 = arith.constant 0 : i32
      %dma_start3A_1043 = tpu.memref_slice %arg6[%dma_start3A_1041, %dma_start3A_1042] : memref<3328x32xf32, #tpu.memory_space<vmem>> -> memref<128x32xf32, #tpu.memory_space<vmem>>
      %dma_start3A_1044 = arith.constant 704 : i32
      %dma_start3A_1045 = tpu.memref_slice %arg4[%mul3A_2, %dma_start3A_1044] : memref<4096x832xf32, #tpu.memory_space<hbm>> -> memref<128x32xf32, #tpu.memory_space<hbm>>
      %dma_start3A_1046 = arith.constant 704 : i32
      %dma_start3A_1047 = tpu.memref_slice %arg4[%mul3A_2, %dma_start3A_1046] : memref<4096x832xf32, #tpu.memory_space<hbm>> -> memref<128x32xf32, #tpu.memory_space<hbm>>
      %dma_start3A_1048 = arith.constant 2816 : i32
      %dma_start3A_1049 = arith.constant 0 : i32
      %dma_start3A_1050 = tpu.memref_slice %arg6[%dma_start3A_1048, %dma_start3A_1049] : memref<3328x32xf32, #tpu.memory_space<vmem>> -> memref<128x32xf32, #tpu.memory_space<vmem>>
      tpu.enqueue_dma source(%dma_start3A_1050 : memref<128x32xf32, #tpu.memory_space<vmem>>) target(%dma_start3A_1047 : memref<128x32xf32, #tpu.memory_space<hbm>>) target_semaphore(%run_scoped3A : memref<!tpu.dma_semaphore, #tpu.memory_space<semaphore_mem>>)
      %dma_wait3A_1051 = arith.constant 2816 : i32
      %dma_wait3A_1052 = arith.constant 0 : i32
      %dma_wait3A_1053 = tpu.memref_slice %arg6[%dma_wait3A_1051, %dma_wait3A_1052] : memref<3328x32xf32, #tpu.memory_space<vmem>> -> memref<128x32xf32, #tpu.memory_space<vmem>>
      %dma_wait3A_1054 = arith.constant 704 : i32
      %dma_wait3A_1055 = tpu.memref_slice %arg4[%mul3A_2, %dma_wait3A_1054] : memref<4096x832xf32, #tpu.memory_space<hbm>> -> memref<128x32xf32, #tpu.memory_space<hbm>>
      %dma_wait3A_1056 = arith.constant 704 : i32
      %dma_wait3A_1057 = tpu.memref_slice %arg4[%mul3A_2, %dma_wait3A_1056] : memref<4096x832xf32, #tpu.memory_space<hbm>> -> memref<128x32xf32, #tpu.memory_space<hbm>>
      %dma_wait3A_1058 = arith.constant 2816 : i32
      %dma_wait3A_1059 = arith.constant 0 : i32
      %dma_wait3A_1060 = tpu.memref_slice %arg6[%dma_wait3A_1058, %dma_wait3A_1059] : memref<3328x32xf32, #tpu.memory_space<vmem>> -> memref<128x32xf32, #tpu.memory_space<vmem>>
      tpu.wait_dma2 semaphore(%run_scoped3A : memref<!tpu.dma_semaphore, #tpu.memory_space<semaphore_mem>>) src(%dma_wait3A_1060 : memref<128x32xf32, #tpu.memory_space<vmem>>) dst(%dma_wait3A_1057 : memref<128x32xf32, #tpu.memory_space<hbm>>)
      tpu.yield
    }) : () -> ()
    "tpu.region"() ({
      %run_scoped3A = tpu.sem_alloc : memref<!tpu.dma_semaphore, #tpu.memory_space<semaphore_mem>>
      %dma_start3A_1041 = arith.constant 2944 : i32
      %dma_start3A_1042 = arith.constant 0 : i32
      %dma_start3A_1043 = tpu.memref_slice %arg6[%dma_start3A_1041, %dma_start3A_1042] : memref<3328x32xf32, #tpu.memory_space<vmem>> -> memref<128x32xf32, #tpu.memory_space<vmem>>
      %dma_start3A_1044 = arith.constant 736 : i32
      %dma_start3A_1045 = tpu.memref_slice %arg4[%mul3A_2, %dma_start3A_1044] : memref<4096x832xf32, #tpu.memory_space<hbm>> -> memref<128x32xf32, #tpu.memory_space<hbm>>
      %dma_start3A_1046 = arith.constant 736 : i32
      %dma_start3A_1047 = tpu.memref_slice %arg4[%mul3A_2, %dma_start3A_1046] : memref<4096x832xf32, #tpu.memory_space<hbm>> -> memref<128x32xf32, #tpu.memory_space<hbm>>
      %dma_start3A_1048 = arith.constant 2944 : i32
      %dma_start3A_1049 = arith.constant 0 : i32
      %dma_start3A_1050 = tpu.memref_slice %arg6[%dma_start3A_1048, %dma_start3A_1049] : memref<3328x32xf32, #tpu.memory_space<vmem>> -> memref<128x32xf32, #tpu.memory_space<vmem>>
      tpu.enqueue_dma source(%dma_start3A_1050 : memref<128x32xf32, #tpu.memory_space<vmem>>) target(%dma_start3A_1047 : memref<128x32xf32, #tpu.memory_space<hbm>>) target_semaphore(%run_scoped3A : memref<!tpu.dma_semaphore, #tpu.memory_space<semaphore_mem>>)
      %dma_wait3A_1051 = arith.constant 2944 : i32
      %dma_wait3A_1052 = arith.constant 0 : i32
      %dma_wait3A_1053 = tpu.memref_slice %arg6[%dma_wait3A_1051, %dma_wait3A_1052] : memref<3328x32xf32, #tpu.memory_space<vmem>> -> memref<128x32xf32, #tpu.memory_space<vmem>>
      %dma_wait3A_1054 = arith.constant 736 : i32
      %dma_wait3A_1055 = tpu.memref_slice %arg4[%mul3A_2, %dma_wait3A_1054] : memref<4096x832xf32, #tpu.memory_space<hbm>> -> memref<128x32xf32, #tpu.memory_space<hbm>>
      %dma_wait3A_1056 = arith.constant 736 : i32
      %dma_wait3A_1057 = tpu.memref_slice %arg4[%mul3A_2, %dma_wait3A_1056] : memref<4096x832xf32, #tpu.memory_space<hbm>> -> memref<128x32xf32, #tpu.memory_space<hbm>>
      %dma_wait3A_1058 = arith.constant 2944 : i32
      %dma_wait3A_1059 = arith.constant 0 : i32
      %dma_wait3A_1060 = tpu.memref_slice %arg6[%dma_wait3A_1058, %dma_wait3A_1059] : memref<3328x32xf32, #tpu.memory_space<vmem>> -> memref<128x32xf32, #tpu.memory_space<vmem>>
      tpu.wait_dma2 semaphore(%run_scoped3A : memref<!tpu.dma_semaphore, #tpu.memory_space<semaphore_mem>>) src(%dma_wait3A_1060 : memref<128x32xf32, #tpu.memory_space<vmem>>) dst(%dma_wait3A_1057 : memref<128x32xf32, #tpu.memory_space<hbm>>)
      tpu.yield
    }) : () -> ()
    "tpu.region"() ({
      %run_scoped3A = tpu.sem_alloc : memref<!tpu.dma_semaphore, #tpu.memory_space<semaphore_mem>>
      %dma_start3A_1041 = arith.constant 3072 : i32
      %dma_start3A_1042 = arith.constant 0 : i32
      %dma_start3A_1043 = tpu.memref_slice %arg6[%dma_start3A_1041, %dma_start3A_1042] : memref<3328x32xf32, #tpu.memory_space<vmem>> -> memref<128x32xf32, #tpu.memory_space<vmem>>
      %dma_start3A_1044 = arith.constant 768 : i32
      %dma_start3A_1045 = tpu.memref_slice %arg4[%mul3A_2, %dma_start3A_1044] : memref<4096x832xf32, #tpu.memory_space<hbm>> -> memref<128x32xf32, #tpu.memory_space<hbm>>
      %dma_start3A_1046 = arith.constant 768 : i32
      %dma_start3A_1047 = tpu.memref_slice %arg4[%mul3A_2, %dma_start3A_1046] : memref<4096x832xf32, #tpu.memory_space<hbm>> -> memref<128x32xf32, #tpu.memory_space<hbm>>
      %dma_start3A_1048 = arith.constant 3072 : i32
      %dma_start3A_1049 = arith.constant 0 : i32
      %dma_start3A_1050 = tpu.memref_slice %arg6[%dma_start3A_1048, %dma_start3A_1049] : memref<3328x32xf32, #tpu.memory_space<vmem>> -> memref<128x32xf32, #tpu.memory_space<vmem>>
      tpu.enqueue_dma source(%dma_start3A_1050 : memref<128x32xf32, #tpu.memory_space<vmem>>) target(%dma_start3A_1047 : memref<128x32xf32, #tpu.memory_space<hbm>>) target_semaphore(%run_scoped3A : memref<!tpu.dma_semaphore, #tpu.memory_space<semaphore_mem>>)
      %dma_wait3A_1051 = arith.constant 3072 : i32
      %dma_wait3A_1052 = arith.constant 0 : i32
      %dma_wait3A_1053 = tpu.memref_slice %arg6[%dma_wait3A_1051, %dma_wait3A_1052] : memref<3328x32xf32, #tpu.memory_space<vmem>> -> memref<128x32xf32, #tpu.memory_space<vmem>>
      %dma_wait3A_1054 = arith.constant 768 : i32
      %dma_wait3A_1055 = tpu.memref_slice %arg4[%mul3A_2, %dma_wait3A_1054] : memref<4096x832xf32, #tpu.memory_space<hbm>> -> memref<128x32xf32, #tpu.memory_space<hbm>>
      %dma_wait3A_1056 = arith.constant 768 : i32
      %dma_wait3A_1057 = tpu.memref_slice %arg4[%mul3A_2, %dma_wait3A_1056] : memref<4096x832xf32, #tpu.memory_space<hbm>> -> memref<128x32xf32, #tpu.memory_space<hbm>>
      %dma_wait3A_1058 = arith.constant 3072 : i32
      %dma_wait3A_1059 = arith.constant 0 : i32
      %dma_wait3A_1060 = tpu.memref_slice %arg6[%dma_wait3A_1058, %dma_wait3A_1059] : memref<3328x32xf32, #tpu.memory_space<vmem>> -> memref<128x32xf32, #tpu.memory_space<vmem>>
      tpu.wait_dma2 semaphore(%run_scoped3A : memref<!tpu.dma_semaphore, #tpu.memory_space<semaphore_mem>>) src(%dma_wait3A_1060 : memref<128x32xf32, #tpu.memory_space<vmem>>) dst(%dma_wait3A_1057 : memref<128x32xf32, #tpu.memory_space<hbm>>)
      tpu.yield
    }) : () -> ()
    "tpu.region"() ({
      %run_scoped3A = tpu.sem_alloc : memref<!tpu.dma_semaphore, #tpu.memory_space<semaphore_mem>>
      %dma_start3A_1041 = arith.constant 3200 : i32
      %dma_start3A_1042 = arith.constant 0 : i32
      %dma_start3A_1043 = tpu.memref_slice %arg6[%dma_start3A_1041, %dma_start3A_1042] : memref<3328x32xf32, #tpu.memory_space<vmem>> -> memref<128x32xf32, #tpu.memory_space<vmem>>
      %dma_start3A_1044 = arith.constant 800 : i32
      %dma_start3A_1045 = tpu.memref_slice %arg4[%mul3A_2, %dma_start3A_1044] : memref<4096x832xf32, #tpu.memory_space<hbm>> -> memref<128x32xf32, #tpu.memory_space<hbm>>
      %dma_start3A_1046 = arith.constant 800 : i32
      %dma_start3A_1047 = tpu.memref_slice %arg4[%mul3A_2, %dma_start3A_1046] : memref<4096x832xf32, #tpu.memory_space<hbm>> -> memref<128x32xf32, #tpu.memory_space<hbm>>
      %dma_start3A_1048 = arith.constant 3200 : i32
      %dma_start3A_1049 = arith.constant 0 : i32
      %dma_start3A_1050 = tpu.memref_slice %arg6[%dma_start3A_1048, %dma_start3A_1049] : memref<3328x32xf32, #tpu.memory_space<vmem>> -> memref<128x32xf32, #tpu.memory_space<vmem>>
      tpu.enqueue_dma source(%dma_start3A_1050 : memref<128x32xf32, #tpu.memory_space<vmem>>) target(%dma_start3A_1047 : memref<128x32xf32, #tpu.memory_space<hbm>>) target_semaphore(%run_scoped3A : memref<!tpu.dma_semaphore, #tpu.memory_space<semaphore_mem>>)
      %dma_wait3A_1051 = arith.constant 3200 : i32
      %dma_wait3A_1052 = arith.constant 0 : i32
      %dma_wait3A_1053 = tpu.memref_slice %arg6[%dma_wait3A_1051, %dma_wait3A_1052] : memref<3328x32xf32, #tpu.memory_space<vmem>> -> memref<128x32xf32, #tpu.memory_space<vmem>>
      %dma_wait3A_1054 = arith.constant 800 : i32
      %dma_wait3A_1055 = tpu.memref_slice %arg4[%mul3A_2, %dma_wait3A_1054] : memref<4096x832xf32, #tpu.memory_space<hbm>> -> memref<128x32xf32, #tpu.memory_space<hbm>>
      %dma_wait3A_1056 = arith.constant 800 : i32
      %dma_wait3A_1057 = tpu.memref_slice %arg4[%mul3A_2, %dma_wait3A_1056] : memref<4096x832xf32, #tpu.memory_space<hbm>> -> memref<128x32xf32, #tpu.memory_space<hbm>>
      %dma_wait3A_1058 = arith.constant 3200 : i32
      %dma_wait3A_1059 = arith.constant 0 : i32
      %dma_wait3A_1060 = tpu.memref_slice %arg6[%dma_wait3A_1058, %dma_wait3A_1059] : memref<3328x32xf32, #tpu.memory_space<vmem>> -> memref<128x32xf32, #tpu.memory_space<vmem>>
      tpu.wait_dma2 semaphore(%run_scoped3A : memref<!tpu.dma_semaphore, #tpu.memory_space<semaphore_mem>>) src(%dma_wait3A_1060 : memref<128x32xf32, #tpu.memory_space<vmem>>) dst(%dma_wait3A_1057 : memref<128x32xf32, #tpu.memory_space<hbm>>)
      tpu.yield
    }) : () -> ()
    return
  }
}

</mosaic_0001>

<sc_bundles>
// kernel: _sc_gather.3.cloned.1.call-start
scs
__scs_entry_jumppad:
0x0: {  	(pc) =	sbr.rel $0x88, $3  }
0x1: {  	(tag) =	ssettag $0x0;
	lr =	simm.s32 $0x1  }
0x2: {  	[smem:$0x3F9F] =	sst lr;
	_ =	strace $0xD0000000  }
0x3: {  	_ = 	snop  }
0x4: {  	_ = 	snop  }
0x5: {  	_ = 	snop  }
0x6: {  	_ = 	snop  }
0x7: {  	_ = 	snop  }
__scs_overlays_trampoline_lowered:
0x8: {  	[smem:$0x3FAE] =	sst s0  }
0x9: {  	[smem:$0x3FAF] =	sst s1  }
0xa: {  	[smem:$0x3FB0] =	sst s2  }
0xb: {  	[smem:$0x3FB1] =	sst s3  }
0xc: {  	[smem:$0x3FB2] =	sst s4  }
0xd: {  	[smem:$0x3FB3] =	sst s5  }
0xe: {  	[smem:$0x3FB4] =	sst s6  }
0xf: {  	[smem:$0x3FB5] =	sst s7  }
0x10: {  	[smem:$0x3FB6] =	sst s8  }
0x11: {  	[smem:$0x3FB7] =	sst s9;
	s0 =	simm.s32 @!p0 $0x0  }
0x12: {  	s1 =	sld [smem:$0x3F9D];
	s0 =	simm.s32 @p0 $0x1  }
0x13: {  	[smem:$0x3FB8] =	sst s0;
	s0 =	simm.s32 @!p1 $0x0  }
0x14: {  	s2 =	sld [smem:$0x3F9C];
	s0 =	simm.s32 @p1 $0x1  }
0x15: {  	[smem:$0x3FB9] =	sst s0;
	s0 =	simm.s32 @!p2 $0x0  }
0x16: {  	s3 =	sld [smem:$0x3FDB];
	s0 =	simm.s32 @p2 $0x1  }
0x17: {  	s4 =	simm.s32 $0x1BF5;
	[smem:$0x3FBB] =	sst s0  }
0x18: {  	s0 =	sld [smem:$0x3F9E];
	_ =	swait.ge [sflag:s4], $0x0  }
0x19: {  	s7 =	sld [smem:$0x3F9F]  }
0x1a: {  	s8 =	sadd.s32 $0xFFFFE003, lr  }
0x1b: {  	s9 =	sadd.s32 $0xFFFFFEF7, lr;
	s5 =	simm.s32 $0xFFFFFFFF;
	p2 =	slt.u32 s8, $0xFFFFF086  }
0x1c: {  	p1 =	slt.u32 s9, $0xF7A;
	s5 =	simm.s32 @!p2 $0x0  }
0x1d: {  	s5 =	simm.s32 @p1 $0x1;
	p0 =	seq.s32 s7, s2  }
0x1e: {  	s7 =	smul.u32 @!p0 $0xF7A, s2;
	p2 =	seq.s32 @!p0 s5, $0x0  }
0x1f: {  	s9 =	smul.u32 $0xF7A, s1;
	s8 =	simm.s32 @!p0 $0x1BF5;
	p2 =	por !p2, p0  }
0x20: {  	[sflag:s8] =	ssyncset.s32 @!p0 $0xFFFFF086;
	s6 =	sadd.s32 @!p0 s3, s7;
	s7 =	simm.s32 @!p0 $0x108  }
0x21: {  	s3 =	sadd.s32 s3, s9;
	s6 =	sadd.s32 @!p0 $0x88, s6;
	s7 =	simm.s32 @p2 $0x1082  }
0x22: {  	[simem:s7], [sflag:s8] =	dma.local @!p0 [hbm:s6], $0xF7A  }
0x23: {  	s9 =	sor.u32 $0xD0000000, s2;
	s6 =	simm.s32 $0x108;
	_ =	swait.ge @!p0 [sflag:s8], $0x0  }
0x24: {  	s3 =	sadd.s32 $0x88, s3;
	s6 =	simm.s32 @!p1 $0x1082;
	[sflag:s4] =	ssyncset.s32 $0xFFFFF086  }
0x25: {  	[simem:s6], [sflag:s4] =	dma.local [hbm:s3], $0xF7A  }
0x26: {  	[smem:$0x3F9F] =	sst s1;
	(tag) =	ssettag s2;
	_ =	strace s9  }
0x27: {  	s1 =	sld [smem:$0x3FAF]  }
0x28: {  	s2 =	sld [smem:$0x3FB0]  }
0x29: {  	s4 =	sld [smem:$0x3FB2]  }
0x2a: {  	p0 =	seq.s32 s5, $0x0;
	s5 =	sld [smem:$0x3FB3]  }
0x2b: {  	s6 =	sld [smem:$0x3FB4]  }
0x2c: {  	s7 =	sld [smem:$0x3FB5]  }
0x2d: {  	s3 =	simm.s32 $0x108;
	s8 =	sld [smem:$0x3FB6]  }
0x2e: {  	s3 =	simm.s32 @!p0 $0x1082;
	s9 =	sld [smem:$0x3FB7]  }
0x2f: {  	lr =	sadd.s32 s0, s3;
	s0 =	sld [smem:$0x3FAE]  }
0x30: {  	s3 =	sld [smem:$0x3FB1]  }
0x31: {  	[smem:$0x3FBA] =	sst s10  }
0x32: {  	s10 =	sld [smem:$0x3FB8];
	_ =	sdelay $0x3  }
0x33: {  	p0 =	seq.s32 s10, $0x1;
	s10 =	sld [smem:$0x3FBA];
	_ =	sdelay $0x3  }
0x34: {  	[smem:$0x3FBA] =	sst s10  }
0x35: {  	s10 =	sld [smem:$0x3FB9];
	_ =	sdelay $0x3  }
0x36: {  	p1 =	seq.s32 s10, $0x1;
	s10 =	sld [smem:$0x3FBA];
	_ =	sdelay $0x3  }
0x37: {  	[smem:$0x3FBA] =	sst s10  }
0x38: {  	s10 =	sld [smem:$0x3FBB]  }
0x39: {  	_ = 	snop;
	(pc) =	sbr.ind lr, $3  }
0x3a: {  	_ = 	snop  }
0x3b: {  	_ = 	snop  }
0x3c: {  	p2 =	seq.s32 s10, $0x1;
	s10 =	sld [smem:$0x3FBA]  }
0x3d: {  	_ =	shalt  }
0x3e: {  	_ =	shalt  }
0x3f: {  	_ =	shalt  }
0x40: {  	_ =	shalt  }
0x41: {  	_ =	shalt  }
0x42: {  	_ =	shalt  }
0x43: {  	_ =	shalt  }
0x44: {  	_ =	shalt  }
0x45: {  	_ =	shalt  }
0x46: {  	_ =	shalt  }
0x47: {  	_ =	shalt  }
0x48: {  	_ =	shalt  }
0x49: {  	_ =	shalt  }
0x4a: {  	_ =	shalt  }
0x4b: {  	_ =	shalt  }
0x4c: {  	_ =	shalt  }
0x4d: {  	_ =	shalt  }
0x4e: {  	_ =	shalt  }
0x4f: {  	_ =	shalt  }
0x50: {  	_ =	shalt  }
0x51: {  	_ =	shalt  }
0x52: {  	_ =	shalt  }
0x53: {  	_ =	shalt  }
0x54: {  	_ =	shalt  }
0x55: {  	_ =	shalt  }
0x56: {  	_ =	shalt  }
0x57: {  	_ =	shalt  }
0x58: {  	_ =	shalt  }
0x59: {  	_ =	shalt  }
0x5a: {  	_ =	shalt  }
0x5b: {  	_ =	shalt  }
0x5c: {  	_ =	shalt  }
0x5d: {  	_ =	shalt  }
0x5e: {  	_ =	shalt  }
0x5f: {  	_ =	shalt  }
0x60: {  	_ =	shalt  }
0x61: {  	_ =	shalt  }
0x62: {  	_ =	shalt  }
0x63: {  	_ =	shalt  }
0x64: {  	_ =	shalt  }
0x65: {  	_ =	shalt  }
0x66: {  	_ =	shalt  }
0x67: {  	_ =	shalt  }
0x68: {  	_ =	shalt  }
0x69: {  	_ =	shalt  }
0x6a: {  	_ =	shalt  }
0x6b: {  	_ =	shalt  }
0x6c: {  	_ =	shalt  }
0x6d: {  	_ =	shalt  }
0x6e: {  	_ =	shalt  }
0x6f: {  	_ =	shalt  }
0x70: {  	_ =	shalt  }
0x71: {  	_ =	shalt  }
0x72: {  	_ =	shalt  }
0x73: {  	_ =	shalt  }
0x74: {  	_ =	shalt  }
0x75: {  	_ =	shalt  }
0x76: {  	_ =	shalt  }
0x77: {  	_ =	shalt  }
0x78: {  	_ =	shalt  }
0x79: {  	_ =	shalt  }
0x7a: {  	_ =	shalt  }
0x7b: {  	_ =	shalt  }
0x7c: {  	_ =	shalt  }
0x7d: {  	_ =	shalt  }
0x7e: {  	_ =	shalt  }
0x7f: {  	_ =	shalt  }
0x80: {  	_ =	shalt  }
0x81: {  	_ =	shalt  }
0x82: {  	_ =	shalt  }
0x83: {  	_ =	shalt  }
0x84: {  	_ =	shalt  }
0x85: {  	_ =	shalt  }
0x86: {  	_ =	shalt  }
0x87: {  	_ =	shalt  }
.Lfunc_end0:
.L_simem_size_0:
called_computation_lowered:
.L_overlay_start_0:
0x88: {  	s2 =	sld [smem:$0x3FD9]  }
0x89: {  	s3 =	sld [smem:$0x3FFE];
	_ =	sdelay $0x1  }
0x8a: {  	s1 =	srdreg.scid  }
0x8b: {  	s0 =	sand.u32 $0x1, s1  }
0x8c: {  	s17 =	sshll.u32 s0, $0xA;
	s2 =	sadd.s32 s3, s2  }
0x8d: {  	s2 =	sadd.s32 s2, s17  }
0x8e: {  	[smem:$0x3FC6] =	sst s2  }
0x8f: {  	_ = 	snop  }
0x90: {  	s2 =	sld [smem:$0x3FC9]  }
0x91: {  	s18 =	sld [smem:$0x3FD0];
	(tm) =	ssettm $0x1  }
0x92: {  	s4 =	sld [smem:$0x3FFB];
	_ =	sdelay $0x3  }
0x93: {  	_ =	strace s4  }
0x94: {  	s4 =	sld [smem:$0x3FFC];
	_ =	sdelay $0x3  }
0x95: {  	_ =	strace s4  }
0x96: {  	s4 =	sld [smem:$0x3FFD];
	_ =	sdelay $0x3  }
0x97: {  	_ =	strace s4  }
0x98: {  	_ =	strace $0x8FFFFFFF  }
0x99: {  	s19 =	sld [smem:$0x3FDB];
	_ =	sdelay $0x1  }
0x9a: {  	s5 =	simm.s32 $_scs_section_size  }
0x9b: {  	s6 =	simm.s32 $_size__tile_overlayer_lowered;
	s7 =	simm.s32 $_tile_overlayer_lowered  }
0x9c: {  	s22 =	simm.s32 $0x1BFF;
	s21 =	sshll.u32 s7, $0x1;
	s4 =	sadd.s32 s5, s19  }
0x9d: {  	s8 =	simm.s32 $0x0;
	s20 =	sshll.u32 s6, $0x1;
	s6 =	sadd.s32 s21, s4  }
0x9e: {  	[timem:s8], [sflag:s22] =	dma.local [hbm:s6], s20  }
0x9f: {  	_ =	swait.ge [sflag:s22], s20  }
0xa0: {  	s5 =	ssub.s32 $0x0, s20;
	[sflag:s22] =	ssyncset.done $0x0  }
0xa1: {  	[sflag:s22] =	ssyncadd.s32 s5;
	_ =	sdelay $0x1  }
0xa2: {  	s23 =	simm.s32 $0x1B8B  }
0xa3: {  	_ =	swait.ge [sflag:s23], $0x1  }
0xa4: {  	[sflag:s23] =	ssyncset.done $0x0  }
0xa5: {  	s25 =	simm.s32 $0x1B8E;
	s24 =	sld [smem:$0x3FFE];
	[sflag:s23] =	ssyncadd.s32 $0xFFFFFFFF  }
0xa6: {  	s26 =	simm.s32 $execute0_lowered;
	[smem:$0x3FD2] =	sst s25  }
0xa7: {  	s6 =	sshll.u32 s26, $0x1;
	_ =	strace $0x80000046;
	[dreg:$0x1] =	wrdreg $0xFFFFFFFF  }
0xa8: {  	s28 =	simm.s32 $_size_execute0_lowered;
	s4 =	sadd.s32 s4, s6;
	[dreg:$0x0] =	wrdreg $0x0  }
0xa9: {  	s6 =	sshll.u32 s28, $0x1;
	[dreg:$0x2] =	wrdreg s4  }
0xaa: {  	[dreg:$0x3] =	wrdreg s6  }
0xab: {  	[dreg:$0x4] =	wrdreg $0xC0  }
0xac: {  	_ =	task [dreg:s8], $0x5FFFF  }
0xad: {  	[dreg:$0x1] =	wrdreg $0xFFFFFFFF  }
0xae: {  	[dreg:$0x0] =	wrdreg $0x60  }
0xaf: {  	[dreg:$0x2] =	wrdreg s2  }
0xb0: {  	[dreg:$0x3] =	wrdreg s24  }
0xb1: {  	[dreg:$0x4] =	wrdreg s18  }
0xb2: {  	[dreg:$0x5] =	wrdreg $0x9  }
0xb3: {  	_ =	task.clear_ibuf [dreg:s8], $0x6FFFF;
	_ =	strace $0x90000046  }
0xb4: {  	s29 =	simm.s32 $0x9;
	_ =	strace $0x80000048  }
0xb5: {  	_ =	swait.ge [sflag:s29], $0x1  }
0xb6: {  	[sflag:s29] =	ssyncadd.s32 $0xFFFFFFFF  }
0xb7: {  	_ =	strace $0x90000048  }
0xb8: {  	_ =	sfence  }
0xb9: {  	s30 =	sld [smem:$0x0];
	_ =	sdelay $0x2  }
0xba: {  	s31 =	sshll.u32 s1, $0xD;
	s1 =	sshrl.u32 s1, $0x2  }
0xbb: {  	s3 =	sand.u32 $0x4000, s31;
	s1 =	sadd.s32 s1, s30  }
0xbc: {  	s0 =	sor.u32 s3, s0;
	s1 =	sshll.u32 s1, $0x11  }
0xbd: {  	s0 =	sor.u32 s1, s0  }
0xbe: {  	s0 =	sadd.s32 $0x8F2B, s0  }
0xbf: {  	[sflag:s0] =	ssyncadd.remote.s32 $0x1  }
0xc0: {  	_ =	sfence.sel $0xFFFF  }
0xc1: {  	[dreg:$0x0] =	wrdreg $0xFFFFFFFF;
	(pc) =	sbr.abs _section_cstart, $3  }
0xc2: {  	[dreg:$0x1] =	wrdreg $0xFFFFFFFF  }
0xc3: {  	_ =	task.clear_ibuf [dreg:s8], $0x2FFFF;
	_ =	strace $0x9FFFFFFF  }
0xc4: {  	(tm) =	ssettm $0x7FFFFFFF  }
0xc5: {  	_ =	shalt  }
tec
execute0_lowered:
.L_overlay_start_1:
0x0: {  	(tag) =	ssettag $0x1  }
0x1: {  	s0 =	srdreg.scid  }
0x2: {  	s3 =	stileid.u32;
	s0 =	sand.u32 $0x1, s0  }
0x3: {  	s4 =	rddreg [dreg:$0x0];
	s3 =	sshll.u32 s3, $0x8;
	s5 =	sshll.u32 s0, $0x7  }
0x4: {  	s1 =	rddreg [dreg:$0x1];
	s3 =	sor.u32 s5, s3  }
0x5: {  	s2 =	rddreg [dreg:$0x2];
	s15 =	simm.s32 $0x0;
	s5 =	sshrl.u32 s3, $0x3  }
0x6: {  	[smem:$0x7FF] =	sst s15;
	s6 =	sadd.s32 $0xA00, s1;
	s7 =	sadd.s32 s4, s5  }
0x7: {  	_ =	strace $0x80000047;
	[dreg:$0x4] =	wrdreg s6;
	s4 =	sadd.s32 $0x200, s7  }
0x8: {  	s8 =	sadd.s32 $0x400, s7;
	[dreg:$0x5] =	wrdreg s4  }
0x9: {  	s9 =	sadd.s32 $0x600, s7;
	[dreg:$0x6] =	wrdreg s8  }
0xa: {  	s10 =	sadd.s32 $0x800, s7;
	[dreg:$0x7] =	wrdreg s9  }
0xb: {  	s11 =	sadd.s32 $0xA00, s7;
	[dreg:$0x8] =	wrdreg s10  }
0xc: {  	s12 =	sadd.s32 $0xC00, s7;
	[dreg:$0x9] =	wrdreg s11  }
0xd: {  	s13 =	sadd.s32 $0xE00, s7;
	[dreg:$0xa] =	wrdreg s12  }
0xe: {  	s14 =	sadd.s32 $0x1000, s7;
	[dreg:$0xb] =	wrdreg s13  }
0xf: {  	s16 =	sadd.s32 $0x1200, s7;
	[dreg:$0xc] =	wrdreg s14  }
0x10: {  	s17 =	sadd.s32 $0x1400, s7;
	[dreg:$0xd] =	wrdreg s16  }
0x11: {  	s18 =	sadd.s32 $0x1600, s7;
	[dreg:$0xe] =	wrdreg s17  }
0x12: {  	s19 =	sadd.s32 $0x1800, s7;
	[dreg:$0xf] =	wrdreg s18  }
0x13: {  	s20 =	sadd.s32 $0x1A00, s7;
	[dreg:$0x10] =	wrdreg s19  }
0x14: {  	s21 =	sadd.s32 $0x1C00, s7;
	[dreg:$0x11] =	wrdreg s20  }
0x15: {  	s22 =	sadd.s32 $0x1E00, s7;
	[dreg:$0x12] =	wrdreg s21  }
0x16: {  	s23 =	sadd.s32 $0x2000, s7;
	[dreg:$0x13] =	wrdreg s22  }
0x17: {  	s24 =	sadd.s32 $0x2200, s7;
	[dreg:$0x14] =	wrdreg s23  }
0x18: {  	s25 =	sadd.s32 $0x2400, s7;
	[dreg:$0x15] =	wrdreg s24  }
0x19: {  	s26 =	sadd.s32 $0x2600, s7;
	[dreg:$0x16] =	wrdreg s25  }
0x1a: {  	s5 =	sadd.s32 $0x2800, s7;
	[dreg:$0x17] =	wrdreg s26  }
0x1b: {  	s6 =	sadd.s32 $0x2A00, s7;
	[dreg:$0x18] =	wrdreg s5  }
0x1c: {  	[dreg:$0x19] =	wrdreg s6;
	s8 =	sadd.s32 $0x2C00, s7  }
0x1d: {  	s9 =	sadd.s32 $0x2E00, s7;
	[dreg:$0x1a] =	wrdreg s8  }
0x1e: {  	s10 =	sadd.s32 $0x3000, s7;
	[dreg:$0x1b] =	wrdreg s9  }
0x1f: {  	s11 =	sadd.s32 $0x3200, s7;
	[dreg:$0x1c] =	wrdreg s10  }
0x20: {  	s12 =	sadd.s32 $0x62484, s1;
	[dreg:$0x1d] =	wrdreg s11  }
0x21: {  	s13 =	sadd.s32 $0xC3F08, s1;
	[dreg:$0x1e] =	wrdreg s12  }
0x22: {  	s14 =	sadd.s32 $0x12598C, s1;
	[dreg:$0x1f] =	wrdreg s13  }
0x23: {  	s16 =	sadd.s32 $0x187410, s1;
	[smem:$0x7CD] =	sst s14  }
0x24: {  	s17 =	sadd.s32 $0x1E8E94, s1;
	[smem:$0x7CE] =	sst s16  }
0x25: {  	s18 =	sadd.s32 $0x24A918, s1;
	[smem:$0x7CF] =	sst s17  }
0x26: {  	s19 =	sadd.s32 $0x2AC39C, s1;
	[smem:$0x7D0] =	sst s18  }
0x27: {  	s20 =	sadd.s32 $0x30DE20, s1;
	[smem:$0x7D1] =	sst s19  }
0x28: {  	s21 =	sadd.s32 $0x36F8A4, s1;
	[smem:$0x7D2] =	sst s20  }
0x29: {  	s22 =	sadd.s32 $0x3D1328, s1;
	[smem:$0x7D3] =	sst s21  }
0x2a: {  	s23 =	sadd.s32 $0x432DAC, s1;
	[smem:$0x7D4] =	sst s22  }
0x2b: {  	s24 =	sadd.s32 $0x494830, s1;
	[smem:$0x7D5] =	sst s23  }
0x2c: {  	s25 =	sadd.s32 $0x4F62B4, s1;
	[smem:$0x7D6] =	sst s24  }
0x2d: {  	s26 =	sadd.s32 $0x557D38, s1;
	[smem:$0x7D7] =	sst s25  }
0x2e: {  	s5 =	sadd.s32 $0x5B97BC, s1;
	[smem:$0x7D8] =	sst s26  }
0x2f: {  	s6 =	sadd.s32 $0x61B240, s1;
	[smem:$0x7D9] =	sst s5  }
0x30: {  	[smem:$0x7DA] =	sst s6;
	s8 =	sadd.s32 $0x67CCC4, s1  }
0x31: {  	s9 =	sadd.s32 $0x6DE748, s1;
	[smem:$0x7DB] =	sst s8  }
0x32: {  	s10 =	sadd.s32 $0x7401CC, s1;
	[smem:$0x7DC] =	sst s9  }
0x33: {  	s11 =	sadd.s32 $0x7A1C50, s1;
	[smem:$0x7DD] =	sst s10  }
0x34: {  	s12 =	sadd.s32 $0x8036D4, s1;
	[smem:$0x7DE] =	sst s11  }
0x35: {  	s13 =	sadd.s32 $0x865158, s1;
	[smem:$0x7DF] =	sst s12  }
0x36: {  	s3 =	smul.u32 $0x68, s3;
	s14 =	sadd.s32 $0x8C6BDC, s1;
	[smem:$0x7E0] =	sst s13  }
0x37: {  	s16 =	sadd.s32 $0x928660, s1;
	[smem:$0x7E1] =	sst s14  }
0x38: {  	s1 =	sadd.s32 $0x98A0E4, s1;
	[smem:$0x7E2] =	sst s16;
	s12 =	sadd.s32 s2, s3  }
0x39: {  	[smem:$0x7E3] =	sst s1;
	s17 =	sadd.s32 $0x4, s12  }
0x3a: {  	s18 =	sadd.s32 $0x8, s12;
	[smem:$0x7E4] =	sst s17  }
0x3b: {  	s19 =	sadd.s32 $0xC, s12;
	[smem:$0x7E5] =	sst s18  }
0x3c: {  	s20 =	sadd.s32 $0x10, s12;
	[smem:$0x7E6] =	sst s19  }
0x3d: {  	s21 =	sadd.s32 $0x14, s12;
	[smem:$0x7E7] =	sst s20  }
0x3e: {  	s22 =	sadd.s32 $0x18, s12;
	[smem:$0x7E8] =	sst s21  }
0x3f: {  	s23 =	sadd.s32 $0x1C, s12;
	[smem:$0x7E9] =	sst s22  }
0x40: {  	s24 =	sadd.s32 $0x20, s12;
	[smem:$0x7EA] =	sst s23  }
0x41: {  	s25 =	sadd.s32 $0x24, s12;
	[smem:$0x7EB] =	sst s24  }
0x42: {  	s26 =	sadd.s32 $0x28, s12;
	[smem:$0x7EC] =	sst s25  }
0x43: {  	s2 =	sadd.s32 $0x2C, s12;
	[smem:$0x7ED] =	sst s26  }
0x44: {  	s3 =	sadd.s32 $0x30, s12;
	[smem:$0x7EE] =	sst s2  }
0x45: {  	s4 =	sadd.s32 $0x34, s12;
	[smem:$0x7EF] =	sst s3  }
0x46: {  	s5 =	sadd.s32 $0x38, s12;
	[smem:$0x7F0] =	sst s4  }
0x47: {  	s6 =	sadd.s32 $0x3C, s12;
	[smem:$0x7F1] =	sst s5  }
0x48: {  	s8 =	sadd.s32 $0x40, s12;
	[smem:$0x7F2] =	sst s6  }
0x49: {  	s28 =	simm.s32 $0x300;
	s9 =	sadd.s32 $0x44, s12;
	[smem:$0x7F3] =	sst s8  }
0x4a: {  	s31 =	simm.s32 $0x500;
	s10 =	sadd.s32 $0x48, s12;
	[smem:$0x7F4] =	sst s9  }
0x4b: {  	s30 =	simm.s32 $0x580;
	s11 =	sadd.s32 $0x4C, s12;
	[smem:$0x7F5] =	sst s10  }
0x4c: {  	s29 =	simm.s32 $0x600;
	s13 =	sadd.s32 $0x50, s12;
	[smem:$0x7F6] =	sst s11  }
0x4d: {  	p0 =	por $0x0, $0x0;
	s14 =	sadd.s32 $0x54, s12;
	[smem:$0x7F7] =	sst s13  }
0x4e: {  	s0 =	ssub.s32 $0x2, s0;
	s16 =	sadd.s32 $0x58, s12;
	[smem:$0x7F8] =	sst s14  }
0x4f: {  	[smem:$0x7F9] =	sst s16;
	s17 =	sadd.s32 $0x5C, s12;
	s18 =	sadd.s32 $0x60, s12  }
0x50: {  	s19 =	sshrl.u32 s0, $0x1;
	s20 =	sadd.s32 $0x64, s12;
	s6 =	simm.s32 $0x80  }
0x51: {  	s26 =	simm.s32 $0x680;
	s25 =	simm.s32 $0x700;
	s24 =	simm.s32 $0x780  }
0x52: {  	s23 =	simm.s32 $0x800;
	s22 =	simm.s32 $0x880;
	s16 =	simm.s32 $0xA00  }
0x53: {  	s14 =	simm.s32 $0xB80;
	s11 =	simm.s32 $0xC00;
	s0 =	ssub.s32 s0, s19  }
0x54: {  	s13 =	simm.s32 $0xC80;
	s8 =	simm.s32 $0x1;
	s2 =	smax.u32 s0, $0x1  }
0x55: {  	s9 =	simm.s32 $0xD00;
	[smem:$0x7FA] =	sst s17;
	p1 =	sne.s32 s2, $0x1  }
.Ltmp0:
0x56: {  	s4 =	simm.s32 $0x20;
	[smem:$0x7FB] =	sst s18;
	(pc) =	sbr.rel @!p1 .LBB2_5-.Ltmp0, $4  }
0x57: {  	s5 =	simm.s32 $0x340;
	s3 =	simm.s32 $0x3;
	[smem:$0x7FC] =	sst s20  }
0x58: {  	s18 =	simm.s32 $0x400;
	s20 =	simm.s32 $0x900;
	s17 =	simm.s32 $0x980  }
0x59: {  	s19 =	simm.s32 $0xB00;
	s0 =	simm.s32 $0x200;
	s21 =	sadd.s32 $0xFFFFFFFF, s2  }
0x5a: {  	s2 =	simm.s32 $0x2;
	[smem:$0x7FD] =	sst s21;
	s21 =	simm.s32 $0xA80  }
0x5b: {  	s10 =	rddreg [dreg:$0x5]  }
0x5c: {  	[tilespmem:s15], [sflag:$0x1] =	stream.linear.gather [hbm4b:s7+s15], $0x80, $0x38;
	[tilespmem:$0x1AD00] =	vst v63  }
0x5d: {  	s11 =	rddreg [dreg:$0x6]  }
0x5e: {  	[smem:$0x7C9] =	sst s11  }
0x5f: {  	s1 =	sld [smem:$0x7C9]  }
0x60: {  	[tilespmem:s6], [sflag:$0x1] =	stream.linear.gather [hbm4b:s10+s15], $0x80, $0x38;
	[tilespmem:$0x1AD00] =	vst v63  }
0x61: {  	s11 =	simm.s32 $0x100  }
0x62: {  	[tilespmem:s11], [sflag:$0x1] =	stream.linear.gather [hbm4b:s1+s15], $0x80, $0x38;
	[tilespmem:$0x1AD00] =	vst v63  }
0x63: {  	s10 =	rddreg [dreg:$0x7];
	s11 =	simm.s32 $0x180  }
0x64: {  	[tilespmem:s11], [sflag:$0x1] =	stream.linear.gather [hbm4b:s10+s15], $0x80, $0x38;
	[tilespmem:$0x1AD00] =	vst v63  }
0x65: {  	s1 =	rddreg [dreg:$0x8]  }
0x66: {  	[tilespmem:s0], [sflag:$0x1] =	stream.linear.gather [hbm4b:s1+s15], $0x80, $0x38;
	[tilespmem:$0x1AD00] =	vst v63  }
0x67: {  	s10 =	rddreg [dreg:$0x9];
	s0 =	simm.s32 $0x280  }
0x68: {  	[tilespmem:s0], [sflag:$0x1] =	stream.linear.gather [hbm4b:s10+s15], $0x80, $0x38;
	[tilespmem:$0x1AD00] =	vst v63  }
0x69: {  	s1 =	rddreg [dreg:$0xa]  }
0x6a: {  	[tilespmem:s28], [sflag:$0x1] =	stream.linear.gather [hbm4b:s1+s15], $0x80, $0x38;
	[tilespmem:$0x1AD00] =	vst v63  }
0x6b: {  	s10 =	rddreg [dreg:$0xb];
	s28 =	simm.s32 $0x380  }
0x6c: {  	[tilespmem:s28], [sflag:$0x1] =	stream.linear.gather [hbm4b:s10+s15], $0x80, $0x38;
	[tilespmem:$0x1AD00] =	vst v63  }
0x6d: {  	s1 =	rddreg [dreg:$0xc]  }
0x6e: {  	[tilespmem:s18], [sflag:$0x1] =	stream.linear.gather [hbm4b:s1+s15], $0x80, $0x38;
	[tilespmem:$0x1AD00] =	vst v63  }
0x6f: {  	s10 =	rddreg [dreg:$0xd];
	s18 =	simm.s32 $0x480  }
0x70: {  	[tilespmem:s18], [sflag:$0x1] =	stream.linear.gather [hbm4b:s10+s15], $0x80, $0x38;
	[tilespmem:$0x1AD00] =	vst v63  }
0x71: {  	s1 =	rddreg [dreg:$0xe]  }
0x72: {  	[tilespmem:s31], [sflag:$0x1] =	stream.linear.gather [hbm4b:s1+s15], $0x80, $0x38;
	[tilespmem:$0x1AD00] =	vst v63  }
0x73: {  	s10 =	rddreg [dreg:$0xf]  }
0x74: {  	[tilespmem:s30], [sflag:$0x1] =	stream.linear.gather [hbm4b:s10+s15], $0x80, $0x38;
	[tilespmem:$0x1AD00] =	vst v63  }
0x75: {  	s1 =	rddreg [dreg:$0x10]  }
0x76: {  	[tilespmem:s29], [sflag:$0x1] =	stream.linear.gather [hbm4b:s1+s15], $0x80, $0x38;
	[tilespmem:$0x1AD00] =	vst v63  }
0x77: {  	s10 =	rddreg [dreg:$0x11]  }
0x78: {  	[tilespmem:s26], [sflag:$0x1] =	stream.linear.gather [hbm4b:s10+s15], $0x80, $0x38;
	[tilespmem:$0x1AD00] =	vst v63  }
0x79: {  	s1 =	rddreg [dreg:$0x12]  }
0x7a: {  	[tilespmem:s25], [sflag:$0x1] =	stream.linear.gather [hbm4b:s1+s15], $0x80, $0x38;
	[tilespmem:$0x1AD00] =	vst v63  }
0x7b: {  	s10 =	rddreg [dreg:$0x13]  }
0x7c: {  	[tilespmem:s24], [sflag:$0x1] =	stream.linear.gather [hbm4b:s10+s15], $0x80, $0x38;
	[tilespmem:$0x1AD00] =	vst v63  }
0x7d: {  	s26 =	rddreg [dreg:$0x14]  }
0x7e: {  	[tilespmem:s23], [sflag:$0x1] =	stream.linear.gather [hbm4b:s26+s15], $0x80, $0x38;
	[tilespmem:$0x1AD00] =	vst v63  }
0x7f: {  	s24 =	rddreg [dreg:$0x15]  }
0x80: {  	[tilespmem:s22], [sflag:$0x1] =	stream.linear.gather [hbm4b:s24+s15], $0x80, $0x38;
	[tilespmem:$0x1AD00] =	vst v63  }
0x81: {  	s25 =	rddreg [dreg:$0x16]  }
0x82: {  	[tilespmem:s20], [sflag:$0x1] =	stream.linear.gather [hbm4b:s25+s15], $0x80, $0x38;
	[tilespmem:$0x1AD00] =	vst v63  }
0x83: {  	s26 =	rddreg [dreg:$0x17]  }
0x84: {  	[tilespmem:s17], [sflag:$0x1] =	stream.linear.gather [hbm4b:s26+s15], $0x80, $0x38;
	[tilespmem:$0x1AD00] =	vst v63  }
0x85: {  	s20 =	rddreg [dreg:$0x18]  }
0x86: {  	[tilespmem:s16], [sflag:$0x1] =	stream.linear.gather [hbm4b:s20+s15], $0x80, $0x38;
	[tilespmem:$0x1AD00] =	vst v63  }
0x87: {  	s22 =	rddreg [dreg:$0x19]  }
0x88: {  	[tilespmem:s21], [sflag:$0x1] =	stream.linear.gather [hbm4b:s22+s15], $0x80, $0x38;
	[tilespmem:$0x1AD00] =	vst v63  }
0x89: {  	s23 =	rddreg [dreg:$0x1a]  }
0x8a: {  	[tilespmem:s19], [sflag:$0x1] =	stream.linear.gather [hbm4b:s23+s15], $0x80, $0x38;
	[tilespmem:$0x1AD00] =	vst v63  }
0x8b: {  	s24 =	rddreg [dreg:$0x1b]  }
0x8c: {  	[tilespmem:s14], [sflag:$0x1] =	stream.linear.gather [hbm4b:s24+s15], $0x80, $0x38;
	[tilespmem:$0x1AD00] =	vst v63  }
0x8d: {  	s25 =	rddreg [dreg:$0x1c];
	s16 =	simm.s32 $0xC00  }
0x8e: {  	[tilespmem:s16], [sflag:$0x1] =	stream.linear.gather [hbm4b:s25+s15], $0x80, $0x38;
	[tilespmem:$0x1AD00] =	vst v63  }
0x8f: {  	s26 =	rddreg [dreg:$0x1d]  }
0x90: {  	[tilespmem:s13], [sflag:$0x1] =	stream.linear.gather [hbm4b:s26+s15], $0x80, $0x38;
	[tilespmem:$0x1AD00] =	vst v63  }
0x91: {  	_ =	swait.ge [sflag:s8], $0x80  }
0x92: {  	[sflag:s8] =	ssyncset.done $0x0  }
0x93: {  	[sflag:s8] =	ssyncadd.s32 $0xFFFFFF80  }
0x94: {  	_ =	swait.ge [sflag:s8], $0x80  }
0x95: {  	[sflag:s8] =	ssyncset.done $0x0  }
0x96: {  	[sflag:s8] =	ssyncadd.s32 $0xFFFFFF80  }
0x97: {  	_ =	swait.ge [sflag:s8], $0x80  }
0x98: {  	[sflag:s8] =	ssyncset.done $0x0  }
0x99: {  	[sflag:s8] =	ssyncadd.s32 $0xFFFFFF80  }
0x9a: {  	_ =	swait.ge [sflag:s8], $0x80  }
0x9b: {  	[sflag:s8] =	ssyncset.done $0x0  }
0x9c: {  	[sflag:s8] =	ssyncadd.s32 $0xFFFFFF80  }
0x9d: {  	_ =	swait.ge [sflag:s8], $0x80  }
0x9e: {  	[sflag:s8] =	ssyncset.done $0x0  }
0x9f: {  	[sflag:s8] =	ssyncadd.s32 $0xFFFFFF80  }
0xa0: {  	_ =	swait.ge [sflag:s8], $0x80  }
0xa1: {  	[sflag:s8] =	ssyncset.done $0x0  }
0xa2: {  	[sflag:s8] =	ssyncadd.s32 $0xFFFFFF80  }
0xa3: {  	_ =	swait.ge [sflag:s8], $0x80  }
0xa4: {  	[sflag:s8] =	ssyncset.done $0x0  }
0xa5: {  	[sflag:s8] =	ssyncadd.s32 $0xFFFFFF80  }
0xa6: {  	_ =	swait.ge [sflag:s8], $0x80  }
0xa7: {  	[sflag:s8] =	ssyncset.done $0x0  }
0xa8: {  	[sflag:s8] =	ssyncadd.s32 $0xFFFFFF80  }
0xa9: {  	_ =	swait.ge [sflag:s8], $0x80  }
0xaa: {  	[sflag:s8] =	ssyncset.done $0x0  }
0xab: {  	[sflag:s8] =	ssyncadd.s32 $0xFFFFFF80  }
0xac: {  	_ =	swait.ge [sflag:s8], $0x80  }
0xad: {  	[sflag:s8] =	ssyncset.done $0x0  }
0xae: {  	[sflag:s8] =	ssyncadd.s32 $0xFFFFFF80  }
0xaf: {  	_ =	swait.ge [sflag:s8], $0x80  }
0xb0: {  	[sflag:s8] =	ssyncset.done $0x0  }
0xb1: {  	[sflag:s8] =	ssyncadd.s32 $0xFFFFFF80  }
0xb2: {  	_ =	swait.ge [sflag:s8], $0x80  }
0xb3: {  	[sflag:s8] =	ssyncset.done $0x0  }
0xb4: {  	[sflag:s8] =	ssyncadd.s32 $0xFFFFFF80  }
0xb5: {  	_ =	swait.ge [sflag:s8], $0x80  }
0xb6: {  	[sflag:s8] =	ssyncset.done $0x0  }
0xb7: {  	[sflag:s8] =	ssyncadd.s32 $0xFFFFFF80  }
0xb8: {  	_ =	swait.ge [sflag:s8], $0x80  }
0xb9: {  	[sflag:s8] =	ssyncset.done $0x0  }
0xba: {  	[sflag:s8] =	ssyncadd.s32 $0xFFFFFF80  }
0xbb: {  	_ =	swait.ge [sflag:s8], $0x80  }
0xbc: {  	[sflag:s8] =	ssyncset.done $0x0  }
0xbd: {  	[sflag:s8] =	ssyncadd.s32 $0xFFFFFF80  }
0xbe: {  	_ =	swait.ge [sflag:s8], $0x80  }
0xbf: {  	[sflag:s8] =	ssyncset.done $0x0  }
0xc0: {  	[sflag:s8] =	ssyncadd.s32 $0xFFFFFF80  }
0xc1: {  	_ =	swait.ge [sflag:s8], $0x80  }
0xc2: {  	[sflag:s8] =	ssyncset.done $0x0  }
0xc3: {  	[sflag:s8] =	ssyncadd.s32 $0xFFFFFF80  }
0xc4: {  	_ =	swait.ge [sflag:s8], $0x80  }
0xc5: {  	[sflag:s8] =	ssyncset.done $0x0  }
0xc6: {  	[sflag:s8] =	ssyncadd.s32 $0xFFFFFF80  }
0xc7: {  	_ =	swait.ge [sflag:s8], $0x80  }
0xc8: {  	[sflag:s8] =	ssyncset.done $0x0  }
0xc9: {  	[sflag:s8] =	ssyncadd.s32 $0xFFFFFF80  }
0xca: {  	_ =	swait.ge [sflag:s8], $0x80  }
0xcb: {  	[sflag:s8] =	ssyncset.done $0x0  }
0xcc: {  	[sflag:s8] =	ssyncadd.s32 $0xFFFFFF80  }
0xcd: {  	_ =	swait.ge [sflag:s8], $0x80  }
0xce: {  	[sflag:s8] =	ssyncset.done $0x0  }
0xcf: {  	[sflag:s8] =	ssyncadd.s32 $0xFFFFFF80  }
0xd0: {  	_ =	swait.ge [sflag:s8], $0x80  }
0xd1: {  	[sflag:s8] =	ssyncset.done $0x0  }
0xd2: {  	[sflag:s8] =	ssyncadd.s32 $0xFFFFFF80  }
0xd3: {  	_ =	swait.ge [sflag:s8], $0x80  }
0xd4: {  	[sflag:s8] =	ssyncset.done $0x0  }
0xd5: {  	[sflag:s8] =	ssyncadd.s32 $0xFFFFFF80  }
0xd6: {  	_ =	swait.ge [sflag:s8], $0x80  }
0xd7: {  	[sflag:s8] =	ssyncset.done $0x0  }
0xd8: {  	[sflag:s8] =	ssyncadd.s32 $0xFFFFFF80  }
0xd9: {  	_ =	swait.ge [sflag:s8], $0x80  }
0xda: {  	[sflag:s8] =	ssyncset.done $0x0  }
0xdb: {  	[sflag:s8] =	ssyncadd.s32 $0xFFFFFF80  }
0xdc: {  	_ =	swait.ge [sflag:s8], $0x80  }
0xdd: {  	s10 =	rddreg [dreg:$0x4];
	[sflag:s8] =	ssyncset.done $0x0  }
0xde: {  	s14 =	rddreg [dreg:$0x1e];
	[sflag:s8] =	ssyncadd.s32 $0xFFFFFF80  }
0xdf: {  	[tilespmem:s9], [sflag:$0x2] =	stream.indirect.gather [hbm4b:s10+s6], $0x20, s15, s6, $0xb8;
	[tilespmem:$0x1AD00] =	vst v63  }
0xe0: {  	s19 =	simm.s32 $0x1D00;
	s17 =	rddreg [dreg:$0x1f]  }
0xe1: {  	[tilespmem:s19], [sflag:$0x2] =	stream.indirect.gather [hbm4b:s14+s6], $0x20, s6, s6, $0xb8;
	[tilespmem:$0x1AD00] =	vst v63  }
0xe2: {  	s31 =	simm.s32 $0x2D00;
	s21 =	simm.s32 $0x100;
	s20 =	sld [smem:$0x7CD]  }
0xe3: {  	[tilespmem:s31], [sflag:$0x2] =	stream.indirect.gather [hbm4b:s17+s6], $0x20, s21, s6, $0xb8;
	[tilespmem:$0x1AD00] =	vst v63  }
0xe4: {  	s11 =	simm.s32 $0x180;
	s23 =	simm.s32 $0x3D00;
	s22 =	sld [smem:$0x7CE]  }
0xe5: {  	[tilespmem:s23], [sflag:$0x2] =	stream.indirect.gather [hbm4b:s20+s6], $0x20, s11, s6, $0xb8;
	[tilespmem:$0x1AD00] =	vst v63  }
0xe6: {  	s25 =	simm.s32 $0x200;
	s24 =	sld [smem:$0x7CF];
	s17 =	simm.s32 $0x4D00  }
0xe7: {  	[tilespmem:s17], [sflag:$0x2] =	stream.indirect.gather [hbm4b:s22+s6], $0x20, s25, s6, $0xb8;
	[tilespmem:$0x1AD00] =	vst v63  }
0xe8: {  	s13 =	simm.s32 $0x5D00;
	s26 =	sld [smem:$0x7D0]  }
0xe9: {  	[tilespmem:s13], [sflag:$0x2] =	stream.indirect.gather [hbm4b:s24+s6], $0x20, s0, s6, $0xb8;
	[tilespmem:$0x1AD00] =	vst v63  }
0xea: {  	s14 =	sld [smem:$0x7D1];
	s19 =	simm.s32 $0x6D00;
	s21 =	simm.s32 $0x300  }
0xeb: {  	[tilespmem:s19], [sflag:$0x2] =	stream.indirect.gather [hbm4b:s26+s6], $0x20, s21, s6, $0xb8;
	[tilespmem:$0x1AD00] =	vst v63  }
0xec: {  	s20 =	simm.s32 $0x7D00;
	s22 =	sld [smem:$0x7D2]  }
0xed: {  	[tilespmem:s20], [sflag:$0x2] =	stream.indirect.gather [hbm4b:s14+s6], $0x20, s28, s6, $0xb8;
	[tilespmem:$0x1AD00] =	vst v63  }
0xee: {  	s30 =	simm.s32 $0x8D00;
	s23 =	sld [smem:$0x7D3];
	s28 =	simm.s32 $0x400  }
0xef: {  	[tilespmem:s30], [sflag:$0x2] =	stream.indirect.gather [hbm4b:s22+s6], $0x20, s28, s6, $0xb8;
	[tilespmem:$0x1AD00] =	vst v63  }
0xf0: {  	s29 =	simm.s32 $0x9D00;
	s13 =	sld [smem:$0x7D4]  }
0xf1: {  	[tilespmem:s29], [sflag:$0x2] =	stream.indirect.gather [hbm4b:s23+s6], $0x20, s18, s6, $0xb8;
	[tilespmem:$0x1AD00] =	vst v63  }
0xf2: {  	s9 =	simm.s32 $0x500;
	s21 =	sld [smem:$0x7D5];
	s26 =	simm.s32 $0xAD00  }
0xf3: {  	[tilespmem:s26], [sflag:$0x2] =	stream.indirect.gather [hbm4b:s13+s6], $0x20, s9, s6, $0xb8;
	[tilespmem:$0x1AD00] =	vst v63  }
0xf4: {  	s25 =	simm.s32 $0xBD00;
	s24 =	simm.s32 $0x580;
	s28 =	sld [smem:$0x7D6]  }
0xf5: {  	[tilespmem:s25], [sflag:$0x2] =	stream.indirect.gather [hbm4b:s21+s6], $0x20, s24, s6, $0xb8;
	[tilespmem:$0x1AD00] =	vst v63  }
0xf6: {  	s11 =	sld [smem:$0x7D7];
	s14 =	simm.s32 $0x600;
	s24 =	simm.s32 $0xCD00  }
0xf7: {  	[tilespmem:s24], [sflag:$0x2] =	stream.indirect.gather [hbm4b:s28+s6], $0x20, s14, s6, $0xb8;
	[tilespmem:$0x1AD00] =	vst v63  }
0xf8: {  	s22 =	simm.s32 $0x680;
	s23 =	simm.s32 $0xDD00;
	s21 =	sld [smem:$0x7D8]  }
0xf9: {  	[tilespmem:s23], [sflag:$0x2] =	stream.indirect.gather [hbm4b:s11+s6], $0x20, s22, s6, $0xb8;
	[tilespmem:$0x1AD00] =	vst v63  }
0xfa: {  	s9 =	simm.s32 $0x700;
	s28 =	sld [smem:$0x7D9];
	s22 =	simm.s32 $0xED00  }
0xfb: {  	[tilespmem:s22], [sflag:$0x2] =	stream.indirect.gather [hbm4b:s21+s6], $0x20, s9, s6, $0xb8;
	[tilespmem:$0x1AD00] =	vst v63  }
0xfc: {  	s18 =	simm.s32 $0x780;
	s11 =	sld [smem:$0x7DA];
	s21 =	simm.s32 $0xFD00  }
0xfd: {  	[tilespmem:s21], [sflag:$0x2] =	stream.indirect.gather [hbm4b:s28+s6], $0x20, s18, s6, $0xb8;
	[tilespmem:$0x1AD00] =	vst v63  }
0xfe: {  	s10 =	sld [smem:$0x7DB];
	s13 =	simm.s32 $0x800;
	s9 =	simm.s32 $0x10D00  }
0xff: {  	[tilespmem:s9], [sflag:$0x2] =	stream.indirect.gather [hbm4b:s11+s6], $0x20, s13, s6, $0xb8;
	[tilespmem:$0x1AD00] =	vst v63  }
0x100: {  	s14 =	simm.s32 $0x880;
	s13 =	sld [smem:$0x7DC];
	s11 =	simm.s32 $0x11D00  }
0x101: {  	[tilespmem:s11], [sflag:$0x2] =	stream.indirect.gather [hbm4b:s10+s6], $0x20, s14, s6, $0xb8;
	[tilespmem:$0x1AD00] =	vst v63  }
0x102: {  	s0 =	simm.s32 $0x900;
	s14 =	simm.s32 $0x12D00  }
0x103: {  	[tilespmem:s14], [sflag:$0x2] =	stream.indirect.gather [hbm4b:s13+s6], $0x20, s0, s6, $0xb8;
	[tilespmem:$0x1AD00] =	vst v63  }
0x104: {  	s14 =	sld [smem:$0x7DE]  }
0x105: {  	s10 =	sld [smem:$0x7DD];
	_ =	sdelay $0x1  }
0x106: {  	s13 =	simm.s32 $0x980;
	[smem:$0x7CA] =	sst s14;
	s14 =	simm.s32 $0x13D00  }
0x107: {  	[tilespmem:s14], [sflag:$0x2] =	stream.indirect.gather [hbm4b:s10+s6], $0x20, s13, s6, $0xb8;
	[tilespmem:$0x1AD00] =	vst v63  }
0x108: {  	s14 =	sld [smem:$0x7CA]  }
0x109: {  	[smem:$0x7CB] =	sst s7  }
0x10a: {  	s0 =	simm.s32 $0x14D00;
	s10 =	sld [smem:$0x7DF];
	s13 =	simm.s32 $0xA00  }
0x10b: {  	[tilespmem:s0], [sflag:$0x2] =	stream.indirect.gather [hbm4b:s14+s6], $0x20, s13, s6, $0xb8;
	[tilespmem:$0x1AD00] =	vst v63  }
0x10c: {  	s1 =	simm.s32 $0xA80;
	s14 =	sld [smem:$0x7E0];
	s13 =	simm.s32 $0x15D00  }
0x10d: {  	[tilespmem:s13], [sflag:$0x2] =	stream.indirect.gather [hbm4b:s10+s6], $0x20, s1, s6, $0xb8;
	[tilespmem:$0x1AD00] =	vst v63  }
0x10e: {  	s11 =	simm.s32 $0xB00;
	s10 =	sld [smem:$0x7E1];
	s13 =	simm.s32 $0x16D00  }
0x10f: {  	[tilespmem:s13], [sflag:$0x2] =	stream.indirect.gather [hbm4b:s14+s6], $0x20, s11, s6, $0xb8;
	[tilespmem:$0x1AD00] =	vst v63  }
0x110: {  	s7 =	simm.s32 $0x17D00;
	s0 =	simm.s32 $0xB80;
	s11 =	sld [smem:$0x7E2]  }
0x111: {  	[tilespmem:s7], [sflag:$0x2] =	stream.indirect.gather [hbm4b:s10+s6], $0x20, s0, s6, $0xb8;
	[tilespmem:$0x1AD00] =	vst v63  }
0x112: {  	s14 =	sld [smem:$0x7E3];
	s0 =	simm.s32 $0x18D00  }
0x113: {  	[tilespmem:s0], [sflag:$0x2] =	stream.indirect.gather [hbm4b:s11+s6], $0x20, s16, s6, $0xb8;
	[tilespmem:$0x1AD00] =	vst v63  }
0x114: {  	s1 =	simm.s32 $0xC80;
	s11 =	simm.s32 $0x19D00  }
0x115: {  	[tilespmem:s11], [sflag:$0x2] =	stream.indirect.gather [hbm4b:s14+s6], $0x20, s1, s6, $0xb8;
	[tilespmem:$0x1AD00] =	vst v63  }
0x116: {  	_ =	swait.ge [sflag:s2], $0x1000  }
0x117: {  	[sflag:s2] =	ssyncset.done $0x0  }
0x118: {  	[sflag:s2] =	ssyncadd.s32 $0xFFFFF000  }
0x119: {  	_ =	swait.ge [sflag:s2], $0x1000  }
0x11a: {  	[sflag:s2] =	ssyncset.done $0x0  }
0x11b: {  	[sflag:s2] =	ssyncadd.s32 $0xFFFFF000  }
0x11c: {  	_ =	swait.ge [sflag:s2], $0x1000  }
0x11d: {  	[sflag:s2] =	ssyncset.done $0x0  }
0x11e: {  	[sflag:s2] =	ssyncadd.s32 $0xFFFFF000  }
0x11f: {  	_ =	swait.ge [sflag:s2], $0x1000  }
0x120: {  	[sflag:s2] =	ssyncset.done $0x0  }
0x121: {  	[sflag:s2] =	ssyncadd.s32 $0xFFFFF000  }
0x122: {  	_ =	swait.ge [sflag:s2], $0x1000  }
0x123: {  	[sflag:s2] =	ssyncset.done $0x0  }
0x124: {  	[sflag:s2] =	ssyncadd.s32 $0xFFFFF000  }
0x125: {  	_ =	swait.ge [sflag:s2], $0x1000  }
0x126: {  	[sflag:s2] =	ssyncset.done $0x0  }
0x127: {  	[sflag:s2] =	ssyncadd.s32 $0xFFFFF000  }
0x128: {  	_ =	swait.ge [sflag:s2], $0x1000  }
0x129: {  	[sflag:s2] =	ssyncset.done $0x0  }
0x12a: {  	[sflag:s2] =	ssyncadd.s32 $0xFFFFF000  }
0x12b: {  	_ =	swait.ge [sflag:s2], $0x1000  }
0x12c: {  	[sflag:s2] =	ssyncset.done $0x0  }
0x12d: {  	[sflag:s2] =	ssyncadd.s32 $0xFFFFF000  }
0x12e: {  	_ =	swait.ge [sflag:s2], $0x1000  }
0x12f: {  	[sflag:s2] =	ssyncset.done $0x0  }
0x130: {  	[sflag:s2] =	ssyncadd.s32 $0xFFFFF000  }
0x131: {  	_ =	swait.ge [sflag:s2], $0x1000  }
0x132: {  	[sflag:s2] =	ssyncset.done $0x0  }
0x133: {  	[sflag:s2] =	ssyncadd.s32 $0xFFFFF000  }
0x134: {  	_ =	swait.ge [sflag:s2], $0x1000  }
0x135: {  	[sflag:s2] =	ssyncset.done $0x0  }
0x136: {  	[sflag:s2] =	ssyncadd.s32 $0xFFFFF000  }
0x137: {  	_ =	swait.ge [sflag:s2], $0x1000  }
0x138: {  	[sflag:s2] =	ssyncset.done $0x0  }
0x139: {  	[sflag:s2] =	ssyncadd.s32 $0xFFFFF000  }
0x13a: {  	_ =	swait.ge [sflag:s2], $0x1000  }
0x13b: {  	[sflag:s2] =	ssyncset.done $0x0  }
0x13c: {  	[sflag:s2] =	ssyncadd.s32 $0xFFFFF000  }
0x13d: {  	_ =	swait.ge [sflag:s2], $0x1000  }
0x13e: {  	[sflag:s2] =	ssyncset.done $0x0  }
0x13f: {  	[sflag:s2] =	ssyncadd.s32 $0xFFFFF000  }
0x140: {  	_ =	swait.ge [sflag:s2], $0x1000  }
0x141: {  	[sflag:s2] =	ssyncset.done $0x0  }
0x142: {  	[sflag:s2] =	ssyncadd.s32 $0xFFFFF000  }
0x143: {  	_ =	swait.ge [sflag:s2], $0x1000  }
0x144: {  	[sflag:s2] =	ssyncset.done $0x0  }
0x145: {  	[sflag:s2] =	ssyncadd.s32 $0xFFFFF000  }
0x146: {  	_ =	swait.ge [sflag:s2], $0x1000  }
0x147: {  	[sflag:s2] =	ssyncset.done $0x0  }
0x148: {  	[sflag:s2] =	ssyncadd.s32 $0xFFFFF000  }
0x149: {  	_ =	swait.ge [sflag:s2], $0x1000  }
0x14a: {  	[sflag:s2] =	ssyncset.done $0x0  }
0x14b: {  	[sflag:s2] =	ssyncadd.s32 $0xFFFFF000  }
0x14c: {  	_ =	swait.ge [sflag:s2], $0x1000  }
0x14d: {  	[sflag:s2] =	ssyncset.done $0x0  }
0x14e: {  	[sflag:s2] =	ssyncadd.s32 $0xFFFFF000  }
0x14f: {  	_ =	swait.ge [sflag:s2], $0x1000  }
0x150: {  	[sflag:s2] =	ssyncset.done $0x0  }
0x151: {  	[sflag:s2] =	ssyncadd.s32 $0xFFFFF000  }
0x152: {  	_ =	swait.ge [sflag:s2], $0x1000  }
0x153: {  	[sflag:s2] =	ssyncset.done $0x0  }
0x154: {  	[sflag:s2] =	ssyncadd.s32 $0xFFFFF000  }
0x155: {  	_ =	swait.ge [sflag:s2], $0x1000  }
0x156: {  	[sflag:s2] =	ssyncset.done $0x0  }
0x157: {  	[sflag:s2] =	ssyncadd.s32 $0xFFFFF000  }
0x158: {  	_ =	swait.ge [sflag:s2], $0x1000  }
0x159: {  	[sflag:s2] =	ssyncset.done $0x0  }
0x15a: {  	[sflag:s2] =	ssyncadd.s32 $0xFFFFF000  }
0x15b: {  	_ =	swait.ge [sflag:s2], $0x1000  }
0x15c: {  	[sflag:s2] =	ssyncset.done $0x0  }
0x15d: {  	[sflag:s2] =	ssyncadd.s32 $0xFFFFF000  }
0x15e: {  	_ =	swait.ge [sflag:s2], $0x1000  }
0x15f: {  	[sflag:s2] =	ssyncset.done $0x0  }
0x160: {  	[sflag:s2] =	ssyncadd.s32 $0xFFFFF000  }
0x161: {  	_ =	swait.ge [sflag:s2], $0x1000  }
0x162: {  	[sflag:s2] =	ssyncset.done $0x0  }
0x163: {  	s28 =	simm.s32 $0xD00;
	[sflag:s2] =	ssyncadd.s32 $0xFFFFF000  }
0x164: {  	[hbm4b:s12+s4] =	stream.strided.scatter [tilespmem:s28], [sflag:$0x3], $0x1000, s5, s4, $0x38;
	[tilespmem:$0x1AD00] =	vst v63  }
0x165: {  	_ =	swait.ge [sflag:s3], $0x1000  }
0x166: {  	s16 =	sld [smem:$0x7E4]  }
0x167: {  	[sflag:s3] =	ssyncset.done $0x0  }
0x168: {  	s18 =	simm.s32 $0x1D00;
	[sflag:s3] =	ssyncadd.s32 $0xFFFFF000  }
0x169: {  	[hbm4b:s16+s4] =	stream.strided.scatter [tilespmem:s18], [sflag:$0x3], $0x1000, s5, s4, $0x38;
	[tilespmem:$0x1AD00] =	vst v63  }
0x16a: {  	_ =	swait.ge [sflag:s3], $0x1000  }
0x16b: {  	s28 =	sld [smem:$0x7E5]  }
0x16c: {  	[sflag:s3] =	ssyncset.done $0x0  }
0x16d: {  	[sflag:s3] =	ssyncadd.s32 $0xFFFFF000  }
0x16e: {  	[hbm4b:s28+s4] =	stream.strided.scatter [tilespmem:s31], [sflag:$0x3], $0x1000, s5, s4, $0x38;
	[tilespmem:$0x1AD00] =	vst v63  }
0x16f: {  	_ =	swait.ge [sflag:s3], $0x1000  }
0x170: {  	s1 =	sld [smem:$0x7E6]  }
0x171: {  	[sflag:s3] =	ssyncset.done $0x0  }
0x172: {  	s14 =	simm.s32 $0x3D00;
	[sflag:s3] =	ssyncadd.s32 $0xFFFFF000  }
0x173: {  	[hbm4b:s1+s4] =	stream.strided.scatter [tilespmem:s14], [sflag:$0x3], $0x1000, s5, s4, $0x38;
	[tilespmem:$0x1AD00] =	vst v63  }
0x174: {  	_ =	swait.ge [sflag:s3], $0x1000  }
0x175: {  	s16 =	sld [smem:$0x7E7]  }
0x176: {  	[sflag:s3] =	ssyncset.done $0x0  }
0x177: {  	[sflag:s3] =	ssyncadd.s32 $0xFFFFF000  }
0x178: {  	[hbm4b:s16+s4] =	stream.strided.scatter [tilespmem:s17], [sflag:$0x3], $0x1000, s5, s4, $0x38;
	[tilespmem:$0x1AD00] =	vst v63  }
0x179: {  	_ =	swait.ge [sflag:s3], $0x1000  }
0x17a: {  	s18 =	sld [smem:$0x7E8]  }
0x17b: {  	[sflag:s3] =	ssyncset.done $0x0  }
0x17c: {  	s28 =	simm.s32 $0x5D00;
	[sflag:s3] =	ssyncadd.s32 $0xFFFFF000  }
0x17d: {  	[hbm4b:s18+s4] =	stream.strided.scatter [tilespmem:s28], [sflag:$0x3], $0x1000, s5, s4, $0x38;
	[tilespmem:$0x1AD00] =	vst v63  }
0x17e: {  	_ =	swait.ge [sflag:s3], $0x1000  }
0x17f: {  	s1 =	sld [smem:$0x7E9]  }
0x180: {  	[sflag:s3] =	ssyncset.done $0x0  }
0x181: {  	[sflag:s3] =	ssyncadd.s32 $0xFFFFF000  }
0x182: {  	[hbm4b:s1+s4] =	stream.strided.scatter [tilespmem:s19], [sflag:$0x3], $0x1000, s5, s4, $0x38;
	[tilespmem:$0x1AD00] =	vst v63  }
0x183: {  	_ =	swait.ge [sflag:s3], $0x1000  }
0x184: {  	s14 =	sld [smem:$0x7EA]  }
0x185: {  	[sflag:s3] =	ssyncset.done $0x0  }
0x186: {  	[sflag:s3] =	ssyncadd.s32 $0xFFFFF000  }
0x187: {  	[hbm4b:s14+s4] =	stream.strided.scatter [tilespmem:s20], [sflag:$0x3], $0x1000, s5, s4, $0x38;
	[tilespmem:$0x1AD00] =	vst v63  }
0x188: {  	_ =	swait.ge [sflag:s3], $0x1000  }
0x189: {  	s16 =	sld [smem:$0x7EB]  }
0x18a: {  	[sflag:s3] =	ssyncset.done $0x0  }
0x18b: {  	[sflag:s3] =	ssyncadd.s32 $0xFFFFF000  }
0x18c: {  	[hbm4b:s16+s4] =	stream.strided.scatter [tilespmem:s30], [sflag:$0x3], $0x1000, s5, s4, $0x38;
	[tilespmem:$0x1AD00] =	vst v63  }
0x18d: {  	_ =	swait.ge [sflag:s3], $0x1000  }
0x18e: {  	s17 =	sld [smem:$0x7EC]  }
0x18f: {  	[sflag:s3] =	ssyncset.done $0x0  }
0x190: {  	[sflag:s3] =	ssyncadd.s32 $0xFFFFF000  }
0x191: {  	[hbm4b:s17+s4] =	stream.strided.scatter [tilespmem:s29], [sflag:$0x3], $0x1000, s5, s4, $0x38;
	[tilespmem:$0x1AD00] =	vst v63  }
0x192: {  	_ =	swait.ge [sflag:s3], $0x1000  }
0x193: {  	s19 =	sld [smem:$0x7ED]  }
0x194: {  	[sflag:s3] =	ssyncset.done $0x0  }
0x195: {  	[sflag:s3] =	ssyncadd.s32 $0xFFFFF000  }
0x196: {  	[hbm4b:s19+s4] =	stream.strided.scatter [tilespmem:s26], [sflag:$0x3], $0x1000, s5, s4, $0x38;
	[tilespmem:$0x1AD00] =	vst v63  }
0x197: {  	_ =	swait.ge [sflag:s3], $0x1000  }
0x198: {  	s20 =	sld [smem:$0x7EE]  }
0x199: {  	[sflag:s3] =	ssyncset.done $0x0  }
0x19a: {  	[sflag:s3] =	ssyncadd.s32 $0xFFFFF000  }
0x19b: {  	[hbm4b:s20+s4] =	stream.strided.scatter [tilespmem:s25], [sflag:$0x3], $0x1000, s5, s4, $0x38;
	[tilespmem:$0x1AD00] =	vst v63  }
0x19c: {  	_ =	swait.ge [sflag:s3], $0x1000  }
0x19d: {  	s28 =	sld [smem:$0x7EF]  }
0x19e: {  	[sflag:s3] =	ssyncset.done $0x0  }
0x19f: {  	[sflag:s3] =	ssyncadd.s32 $0xFFFFF000  }
0x1a0: {  	[hbm4b:s28+s4] =	stream.strided.scatter [tilespmem:s24], [sflag:$0x3], $0x1000, s5, s4, $0x38;
	[tilespmem:$0x1AD00] =	vst v63  }
0x1a1: {  	_ =	swait.ge [sflag:s3], $0x1000  }
0x1a2: {  	s14 =	sld [smem:$0x7F0]  }
0x1a3: {  	[sflag:s3] =	ssyncset.done $0x0  }
0x1a4: {  	[sflag:s3] =	ssyncadd.s32 $0xFFFFF000  }
0x1a5: {  	[hbm4b:s14+s4] =	stream.strided.scatter [tilespmem:s23], [sflag:$0x3], $0x1000, s5, s4, $0x38;
	[tilespmem:$0x1AD00] =	vst v63  }
0x1a6: {  	_ =	swait.ge [sflag:s3], $0x1000  }
0x1a7: {  	s16 =	sld [smem:$0x7F1]  }
0x1a8: {  	[sflag:s3] =	ssyncset.done $0x0  }
0x1a9: {  	[sflag:s3] =	ssyncadd.s32 $0xFFFFF000  }
0x1aa: {  	[hbm4b:s16+s4] =	stream.strided.scatter [tilespmem:s22], [sflag:$0x3], $0x1000, s5, s4, $0x38;
	[tilespmem:$0x1AD00] =	vst v63  }
0x1ab: {  	_ =	swait.ge [sflag:s3], $0x1000  }
0x1ac: {  	s17 =	sld [smem:$0x7F2]  }
0x1ad: {  	[sflag:s3] =	ssyncset.done $0x0  }
0x1ae: {  	[sflag:s3] =	ssyncadd.s32 $0xFFFFF000  }
0x1af: {  	[hbm4b:s17+s4] =	stream.strided.scatter [tilespmem:s21], [sflag:$0x3], $0x1000, s5, s4, $0x38;
	[tilespmem:$0x1AD00] =	vst v63  }
0x1b0: {  	_ =	swait.ge [sflag:s3], $0x1000  }
0x1b1: {  	s19 =	sld [smem:$0x7F3]  }
0x1b2: {  	[sflag:s3] =	ssyncset.done $0x0  }
0x1b3: {  	[sflag:s3] =	ssyncadd.s32 $0xFFFFF000  }
0x1b4: {  	[hbm4b:s19+s4] =	stream.strided.scatter [tilespmem:s9], [sflag:$0x3], $0x1000, s5, s4, $0x38;
	[tilespmem:$0x1AD00] =	vst v63  }
0x1b5: {  	_ =	swait.ge [sflag:s3], $0x1000  }
0x1b6: {  	s20 =	sld [smem:$0x7F4]  }
0x1b7: {  	[sflag:s3] =	ssyncset.done $0x0  }
0x1b8: {  	s28 =	simm.s32 $0x11D00;
	[sflag:s3] =	ssyncadd.s32 $0xFFFFF000  }
0x1b9: {  	[hbm4b:s20+s4] =	stream.strided.scatter [tilespmem:s28], [sflag:$0x3], $0x1000, s5, s4, $0x38;
	[tilespmem:$0x1AD00] =	vst v63  }
0x1ba: {  	_ =	swait.ge [sflag:s3], $0x1000  }
0x1bb: {  	s14 =	sld [smem:$0x7F5]  }
0x1bc: {  	[sflag:s3] =	ssyncset.done $0x0  }
0x1bd: {  	s16 =	simm.s32 $0x12D00;
	[sflag:s3] =	ssyncadd.s32 $0xFFFFF000  }
0x1be: {  	[hbm4b:s14+s4] =	stream.strided.scatter [tilespmem:s16], [sflag:$0x3], $0x1000, s5, s4, $0x38;
	[tilespmem:$0x1AD00] =	vst v63  }
0x1bf: {  	_ =	swait.ge [sflag:s3], $0x1000  }
0x1c0: {  	s17 =	sld [smem:$0x7F6]  }
0x1c1: {  	[sflag:s3] =	ssyncset.done $0x0  }
0x1c2: {  	s28 =	simm.s32 $0x13D00;
	[sflag:s3] =	ssyncadd.s32 $0xFFFFF000  }
0x1c3: {  	[hbm4b:s17+s4] =	stream.strided.scatter [tilespmem:s28], [sflag:$0x3], $0x1000, s5, s4, $0x38;
	[tilespmem:$0x1AD00] =	vst v63  }
0x1c4: {  	_ =	swait.ge [sflag:s3], $0x1000  }
0x1c5: {  	s16 =	sld [smem:$0x7F7]  }
0x1c6: {  	[sflag:s3] =	ssyncset.done $0x0  }
0x1c7: {  	s28 =	simm.s32 $0x14D00;
	[sflag:s3] =	ssyncadd.s32 $0xFFFFF000  }
0x1c8: {  	[hbm4b:s16+s4] =	stream.strided.scatter [tilespmem:s28], [sflag:$0x3], $0x1000, s5, s4, $0x38;
	[tilespmem:$0x1AD00] =	vst v63  }
0x1c9: {  	_ =	swait.ge [sflag:s3], $0x1000  }
0x1ca: {  	s14 =	sld [smem:$0x7F8]  }
0x1cb: {  	[sflag:s3] =	ssyncset.done $0x0  }
0x1cc: {  	s28 =	simm.s32 $0x15D00;
	[sflag:s3] =	ssyncadd.s32 $0xFFFFF000  }
0x1cd: {  	[hbm4b:s14+s4] =	stream.strided.scatter [tilespmem:s28], [sflag:$0x3], $0x1000, s5, s4, $0x38;
	[tilespmem:$0x1AD00] =	vst v63  }
0x1ce: {  	_ =	swait.ge [sflag:s3], $0x1000  }
0x1cf: {  	s28 =	sld [smem:$0x7F9]  }
0x1d0: {  	[sflag:s3] =	ssyncset.done $0x0  }
0x1d1: {  	s13 =	simm.s32 $0x16D00;
	[sflag:s3] =	ssyncadd.s32 $0xFFFFF000  }
0x1d2: {  	[hbm4b:s28+s4] =	stream.strided.scatter [tilespmem:s13], [sflag:$0x3], $0x1000, s5, s4, $0x38;
	[tilespmem:$0x1AD00] =	vst v63  }
0x1d3: {  	_ =	swait.ge [sflag:s3], $0x1000  }
0x1d4: {  	s28 =	sld [smem:$0x7FA]  }
0x1d5: {  	[sflag:s3] =	ssyncset.done $0x0  }
0x1d6: {  	[sflag:s3] =	ssyncadd.s32 $0xFFFFF000  }
0x1d7: {  	[hbm4b:s28+s4] =	stream.strided.scatter [tilespmem:s7], [sflag:$0x3], $0x1000, s5, s4, $0x38;
	[tilespmem:$0x1AD00] =	vst v63  }
0x1d8: {  	_ =	swait.ge [sflag:s3], $0x1000  }
0x1d9: {  	s28 =	sld [smem:$0x7FB]  }
0x1da: {  	p0 =	por $0x1, $0x1;
	s31 =	simm.s32 $0x8D00;
	[sflag:s3] =	ssyncset.done $0x0  }
0x1db: {  	s18 =	simm.s32 $0x6D00;
	s1 =	simm.s32 $0x7D00;
	[sflag:s3] =	ssyncadd.s32 $0xFFFFF000  }
0x1dc: {  	[hbm4b:s28+s4] =	stream.strided.scatter [tilespmem:s0], [sflag:$0x3], $0x1000, s5, s4, $0x38;
	[tilespmem:$0x1AD00] =	vst v63  }
0x1dd: {  	s30 =	simm.s32 $0x9D00;
	s29 =	simm.s32 $0xAD00;
	_ =	swait.ge [sflag:s3], $0x1000  }
0x1de: {  	s26 =	simm.s32 $0xBD00;
	s25 =	simm.s32 $0xCD00;
	s28 =	sld [smem:$0x7FD]  }
0x1df: {  	s24 =	simm.s32 $0xDD00;
	s23 =	simm.s32 $0xED00;
	s22 =	simm.s32 $0xFD00  }
0x1e0: {  	s21 =	simm.s32 $0x10D00;
	s9 =	simm.s32 $0x11D00;
	s19 =	simm.s32 $0x13D00  }
0x1e1: {  	s20 =	simm.s32 $0x12D00;
	s0 =	sld [smem:$0x7FC];
	p1 =	sne.s32 s28, $0x1  }
.Ltmp1:
0x1e2: {  	s17 =	simm.s32 $0x14D00;
	[sflag:s3] =	ssyncset.done $0x0;
	(pc) =	sbr.rel @!p1 .LBB2_2-.Ltmp1, $4  }
0x1e3: {  	s16 =	simm.s32 $0x15D00;
	s14 =	simm.s32 $0x16D00;
	[sflag:s3] =	ssyncadd.s32 $0xFFFFF000  }
0x1e4: {  	[hbm4b:s0+s4] =	stream.strided.scatter [tilespmem:s11], [sflag:$0x3], $0x1000, s5, s4, $0x38;
	[tilespmem:$0x1AD00] =	vst v63  }
0x1e5: {  	s13 =	simm.s32 $0x17D00;
	s7 =	simm.s32 $0x18D00;
	_ =	swait.ge [sflag:s3], $0x1000  }
0x1e6: {  	s10 =	sadd.s32 $0xFFFFFFFF, s28;
	[sflag:s3] =	ssyncset.done $0x0;
	[smem:$0x7CC] =	sst s12  }
.LBB2_3:
0x1e7: {  	s0 =	sld [smem:$0x7CB];
	_ =	sdelay $0x1  }
0x1e8: {  	[sflag:s3] =	ssyncadd.s32 $0xFFFFF000  }
0x1e9: {  	[tilespmem:s15], [sflag:$0x1] =	stream.linear.gather [hbm4b:s0+s15], $0x80, $0x38;
	[tilespmem:$0x1AD00] =	vst v63  }
0x1ea: {  	s11 =	rddreg [dreg:$0x5]  }
0x1eb: {  	[tilespmem:s6], [sflag:$0x1] =	stream.linear.gather [hbm4b:s11+s15], $0x80, $0x38;
	[tilespmem:$0x1AD00] =	vst v63  }
0x1ec: {  	s12 =	rddreg [dreg:$0x6];
	s28 =	simm.s32 $0x100  }
0x1ed: {  	[tilespmem:s28], [sflag:$0x1] =	stream.linear.gather [hbm4b:s12+s15], $0x80, $0x38;
	[tilespmem:$0x1AD00] =	vst v63  }
0x1ee: {  	s0 =	simm.s32 $0x180;
	s11 =	rddreg [dreg:$0x7]  }
0x1ef: {  	[tilespmem:s0], [sflag:$0x1] =	stream.linear.gather [hbm4b:s11+s15], $0x80, $0x38;
	[tilespmem:$0x1AD00] =	vst v63  }
0x1f0: {  	s12 =	rddreg [dreg:$0x8];
	s0 =	simm.s32 $0x200  }
0x1f1: {  	[tilespmem:s0], [sflag:$0x1] =	stream.linear.gather [hbm4b:s12+s15], $0x80, $0x38;
	[tilespmem:$0x1AD00] =	vst v63  }
0x1f2: {  	s11 =	rddreg [dreg:$0x9];
	s0 =	simm.s32 $0x280  }
0x1f3: {  	[tilespmem:s0], [sflag:$0x1] =	stream.linear.gather [hbm4b:s11+s15], $0x80, $0x38;
	[tilespmem:$0x1AD00] =	vst v63  }
0x1f4: {  	s12 =	rddreg [dreg:$0xa];
	s0 =	simm.s32 $0x300  }
0x1f5: {  	[tilespmem:s0], [sflag:$0x1] =	stream.linear.gather [hbm4b:s12+s15], $0x80, $0x38;
	[tilespmem:$0x1AD00] =	vst v63  }
0x1f6: {  	s11 =	rddreg [dreg:$0xb];
	s0 =	simm.s32 $0x380  }
0x1f7: {  	[tilespmem:s0], [sflag:$0x1] =	stream.linear.gather [hbm4b:s11+s15], $0x80, $0x38;
	[tilespmem:$0x1AD00] =	vst v63  }
0x1f8: {  	s12 =	rddreg [dreg:$0xc];
	s0 =	simm.s32 $0x400  }
0x1f9: {  	[tilespmem:s0], [sflag:$0x1] =	stream.linear.gather [hbm4b:s12+s15], $0x80, $0x38;
	[tilespmem:$0x1AD00] =	vst v63  }
0x1fa: {  	s11 =	rddreg [dreg:$0xd];
	s0 =	simm.s32 $0x480  }
0x1fb: {  	[tilespmem:s0], [sflag:$0x1] =	stream.linear.gather [hbm4b:s11+s15], $0x80, $0x38;
	[tilespmem:$0x1AD00] =	vst v63  }
0x1fc: {  	s12 =	rddreg [dreg:$0xe];
	s0 =	simm.s32 $0x500  }
0x1fd: {  	[tilespmem:s0], [sflag:$0x1] =	stream.linear.gather [hbm4b:s12+s15], $0x80, $0x38;
	[tilespmem:$0x1AD00] =	vst v63  }
0x1fe: {  	s11 =	rddreg [dreg:$0xf];
	s0 =	simm.s32 $0x580  }
0x1ff: {  	[tilespmem:s0], [sflag:$0x1] =	stream.linear.gather [hbm4b:s11+s15], $0x80, $0x38;
	[tilespmem:$0x1AD00] =	vst v63  }
0x200: {  	s12 =	rddreg [dreg:$0x10];
	s0 =	simm.s32 $0x600  }
0x201: {  	[tilespmem:s0], [sflag:$0x1] =	stream.linear.gather [hbm4b:s12+s15], $0x80, $0x38;
	[tilespmem:$0x1AD00] =	vst v63  }
0x202: {  	s11 =	rddreg [dreg:$0x11];
	s0 =	simm.s32 $0x680  }
0x203: {  	[tilespmem:s0], [sflag:$0x1] =	stream.linear.gather [hbm4b:s11+s15], $0x80, $0x38;
	[tilespmem:$0x1AD00] =	vst v63  }
0x204: {  	s12 =	rddreg [dreg:$0x12];
	s0 =	simm.s32 $0x700  }
0x205: {  	[tilespmem:s0], [sflag:$0x1] =	stream.linear.gather [hbm4b:s12+s15], $0x80, $0x38;
	[tilespmem:$0x1AD00] =	vst v63  }
0x206: {  	s11 =	rddreg [dreg:$0x13];
	s0 =	simm.s32 $0x780  }
0x207: {  	[tilespmem:s0], [sflag:$0x1] =	stream.linear.gather [hbm4b:s11+s15], $0x80, $0x38;
	[tilespmem:$0x1AD00] =	vst v63  }
0x208: {  	s12 =	rddreg [dreg:$0x14];
	s0 =	simm.s32 $0x800  }
0x209: {  	[tilespmem:s0], [sflag:$0x1] =	stream.linear.gather [hbm4b:s12+s15], $0x80, $0x38;
	[tilespmem:$0x1AD00] =	vst v63  }
0x20a: {  	s11 =	rddreg [dreg:$0x15];
	s0 =	simm.s32 $0x880  }
0x20b: {  	[tilespmem:s0], [sflag:$0x1] =	stream.linear.gather [hbm4b:s11+s15], $0x80, $0x38;
	[tilespmem:$0x1AD00] =	vst v63  }
0x20c: {  	s12 =	rddreg [dreg:$0x16];
	s0 =	simm.s32 $0x900  }
0x20d: {  	[tilespmem:s0], [sflag:$0x1] =	stream.linear.gather [hbm4b:s12+s15], $0x80, $0x38;
	[tilespmem:$0x1AD00] =	vst v63  }
0x20e: {  	s11 =	rddreg [dreg:$0x17];
	s0 =	simm.s32 $0x980  }
0x20f: {  	[tilespmem:s0], [sflag:$0x1] =	stream.linear.gather [hbm4b:s11+s15], $0x80, $0x38;
	[tilespmem:$0x1AD00] =	vst v63  }
0x210: {  	s12 =	rddreg [dreg:$0x18];
	s0 =	simm.s32 $0xA00  }
0x211: {  	[tilespmem:s0], [sflag:$0x1] =	stream.linear.gather [hbm4b:s12+s15], $0x80, $0x38;
	[tilespmem:$0x1AD00] =	vst v63  }
0x212: {  	s11 =	rddreg [dreg:$0x19];
	s0 =	simm.s32 $0xA80  }
0x213: {  	[tilespmem:s0], [sflag:$0x1] =	stream.linear.gather [hbm4b:s11+s15], $0x80, $0x38;
	[tilespmem:$0x1AD00] =	vst v63  }
0x214: {  	s12 =	rddreg [dreg:$0x1a];
	s0 =	simm.s32 $0xB00  }
0x215: {  	[tilespmem:s0], [sflag:$0x1] =	stream.linear.gather [hbm4b:s12+s15], $0x80, $0x38;
	[tilespmem:$0x1AD00] =	vst v63  }
0x216: {  	s11 =	rddreg [dreg:$0x1b];
	s0 =	simm.s32 $0xB80  }
0x217: {  	[tilespmem:s0], [sflag:$0x1] =	stream.linear.gather [hbm4b:s11+s15], $0x80, $0x38;
	[tilespmem:$0x1AD00] =	vst v63  }
0x218: {  	s12 =	rddreg [dreg:$0x1c];
	s0 =	simm.s32 $0xC00  }
0x219: {  	[tilespmem:s0], [sflag:$0x1] =	stream.linear.gather [hbm4b:s12+s15], $0x80, $0x38;
	[tilespmem:$0x1AD00] =	vst v63  }
0x21a: {  	s11 =	rddreg [dreg:$0x1d];
	s12 =	simm.s32 $0xC80  }
0x21b: {  	[tilespmem:s12], [sflag:$0x1] =	stream.linear.gather [hbm4b:s11+s15], $0x80, $0x38;
	[tilespmem:$0x1AD00] =	vst v63  }
0x21c: {  	_ =	swait.ge [sflag:s8], $0x80  }
0x21d: {  	[sflag:s8] =	ssyncset.done $0x0  }
0x21e: {  	[sflag:s8] =	ssyncadd.s32 $0xFFFFFF80  }
0x21f: {  	_ =	swait.ge [sflag:s8], $0x80  }
0x220: {  	[sflag:s8] =	ssyncset.done $0x0  }
0x221: {  	[sflag:s8] =	ssyncadd.s32 $0xFFFFFF80  }
0x222: {  	_ =	swait.ge [sflag:s8], $0x80  }
0x223: {  	[sflag:s8] =	ssyncset.done $0x0  }
0x224: {  	[sflag:s8] =	ssyncadd.s32 $0xFFFFFF80  }
0x225: {  	_ =	swait.ge [sflag:s8], $0x80  }
0x226: {  	[sflag:s8] =	ssyncset.done $0x0  }
0x227: {  	[sflag:s8] =	ssyncadd.s32 $0xFFFFFF80  }
0x228: {  	_ =	swait.ge [sflag:s8], $0x80  }
0x229: {  	[sflag:s8] =	ssyncset.done $0x0  }
0x22a: {  	[sflag:s8] =	ssyncadd.s32 $0xFFFFFF80  }
0x22b: {  	_ =	swait.ge [sflag:s8], $0x80  }
0x22c: {  	[sflag:s8] =	ssyncset.done $0x0  }
0x22d: {  	[sflag:s8] =	ssyncadd.s32 $0xFFFFFF80  }
0x22e: {  	_ =	swait.ge [sflag:s8], $0x80  }
0x22f: {  	[sflag:s8] =	ssyncset.done $0x0  }
0x230: {  	[sflag:s8] =	ssyncadd.s32 $0xFFFFFF80  }
0x231: {  	_ =	swait.ge [sflag:s8], $0x80  }
0x232: {  	[sflag:s8] =	ssyncset.done $0x0  }
0x233: {  	[sflag:s8] =	ssyncadd.s32 $0xFFFFFF80  }
0x234: {  	_ =	swait.ge [sflag:s8], $0x80  }
0x235: {  	[sflag:s8] =	ssyncset.done $0x0  }
0x236: {  	[sflag:s8] =	ssyncadd.s32 $0xFFFFFF80  }
0x237: {  	_ =	swait.ge [sflag:s8], $0x80  }
0x238: {  	[sflag:s8] =	ssyncset.done $0x0  }
0x239: {  	[sflag:s8] =	ssyncadd.s32 $0xFFFFFF80  }
0x23a: {  	_ =	swait.ge [sflag:s8], $0x80  }
0x23b: {  	[sflag:s8] =	ssyncset.done $0x0  }
0x23c: {  	[sflag:s8] =	ssyncadd.s32 $0xFFFFFF80  }
0x23d: {  	_ =	swait.ge [sflag:s8], $0x80  }
0x23e: {  	[sflag:s8] =	ssyncset.done $0x0  }
0x23f: {  	[sflag:s8] =	ssyncadd.s32 $0xFFFFFF80  }
0x240: {  	_ =	swait.ge [sflag:s8], $0x80  }
0x241: {  	[sflag:s8] =	ssyncset.done $0x0  }
0x242: {  	[sflag:s8] =	ssyncadd.s32 $0xFFFFFF80  }
0x243: {  	_ =	swait.ge [sflag:s8], $0x80  }
0x244: {  	[sflag:s8] =	ssyncset.done $0x0  }
0x245: {  	[sflag:s8] =	ssyncadd.s32 $0xFFFFFF80  }
0x246: {  	_ =	swait.ge [sflag:s8], $0x80  }
0x247: {  	[sflag:s8] =	ssyncset.done $0x0  }
0x248: {  	[sflag:s8] =	ssyncadd.s32 $0xFFFFFF80  }
0x249: {  	_ =	swait.ge [sflag:s8], $0x80  }
0x24a: {  	[sflag:s8] =	ssyncset.done $0x0  }
0x24b: {  	[sflag:s8] =	ssyncadd.s32 $0xFFFFFF80  }
0x24c: {  	_ =	swait.ge [sflag:s8], $0x80  }
0x24d: {  	[sflag:s8] =	ssyncset.done $0x0  }
0x24e: {  	[sflag:s8] =	ssyncadd.s32 $0xFFFFFF80  }
0x24f: {  	_ =	swait.ge [sflag:s8], $0x80  }
0x250: {  	[sflag:s8] =	ssyncset.done $0x0  }
0x251: {  	[sflag:s8] =	ssyncadd.s32 $0xFFFFFF80  }
0x252: {  	_ =	swait.ge [sflag:s8], $0x80  }
0x253: {  	[sflag:s8] =	ssyncset.done $0x0  }
0x254: {  	[sflag:s8] =	ssyncadd.s32 $0xFFFFFF80  }
0x255: {  	_ =	swait.ge [sflag:s8], $0x80  }
0x256: {  	[sflag:s8] =	ssyncset.done $0x0  }
0x257: {  	[sflag:s8] =	ssyncadd.s32 $0xFFFFFF80  }
0x258: {  	_ =	swait.ge [sflag:s8], $0x80  }
0x259: {  	[sflag:s8] =	ssyncset.done $0x0  }
0x25a: {  	[sflag:s8] =	ssyncadd.s32 $0xFFFFFF80  }
0x25b: {  	_ =	swait.ge [sflag:s8], $0x80  }
0x25c: {  	[sflag:s8] =	ssyncset.done $0x0  }
0x25d: {  	[sflag:s8] =	ssyncadd.s32 $0xFFFFFF80  }
0x25e: {  	_ =	swait.ge [sflag:s8], $0x80  }
0x25f: {  	[sflag:s8] =	ssyncset.done $0x0  }
0x260: {  	[sflag:s8] =	ssyncadd.s32 $0xFFFFFF80  }
0x261: {  	_ =	swait.ge [sflag:s8], $0x80  }
0x262: {  	[sflag:s8] =	ssyncset.done $0x0  }
0x263: {  	[sflag:s8] =	ssyncadd.s32 $0xFFFFFF80  }
0x264: {  	_ =	swait.ge [sflag:s8], $0x80  }
0x265: {  	[sflag:s8] =	ssyncset.done $0x0  }
0x266: {  	[sflag:s8] =	ssyncadd.s32 $0xFFFFFF80  }
0x267: {  	_ =	swait.ge [sflag:s8], $0x80  }
0x268: {  	s11 =	rddreg [dreg:$0x4];
	[sflag:s8] =	ssyncset.done $0x0  }
0x269: {  	s0 =	simm.s32 $0xD00;
	s12 =	rddreg [dreg:$0x1e];
	[sflag:s8] =	ssyncadd.s32 $0xFFFFFF80  }
0x26a: {  	[tilespmem:s0], [sflag:$0x2] =	stream.indirect.gather [hbm4b:s11+s6], $0x20, s15, s6, $0xb8;
	[tilespmem:$0x1AD00] =	vst v63  }
0x26b: {  	s11 =	rddreg [dreg:$0x1f];
	s0 =	simm.s32 $0x1D00  }
0x26c: {  	[tilespmem:s0], [sflag:$0x2] =	stream.indirect.gather [hbm4b:s12+s6], $0x20, s6, s6, $0xb8;
	[tilespmem:$0x1AD00] =	vst v63  }
0x26d: {  	s28 =	simm.s32 $0x100;
	s12 =	sld [smem:$0x7CD];
	s0 =	simm.s32 $0x2D00  }
0x26e: {  	[tilespmem:s0], [sflag:$0x2] =	stream.indirect.gather [hbm4b:s11+s6], $0x20, s28, s6, $0xb8;
	[tilespmem:$0x1AD00] =	vst v63  }
0x26f: {  	s11 =	sld [smem:$0x7CE];
	s0 =	simm.s32 $0x3D00;
	s28 =	simm.s32 $0x180  }
0x270: {  	[tilespmem:s0], [sflag:$0x2] =	stream.indirect.gather [hbm4b:s12+s6], $0x20, s28, s6, $0xb8;
	[tilespmem:$0x1AD00] =	vst v63  }
0x271: {  	s12 =	sld [smem:$0x7CF];
	s0 =	simm.s32 $0x4D00;
	s28 =	simm.s32 $0x200  }
0x272: {  	[tilespmem:s0], [sflag:$0x2] =	stream.indirect.gather [hbm4b:s11+s6], $0x20, s28, s6, $0xb8;
	[tilespmem:$0x1AD00] =	vst v63  }
0x273: {  	s11 =	sld [smem:$0x7D0];
	s0 =	simm.s32 $0x280;
	s28 =	simm.s32 $0x5D00  }
0x274: {  	[tilespmem:s28], [sflag:$0x2] =	stream.indirect.gather [hbm4b:s12+s6], $0x20, s0, s6, $0xb8;
	[tilespmem:$0x1AD00] =	vst v63  }
0x275: {  	s12 =	sld [smem:$0x7D1];
	s28 =	simm.s32 $0x300  }
0x276: {  	[tilespmem:s18], [sflag:$0x2] =	stream.indirect.gather [hbm4b:s11+s6], $0x20, s28, s6, $0xb8;
	[tilespmem:$0x1AD00] =	vst v63  }
0x277: {  	s0 =	simm.s32 $0x380;
	s11 =	sld [smem:$0x7D2]  }
0x278: {  	[tilespmem:s1], [sflag:$0x2] =	stream.indirect.gather [hbm4b:s12+s6], $0x20, s0, s6, $0xb8;
	[tilespmem:$0x1AD00] =	vst v63  }
0x279: {  	s28 =	simm.s32 $0x400;
	s1 =	sld [smem:$0x7D3]  }
0x27a: {  	[tilespmem:s31], [sflag:$0x2] =	stream.indirect.gather [hbm4b:s11+s6], $0x20, s28, s6, $0xb8;
	[tilespmem:$0x1AD00] =	vst v63  }
0x27b: {  	s18 =	simm.s32 $0x480;
	s0 =	sld [smem:$0x7D4]  }
0x27c: {  	[tilespmem:s30], [sflag:$0x2] =	stream.indirect.gather [hbm4b:s1+s6], $0x20, s18, s6, $0xb8;
	[tilespmem:$0x1AD00] =	vst v63  }
0x27d: {  	s28 =	sld [smem:$0x7D5];
	s1 =	simm.s32 $0x500  }
0x27e: {  	[tilespmem:s29], [sflag:$0x2] =	stream.indirect.gather [hbm4b:s0+s6], $0x20, s1, s6, $0xb8;
	[tilespmem:$0x1AD00] =	vst v63  }
0x27f: {  	s11 =	sld [smem:$0x7D6];
	s18 =	simm.s32 $0x580  }
0x280: {  	[tilespmem:s26], [sflag:$0x2] =	stream.indirect.gather [hbm4b:s28+s6], $0x20, s18, s6, $0xb8;
	[tilespmem:$0x1AD00] =	vst v63  }
0x281: {  	s1 =	simm.s32 $0x600;
	s28 =	sld [smem:$0x7D7]  }
0x282: {  	[tilespmem:s25], [sflag:$0x2] =	stream.indirect.gather [hbm4b:s11+s6], $0x20, s1, s6, $0xb8;
	[tilespmem:$0x1AD00] =	vst v63  }
0x283: {  	s18 =	sld [smem:$0x7D8];
	s25 =	simm.s32 $0x680  }
0x284: {  	[tilespmem:s24], [sflag:$0x2] =	stream.indirect.gather [hbm4b:s28+s6], $0x20, s25, s6, $0xb8;
	[tilespmem:$0x1AD00] =	vst v63  }
0x285: {  	s26 =	sld [smem:$0x7D9];
	s28 =	simm.s32 $0x700  }
0x286: {  	[tilespmem:s23], [sflag:$0x2] =	stream.indirect.gather [hbm4b:s18+s6], $0x20, s28, s6, $0xb8;
	[tilespmem:$0x1AD00] =	vst v63  }
0x287: {  	s1 =	sld [smem:$0x7DA];
	s18 =	simm.s32 $0x780  }
0x288: {  	[tilespmem:s22], [sflag:$0x2] =	stream.indirect.gather [hbm4b:s26+s6], $0x20, s18, s6, $0xb8;
	[tilespmem:$0x1AD00] =	vst v63  }
0x289: {  	s24 =	simm.s32 $0x800;
	s23 =	sld [smem:$0x7DB]  }
0x28a: {  	[tilespmem:s21], [sflag:$0x2] =	stream.indirect.gather [hbm4b:s1+s6], $0x20, s24, s6, $0xb8;
	[tilespmem:$0x1AD00] =	vst v63  }
0x28b: {  	s25 =	sld [smem:$0x7DC];
	s26 =	simm.s32 $0x880  }
0x28c: {  	[tilespmem:s9], [sflag:$0x2] =	stream.indirect.gather [hbm4b:s23+s6], $0x20, s26, s6, $0xb8;
	[tilespmem:$0x1AD00] =	vst v63  }
0x28d: {  	s28 =	sld [smem:$0x7DD];
	s1 =	simm.s32 $0x900  }
0x28e: {  	[tilespmem:s20], [sflag:$0x2] =	stream.indirect.gather [hbm4b:s25+s6], $0x20, s1, s6, $0xb8;
	[tilespmem:$0x1AD00] =	vst v63  }
0x28f: {  	s18 =	simm.s32 $0x980;
	s9 =	sld [smem:$0x7DE]  }
0x290: {  	[tilespmem:s19], [sflag:$0x2] =	stream.indirect.gather [hbm4b:s28+s6], $0x20, s18, s6, $0xb8;
	[tilespmem:$0x1AD00] =	vst v63  }
0x291: {  	s20 =	simm.s32 $0xA00;
	s19 =	sld [smem:$0x7DF]  }
0x292: {  	[tilespmem:s17], [sflag:$0x2] =	stream.indirect.gather [hbm4b:s9+s6], $0x20, s20, s6, $0xb8;
	[tilespmem:$0x1AD00] =	vst v63  }
0x293: {  	s22 =	simm.s32 $0xA80;
	s21 =	sld [smem:$0x7E0]  }
0x294: {  	[tilespmem:s16], [sflag:$0x2] =	stream.indirect.gather [hbm4b:s19+s6], $0x20, s22, s6, $0xb8;
	[tilespmem:$0x1AD00] =	vst v63  }
0x295: {  	s24 =	simm.s32 $0xB00;
	s23 =	sld [smem:$0x7E1]  }
0x296: {  	[tilespmem:s14], [sflag:$0x2] =	stream.indirect.gather [hbm4b:s21+s6], $0x20, s24, s6, $0xb8;
	[tilespmem:$0x1AD00] =	vst v63  }
0x297: {  	s26 =	simm.s32 $0xB80;
	s25 =	sld [smem:$0x7E2]  }
0x298: {  	[tilespmem:s13], [sflag:$0x2] =	stream.indirect.gather [hbm4b:s23+s6], $0x20, s26, s6, $0xb8;
	[tilespmem:$0x1AD00] =	vst v63  }
0x299: {  	s12 =	sld [smem:$0x7E3];
	s28 =	simm.s32 $0xC00  }
0x29a: {  	[tilespmem:s7], [sflag:$0x2] =	stream.indirect.gather [hbm4b:s25+s6], $0x20, s28, s6, $0xb8;
	[tilespmem:$0x1AD00] =	vst v63  }
0x29b: {  	s0 =	simm.s32 $0xC80;
	s11 =	simm.s32 $0x19D00  }
0x29c: {  	[tilespmem:s11], [sflag:$0x2] =	stream.indirect.gather [hbm4b:s12+s6], $0x20, s0, s6, $0xb8;
	[tilespmem:$0x1AD00] =	vst v63  }
0x29d: {  	_ =	swait.ge [sflag:s2], $0x1000  }
0x29e: {  	[sflag:s2] =	ssyncset.done $0x0  }
0x29f: {  	[sflag:s2] =	ssyncadd.s32 $0xFFFFF000  }
0x2a0: {  	_ =	swait.ge [sflag:s2], $0x1000  }
0x2a1: {  	[sflag:s2] =	ssyncset.done $0x0  }
0x2a2: {  	[sflag:s2] =	ssyncadd.s32 $0xFFFFF000  }
0x2a3: {  	_ =	swait.ge [sflag:s2], $0x1000  }
0x2a4: {  	[sflag:s2] =	ssyncset.done $0x0  }
0x2a5: {  	[sflag:s2] =	ssyncadd.s32 $0xFFFFF000  }
0x2a6: {  	_ =	swait.ge [sflag:s2], $0x1000  }
0x2a7: {  	[sflag:s2] =	ssyncset.done $0x0  }
0x2a8: {  	[sflag:s2] =	ssyncadd.s32 $0xFFFFF000  }
0x2a9: {  	_ =	swait.ge [sflag:s2], $0x1000  }
0x2aa: {  	[sflag:s2] =	ssyncset.done $0x0  }
0x2ab: {  	[sflag:s2] =	ssyncadd.s32 $0xFFFFF000  }
0x2ac: {  	_ =	swait.ge [sflag:s2], $0x1000  }
0x2ad: {  	[sflag:s2] =	ssyncset.done $0x0  }
0x2ae: {  	[sflag:s2] =	ssyncadd.s32 $0xFFFFF000  }
0x2af: {  	_ =	swait.ge [sflag:s2], $0x1000  }
0x2b0: {  	[sflag:s2] =	ssyncset.done $0x0  }
0x2b1: {  	[sflag:s2] =	ssyncadd.s32 $0xFFFFF000  }
0x2b2: {  	_ =	swait.ge [sflag:s2], $0x1000  }
0x2b3: {  	[sflag:s2] =	ssyncset.done $0x0  }
0x2b4: {  	[sflag:s2] =	ssyncadd.s32 $0xFFFFF000  }
0x2b5: {  	_ =	swait.ge [sflag:s2], $0x1000  }
0x2b6: {  	[sflag:s2] =	ssyncset.done $0x0  }
0x2b7: {  	[sflag:s2] =	ssyncadd.s32 $0xFFFFF000  }
0x2b8: {  	_ =	swait.ge [sflag:s2], $0x1000  }
0x2b9: {  	[sflag:s2] =	ssyncset.done $0x0  }
0x2ba: {  	[sflag:s2] =	ssyncadd.s32 $0xFFFFF000  }
0x2bb: {  	_ =	swait.ge [sflag:s2], $0x1000  }
0x2bc: {  	[sflag:s2] =	ssyncset.done $0x0  }
0x2bd: {  	[sflag:s2] =	ssyncadd.s32 $0xFFFFF000  }
0x2be: {  	_ =	swait.ge [sflag:s2], $0x1000  }
0x2bf: {  	[sflag:s2] =	ssyncset.done $0x0  }
0x2c0: {  	[sflag:s2] =	ssyncadd.s32 $0xFFFFF000  }
0x2c1: {  	_ =	swait.ge [sflag:s2], $0x1000  }
0x2c2: {  	[sflag:s2] =	ssyncset.done $0x0  }
0x2c3: {  	[sflag:s2] =	ssyncadd.s32 $0xFFFFF000  }
0x2c4: {  	_ =	swait.ge [sflag:s2], $0x1000  }
0x2c5: {  	[sflag:s2] =	ssyncset.done $0x0  }
0x2c6: {  	[sflag:s2] =	ssyncadd.s32 $0xFFFFF000  }
0x2c7: {  	_ =	swait.ge [sflag:s2], $0x1000  }
0x2c8: {  	[sflag:s2] =	ssyncset.done $0x0  }
0x2c9: {  	[sflag:s2] =	ssyncadd.s32 $0xFFFFF000  }
0x2ca: {  	_ =	swait.ge [sflag:s2], $0x1000  }
0x2cb: {  	[sflag:s2] =	ssyncset.done $0x0  }
0x2cc: {  	[sflag:s2] =	ssyncadd.s32 $0xFFFFF000  }
0x2cd: {  	_ =	swait.ge [sflag:s2], $0x1000  }
0x2ce: {  	[sflag:s2] =	ssyncset.done $0x0  }
0x2cf: {  	[sflag:s2] =	ssyncadd.s32 $0xFFFFF000  }
0x2d0: {  	_ =	swait.ge [sflag:s2], $0x1000  }
0x2d1: {  	[sflag:s2] =	ssyncset.done $0x0  }
0x2d2: {  	[sflag:s2] =	ssyncadd.s32 $0xFFFFF000  }
0x2d3: {  	_ =	swait.ge [sflag:s2], $0x1000  }
0x2d4: {  	[sflag:s2] =	ssyncset.done $0x0  }
0x2d5: {  	[sflag:s2] =	ssyncadd.s32 $0xFFFFF000  }
0x2d6: {  	_ =	swait.ge [sflag:s2], $0x1000  }
0x2d7: {  	[sflag:s2] =	ssyncset.done $0x0  }
0x2d8: {  	[sflag:s2] =	ssyncadd.s32 $0xFFFFF000  }
0x2d9: {  	_ =	swait.ge [sflag:s2], $0x1000  }
0x2da: {  	[sflag:s2] =	ssyncset.done $0x0  }
0x2db: {  	[sflag:s2] =	ssyncadd.s32 $0xFFFFF000  }
0x2dc: {  	_ =	swait.ge [sflag:s2], $0x1000  }
0x2dd: {  	[sflag:s2] =	ssyncset.done $0x0  }
0x2de: {  	[sflag:s2] =	ssyncadd.s32 $0xFFFFF000  }
0x2df: {  	_ =	swait.ge [sflag:s2], $0x1000  }
0x2e0: {  	[sflag:s2] =	ssyncset.done $0x0  }
0x2e1: {  	[sflag:s2] =	ssyncadd.s32 $0xFFFFF000  }
0x2e2: {  	_ =	swait.ge [sflag:s2], $0x1000  }
0x2e3: {  	[sflag:s2] =	ssyncset.done $0x0  }
0x2e4: {  	[sflag:s2] =	ssyncadd.s32 $0xFFFFF000  }
0x2e5: {  	_ =	swait.ge [sflag:s2], $0x1000  }
0x2e6: {  	[sflag:s2] =	ssyncset.done $0x0  }
0x2e7: {  	[sflag:s2] =	ssyncadd.s32 $0xFFFFF000  }
0x2e8: {  	_ =	swait.ge [sflag:s2], $0x1000  }
0x2e9: {  	s0 =	sld [smem:$0x7CC]  }
0x2ea: {  	[sflag:s2] =	ssyncset.done $0x0  }
0x2eb: {  	s28 =	simm.s32 $0xD00;
	[sflag:s2] =	ssyncadd.s32 $0xFFFFF000  }
0x2ec: {  	[hbm4b:s0+s4] =	stream.strided.scatter [tilespmem:s28], [sflag:$0x3], $0x1000, s5, s4, $0x38;
	[tilespmem:$0x1AD00] =	vst v63  }
0x2ed: {  	_ =	swait.ge [sflag:s3], $0x1000  }
0x2ee: {  	s11 =	sld [smem:$0x7E4]  }
0x2ef: {  	[sflag:s3] =	ssyncset.done $0x0  }
0x2f0: {  	s0 =	simm.s32 $0x1D00;
	[sflag:s3] =	ssyncadd.s32 $0xFFFFF000  }
0x2f1: {  	[hbm4b:s11+s4] =	stream.strided.scatter [tilespmem:s0], [sflag:$0x3], $0x1000, s5, s4, $0x38;
	[tilespmem:$0x1AD00] =	vst v63  }
0x2f2: {  	_ =	swait.ge [sflag:s3], $0x1000  }
0x2f3: {  	s11 =	sld [smem:$0x7E5]  }
0x2f4: {  	[sflag:s3] =	ssyncset.done $0x0  }
0x2f5: {  	s0 =	simm.s32 $0x2D00;
	[sflag:s3] =	ssyncadd.s32 $0xFFFFF000  }
0x2f6: {  	[hbm4b:s11+s4] =	stream.strided.scatter [tilespmem:s0], [sflag:$0x3], $0x1000, s5, s4, $0x38;
	[tilespmem:$0x1AD00] =	vst v63  }
0x2f7: {  	_ =	swait.ge [sflag:s3], $0x1000  }
0x2f8: {  	s11 =	sld [smem:$0x7E6]  }
0x2f9: {  	[sflag:s3] =	ssyncset.done $0x0  }
0x2fa: {  	s0 =	simm.s32 $0x3D00;
	[sflag:s3] =	ssyncadd.s32 $0xFFFFF000  }
0x2fb: {  	[hbm4b:s11+s4] =	stream.strided.scatter [tilespmem:s0], [sflag:$0x3], $0x1000, s5, s4, $0x38;
	[tilespmem:$0x1AD00] =	vst v63  }
0x2fc: {  	_ =	swait.ge [sflag:s3], $0x1000  }
0x2fd: {  	s0 =	sld [smem:$0x7E7]  }
0x2fe: {  	[sflag:s3] =	ssyncset.done $0x0  }
0x2ff: {  	s28 =	simm.s32 $0x4D00;
	[sflag:s3] =	ssyncadd.s32 $0xFFFFF000  }
0x300: {  	[hbm4b:s0+s4] =	stream.strided.scatter [tilespmem:s28], [sflag:$0x3], $0x1000, s5, s4, $0x38;
	[tilespmem:$0x1AD00] =	vst v63  }
0x301: {  	_ =	swait.ge [sflag:s3], $0x1000  }
0x302: {  	s0 =	sld [smem:$0x7E8]  }
0x303: {  	[sflag:s3] =	ssyncset.done $0x0  }
0x304: {  	s18 =	simm.s32 $0x5D00;
	[sflag:s3] =	ssyncadd.s32 $0xFFFFF000  }
0x305: {  	[hbm4b:s0+s4] =	stream.strided.scatter [tilespmem:s18], [sflag:$0x3], $0x1000, s5, s4, $0x38;
	[tilespmem:$0x1AD00] =	vst v63  }
0x306: {  	_ =	swait.ge [sflag:s3], $0x1000  }
0x307: {  	s28 =	sld [smem:$0x7E9]  }
0x308: {  	[sflag:s3] =	ssyncset.done $0x0  }
0x309: {  	s7 =	simm.s32 $0x6D00;
	[sflag:s3] =	ssyncadd.s32 $0xFFFFF000  }
0x30a: {  	[hbm4b:s28+s4] =	stream.strided.scatter [tilespmem:s7], [sflag:$0x3], $0x1000, s5, s4, $0x38;
	[tilespmem:$0x1AD00] =	vst v63  }
0x30b: {  	_ =	swait.ge [sflag:s3], $0x1000  }
0x30c: {  	s0 =	sld [smem:$0x7EA]  }
0x30d: {  	[sflag:s3] =	ssyncset.done $0x0  }
0x30e: {  	s1 =	simm.s32 $0x7D00;
	[sflag:s3] =	ssyncadd.s32 $0xFFFFF000  }
0x30f: {  	[hbm4b:s0+s4] =	stream.strided.scatter [tilespmem:s1], [sflag:$0x3], $0x1000, s5, s4, $0x38;
	[tilespmem:$0x1AD00] =	vst v63  }
0x310: {  	_ =	swait.ge [sflag:s3], $0x1000  }
0x311: {  	s7 =	sld [smem:$0x7EB]  }
0x312: {  	[sflag:s3] =	ssyncset.done $0x0  }
0x313: {  	s9 =	simm.s32 $0x8D00;
	[sflag:s3] =	ssyncadd.s32 $0xFFFFF000  }
0x314: {  	[hbm4b:s7+s4] =	stream.strided.scatter [tilespmem:s9], [sflag:$0x3], $0x1000, s5, s4, $0x38;
	[tilespmem:$0x1AD00] =	vst v63  }
0x315: {  	_ =	swait.ge [sflag:s3], $0x1000  }
0x316: {  	s9 =	sld [smem:$0x7EC]  }
0x317: {  	[sflag:s3] =	ssyncset.done $0x0  }
0x318: {  	s31 =	simm.s32 $0x9D00;
	[sflag:s3] =	ssyncadd.s32 $0xFFFFF000  }
0x319: {  	[hbm4b:s9+s4] =	stream.strided.scatter [tilespmem:s31], [sflag:$0x3], $0x1000, s5, s4, $0x38;
	[tilespmem:$0x1AD00] =	vst v63  }
0x31a: {  	_ =	swait.ge [sflag:s3], $0x1000  }
0x31b: {  	s28 =	sld [smem:$0x7ED]  }
0x31c: {  	[sflag:s3] =	ssyncset.done $0x0  }
0x31d: {  	s30 =	simm.s32 $0xAD00;
	[sflag:s3] =	ssyncadd.s32 $0xFFFFF000  }
0x31e: {  	[hbm4b:s28+s4] =	stream.strided.scatter [tilespmem:s30], [sflag:$0x3], $0x1000, s5, s4, $0x38;
	[tilespmem:$0x1AD00] =	vst v63  }
0x31f: {  	_ =	swait.ge [sflag:s3], $0x1000  }
0x320: {  	s0 =	sld [smem:$0x7EE]  }
0x321: {  	[sflag:s3] =	ssyncset.done $0x0  }
0x322: {  	s29 =	simm.s32 $0xBD00;
	[sflag:s3] =	ssyncadd.s32 $0xFFFFF000  }
0x323: {  	[hbm4b:s0+s4] =	stream.strided.scatter [tilespmem:s29], [sflag:$0x3], $0x1000, s5, s4, $0x38;
	[tilespmem:$0x1AD00] =	vst v63  }
0x324: {  	_ =	swait.ge [sflag:s3], $0x1000  }
0x325: {  	s7 =	sld [smem:$0x7EF]  }
0x326: {  	[sflag:s3] =	ssyncset.done $0x0  }
0x327: {  	s26 =	simm.s32 $0xCD00;
	[sflag:s3] =	ssyncadd.s32 $0xFFFFF000  }
0x328: {  	[hbm4b:s7+s4] =	stream.strided.scatter [tilespmem:s26], [sflag:$0x3], $0x1000, s5, s4, $0x38;
	[tilespmem:$0x1AD00] =	vst v63  }
0x329: {  	_ =	swait.ge [sflag:s3], $0x1000  }
0x32a: {  	s9 =	sld [smem:$0x7F0]  }
0x32b: {  	[sflag:s3] =	ssyncset.done $0x0  }
0x32c: {  	s25 =	simm.s32 $0xDD00;
	[sflag:s3] =	ssyncadd.s32 $0xFFFFF000  }
0x32d: {  	[hbm4b:s9+s4] =	stream.strided.scatter [tilespmem:s25], [sflag:$0x3], $0x1000, s5, s4, $0x38;
	[tilespmem:$0x1AD00] =	vst v63  }
0x32e: {  	_ =	swait.ge [sflag:s3], $0x1000  }
0x32f: {  	s28 =	sld [smem:$0x7F1]  }
0x330: {  	[sflag:s3] =	ssyncset.done $0x0  }
0x331: {  	s24 =	simm.s32 $0xED00;
	[sflag:s3] =	ssyncadd.s32 $0xFFFFF000  }
0x332: {  	[hbm4b:s28+s4] =	stream.strided.scatter [tilespmem:s24], [sflag:$0x3], $0x1000, s5, s4, $0x38;
	[tilespmem:$0x1AD00] =	vst v63  }
0x333: {  	_ =	swait.ge [sflag:s3], $0x1000  }
0x334: {  	s0 =	sld [smem:$0x7F2]  }
0x335: {  	[sflag:s3] =	ssyncset.done $0x0  }
0x336: {  	s23 =	simm.s32 $0xFD00;
	[sflag:s3] =	ssyncadd.s32 $0xFFFFF000  }
0x337: {  	[hbm4b:s0+s4] =	stream.strided.scatter [tilespmem:s23], [sflag:$0x3], $0x1000, s5, s4, $0x38;
	[tilespmem:$0x1AD00] =	vst v63  }
0x338: {  	_ =	swait.ge [sflag:s3], $0x1000  }
0x339: {  	s7 =	sld [smem:$0x7F3]  }
0x33a: {  	[sflag:s3] =	ssyncset.done $0x0  }
0x33b: {  	s22 =	simm.s32 $0x10D00;
	[sflag:s3] =	ssyncadd.s32 $0xFFFFF000  }
0x33c: {  	[hbm4b:s7+s4] =	stream.strided.scatter [tilespmem:s22], [sflag:$0x3], $0x1000, s5, s4, $0x38;
	[tilespmem:$0x1AD00] =	vst v63  }
0x33d: {  	_ =	swait.ge [sflag:s3], $0x1000  }
0x33e: {  	s9 =	sld [smem:$0x7F4]  }
0x33f: {  	[sflag:s3] =	ssyncset.done $0x0  }
0x340: {  	s21 =	simm.s32 $0x11D00;
	[sflag:s3] =	ssyncadd.s32 $0xFFFFF000  }
0x341: {  	[hbm4b:s9+s4] =	stream.strided.scatter [tilespmem:s21], [sflag:$0x3], $0x1000, s5, s4, $0x38;
	[tilespmem:$0x1AD00] =	vst v63  }
0x342: {  	_ =	swait.ge [sflag:s3], $0x1000  }
0x343: {  	s28 =	sld [smem:$0x7F5]  }
0x344: {  	[sflag:s3] =	ssyncset.done $0x0  }
0x345: {  	s20 =	simm.s32 $0x12D00;
	[sflag:s3] =	ssyncadd.s32 $0xFFFFF000  }
0x346: {  	[hbm4b:s28+s4] =	stream.strided.scatter [tilespmem:s20], [sflag:$0x3], $0x1000, s5, s4, $0x38;
	[tilespmem:$0x1AD00] =	vst v63  }
0x347: {  	_ =	swait.ge [sflag:s3], $0x1000  }
0x348: {  	s0 =	sld [smem:$0x7F6]  }
0x349: {  	[sflag:s3] =	ssyncset.done $0x0  }
0x34a: {  	s14 =	simm.s32 $0x13D00;
	[sflag:s3] =	ssyncadd.s32 $0xFFFFF000  }
0x34b: {  	[hbm4b:s0+s4] =	stream.strided.scatter [tilespmem:s14], [sflag:$0x3], $0x1000, s5, s4, $0x38;
	[tilespmem:$0x1AD00] =	vst v63  }
0x34c: {  	_ =	swait.ge [sflag:s3], $0x1000  }
0x34d: {  	s7 =	sld [smem:$0x7F7]  }
0x34e: {  	[sflag:s3] =	ssyncset.done $0x0  }
0x34f: {  	s19 =	simm.s32 $0x14D00;
	[sflag:s3] =	ssyncadd.s32 $0xFFFFF000  }
0x350: {  	[hbm4b:s7+s4] =	stream.strided.scatter [tilespmem:s19], [sflag:$0x3], $0x1000, s5, s4, $0x38;
	[tilespmem:$0x1AD00] =	vst v63  }
0x351: {  	_ =	swait.ge [sflag:s3], $0x1000  }
0x352: {  	s14 =	sld [smem:$0x7F8]  }
0x353: {  	[sflag:s3] =	ssyncset.done $0x0  }
0x354: {  	s17 =	simm.s32 $0x15D00;
	[sflag:s3] =	ssyncadd.s32 $0xFFFFF000  }
0x355: {  	[hbm4b:s14+s4] =	stream.strided.scatter [tilespmem:s17], [sflag:$0x3], $0x1000, s5, s4, $0x38;
	[tilespmem:$0x1AD00] =	vst v63  }
0x356: {  	_ =	swait.ge [sflag:s3], $0x1000  }
0x357: {  	s28 =	sld [smem:$0x7F9]  }
0x358: {  	[sflag:s3] =	ssyncset.done $0x0  }
0x359: {  	s16 =	simm.s32 $0x16D00;
	[sflag:s3] =	ssyncadd.s32 $0xFFFFF000  }
0x35a: {  	[hbm4b:s28+s4] =	stream.strided.scatter [tilespmem:s16], [sflag:$0x3], $0x1000, s5, s4, $0x38;
	[tilespmem:$0x1AD00] =	vst v63  }
0x35b: {  	_ =	swait.ge [sflag:s3], $0x1000  }
0x35c: {  	p1 =	sne.s32 s10, $0x1;
	s0 =	sld [smem:$0x7FA]  }
0x35d: {  	s10 =	sadd.s32 $0xFFFFFFFF, s10;
	s13 =	simm.s32 $0x17D00;
	[sflag:s3] =	ssyncset.done $0x0  }
0x35e: {  	s12 =	simm.s32 $0x19D00;
	s18 =	simm.s32 $0x6D00;
	[sflag:s3] =	ssyncadd.s32 $0xFFFFF000  }
0x35f: {  	[hbm4b:s0+s4] =	stream.strided.scatter [tilespmem:s13], [sflag:$0x3], $0x1000, s5, s4, $0x38;
	[tilespmem:$0x1AD00] =	vst v63  }
0x360: {  	s1 =	simm.s32 $0x7D00;
	s31 =	simm.s32 $0x8D00;
	_ =	swait.ge [sflag:s3], $0x1000  }
0x361: {  	s30 =	simm.s32 $0x9D00;
	s29 =	simm.s32 $0xAD00;
	s7 =	sld [smem:$0x7FB]  }
0x362: {  	s26 =	simm.s32 $0xBD00;
	s25 =	simm.s32 $0xCD00;
	[sflag:s3] =	ssyncset.done $0x0  }
0x363: {  	s24 =	simm.s32 $0xDD00;
	s13 =	simm.s32 $0x18D00;
	[sflag:s3] =	ssyncadd.s32 $0xFFFFF000  }
0x364: {  	[hbm4b:s7+s4] =	stream.strided.scatter [tilespmem:s13], [sflag:$0x3], $0x1000, s5, s4, $0x38;
	[tilespmem:$0x1AD00] =	vst v63  }
0x365: {  	s23 =	simm.s32 $0xED00;
	s22 =	simm.s32 $0xFD00;
	_ =	swait.ge [sflag:s3], $0x1000  }
0x366: {  	s21 =	simm.s32 $0x10D00;
	s9 =	simm.s32 $0x11D00;
	s28 =	sld [smem:$0x7FC]  }
.Ltmp2:
0x367: {  	s20 =	simm.s32 $0x12D00;
	[sflag:s3] =	ssyncset.done $0x0;
	(pc) =	sbr.rel @p1 .LBB2_3-.Ltmp2, $4  }
0x368: {  	s19 =	simm.s32 $0x13D00;
	s17 =	simm.s32 $0x14D00;
	[sflag:s3] =	ssyncadd.s32 $0xFFFFF000  }
0x369: {  	[hbm4b:s28+s4] =	stream.strided.scatter [tilespmem:s12], [sflag:$0x3], $0x1000, s5, s4, $0x38;
	[tilespmem:$0x1AD00] =	vst v63  }
0x36a: {  	s14 =	simm.s32 $0x16D00;
	s16 =	simm.s32 $0x15D00;
	_ =	swait.ge [sflag:s3], $0x1000  }
0x36b: {  	s13 =	simm.s32 $0x17D00;
	s7 =	simm.s32 $0x18D00;
	[sflag:s3] =	ssyncset.done $0x0  }
0x36c: {  	s12 =	sld [smem:$0x7CC]  }
0x36d: {  	s9 =	simm.s32 $0xD00;
	s7 =	sld [smem:$0x7CB];
	s11 =	simm.s32 $0xC00  }
0x36e: {  	s13 =	simm.s32 $0xC80;
	s16 =	simm.s32 $0xA00;
	s14 =	simm.s32 $0xB80  }
0x36f: {  	s17 =	simm.s32 $0x980;
	s19 =	simm.s32 $0xB00;
	s20 =	simm.s32 $0x900  }
0x370: {  	s21 =	simm.s32 $0xA80;
	s22 =	simm.s32 $0x880;
	s23 =	simm.s32 $0x800  }
0x371: {  	s24 =	simm.s32 $0x780;
	s25 =	simm.s32 $0x700;
	s26 =	simm.s32 $0x680  }
0x372: {  	s29 =	simm.s32 $0x600;
	s30 =	simm.s32 $0x580;
	s31 =	simm.s32 $0x500  }
0x373: {  	s18 =	simm.s32 $0x400;
	s28 =	simm.s32 $0x300;
	s0 =	simm.s32 $0x200  }
.LBB2_5:
0x374: {  	[sflag:s3] =	ssyncadd.s32 @p0 $0xFFFFF000  }
0x375: {  	[tilespmem:s15], [sflag:$0x1] =	stream.linear.gather [hbm4b:s7+s15], $0x80, $0x38;
	[tilespmem:$0x1AD00] =	vst v63  }
0x376: {  	s10 =	rddreg [dreg:$0x5]  }
0x377: {  	[tilespmem:s6], [sflag:$0x1] =	stream.linear.gather [hbm4b:s10+s15], $0x80, $0x38;
	[tilespmem:$0x1AD00] =	vst v63  }
0x378: {  	s1 =	simm.s32 $0x100;
	s7 =	rddreg [dreg:$0x6]  }
0x379: {  	[tilespmem:s1], [sflag:$0x1] =	stream.linear.gather [hbm4b:s7+s15], $0x80, $0x38;
	[tilespmem:$0x1AD00] =	vst v63  }
0x37a: {  	s10 =	rddreg [dreg:$0x7];
	s1 =	simm.s32 $0x180  }
0x37b: {  	[tilespmem:s1], [sflag:$0x1] =	stream.linear.gather [hbm4b:s10+s15], $0x80, $0x38;
	[tilespmem:$0x1AD00] =	vst v63  }
0x37c: {  	s7 =	rddreg [dreg:$0x8]  }
0x37d: {  	[tilespmem:s0], [sflag:$0x1] =	stream.linear.gather [hbm4b:s7+s15], $0x80, $0x38;
	[tilespmem:$0x1AD00] =	vst v63  }
0x37e: {  	s10 =	rddreg [dreg:$0x9];
	s0 =	simm.s32 $0x280  }
0x37f: {  	[tilespmem:s0], [sflag:$0x1] =	stream.linear.gather [hbm4b:s10+s15], $0x80, $0x38;
	[tilespmem:$0x1AD00] =	vst v63  }
0x380: {  	s7 =	rddreg [dreg:$0xa]  }
0x381: {  	[tilespmem:s28], [sflag:$0x1] =	stream.linear.gather [hbm4b:s7+s15], $0x80, $0x38;
	[tilespmem:$0x1AD00] =	vst v63  }
0x382: {  	s0 =	rddreg [dreg:$0xb];
	s28 =	simm.s32 $0x380  }
0x383: {  	[tilespmem:s28], [sflag:$0x1] =	stream.linear.gather [hbm4b:s0+s15], $0x80, $0x38;
	[tilespmem:$0x1AD00] =	vst v63  }
0x384: {  	s7 =	rddreg [dreg:$0xc]  }
0x385: {  	[tilespmem:s18], [sflag:$0x1] =	stream.linear.gather [hbm4b:s7+s15], $0x80, $0x38;
	[tilespmem:$0x1AD00] =	vst v63  }
0x386: {  	s0 =	rddreg [dreg:$0xd];
	s18 =	simm.s32 $0x480  }
0x387: {  	[tilespmem:s18], [sflag:$0x1] =	stream.linear.gather [hbm4b:s0+s15], $0x80, $0x38;
	[tilespmem:$0x1AD00] =	vst v63  }
0x388: {  	s7 =	rddreg [dreg:$0xe]  }
0x389: {  	[tilespmem:s31], [sflag:$0x1] =	stream.linear.gather [hbm4b:s7+s15], $0x80, $0x38;
	[tilespmem:$0x1AD00] =	vst v63  }
0x38a: {  	s0 =	rddreg [dreg:$0xf]  }
0x38b: {  	[tilespmem:s30], [sflag:$0x1] =	stream.linear.gather [hbm4b:s0+s15], $0x80, $0x38;
	[tilespmem:$0x1AD00] =	vst v63  }
0x38c: {  	s31 =	rddreg [dreg:$0x10]  }
0x38d: {  	[tilespmem:s29], [sflag:$0x1] =	stream.linear.gather [hbm4b:s31+s15], $0x80, $0x38;
	[tilespmem:$0x1AD00] =	vst v63  }
0x38e: {  	s0 =	rddreg [dreg:$0x11]  }
0x38f: {  	[tilespmem:s26], [sflag:$0x1] =	stream.linear.gather [hbm4b:s0+s15], $0x80, $0x38;
	[tilespmem:$0x1AD00] =	vst v63  }
0x390: {  	s29 =	rddreg [dreg:$0x12]  }
0x391: {  	[tilespmem:s25], [sflag:$0x1] =	stream.linear.gather [hbm4b:s29+s15], $0x80, $0x38;
	[tilespmem:$0x1AD00] =	vst v63  }
0x392: {  	s30 =	rddreg [dreg:$0x13]  }
0x393: {  	[tilespmem:s24], [sflag:$0x1] =	stream.linear.gather [hbm4b:s30+s15], $0x80, $0x38;
	[tilespmem:$0x1AD00] =	vst v63  }
0x394: {  	s31 =	rddreg [dreg:$0x14]  }
0x395: {  	[tilespmem:s23], [sflag:$0x1] =	stream.linear.gather [hbm4b:s31+s15], $0x80, $0x38;
	[tilespmem:$0x1AD00] =	vst v63  }
0x396: {  	s0 =	rddreg [dreg:$0x15]  }
0x397: {  	[tilespmem:s22], [sflag:$0x1] =	stream.linear.gather [hbm4b:s0+s15], $0x80, $0x38;
	[tilespmem:$0x1AD00] =	vst v63  }
0x398: {  	s24 =	rddreg [dreg:$0x16]  }
0x399: {  	[tilespmem:s20], [sflag:$0x1] =	stream.linear.gather [hbm4b:s24+s15], $0x80, $0x38;
	[tilespmem:$0x1AD00] =	vst v63  }
0x39a: {  	s25 =	rddreg [dreg:$0x17]  }
0x39b: {  	[tilespmem:s17], [sflag:$0x1] =	stream.linear.gather [hbm4b:s25+s15], $0x80, $0x38;
	[tilespmem:$0x1AD00] =	vst v63  }
0x39c: {  	s26 =	rddreg [dreg:$0x18]  }
0x39d: {  	[tilespmem:s16], [sflag:$0x1] =	stream.linear.gather [hbm4b:s26+s15], $0x80, $0x38;
	[tilespmem:$0x1AD00] =	vst v63  }
0x39e: {  	s29 =	rddreg [dreg:$0x19]  }
0x39f: {  	[tilespmem:s21], [sflag:$0x1] =	stream.linear.gather [hbm4b:s29+s15], $0x80, $0x38;
	[tilespmem:$0x1AD00] =	vst v63  }
0x3a0: {  	s30 =	rddreg [dreg:$0x1a]  }
0x3a1: {  	[tilespmem:s19], [sflag:$0x1] =	stream.linear.gather [hbm4b:s30+s15], $0x80, $0x38;
	[tilespmem:$0x1AD00] =	vst v63  }
0x3a2: {  	s31 =	rddreg [dreg:$0x1b]  }
0x3a3: {  	[tilespmem:s14], [sflag:$0x1] =	stream.linear.gather [hbm4b:s31+s15], $0x80, $0x38;
	[tilespmem:$0x1AD00] =	vst v63  }
0x3a4: {  	s0 =	rddreg [dreg:$0x1c]  }
0x3a5: {  	[tilespmem:s11], [sflag:$0x1] =	stream.linear.gather [hbm4b:s0+s15], $0x80, $0x38;
	[tilespmem:$0x1AD00] =	vst v63  }
0x3a6: {  	s14 =	rddreg [dreg:$0x1d]  }
0x3a7: {  	[tilespmem:s13], [sflag:$0x1] =	stream.linear.gather [hbm4b:s14+s15], $0x80, $0x38;
	[tilespmem:$0x1AD00] =	vst v63  }
0x3a8: {  	_ =	swait.ge [sflag:s8], $0x80  }
0x3a9: {  	[sflag:s8] =	ssyncset.done $0x0  }
0x3aa: {  	[sflag:s8] =	ssyncadd.s32 $0xFFFFFF80  }
0x3ab: {  	_ =	swait.ge [sflag:s8], $0x80  }
0x3ac: {  	[sflag:s8] =	ssyncset.done $0x0  }
0x3ad: {  	[sflag:s8] =	ssyncadd.s32 $0xFFFFFF80  }
0x3ae: {  	_ =	swait.ge [sflag:s8], $0x80  }
0x3af: {  	[sflag:s8] =	ssyncset.done $0x0  }
0x3b0: {  	[sflag:s8] =	ssyncadd.s32 $0xFFFFFF80  }
0x3b1: {  	_ =	swait.ge [sflag:s8], $0x80  }
0x3b2: {  	[sflag:s8] =	ssyncset.done $0x0  }
0x3b3: {  	[sflag:s8] =	ssyncadd.s32 $0xFFFFFF80  }
0x3b4: {  	_ =	swait.ge [sflag:s8], $0x80  }
0x3b5: {  	[sflag:s8] =	ssyncset.done $0x0  }
0x3b6: {  	[sflag:s8] =	ssyncadd.s32 $0xFFFFFF80  }
0x3b7: {  	_ =	swait.ge [sflag:s8], $0x80  }
0x3b8: {  	[sflag:s8] =	ssyncset.done $0x0  }
0x3b9: {  	[sflag:s8] =	ssyncadd.s32 $0xFFFFFF80  }
0x3ba: {  	_ =	swait.ge [sflag:s8], $0x80  }
0x3bb: {  	[sflag:s8] =	ssyncset.done $0x0  }
0x3bc: {  	[sflag:s8] =	ssyncadd.s32 $0xFFFFFF80  }
0x3bd: {  	_ =	swait.ge [sflag:s8], $0x80  }
0x3be: {  	[sflag:s8] =	ssyncset.done $0x0  }
0x3bf: {  	[sflag:s8] =	ssyncadd.s32 $0xFFFFFF80  }
0x3c0: {  	_ =	swait.ge [sflag:s8], $0x80  }
0x3c1: {  	[sflag:s8] =	ssyncset.done $0x0  }
0x3c2: {  	[sflag:s8] =	ssyncadd.s32 $0xFFFFFF80  }
0x3c3: {  	_ =	swait.ge [sflag:s8], $0x80  }
0x3c4: {  	[sflag:s8] =	ssyncset.done $0x0  }
0x3c5: {  	[sflag:s8] =	ssyncadd.s32 $0xFFFFFF80  }
0x3c6: {  	_ =	swait.ge [sflag:s8], $0x80  }
0x3c7: {  	[sflag:s8] =	ssyncset.done $0x0  }
0x3c8: {  	[sflag:s8] =	ssyncadd.s32 $0xFFFFFF80  }
0x3c9: {  	_ =	swait.ge [sflag:s8], $0x80  }
0x3ca: {  	[sflag:s8] =	ssyncset.done $0x0  }
0x3cb: {  	[sflag:s8] =	ssyncadd.s32 $0xFFFFFF80  }
0x3cc: {  	_ =	swait.ge [sflag:s8], $0x80  }
0x3cd: {  	[sflag:s8] =	ssyncset.done $0x0  }
0x3ce: {  	[sflag:s8] =	ssyncadd.s32 $0xFFFFFF80  }
0x3cf: {  	_ =	swait.ge [sflag:s8], $0x80  }
0x3d0: {  	[sflag:s8] =	ssyncset.done $0x0  }
0x3d1: {  	[sflag:s8] =	ssyncadd.s32 $0xFFFFFF80  }
0x3d2: {  	_ =	swait.ge [sflag:s8], $0x80  }
0x3d3: {  	[sflag:s8] =	ssyncset.done $0x0  }
0x3d4: {  	[sflag:s8] =	ssyncadd.s32 $0xFFFFFF80  }
0x3d5: {  	_ =	swait.ge [sflag:s8], $0x80  }
0x3d6: {  	[sflag:s8] =	ssyncset.done $0x0  }
0x3d7: {  	[sflag:s8] =	ssyncadd.s32 $0xFFFFFF80  }
0x3d8: {  	_ =	swait.ge [sflag:s8], $0x80  }
0x3d9: {  	[sflag:s8] =	ssyncset.done $0x0  }
0x3da: {  	[sflag:s8] =	ssyncadd.s32 $0xFFFFFF80  }
0x3db: {  	_ =	swait.ge [sflag:s8], $0x80  }
0x3dc: {  	[sflag:s8] =	ssyncset.done $0x0  }
0x3dd: {  	[sflag:s8] =	ssyncadd.s32 $0xFFFFFF80  }
0x3de: {  	_ =	swait.ge [sflag:s8], $0x80  }
0x3df: {  	[sflag:s8] =	ssyncset.done $0x0  }
0x3e0: {  	[sflag:s8] =	ssyncadd.s32 $0xFFFFFF80  }
0x3e1: {  	_ =	swait.ge [sflag:s8], $0x80  }
0x3e2: {  	[sflag:s8] =	ssyncset.done $0x0  }
0x3e3: {  	[sflag:s8] =	ssyncadd.s32 $0xFFFFFF80  }
0x3e4: {  	_ =	swait.ge [sflag:s8], $0x80  }
0x3e5: {  	[sflag:s8] =	ssyncset.done $0x0  }
0x3e6: {  	[sflag:s8] =	ssyncadd.s32 $0xFFFFFF80  }
0x3e7: {  	_ =	swait.ge [sflag:s8], $0x80  }
0x3e8: {  	[sflag:s8] =	ssyncset.done $0x0  }
0x3e9: {  	[sflag:s8] =	ssyncadd.s32 $0xFFFFFF80  }
0x3ea: {  	_ =	swait.ge [sflag:s8], $0x80  }
0x3eb: {  	[sflag:s8] =	ssyncset.done $0x0  }
0x3ec: {  	[sflag:s8] =	ssyncadd.s32 $0xFFFFFF80  }
0x3ed: {  	_ =	swait.ge [sflag:s8], $0x80  }
0x3ee: {  	[sflag:s8] =	ssyncset.done $0x0  }
0x3ef: {  	[sflag:s8] =	ssyncadd.s32 $0xFFFFFF80  }
0x3f0: {  	_ =	swait.ge [sflag:s8], $0x80  }
0x3f1: {  	[sflag:s8] =	ssyncset.done $0x0  }
0x3f2: {  	[sflag:s8] =	ssyncadd.s32 $0xFFFFFF80  }
0x3f3: {  	_ =	swait.ge [sflag:s8], $0x80  }
0x3f4: {  	s19 =	rddreg [dreg:$0x4];
	[sflag:s8] =	ssyncset.done $0x0  }
0x3f5: {  	s20 =	rddreg [dreg:$0x1e];
	[sflag:s8] =	ssyncadd.s32 $0xFFFFFF80  }
0x3f6: {  	[tilespmem:s9], [sflag:$0x2] =	stream.indirect.gather [hbm4b:s19+s6], $0x20, s15, s6, $0xb8;
	[tilespmem:$0x1AD00] =	vst v63  }
0x3f7: {  	s22 =	simm.s32 $0x1D00;
	s21 =	rddreg [dreg:$0x1f]  }
0x3f8: {  	[tilespmem:s22], [sflag:$0x2] =	stream.indirect.gather [hbm4b:s20+s6], $0x20, s6, s6, $0xb8;
	[tilespmem:$0x1AD00] =	vst v63  }
0x3f9: {  	s24 =	simm.s32 $0x100;
	s13 =	simm.s32 $0x2D00;
	s23 =	sld [smem:$0x7CD]  }
0x3fa: {  	[tilespmem:s13], [sflag:$0x2] =	stream.indirect.gather [hbm4b:s21+s6], $0x20, s24, s6, $0xb8;
	[tilespmem:$0x1AD00] =	vst v63  }
0x3fb: {  	s1 =	simm.s32 $0x180;
	s26 =	sld [smem:$0x7CE];
	s21 =	simm.s32 $0x3D00  }
0x3fc: {  	[tilespmem:s21], [sflag:$0x2] =	stream.indirect.gather [hbm4b:s23+s6], $0x20, s1, s6, $0xb8;
	[tilespmem:$0x1AD00] =	vst v63  }
0x3fd: {  	s25 =	simm.s32 $0x200;
	s29 =	sld [smem:$0x7CF];
	s15 =	simm.s32 $0x4D00  }
0x3fe: {  	[tilespmem:s15], [sflag:$0x2] =	stream.indirect.gather [hbm4b:s26+s6], $0x20, s25, s6, $0xb8;
	[tilespmem:$0x1AD00] =	vst v63  }
0x3ff: {  	s31 =	simm.s32 $0x280;
	s14 =	simm.s32 $0x5D00;
	s30 =	sld [smem:$0x7D0]  }
0x400: {  	[tilespmem:s14], [sflag:$0x2] =	stream.indirect.gather [hbm4b:s29+s6], $0x20, s31, s6, $0xb8;
	[tilespmem:$0x1AD00] =	vst v63  }
0x401: {  	s19 =	simm.s32 $0x6D00;
	s20 =	sld [smem:$0x7D1];
	s23 =	simm.s32 $0x300  }
0x402: {  	[tilespmem:s19], [sflag:$0x2] =	stream.indirect.gather [hbm4b:s30+s6], $0x20, s23, s6, $0xb8;
	[tilespmem:$0x1AD00] =	vst v63  }
0x403: {  	s22 =	simm.s32 $0x7D00;
	s24 =	sld [smem:$0x7D2]  }
0x404: {  	[tilespmem:s22], [sflag:$0x2] =	stream.indirect.gather [hbm4b:s20+s6], $0x20, s28, s6, $0xb8;
	[tilespmem:$0x1AD00] =	vst v63  }
0x405: {  	s7 =	simm.s32 $0x400;
	s25 =	sld [smem:$0x7D3];
	s31 =	simm.s32 $0x8D00  }
0x406: {  	[tilespmem:s31], [sflag:$0x2] =	stream.indirect.gather [hbm4b:s24+s6], $0x20, s7, s6, $0xb8;
	[tilespmem:$0x1AD00] =	vst v63  }
0x407: {  	s30 =	simm.s32 $0x9D00;
	s28 =	sld [smem:$0x7D4]  }
0x408: {  	[tilespmem:s30], [sflag:$0x2] =	stream.indirect.gather [hbm4b:s25+s6], $0x20, s18, s6, $0xb8;
	[tilespmem:$0x1AD00] =	vst v63  }
0x409: {  	s26 =	simm.s32 $0x500;
	s29 =	simm.s32 $0xAD00;
	s23 =	sld [smem:$0x7D5]  }
0x40a: {  	[tilespmem:s29], [sflag:$0x2] =	stream.indirect.gather [hbm4b:s28+s6], $0x20, s26, s6, $0xb8;
	[tilespmem:$0x1AD00] =	vst v63  }
0x40b: {  	s7 =	simm.s32 $0x580;
	s25 =	sld [smem:$0x7D6];
	s28 =	simm.s32 $0xBD00  }
0x40c: {  	[tilespmem:s28], [sflag:$0x2] =	stream.indirect.gather [hbm4b:s23+s6], $0x20, s7, s6, $0xb8;
	[tilespmem:$0x1AD00] =	vst v63  }
0x40d: {  	s10 =	sld [smem:$0x7D7];
	s24 =	simm.s32 $0x600;
	s26 =	simm.s32 $0xCD00  }
0x40e: {  	[tilespmem:s26], [sflag:$0x2] =	stream.indirect.gather [hbm4b:s25+s6], $0x20, s24, s6, $0xb8;
	[tilespmem:$0x1AD00] =	vst v63  }
0x40f: {  	s20 =	sld [smem:$0x7D8];
	s18 =	simm.s32 $0x680;
	s25 =	simm.s32 $0xDD00  }
0x410: {  	[tilespmem:s25], [sflag:$0x2] =	stream.indirect.gather [hbm4b:s10+s6], $0x20, s18, s6, $0xb8;
	[tilespmem:$0x1AD00] =	vst v63  }
0x411: {  	s23 =	simm.s32 $0x700;
	s24 =	simm.s32 $0xED00;
	s10 =	sld [smem:$0x7D9]  }
0x412: {  	[tilespmem:s24], [sflag:$0x2] =	stream.indirect.gather [hbm4b:s20+s6], $0x20, s23, s6, $0xb8;
	[tilespmem:$0x1AD00] =	vst v63  }
0x413: {  	s7 =	sld [smem:$0x7DA];
	s18 =	simm.s32 $0x780;
	s23 =	simm.s32 $0xFD00  }
0x414: {  	[tilespmem:s23], [sflag:$0x2] =	stream.indirect.gather [hbm4b:s10+s6], $0x20, s18, s6, $0xb8;
	[tilespmem:$0x1AD00] =	vst v63  }
0x415: {  	s1 =	sld [smem:$0x7DB];
	s20 =	simm.s32 $0x800;
	s18 =	simm.s32 $0x10D00  }
0x416: {  	[tilespmem:s18], [sflag:$0x2] =	stream.indirect.gather [hbm4b:s7+s6], $0x20, s20, s6, $0xb8;
	[tilespmem:$0x1AD00] =	vst v63  }
0x417: {  	s0 =	sld [smem:$0x7DC];
	s10 =	simm.s32 $0x880;
	s20 =	simm.s32 $0x11D00  }
0x418: {  	[tilespmem:s20], [sflag:$0x2] =	stream.indirect.gather [hbm4b:s1+s6], $0x20, s10, s6, $0xb8;
	[tilespmem:$0x1AD00] =	vst v63  }
0x419: {  	s1 =	sld [smem:$0x7DD];
	s10 =	simm.s32 $0x900;
	s20 =	simm.s32 $0x12D00  }
0x41a: {  	[tilespmem:s20], [sflag:$0x2] =	stream.indirect.gather [hbm4b:s0+s6], $0x20, s10, s6, $0xb8;
	[tilespmem:$0x1AD00] =	vst v63  }
0x41b: {  	s0 =	sld [smem:$0x7DE];
	s20 =	simm.s32 $0x13D00  }
0x41c: {  	[tilespmem:s20], [sflag:$0x2] =	stream.indirect.gather [hbm4b:s1+s6], $0x20, s17, s6, $0xb8;
	[tilespmem:$0x1AD00] =	vst v63  }
0x41d: {  	s1 =	sld [smem:$0x7DF];
	s17 =	simm.s32 $0x14D00  }
0x41e: {  	[tilespmem:s17], [sflag:$0x2] =	stream.indirect.gather [hbm4b:s0+s6], $0x20, s16, s6, $0xb8;
	[tilespmem:$0x1AD00] =	vst v63  }
0x41f: {  	s7 =	simm.s32 $0xA80;
	s0 =	sld [smem:$0x7E0];
	s16 =	simm.s32 $0x15D00  }
0x420: {  	[tilespmem:s16], [sflag:$0x2] =	stream.indirect.gather [hbm4b:s1+s6], $0x20, s7, s6, $0xb8;
	[tilespmem:$0x1AD00] =	vst v63  }
0x421: {  	s10 =	simm.s32 $0xB00;
	s1 =	sld [smem:$0x7E1];
	s7 =	simm.s32 $0x16D00  }
0x422: {  	[tilespmem:s7], [sflag:$0x2] =	stream.indirect.gather [hbm4b:s0+s6], $0x20, s10, s6, $0xb8;
	[tilespmem:$0x1AD00] =	vst v63  }
0x423: {  	s8 =	simm.s32 $0xB80;
	s0 =	sld [smem:$0x7E2];
	s10 =	simm.s32 $0x17D00  }
0x424: {  	[tilespmem:s10], [sflag:$0x2] =	stream.indirect.gather [hbm4b:s1+s6], $0x20, s8, s6, $0xb8;
	[tilespmem:$0x1AD00] =	vst v63  }
0x425: {  	s11 =	simm.s32 $0xC00;
	s7 =	simm.s32 $0x18D00;
	s1 =	sld [smem:$0x7E3]  }
0x426: {  	[tilespmem:s7], [sflag:$0x2] =	stream.indirect.gather [hbm4b:s0+s6], $0x20, s11, s6, $0xb8;
	[tilespmem:$0x1AD00] =	vst v63  }
0x427: {  	s9 =	simm.s32 $0xC80;
	s7 =	simm.s32 $0x19D00  }
0x428: {  	[tilespmem:s7], [sflag:$0x2] =	stream.indirect.gather [hbm4b:s1+s6], $0x20, s9, s6, $0xb8;
	[tilespmem:$0x1AD00] =	vst v63  }
0x429: {  	_ =	swait.ge [sflag:s2], $0x1000  }
0x42a: {  	[sflag:s2] =	ssyncset.done $0x0  }
0x42b: {  	[sflag:s2] =	ssyncadd.s32 $0xFFFFF000  }
0x42c: {  	_ =	swait.ge [sflag:s2], $0x1000  }
0x42d: {  	[sflag:s2] =	ssyncset.done $0x0  }
0x42e: {  	[sflag:s2] =	ssyncadd.s32 $0xFFFFF000  }
0x42f: {  	_ =	swait.ge [sflag:s2], $0x1000  }
0x430: {  	[sflag:s2] =	ssyncset.done $0x0  }
0x431: {  	[sflag:s2] =	ssyncadd.s32 $0xFFFFF000  }
0x432: {  	_ =	swait.ge [sflag:s2], $0x1000  }
0x433: {  	[sflag:s2] =	ssyncset.done $0x0  }
0x434: {  	[sflag:s2] =	ssyncadd.s32 $0xFFFFF000  }
0x435: {  	_ =	swait.ge [sflag:s2], $0x1000  }
0x436: {  	[sflag:s2] =	ssyncset.done $0x0  }
0x437: {  	[sflag:s2] =	ssyncadd.s32 $0xFFFFF000  }
0x438: {  	_ =	swait.ge [sflag:s2], $0x1000  }
0x439: {  	[sflag:s2] =	ssyncset.done $0x0  }
0x43a: {  	[sflag:s2] =	ssyncadd.s32 $0xFFFFF000  }
0x43b: {  	_ =	swait.ge [sflag:s2], $0x1000  }
0x43c: {  	[sflag:s2] =	ssyncset.done $0x0  }
0x43d: {  	[sflag:s2] =	ssyncadd.s32 $0xFFFFF000  }
0x43e: {  	_ =	swait.ge [sflag:s2], $0x1000  }
0x43f: {  	[sflag:s2] =	ssyncset.done $0x0  }
0x440: {  	[sflag:s2] =	ssyncadd.s32 $0xFFFFF000  }
0x441: {  	_ =	swait.ge [sflag:s2], $0x1000  }
0x442: {  	[sflag:s2] =	ssyncset.done $0x0  }
0x443: {  	[sflag:s2] =	ssyncadd.s32 $0xFFFFF000  }
0x444: {  	_ =	swait.ge [sflag:s2], $0x1000  }
0x445: {  	[sflag:s2] =	ssyncset.done $0x0  }
0x446: {  	[sflag:s2] =	ssyncadd.s32 $0xFFFFF000  }
0x447: {  	_ =	swait.ge [sflag:s2], $0x1000  }
0x448: {  	[sflag:s2] =	ssyncset.done $0x0  }
0x449: {  	[sflag:s2] =	ssyncadd.s32 $0xFFFFF000  }
0x44a: {  	_ =	swait.ge [sflag:s2], $0x1000  }
0x44b: {  	[sflag:s2] =	ssyncset.done $0x0  }
0x44c: {  	[sflag:s2] =	ssyncadd.s32 $0xFFFFF000  }
0x44d: {  	_ =	swait.ge [sflag:s2], $0x1000  }
0x44e: {  	[sflag:s2] =	ssyncset.done $0x0  }
0x44f: {  	[sflag:s2] =	ssyncadd.s32 $0xFFFFF000  }
0x450: {  	_ =	swait.ge [sflag:s2], $0x1000  }
0x451: {  	[sflag:s2] =	ssyncset.done $0x0  }
0x452: {  	[sflag:s2] =	ssyncadd.s32 $0xFFFFF000  }
0x453: {  	_ =	swait.ge [sflag:s2], $0x1000  }
0x454: {  	[sflag:s2] =	ssyncset.done $0x0  }
0x455: {  	[sflag:s2] =	ssyncadd.s32 $0xFFFFF000  }
0x456: {  	_ =	swait.ge [sflag:s2], $0x1000  }
0x457: {  	[sflag:s2] =	ssyncset.done $0x0  }
0x458: {  	[sflag:s2] =	ssyncadd.s32 $0xFFFFF000  }
0x459: {  	_ =	swait.ge [sflag:s2], $0x1000  }
0x45a: {  	[sflag:s2] =	ssyncset.done $0x0  }
0x45b: {  	[sflag:s2] =	ssyncadd.s32 $0xFFFFF000  }
0x45c: {  	_ =	swait.ge [sflag:s2], $0x1000  }
0x45d: {  	[sflag:s2] =	ssyncset.done $0x0  }
0x45e: {  	[sflag:s2] =	ssyncadd.s32 $0xFFFFF000  }
0x45f: {  	_ =	swait.ge [sflag:s2], $0x1000  }
0x460: {  	[sflag:s2] =	ssyncset.done $0x0  }
0x461: {  	[sflag:s2] =	ssyncadd.s32 $0xFFFFF000  }
0x462: {  	_ =	swait.ge [sflag:s2], $0x1000  }
0x463: {  	[sflag:s2] =	ssyncset.done $0x0  }
0x464: {  	[sflag:s2] =	ssyncadd.s32 $0xFFFFF000  }
0x465: {  	_ =	swait.ge [sflag:s2], $0x1000  }
0x466: {  	[sflag:s2] =	ssyncset.done $0x0  }
0x467: {  	[sflag:s2] =	ssyncadd.s32 $0xFFFFF000  }
0x468: {  	_ =	swait.ge [sflag:s2], $0x1000  }
0x469: {  	[sflag:s2] =	ssyncset.done $0x0  }
0x46a: {  	[sflag:s2] =	ssyncadd.s32 $0xFFFFF000  }
0x46b: {  	_ =	swait.ge [sflag:s2], $0x1000  }
0x46c: {  	[sflag:s2] =	ssyncset.done $0x0  }
0x46d: {  	[sflag:s2] =	ssyncadd.s32 $0xFFFFF000  }
0x46e: {  	_ =	swait.ge [sflag:s2], $0x1000  }
0x46f: {  	[sflag:s2] =	ssyncset.done $0x0  }
0x470: {  	[sflag:s2] =	ssyncadd.s32 $0xFFFFF000  }
0x471: {  	_ =	swait.ge [sflag:s2], $0x1000  }
0x472: {  	[sflag:s2] =	ssyncset.done $0x0  }
0x473: {  	[sflag:s2] =	ssyncadd.s32 $0xFFFFF000  }
0x474: {  	_ =	swait.ge [sflag:s2], $0x1000  }
0x475: {  	[sflag:s2] =	ssyncset.done $0x0  }
0x476: {  	s8 =	simm.s32 $0xD00;
	[sflag:s2] =	ssyncadd.s32 $0xFFFFF000  }
0x477: {  	[hbm4b:s12+s4] =	stream.strided.scatter [tilespmem:s8], [sflag:$0x3], $0x1000, s5, s4, $0x38;
	[tilespmem:$0x1AD00] =	vst v63  }
0x478: {  	_ =	swait.ge [sflag:s3], $0x1000  }
0x479: {  	s8 =	sld [smem:$0x7E4]  }
0x47a: {  	[sflag:s3] =	ssyncset.done $0x0  }
0x47b: {  	s10 =	simm.s32 $0x1D00;
	[sflag:s3] =	ssyncadd.s32 $0xFFFFF000  }
0x47c: {  	[hbm4b:s8+s4] =	stream.strided.scatter [tilespmem:s10], [sflag:$0x3], $0x1000, s5, s4, $0x38;
	[tilespmem:$0x1AD00] =	vst v63  }
0x47d: {  	_ =	swait.ge [sflag:s3], $0x1000  }
0x47e: {  	s9 =	sld [smem:$0x7E5]  }
0x47f: {  	[sflag:s3] =	ssyncset.done $0x0  }
0x480: {  	[sflag:s3] =	ssyncadd.s32 $0xFFFFF000  }
0x481: {  	[hbm4b:s9+s4] =	stream.strided.scatter [tilespmem:s13], [sflag:$0x3], $0x1000, s5, s4, $0x38;
	[tilespmem:$0x1AD00] =	vst v63  }
0x482: {  	_ =	swait.ge [sflag:s3], $0x1000  }
0x483: {  	s10 =	sld [smem:$0x7E6]  }
0x484: {  	[sflag:s3] =	ssyncset.done $0x0  }
0x485: {  	[sflag:s3] =	ssyncadd.s32 $0xFFFFF000  }
0x486: {  	[hbm4b:s10+s4] =	stream.strided.scatter [tilespmem:s21], [sflag:$0x3], $0x1000, s5, s4, $0x38;
	[tilespmem:$0x1AD00] =	vst v63  }
0x487: {  	_ =	swait.ge [sflag:s3], $0x1000  }
0x488: {  	s12 =	sld [smem:$0x7E7]  }
0x489: {  	[sflag:s3] =	ssyncset.done $0x0  }
0x48a: {  	[sflag:s3] =	ssyncadd.s32 $0xFFFFF000  }
0x48b: {  	[hbm4b:s12+s4] =	stream.strided.scatter [tilespmem:s15], [sflag:$0x3], $0x1000, s5, s4, $0x38;
	[tilespmem:$0x1AD00] =	vst v63  }
0x48c: {  	_ =	swait.ge [sflag:s3], $0x1000  }
0x48d: {  	s13 =	sld [smem:$0x7E8]  }
0x48e: {  	[sflag:s3] =	ssyncset.done $0x0  }
0x48f: {  	[sflag:s3] =	ssyncadd.s32 $0xFFFFF000  }
0x490: {  	[hbm4b:s13+s4] =	stream.strided.scatter [tilespmem:s14], [sflag:$0x3], $0x1000, s5, s4, $0x38;
	[tilespmem:$0x1AD00] =	vst v63  }
0x491: {  	_ =	swait.ge [sflag:s3], $0x1000  }
0x492: {  	s15 =	sld [smem:$0x7E9]  }
0x493: {  	[sflag:s3] =	ssyncset.done $0x0  }
0x494: {  	[sflag:s3] =	ssyncadd.s32 $0xFFFFF000  }
0x495: {  	[hbm4b:s15+s4] =	stream.strided.scatter [tilespmem:s19], [sflag:$0x3], $0x1000, s5, s4, $0x38;
	[tilespmem:$0x1AD00] =	vst v63  }
0x496: {  	_ =	swait.ge [sflag:s3], $0x1000  }
0x497: {  	s21 =	sld [smem:$0x7EA]  }
0x498: {  	[sflag:s3] =	ssyncset.done $0x0  }
0x499: {  	[sflag:s3] =	ssyncadd.s32 $0xFFFFF000  }
0x49a: {  	[hbm4b:s21+s4] =	stream.strided.scatter [tilespmem:s22], [sflag:$0x3], $0x1000, s5, s4, $0x38;
	[tilespmem:$0x1AD00] =	vst v63  }
0x49b: {  	_ =	swait.ge [sflag:s3], $0x1000  }
0x49c: {  	s22 =	sld [smem:$0x7EB]  }
0x49d: {  	[sflag:s3] =	ssyncset.done $0x0  }
0x49e: {  	[sflag:s3] =	ssyncadd.s32 $0xFFFFF000  }
0x49f: {  	[hbm4b:s22+s4] =	stream.strided.scatter [tilespmem:s31], [sflag:$0x3], $0x1000, s5, s4, $0x38;
	[tilespmem:$0x1AD00] =	vst v63  }
0x4a0: {  	_ =	swait.ge [sflag:s3], $0x1000  }
0x4a1: {  	s1 =	sld [smem:$0x7EC]  }
0x4a2: {  	[sflag:s3] =	ssyncset.done $0x0  }
0x4a3: {  	[sflag:s3] =	ssyncadd.s32 $0xFFFFF000  }
0x4a4: {  	[hbm4b:s1+s4] =	stream.strided.scatter [tilespmem:s30], [sflag:$0x3], $0x1000, s5, s4, $0x38;
	[tilespmem:$0x1AD00] =	vst v63  }
0x4a5: {  	_ =	swait.ge [sflag:s3], $0x1000  }
0x4a6: {  	s2 =	sld [smem:$0x7ED]  }
0x4a7: {  	[sflag:s3] =	ssyncset.done $0x0  }
0x4a8: {  	[sflag:s3] =	ssyncadd.s32 $0xFFFFF000  }
0x4a9: {  	[hbm4b:s2+s4] =	stream.strided.scatter [tilespmem:s29], [sflag:$0x3], $0x1000, s5, s4, $0x38;
	[tilespmem:$0x1AD00] =	vst v63  }
0x4aa: {  	_ =	swait.ge [sflag:s3], $0x1000  }
0x4ab: {  	s6 =	sld [smem:$0x7EE]  }
0x4ac: {  	[sflag:s3] =	ssyncset.done $0x0  }
0x4ad: {  	[sflag:s3] =	ssyncadd.s32 $0xFFFFF000  }
0x4ae: {  	[hbm4b:s6+s4] =	stream.strided.scatter [tilespmem:s28], [sflag:$0x3], $0x1000, s5, s4, $0x38;
	[tilespmem:$0x1AD00] =	vst v63  }
0x4af: {  	_ =	swait.ge [sflag:s3], $0x1000  }
0x4b0: {  	s8 =	sld [smem:$0x7EF]  }
0x4b1: {  	[sflag:s3] =	ssyncset.done $0x0  }
0x4b2: {  	[sflag:s3] =	ssyncadd.s32 $0xFFFFF000  }
0x4b3: {  	[hbm4b:s8+s4] =	stream.strided.scatter [tilespmem:s26], [sflag:$0x3], $0x1000, s5, s4, $0x38;
	[tilespmem:$0x1AD00] =	vst v63  }
0x4b4: {  	_ =	swait.ge [sflag:s3], $0x1000  }
0x4b5: {  	s9 =	sld [smem:$0x7F0]  }
0x4b6: {  	[sflag:s3] =	ssyncset.done $0x0  }
0x4b7: {  	[sflag:s3] =	ssyncadd.s32 $0xFFFFF000  }
0x4b8: {  	[hbm4b:s9+s4] =	stream.strided.scatter [tilespmem:s25], [sflag:$0x3], $0x1000, s5, s4, $0x38;
	[tilespmem:$0x1AD00] =	vst v63  }
0x4b9: {  	_ =	swait.ge [sflag:s3], $0x1000  }
0x4ba: {  	s10 =	sld [smem:$0x7F1]  }
0x4bb: {  	[sflag:s3] =	ssyncset.done $0x0  }
0x4bc: {  	[sflag:s3] =	ssyncadd.s32 $0xFFFFF000  }
0x4bd: {  	[hbm4b:s10+s4] =	stream.strided.scatter [tilespmem:s24], [sflag:$0x3], $0x1000, s5, s4, $0x38;
	[tilespmem:$0x1AD00] =	vst v63  }
0x4be: {  	_ =	swait.ge [sflag:s3], $0x1000  }
0x4bf: {  	s12 =	sld [smem:$0x7F2]  }
0x4c0: {  	[sflag:s3] =	ssyncset.done $0x0  }
0x4c1: {  	[sflag:s3] =	ssyncadd.s32 $0xFFFFF000  }
0x4c2: {  	[hbm4b:s12+s4] =	stream.strided.scatter [tilespmem:s23], [sflag:$0x3], $0x1000, s5, s4, $0x38;
	[tilespmem:$0x1AD00] =	vst v63  }
0x4c3: {  	_ =	swait.ge [sflag:s3], $0x1000  }
0x4c4: {  	s13 =	sld [smem:$0x7F3]  }
0x4c5: {  	[sflag:s3] =	ssyncset.done $0x0  }
0x4c6: {  	[sflag:s3] =	ssyncadd.s32 $0xFFFFF000  }
0x4c7: {  	[hbm4b:s13+s4] =	stream.strided.scatter [tilespmem:s18], [sflag:$0x3], $0x1000, s5, s4, $0x38;
	[tilespmem:$0x1AD00] =	vst v63  }
0x4c8: {  	_ =	swait.ge [sflag:s3], $0x1000  }
0x4c9: {  	s14 =	sld [smem:$0x7F4]  }
0x4ca: {  	[sflag:s3] =	ssyncset.done $0x0  }
0x4cb: {  	s15 =	simm.s32 $0x11D00;
	[sflag:s3] =	ssyncadd.s32 $0xFFFFF000  }
0x4cc: {  	[hbm4b:s14+s4] =	stream.strided.scatter [tilespmem:s15], [sflag:$0x3], $0x1000, s5, s4, $0x38;
	[tilespmem:$0x1AD00] =	vst v63  }
0x4cd: {  	_ =	swait.ge [sflag:s3], $0x1000  }
0x4ce: {  	s18 =	sld [smem:$0x7F5]  }
0x4cf: {  	[sflag:s3] =	ssyncset.done $0x0  }
0x4d0: {  	s19 =	simm.s32 $0x12D00;
	[sflag:s3] =	ssyncadd.s32 $0xFFFFF000  }
0x4d1: {  	[hbm4b:s18+s4] =	stream.strided.scatter [tilespmem:s19], [sflag:$0x3], $0x1000, s5, s4, $0x38;
	[tilespmem:$0x1AD00] =	vst v63  }
0x4d2: {  	_ =	swait.ge [sflag:s3], $0x1000  }
0x4d3: {  	s21 =	sld [smem:$0x7F6]  }
0x4d4: {  	[sflag:s3] =	ssyncset.done $0x0  }
0x4d5: {  	s20 =	simm.s32 $0x13D00;
	[sflag:s3] =	ssyncadd.s32 $0xFFFFF000  }
0x4d6: {  	[hbm4b:s21+s4] =	stream.strided.scatter [tilespmem:s20], [sflag:$0x3], $0x1000, s5, s4, $0x38;
	[tilespmem:$0x1AD00] =	vst v63  }
0x4d7: {  	_ =	swait.ge [sflag:s3], $0x1000  }
0x4d8: {  	s22 =	sld [smem:$0x7F7]  }
0x4d9: {  	[sflag:s3] =	ssyncset.done $0x0  }
0x4da: {  	[sflag:s3] =	ssyncadd.s32 $0xFFFFF000  }
0x4db: {  	[hbm4b:s22+s4] =	stream.strided.scatter [tilespmem:s17], [sflag:$0x3], $0x1000, s5, s4, $0x38;
	[tilespmem:$0x1AD00] =	vst v63  }
0x4dc: {  	_ =	swait.ge [sflag:s3], $0x1000  }
0x4dd: {  	s23 =	sld [smem:$0x7F8]  }
0x4de: {  	[sflag:s3] =	ssyncset.done $0x0  }
0x4df: {  	[sflag:s3] =	ssyncadd.s32 $0xFFFFF000  }
0x4e0: {  	[hbm4b:s23+s4] =	stream.strided.scatter [tilespmem:s16], [sflag:$0x3], $0x1000, s5, s4, $0x38;
	[tilespmem:$0x1AD00] =	vst v63  }
0x4e1: {  	_ =	swait.ge [sflag:s3], $0x1000  }
0x4e2: {  	s24 =	sld [smem:$0x7F9]  }
0x4e3: {  	[sflag:s3] =	ssyncset.done $0x0  }
0x4e4: {  	s25 =	simm.s32 $0x16D00;
	[sflag:s3] =	ssyncadd.s32 $0xFFFFF000  }
0x4e5: {  	[hbm4b:s24+s4] =	stream.strided.scatter [tilespmem:s25], [sflag:$0x3], $0x1000, s5, s4, $0x38;
	[tilespmem:$0x1AD00] =	vst v63  }
0x4e6: {  	_ =	swait.ge [sflag:s3], $0x1000  }
0x4e7: {  	s26 =	sld [smem:$0x7FA]  }
0x4e8: {  	[sflag:s3] =	ssyncset.done $0x0  }
0x4e9: {  	s28 =	simm.s32 $0x17D00;
	[sflag:s3] =	ssyncadd.s32 $0xFFFFF000  }
0x4ea: {  	[hbm4b:s26+s4] =	stream.strided.scatter [tilespmem:s28], [sflag:$0x3], $0x1000, s5, s4, $0x38;
	[tilespmem:$0x1AD00] =	vst v63  }
0x4eb: {  	_ =	swait.ge [sflag:s3], $0x1000  }
0x4ec: {  	s29 =	sld [smem:$0x7FB]  }
0x4ed: {  	[sflag:s3] =	ssyncset.done $0x0  }
0x4ee: {  	s11 =	simm.s32 $0x18D00;
	[sflag:s3] =	ssyncadd.s32 $0xFFFFF000  }
0x4ef: {  	[hbm4b:s29+s4] =	stream.strided.scatter [tilespmem:s11], [sflag:$0x3], $0x1000, s5, s4, $0x38;
	[tilespmem:$0x1AD00] =	vst v63  }
0x4f0: {  	_ =	swait.ge [sflag:s3], $0x1000  }
0x4f1: {  	s30 =	sld [smem:$0x7FC]  }
0x4f2: {  	[sflag:s3] =	ssyncset.done $0x0  }
0x4f3: {  	[sflag:s3] =	ssyncadd.s32 $0xFFFFF000  }
0x4f4: {  	[hbm4b:s30+s4] =	stream.strided.scatter [tilespmem:s7], [sflag:$0x3], $0x1000, s5, s4, $0x38;
	[tilespmem:$0x1AD00] =	vst v63  }
0x4f5: {  	_ =	swait.ge [sflag:s3], $0x1000  }
0x4f6: {  	[sflag:s3] =	ssyncset.done $0x0  }
0x4f7: {  	[sflag:s3] =	ssyncadd.s32 $0xFFFFF000  }
0x4f8: {  	_ =	sfence.sel $0x180000  }
0x4f9: {  	[bflag:$0x0] =	sbarrier.arrive $0xFFFF  }
0x4fa: {  	_ =	strace $0x90000047  }
0x4fb: {  	s31 =	stileid.u32;
	[bflag:$0x2] =	sbarrier.arrive $0xFFFF  }
0x4fc: {  	p0 =	sne.s32 s31, $0x0;
	s0 =	rddreg [dreg:$0x3]  }
0x4fd: {  	s0 =	sadd.s32 @!p0 $0x100000, s0  }
0x4fe: {  	[sflag:s0] =	ssyncadd.tile.s32 @!p0 $0x1;
	_ =	shalt  }
.LBB2_2:
0x4ff: {  	s12 =	sld [smem:$0x7CC];
	s9 =	simm.s32 $0xD00  }
0x500: {  	s7 =	sld [smem:$0x7CB];
	s11 =	simm.s32 $0xC00;
	s13 =	simm.s32 $0xC80  }
0x501: {  	s16 =	simm.s32 $0xA00;
	s14 =	simm.s32 $0xB80;
	s17 =	simm.s32 $0x980  }
.Ltmp3:
0x502: {  	s19 =	simm.s32 $0xB00;
	s20 =	simm.s32 $0x900;
	(pc) =	sbr.rel .LBB2_5-.Ltmp3, $4  }
0x503: {  	s21 =	simm.s32 $0xA80;
	s22 =	simm.s32 $0x880;
	s23 =	simm.s32 $0x800  }
0x504: {  	s24 =	simm.s32 $0x780;
	s25 =	simm.s32 $0x700;
	s26 =	simm.s32 $0x680  }
0x505: {  	s29 =	simm.s32 $0x600;
	s30 =	simm.s32 $0x580;
	s31 =	simm.s32 $0x500  }
0x506: {  	s18 =	simm.s32 $0x400;
	s28 =	simm.s32 $0x300;
	s0 =	simm.s32 $0x200  }
.Lfunc_end2:
_tile_overlayer_lowered:
.L_overlay_start_2:
0x507: {  	(tag) =	ssettag $0x2  }
0x508: {  	s0 =	rddreg [dreg:$0x0];
	s2 =	stileid.u32  }
0x509: {  	s1 =	rddreg [dreg:$0x1];
	p0 =	sne.s32 s2, $0x0  }
0x50a: {  	s3 =	rddreg [dreg:$0x2];
	[bflag:$0x3] =	sbarrier.arrive $0xFFFF;
	s2 =	simm.s32 @!p0 $0x1C03  }
0x50b: {  	[timem:s3], [sflag:s2] =	dma.local @!p0 [hbm:s0], s1  }
0x50c: {  	s0 =	simm.s32 @!p0 $0x3  }
0x50d: {  	_ =	swait.ge @!p0 [sflag:s0], s1  }
0x50e: {  	s1 =	ssub.s32 @!p0 $0x0, s1;
	[sflag:s0] =	ssyncset.done @!p0 $0x0  }
0x50f: {  	[sflag:s0] =	ssyncadd.s32 @!p0 s1  }
0x510: {  	[bflag:$0x3] =	sbarrier.arrive $0xFFFF  }
0x511: {  	_ =	shalt  }

</sc_bundles>
